<compile_context>
chip_gen: v7x
topology: tpu7x:2x2x1
jax: 0.10.2.dev20260603
libtpu: 0.0.44.dev20260713+nightly
codegen_flags: <defaults>
</compile_context>

<pallas_src>
import functools

import jax
import jax.numpy as jnp
from jax import lax
from jax.experimental import pallas as pl
from jax.experimental.pallas import tpu as pltpu
from jax.experimental.pallas import tpu_sc as plsc

N = 10000
E = 320000
D = 128
H = 16
C = 2

NC = 2
NS = 16
NW = NC * NS
EPT = E // NW
B = 128
NBLK = EPT // B
TAIL = EPT - NBLK * B
RING = 6
NPAD = 10240
RPT = NPAD // NS

_MESH = plsc.VectorSubcoreMesh(core_axis_name="c", subcore_axis_name="s")
_LANES = 16


@functools.partial(
    pl.kernel,
    out_type=jax.ShapeDtypeStruct((NC, NPAD), jnp.float32),
    mesh=_MESH,
    scratch_types=[
        pltpu.VMEM((EPT,), jnp.int32),
        pltpu.VMEM((NPAD,), jnp.float32),
        pltpu.VMEM((RPT,), jnp.float32),
        pltpu.VMEM_SHARED((NS, NPAD), jnp.float32),
    ],
    compiler_params=pltpu.CompilerParams(
        use_tc_tiling_on_sc=False, needs_layout_passes=False),
)
def _sc_degree(edge_hbm, out_hbm, dst_v, hist_v, tmp_v, stage_sh):
    c = lax.axis_index("c")
    s = lax.axis_index("s")
    wid = s * NC + c

    def zbody(i, _):
        hist_v[pl.ds(i * _LANES, _LANES)] = jnp.zeros((_LANES,), jnp.float32)
        return 0
    lax.fori_loop(0, NPAD // _LANES, zbody, 0)

    pltpu.sync_copy(edge_hbm.at[1, pl.ds(wid * EPT, EPT)], dst_v)

    ones16 = jnp.ones((_LANES,), jnp.float32)

    def hbody(e, _):
        idx = dst_v[pl.ds(e * _LANES, _LANES)]
        plsc.addupdate_scatter(hist_v, [idx], ones16)
        return 0
    lax.fori_loop(0, EPT // _LANES, hbody, 0)

    pltpu.sync_copy(hist_v, stage_sh.at[s])
    plsc.subcore_barrier()

    base = s * RPT
    pltpu.sync_copy(stage_sh.at[0, pl.ds(base, RPT)],
                    hist_v.at[pl.ds(0, RPT)])
    for k in range(1, NS):
        pltpu.sync_copy(stage_sh.at[k, pl.ds(base, RPT)], tmp_v)

        def abody(i, _):
            hist_v[pl.ds(i * _LANES, _LANES)] = (
                hist_v[pl.ds(i * _LANES, _LANES)]
                + tmp_v[pl.ds(i * _LANES, _LANES)])
            return 0
        lax.fori_loop(0, RPT // _LANES, abody, 0)
    pltpu.sync_copy(hist_v.at[pl.ds(0, RPT)],
                    out_hbm.at[c, pl.ds(base, RPT)])


@functools.partial(
    pl.kernel,
    out_type=jax.ShapeDtypeStruct((NC, NPAD, H), jnp.float32),
    mesh=_MESH,
    scratch_types=[
        pltpu.VMEM((EPT,), jnp.int32),
        pltpu.VMEM((EPT,), jnp.int32),
        pltpu.VMEM((RING, B, H), jnp.float32),
        pltpu.VMEM((TAIL, H), jnp.float32),
        pltpu.VMEM((RPT, H), jnp.float32),
        pltpu.VMEM_SHARED((NPAD, H), jnp.float32),
        [pltpu.SemaphoreType.DMA] * RING,
        [pltpu.SemaphoreType.DMA] * RING,
        pltpu.SemaphoreType.DMA,
    ],
    compiler_params=pltpu.CompilerParams(use_tc_tiling_on_sc=False),
)
def _sc_propagate(g_hbm, edge_hbm, out_hbm,
                  src_v, dst_v, rows_v, trow_v, zv, acc_sh, sg, ss, st):
    c = lax.axis_index("c")
    s = lax.axis_index("s")
    wid = s * NC + c

    def zbody(i, _):
        zv[i] = jnp.zeros((_LANES,), jnp.float32)
        return 0
    lax.fori_loop(0, RPT, zbody, 0)

    pltpu.sync_copy(zv, acc_sh.at[pl.ds(s * RPT, RPT)])
    pltpu.sync_copy(edge_hbm.at[0, pl.ds(wid * EPT, EPT)], src_v)
    pltpu.sync_copy(edge_hbm.at[1, pl.ds(wid * EPT, EPT)], dst_v)
    plsc.subcore_barrier()

    def gather_start(j, b):
        pltpu.async_copy(
            g_hbm.at[src_v.at[pl.ds(j * B, B)]], rows_v.at[b], sg[b])

    def gather_wait(b):
        pltpu.make_async_copy(
            g_hbm.at[src_v.at[pl.ds(0, B)]], rows_v.at[b], sg[b]).wait()

    def scatter_wait(b):
        pltpu.make_async_copy(
            rows_v.at[b], acc_sh.at[dst_v.at[pl.ds(0, B)]], ss[b]).wait()

    for b in range(RING - 1):
        gather_start(b, b)

    def body(i, _):
        for t in range(RING):
            j = i * RING + t
            nb = (t + RING - 1) % RING
            nj = j + RING - 1

            @pl.when(j > 0)
            def _ws():
                scatter_wait(nb)

            @pl.when(nj < NBLK)
            def _sg():
                gather_start(nj, nb)

            gather_wait(t)
            pltpu.async_copy(
                rows_v.at[t], acc_sh.at[dst_v.at[pl.ds(j * B, B)]],
                ss[t], add=True)
        return 0
    lax.fori_loop(0, NBLK // RING, body, 0)
    scatter_wait((NBLK - 1) % RING)

    pltpu.async_copy(
        g_hbm.at[src_v.at[pl.ds(NBLK * B, TAIL)]], trow_v, st).wait()
    pltpu.sync_copy(
        trow_v, acc_sh.at[dst_v.at[pl.ds(NBLK * B, TAIL)]], add=True)

    plsc.subcore_barrier()
    pltpu.sync_copy(acc_sh.at[pl.ds(s * RPT, RPT)],
                    out_hbm.at[c, pl.ds(s * RPT, RPT)])


PR = NPAD * H // 128


def _tc_scale_in(xp2_ref, w1_ref, degp_ref, g1_ref, disx_ref):
    deg8 = 1.0 + degp_ref[0] + degp_ref[1]
    dis8 = lax.rsqrt(deg8)
    a_i = lax.broadcasted_iota(jnp.int32, (8, 128), 0)
    a_j = lax.broadcasted_iota(jnp.int32, (8, 128), 1) // H
    b8 = jnp.where(a_i == a_j, 1.0, 0.0)
    disx = jnp.dot(dis8, b8, preferred_element_type=jnp.float32)
    w1t = jnp.tile(w1_ref[...], (8, 8))
    m_i = lax.broadcasted_iota(jnp.int32, (8 * D, 128), 0) // D
    m_j = lax.broadcasted_iota(jnp.int32, (8 * D, 128), 1) // H
    wbd = jnp.where(m_i == m_j, w1t, 0.0)
    hp = jnp.dot(xp2_ref[...], wbd, preferred_element_type=jnp.float32)
    disx_ref[...] = disx
    g1_ref[...] = hp * disx


def _tc_mid(s1_ref, g1_ref, disx_ref, b1_ref, g2_ref):
    disx = disx_ref[...]
    b1x = jnp.tile(b1_ref[...], 128 // H)
    tot = s1_ref[0] + s1_ref[1] + g1_ref[...]
    r = jnp.maximum(tot * disx + b1x[None, :], 0.0)
    g2_ref[...] = r * disx


def _tc_out(s2_ref, g2_ref, disx_ref, w2_ref, b2_ref, o_ref):
    aggp = (s2_ref[0] + s2_ref[1] + g2_ref[...]) * disx_ref[...]
    w2t = jnp.tile(w2_ref[...], (8, 8))
    m_i = lax.broadcasted_iota(jnp.int32, (128, 16), 0) // H
    m_j = lax.broadcasted_iota(jnp.int32, (128, 16), 1) // C
    wbd2 = jnp.where(m_i == m_j, w2t, 0.0)
    o = jnp.dot(aggp, wbd2, preferred_element_type=jnp.float32)
    b2x = jnp.tile(b2_ref[...], 16 // C)
    o = o + b2x[None, :]
    p_i = lax.broadcasted_iota(jnp.int32, (16, 16), 0) ^ 1
    p_j = lax.broadcasted_iota(jnp.int32, (16, 16), 1)
    perm = jnp.where(p_i == p_j, 1.0, 0.0)
    opart = jnp.dot(o, perm, preferred_element_type=jnp.float32)
    m = jnp.maximum(o, opart)
    lse = m + jnp.log(jnp.exp(o - m) + jnp.exp(opart - m))
    o_ref[...] = o - lse


def kernel(x, edge_index, W1, b1, W2, b2):
    xp2 = jnp.pad(x, ((0, NPAD - N), (0, 0))).reshape(PR, 8 * D)

    degp = _sc_degree(edge_index).reshape(NC, PR, 8)

    g1p, disx = pl.pallas_call(
        _tc_scale_in,
        out_shape=(
            jax.ShapeDtypeStruct((PR, 128), jnp.float32),
            jax.ShapeDtypeStruct((PR, 128), jnp.float32),
        ),
    )(xp2, W1, degp)

    s1 = _sc_propagate(g1p.reshape(NPAD, H), edge_index).reshape(NC, PR, 128)

    g2p = pl.pallas_call(
        _tc_mid,
        out_shape=jax.ShapeDtypeStruct((PR, 128), jnp.float32),
    )(s1, g1p, disx, b1)

    s2 = _sc_propagate(g2p.reshape(NPAD, H), edge_index).reshape(NC, PR, 128)

    op = pl.pallas_call(
        _tc_out,
        out_shape=jax.ShapeDtypeStruct((PR, 16), jnp.float32),
    )(s2, g2p, disx, W2, b2)

    return op[:N * C // 16].reshape(N, C)

# --- scband reference (transcript-rebuilt; emitter-appended) ---
"""Pipeline reference for scband-net-9852654977190 (READ-ONLY COPY).

The authoritative reference and input builder live on the scoring server;
editing this copy changes nothing except your own understanding.
"""

import jax, jax.numpy as jnp
import numpy as np

N = 10000
E = 320000
D = 128
H = 16
C = 2


def setup_inputs(seed: int = 0) -> dict:
    key = jax.random.key(seed)
    k1, k2, k3, k4 = jax.random.split(key, 4)
    x = jax.random.normal(k1, (N, D), dtype=jnp.float32)
    edge_index = jax.random.randint(k2, (2, E), 0, N, dtype=jnp.int32)
    W1 = jax.random.normal(k3, (D, H), dtype=jnp.float32) * (1.0 / np.sqrt(D))
    b1 = jnp.zeros((H,), dtype=jnp.float32)
    W2 = jax.random.normal(k4, (H, C), dtype=jnp.float32) * (1.0 / np.sqrt(H))
    b2 = jnp.zeros((C,), dtype=jnp.float32)
    return {"x": x, "edge_index": edge_index, "W1": W1, "b1": b1, "W2": W2, "b2": b2}


def _gcn_layer(x, src, dst, W, b):
    # GCNConv: out = D^{-1/2} (A + I) D^{-1/2} X W + b  (self-loops already in src/dst)
    h = x @ W
    deg = jnp.zeros((N,), dtype=h.dtype).at[dst].add(1.0)
    deg_inv_sqrt = jnp.where(deg > 0, 1.0 / jnp.sqrt(deg), 0.0)
    norm = deg_inv_sqrt[src] * deg_inv_sqrt[dst]
    msg = h[src] * norm[:, None]
    out = jnp.zeros((N, h.shape[1]), dtype=h.dtype).at[dst].add(msg)
    return out + b


def reference(x, edge_index, W1, b1, W2, b2):
    loop = jnp.arange(N, dtype=edge_index.dtype)
    src = jnp.concatenate([edge_index[0], loop])
    dst = jnp.concatenate([edge_index[1], loop])
    h = jax.nn.relu(_gcn_layer(x, src, dst, W1, b1))
    # F.dropout(training=self.training) is identity in eval mode
    o = _gcn_layer(h, src, dst, W2, b2)
    return jax.nn.log_softmax(o, axis=1)

if __name__ == "__main__":
    import jax
    _d = setup_inputs()
    print(jax.jit(kernel)(*tuple(_d.values())))

</pallas_src>

<mosaic_0001>
#map = affine_map<(d0, d1) -> (0, 0)>
#map1 = affine_map<(d0, d1) -> (0, 0, 0)>
module attributes {stable_mosaic.version = 14 : i64} {
  func.func @_sc_propagate(%arg0: i32, %arg1: i32, %arg2: memref<10240x16xf32, #tpu.memory_space<hbm>>, %arg3: memref<2x320000xi32, #tpu.memory_space<hbm>>, %arg4: memref<2x10240x16xf32, #tpu.memory_space<hbm>>, %arg5: memref<10000xi32, #tpu.memory_space<vmem>>, %arg6: memref<10000xi32, #tpu.memory_space<vmem>>, %arg7: memref<6x128x16xf32, #tpu.memory_space<vmem>>, %arg8: memref<16x16xf32, #tpu.memory_space<vmem>>, %arg9: memref<640x16xf32, #tpu.memory_space<vmem>>, %arg10: memref<10240x16xf32, #tpu.memory_space<vmem_shared>>, %arg11: memref<!tpu.dma_semaphore, #tpu.memory_space<semaphore_mem>>, %arg12: memref<!tpu.dma_semaphore, #tpu.memory_space<semaphore_mem>>, %arg13: memref<!tpu.dma_semaphore, #tpu.memory_space<semaphore_mem>>, %arg14: memref<!tpu.dma_semaphore, #tpu.memory_space<semaphore_mem>>, %arg15: memref<!tpu.dma_semaphore, #tpu.memory_space<semaphore_mem>>, %arg16: memref<!tpu.dma_semaphore, #tpu.memory_space<semaphore_mem>>, %arg17: memref<!tpu.dma_semaphore, #tpu.memory_space<semaphore_mem>>, %arg18: memref<!tpu.dma_semaphore, #tpu.memory_space<semaphore_mem>>, %arg19: memref<!tpu.dma_semaphore, #tpu.memory_space<semaphore_mem>>, %arg20: memref<!tpu.dma_semaphore, #tpu.memory_space<semaphore_mem>>, %arg21: memref<!tpu.dma_semaphore, #tpu.memory_space<semaphore_mem>>, %arg22: memref<!tpu.dma_semaphore, #tpu.memory_space<semaphore_mem>>, %arg23: memref<!tpu.dma_semaphore, #tpu.memory_space<semaphore_mem>>) attributes {dimension_semantics = [#tpu.dimension_semantics<core_parallel>, #tpu.dimension_semantics<subcore_parallel>], iteration_bounds = array<i64: 2, 16>, scalar_prefetch = 0 : i64, scratch_operands = 19 : i64, tpu.core_type = #tpu.core_type<sc_vector_subcore>, window_params = [{transform_indices = #map}, {transform_indices = #map}, {transform_indices = #map1}]} {
    %mul3A = arith.constant 2 : i32
    %mul3A_0 = arith.muli %arg1, %mul3A : i32
    %add3A = arith.addi %mul3A_0, %arg0 : i32
    %scan3A = arith.constant 0 : i32
    %scan3A_1 = arith.constant 0 : i32
    %scan3A_2 = arith.constant 640 : i32
    %scan3A_3 = arith.addi %scan3A_1, %scan3A_2 : i32
    %scan3A_4 = arith.constant 1 : i32
    %scan3A_5 = scf.for %scan3A_94 = %scan3A_1 to %scan3A_3 step %scan3A_4 iter_args(%scan3A_95 = %scan3A) -> (i32)  : i32 {
      %broadcast_in_dim3A = arith.constant 0.000000e+00 : f32
      %broadcast_in_dim3A_96 = vector.broadcast %broadcast_in_dim3A : f32 to vector<16xf32>
      %swap3A = arith.index_cast %scan3A_94 : i32 to index
      %swap3A_97 = arith.constant 0 : index
      %swap3A_98 = tpu.vector_load %arg9[%swap3A, %swap3A_97] {strides = array<i32>} : memref<640x16xf32, #tpu.memory_space<vmem>>, vector<1x16xf32>,
      %swap3A_99 = vector.shape_cast %swap3A_98 : vector<1x16xf32> to vector<16xf32>
      %swap3A_100 = vector.shape_cast %broadcast_in_dim3A_96 : vector<16xf32> to vector<1x16xf32>
      tpu.vector_store %arg9[%swap3A, %swap3A_97], %swap3A_100 {strides = array<i32>} : memref<640x16xf32, #tpu.memory_space<vmem>>, vector<1x16xf32>,
      %scan3A_101 = arith.constant 0 : i32
      scf.yield %scan3A_101 : i32
    }
    %scan3A_6 = arith.constant 640 : i32
    %mul3A_7 = arith.constant 640 : i32
    %mul3A_8 = arith.muli %arg1, %mul3A_7 : i32
    "tpu.region"() ({
      %run_scoped3A_94 = tpu.sem_alloc : memref<!tpu.dma_semaphore, #tpu.memory_space<semaphore_mem>>
      %dma_start3A_95 = arith.constant 0 : i32
      %dma_start3A_96 = tpu.memref_slice %arg10[%mul3A_8, %dma_start3A_95] : memref<10240x16xf32, #tpu.memory_space<vmem_shared>> -> memref<640x16xf32, #tpu.memory_space<vmem_shared>>
      %dma_start3A_97 = arith.constant 0 : i32
      %dma_start3A_98 = tpu.memref_slice %arg10[%mul3A_8, %dma_start3A_97] : memref<10240x16xf32, #tpu.memory_space<vmem_shared>> -> memref<640x16xf32, #tpu.memory_space<vmem_shared>>
      tpu.enqueue_dma source(%arg9 : memref<640x16xf32, #tpu.memory_space<vmem>>) target(%dma_start3A_98 : memref<640x16xf32, #tpu.memory_space<vmem_shared>>) target_semaphore(%run_scoped3A_94 : memref<!tpu.dma_semaphore, #tpu.memory_space<semaphore_mem>>)
      %dma_wait3A_99 = arith.constant 0 : i32
      %dma_wait3A_100 = tpu.memref_slice %arg10[%mul3A_8, %dma_wait3A_99] : memref<10240x16xf32, #tpu.memory_space<vmem_shared>> -> memref<640x16xf32, #tpu.memory_space<vmem_shared>>
      %dma_wait3A_101 = arith.constant 0 : i32
      %dma_wait3A_102 = tpu.memref_slice %arg10[%mul3A_8, %dma_wait3A_101] : memref<10240x16xf32, #tpu.memory_space<vmem_shared>> -> memref<640x16xf32, #tpu.memory_space<vmem_shared>>
      tpu.wait_dma2 semaphore(%run_scoped3A_94 : memref<!tpu.dma_semaphore, #tpu.memory_space<semaphore_mem>>) src(%arg9 : memref<640x16xf32, #tpu.memory_space<vmem>>) dst(%dma_wait3A_102 : memref<640x16xf32, #tpu.memory_space<vmem_shared>>)
      tpu.yield
    }) : () -> ()
    %mul3A_9 = arith.constant 10000 : i32
    %mul3A_10 = arith.muli %add3A, %mul3A_9 : i32
    %run_scoped3A = arith.constant 0 : i32
    "tpu.region"() ({
      %run_scoped3A_94 = tpu.sem_alloc : memref<!tpu.dma_semaphore, #tpu.memory_space<semaphore_mem>>
      %dma_start3A_95 = tpu.memref_slice %arg3[%run_scoped3A, %mul3A_10] : memref<2x320000xi32, #tpu.memory_space<hbm>> -> memref<1x10000xi32, #tpu.memory_space<hbm>>
      %dma_start3A_96 = tpu.memref_squeeze %dma_start3A_95 : memref<1x10000xi32, #tpu.memory_space<hbm>> -> memref<10000xi32, #tpu.memory_space<hbm>>
      %dma_start3A_97 = tpu.memref_slice %arg3[%run_scoped3A, %mul3A_10] : memref<2x320000xi32, #tpu.memory_space<hbm>> -> memref<1x10000xi32, #tpu.memory_space<hbm>>
      %dma_start3A_98 = tpu.memref_squeeze %dma_start3A_97 : memref<1x10000xi32, #tpu.memory_space<hbm>> -> memref<10000xi32, #tpu.memory_space<hbm>>
      tpu.enqueue_dma source(%dma_start3A_98 : memref<10000xi32, #tpu.memory_space<hbm>>) target(%arg5 : memref<10000xi32, #tpu.memory_space<vmem>>) target_semaphore(%run_scoped3A_94 : memref<!tpu.dma_semaphore, #tpu.memory_space<semaphore_mem>>)
      %dma_wait3A_99 = tpu.memref_slice %arg3[%run_scoped3A, %mul3A_10] : memref<2x320000xi32, #tpu.memory_space<hbm>> -> memref<1x10000xi32, #tpu.memory_space<hbm>>
      %dma_wait3A_100 = tpu.memref_squeeze %dma_wait3A_99 : memref<1x10000xi32, #tpu.memory_space<hbm>> -> memref<10000xi32, #tpu.memory_space<hbm>>
      %dma_wait3A_101 = tpu.memref_slice %arg3[%run_scoped3A, %mul3A_10] : memref<2x320000xi32, #tpu.memory_space<hbm>> -> memref<1x10000xi32, #tpu.memory_space<hbm>>
      %dma_wait3A_102 = tpu.memref_squeeze %dma_wait3A_101 : memref<1x10000xi32, #tpu.memory_space<hbm>> -> memref<10000xi32, #tpu.memory_space<hbm>>
      tpu.wait_dma2 semaphore(%run_scoped3A_94 : memref<!tpu.dma_semaphore, #tpu.memory_space<semaphore_mem>>) src(%dma_wait3A_102 : memref<10000xi32, #tpu.memory_space<hbm>>) dst(%arg5 : memref<10000xi32, #tpu.memory_space<vmem>>)
      tpu.yield
    }) : () -> ()
    %mul3A_11 = arith.constant 10000 : i32
    %mul3A_12 = arith.muli %add3A, %mul3A_11 : i32
    %run_scoped3A_13 = arith.constant 1 : i32
    "tpu.region"() ({
      %run_scoped3A_94 = tpu.sem_alloc : memref<!tpu.dma_semaphore, #tpu.memory_space<semaphore_mem>>
      %dma_start3A_95 = tpu.memref_slice %arg3[%run_scoped3A_13, %mul3A_12] : memref<2x320000xi32, #tpu.memory_space<hbm>> -> memref<1x10000xi32, #tpu.memory_space<hbm>>
      %dma_start3A_96 = tpu.memref_squeeze %dma_start3A_95 : memref<1x10000xi32, #tpu.memory_space<hbm>> -> memref<10000xi32, #tpu.memory_space<hbm>>
      %dma_start3A_97 = tpu.memref_slice %arg3[%run_scoped3A_13, %mul3A_12] : memref<2x320000xi32, #tpu.memory_space<hbm>> -> memref<1x10000xi32, #tpu.memory_space<hbm>>
      %dma_start3A_98 = tpu.memref_squeeze %dma_start3A_97 : memref<1x10000xi32, #tpu.memory_space<hbm>> -> memref<10000xi32, #tpu.memory_space<hbm>>
      tpu.enqueue_dma source(%dma_start3A_98 : memref<10000xi32, #tpu.memory_space<hbm>>) target(%arg6 : memref<10000xi32, #tpu.memory_space<vmem>>) target_semaphore(%run_scoped3A_94 : memref<!tpu.dma_semaphore, #tpu.memory_space<semaphore_mem>>)
      %dma_wait3A_99 = tpu.memref_slice %arg3[%run_scoped3A_13, %mul3A_12] : memref<2x320000xi32, #tpu.memory_space<hbm>> -> memref<1x10000xi32, #tpu.memory_space<hbm>>
      %dma_wait3A_100 = tpu.memref_squeeze %dma_wait3A_99 : memref<1x10000xi32, #tpu.memory_space<hbm>> -> memref<10000xi32, #tpu.memory_space<hbm>>
      %dma_wait3A_101 = tpu.memref_slice %arg3[%run_scoped3A_13, %mul3A_12] : memref<2x320000xi32, #tpu.memory_space<hbm>> -> memref<1x10000xi32, #tpu.memory_space<hbm>>
      %dma_wait3A_102 = tpu.memref_squeeze %dma_wait3A_101 : memref<1x10000xi32, #tpu.memory_space<hbm>> -> memref<10000xi32, #tpu.memory_space<hbm>>
      tpu.wait_dma2 semaphore(%run_scoped3A_94 : memref<!tpu.dma_semaphore, #tpu.memory_space<semaphore_mem>>) src(%dma_wait3A_102 : memref<10000xi32, #tpu.memory_space<hbm>>) dst(%arg6 : memref<10000xi32, #tpu.memory_space<vmem>>)
      tpu.yield
    }) : () -> ()
    %barrier3A = arith.constant 0 : index
    tpu.barrier barrier_id(%barrier3A)
    %dma_start3A = arith.constant 0 : i32
    %dma_start3A_14 = arith.constant 0 : i32
    %dma_start3A_15 = arith.constant 0 : i32
    %dma_start3A_16 = tpu.memref_slice %arg7[%dma_start3A, %dma_start3A_14, %dma_start3A_15] : memref<6x128x16xf32, #tpu.memory_space<vmem>> -> memref<1x128x16xf32, #tpu.memory_space<vmem>>
    %dma_start3A_17 = tpu.memref_squeeze %dma_start3A_16 : memref<1x128x16xf32, #tpu.memory_space<vmem>> -> memref<128x16xf32, #tpu.memory_space<vmem>>
    %dma_start3A_18 = arith.constant 0 : i32
    %dma_start3A_19 = tpu.memref_slice %arg5[%dma_start3A_18] : memref<10000xi32, #tpu.memory_space<vmem>> -> memref<128xi32, #tpu.memory_space<vmem>>
    %dma_start3A_20 = arith.constant 0 : i32
    %dma_start3A_21 = arith.constant 0 : i32
    %dma_start3A_22 = tpu.memref_slice %arg2[%dma_start3A_20, %dma_start3A_21] : memref<10240x16xf32, #tpu.memory_space<hbm>> -> memref<10240x16xf32, #tpu.memory_space<hbm>>
    tpu.enqueue_indirect_dma source(%dma_start3A_22 : memref<10240x16xf32, #tpu.memory_space<hbm>>) target(%dma_start3A_17 : memref<128x16xf32, #tpu.memory_space<vmem>>) offsets(%dma_start3A_19 : memref<128xi32, #tpu.memory_space<vmem>>) semaphore(%arg11 : memref<!tpu.dma_semaphore, #tpu.memory_space<semaphore_mem>>)
    %dma_start3A_23 = arith.constant 1 : i32
    %dma_start3A_24 = arith.constant 0 : i32
    %dma_start3A_25 = arith.constant 0 : i32
    %dma_start3A_26 = tpu.memref_slice %arg7[%dma_start3A_23, %dma_start3A_24, %dma_start3A_25] : memref<6x128x16xf32, #tpu.memory_space<vmem>> -> memref<1x128x16xf32, #tpu.memory_space<vmem>>
    %dma_start3A_27 = tpu.memref_squeeze %dma_start3A_26 : memref<1x128x16xf32, #tpu.memory_space<vmem>> -> memref<128x16xf32, #tpu.memory_space<vmem>>
    %dma_start3A_28 = arith.constant 128 : i32
    %dma_start3A_29 = tpu.memref_slice %arg5[%dma_start3A_28] : memref<10000xi32, #tpu.memory_space<vmem>> -> memref<128xi32, #tpu.memory_space<vmem>>
    %dma_start3A_30 = arith.constant 0 : i32
    %dma_start3A_31 = arith.constant 0 : i32
    %dma_start3A_32 = tpu.memref_slice %arg2[%dma_start3A_30, %dma_start3A_31] : memref<10240x16xf32, #tpu.memory_space<hbm>> -> memref<10240x16xf32, #tpu.memory_space<hbm>>
    tpu.enqueue_indirect_dma source(%dma_start3A_32 : memref<10240x16xf32, #tpu.memory_space<hbm>>) target(%dma_start3A_27 : memref<128x16xf32, #tpu.memory_space<vmem>>) offsets(%dma_start3A_29 : memref<128xi32, #tpu.memory_space<vmem>>) semaphore(%arg12 : memref<!tpu.dma_semaphore, #tpu.memory_space<semaphore_mem>>)
    %dma_start3A_33 = arith.constant 2 : i32
    %dma_start3A_34 = arith.constant 0 : i32
    %dma_start3A_35 = arith.constant 0 : i32
    %dma_start3A_36 = tpu.memref_slice %arg7[%dma_start3A_33, %dma_start3A_34, %dma_start3A_35] : memref<6x128x16xf32, #tpu.memory_space<vmem>> -> memref<1x128x16xf32, #tpu.memory_space<vmem>>
    %dma_start3A_37 = tpu.memref_squeeze %dma_start3A_36 : memref<1x128x16xf32, #tpu.memory_space<vmem>> -> memref<128x16xf32, #tpu.memory_space<vmem>>
    %dma_start3A_38 = arith.constant 256 : i32
    %dma_start3A_39 = tpu.memref_slice %arg5[%dma_start3A_38] : memref<10000xi32, #tpu.memory_space<vmem>> -> memref<128xi32, #tpu.memory_space<vmem>>
    %dma_start3A_40 = arith.constant 0 : i32
    %dma_start3A_41 = arith.constant 0 : i32
    %dma_start3A_42 = tpu.memref_slice %arg2[%dma_start3A_40, %dma_start3A_41] : memref<10240x16xf32, #tpu.memory_space<hbm>> -> memref<10240x16xf32, #tpu.memory_space<hbm>>
    tpu.enqueue_indirect_dma source(%dma_start3A_42 : memref<10240x16xf32, #tpu.memory_space<hbm>>) target(%dma_start3A_37 : memref<128x16xf32, #tpu.memory_space<vmem>>) offsets(%dma_start3A_39 : memref<128xi32, #tpu.memory_space<vmem>>) semaphore(%arg13 : memref<!tpu.dma_semaphore, #tpu.memory_space<semaphore_mem>>)
    %dma_start3A_43 = arith.constant 3 : i32
    %dma_start3A_44 = arith.constant 0 : i32
    %dma_start3A_45 = arith.constant 0 : i32
    %dma_start3A_46 = tpu.memref_slice %arg7[%dma_start3A_43, %dma_start3A_44, %dma_start3A_45] : memref<6x128x16xf32, #tpu.memory_space<vmem>> -> memref<1x128x16xf32, #tpu.memory_space<vmem>>
    %dma_start3A_47 = tpu.memref_squeeze %dma_start3A_46 : memref<1x128x16xf32, #tpu.memory_space<vmem>> -> memref<128x16xf32, #tpu.memory_space<vmem>>
    %dma_start3A_48 = arith.constant 384 : i32
    %dma_start3A_49 = tpu.memref_slice %arg5[%dma_start3A_48] : memref<10000xi32, #tpu.memory_space<vmem>> -> memref<128xi32, #tpu.memory_space<vmem>>
    %dma_start3A_50 = arith.constant 0 : i32
    %dma_start3A_51 = arith.constant 0 : i32
    %dma_start3A_52 = tpu.memref_slice %arg2[%dma_start3A_50, %dma_start3A_51] : memref<10240x16xf32, #tpu.memory_space<hbm>> -> memref<10240x16xf32, #tpu.memory_space<hbm>>
    tpu.enqueue_indirect_dma source(%dma_start3A_52 : memref<10240x16xf32, #tpu.memory_space<hbm>>) target(%dma_start3A_47 : memref<128x16xf32, #tpu.memory_space<vmem>>) offsets(%dma_start3A_49 : memref<128xi32, #tpu.memory_space<vmem>>) semaphore(%arg14 : memref<!tpu.dma_semaphore, #tpu.memory_space<semaphore_mem>>)
    %dma_start3A_53 = arith.constant 4 : i32
    %dma_start3A_54 = arith.constant 0 : i32
    %dma_start3A_55 = arith.constant 0 : i32
    %dma_start3A_56 = tpu.memref_slice %arg7[%dma_start3A_53, %dma_start3A_54, %dma_start3A_55] : memref<6x128x16xf32, #tpu.memory_space<vmem>> -> memref<1x128x16xf32, #tpu.memory_space<vmem>>
    %dma_start3A_57 = tpu.memref_squeeze %dma_start3A_56 : memref<1x128x16xf32, #tpu.memory_space<vmem>> -> memref<128x16xf32, #tpu.memory_space<vmem>>
    %dma_start3A_58 = arith.constant 512 : i32
    %dma_start3A_59 = tpu.memref_slice %arg5[%dma_start3A_58] : memref<10000xi32, #tpu.memory_space<vmem>> -> memref<128xi32, #tpu.memory_space<vmem>>
    %dma_start3A_60 = arith.constant 0 : i32
    %dma_start3A_61 = arith.constant 0 : i32
    %dma_start3A_62 = tpu.memref_slice %arg2[%dma_start3A_60, %dma_start3A_61] : memref<10240x16xf32, #tpu.memory_space<hbm>> -> memref<10240x16xf32, #tpu.memory_space<hbm>>
    tpu.enqueue_indirect_dma source(%dma_start3A_62 : memref<10240x16xf32, #tpu.memory_space<hbm>>) target(%dma_start3A_57 : memref<128x16xf32, #tpu.memory_space<vmem>>) offsets(%dma_start3A_59 : memref<128xi32, #tpu.memory_space<vmem>>) semaphore(%arg15 : memref<!tpu.dma_semaphore, #tpu.memory_space<semaphore_mem>>)
    %scan3A_63 = arith.constant 0 : i32
    %scan3A_64 = arith.constant 0 : i32
    %scan3A_65 = arith.constant 13 : i32
    %scan3A_66 = arith.addi %scan3A_64, %scan3A_65 : i32
    %scan3A_67 = arith.constant 1 : i32
    %scan3A_68 = scf.for %scan3A_94 = %scan3A_64 to %scan3A_66 step %scan3A_67 iter_args(%scan3A_95 = %scan3A_63) -> (i32)  : i32 {
      %mul3A_96 = arith.constant 6 : i32
      %mul3A_97 = arith.muli %scan3A_94, %mul3A_96 : i32
      %add3A_98 = arith.constant 0 : i32
      %add3A_99 = arith.addi %mul3A_97, %add3A_98 : i32
      %add3A_100 = arith.constant 6 : i32
      %add3A_101 = arith.addi %add3A_99, %add3A_100 : i32
      %sub3A = arith.constant 1 : i32
      %sub3A_102 = arith.subi %add3A_101, %sub3A : i32
      %gt3A = arith.constant 0 : i32
      %gt3A_103 = arith.cmpi sgt, %add3A_99, %gt3A : i32
      %convert_element_type3A = arith.extui %gt3A_103 : i1 to i32
      %cond3A = arith.constant 0 : i32
      %cond3A_104 = arith.cmpi ne, %convert_element_type3A, %cond3A : i32
      scf.if %cond3A_104 {
        %dma_wait3A_326 = arith.constant 5 : i32
        %dma_wait3A_327 = arith.constant 0 : i32
        %dma_wait3A_328 = arith.constant 0 : i32
        %dma_wait3A_329 = tpu.memref_slice %arg7[%dma_wait3A_326, %dma_wait3A_327, %dma_wait3A_328] : memref<6x128x16xf32, #tpu.memory_space<vmem>> -> memref<1x128x16xf32, #tpu.memory_space<vmem>>
        %dma_wait3A_330 = tpu.memref_squeeze %dma_wait3A_329 : memref<1x128x16xf32, #tpu.memory_space<vmem>> -> memref<128x16xf32, #tpu.memory_space<vmem>>
        %dma_wait3A_331 = arith.constant 0 : i32
        %dma_wait3A_332 = tpu.memref_slice %arg6[%dma_wait3A_331] : memref<10000xi32, #tpu.memory_space<vmem>> -> memref<128xi32, #tpu.memory_space<vmem>>
        %dma_wait3A_333 = arith.constant 0 : i32
        %dma_wait3A_334 = arith.constant 0 : i32
        %dma_wait3A_335 = tpu.memref_slice %arg10[%dma_wait3A_333, %dma_wait3A_334] : memref<10240x16xf32, #tpu.memory_space<vmem_shared>> -> memref<10240x16xf32, #tpu.memory_space<vmem_shared>>
        tpu.wait_indirect_dma semaphore(%arg22 : memref<!tpu.dma_semaphore, #tpu.memory_space<semaphore_mem>>) src(%dma_wait3A_330 : memref<128x16xf32, #tpu.memory_space<vmem>>) dst(%dma_wait3A_335 : memref<10240x16xf32, #tpu.memory_space<vmem_shared>>)
      } else {
      }
      %lt3A = arith.constant 78 : i32
      %lt3A_105 = arith.cmpi slt, %sub3A_102, %lt3A : i32
      %convert_element_type3A_106 = arith.extui %lt3A_105 : i1 to i32
      %cond3A_107 = arith.constant 0 : i32
      %cond3A_108 = arith.cmpi ne, %convert_element_type3A_106, %cond3A_107 : i32
      scf.if %cond3A_108 {
        %mul3A_326 = arith.constant 128 : i32
        %mul3A_327 = arith.muli %sub3A_102, %mul3A_326 : i32
        %dma_start3A_328 = arith.constant 5 : i32
        %dma_start3A_329 = arith.constant 0 : i32
        %dma_start3A_330 = arith.constant 0 : i32
        %dma_start3A_331 = tpu.memref_slice %arg7[%dma_start3A_328, %dma_start3A_329, %dma_start3A_330] : memref<6x128x16xf32, #tpu.memory_space<vmem>> -> memref<1x128x16xf32, #tpu.memory_space<vmem>>
        %dma_start3A_332 = tpu.memref_squeeze %dma_start3A_331 : memref<1x128x16xf32, #tpu.memory_space<vmem>> -> memref<128x16xf32, #tpu.memory_space<vmem>>
        %dma_start3A_333 = tpu.memref_slice %arg5[%mul3A_327] : memref<10000xi32, #tpu.memory_space<vmem>> -> memref<128xi32, #tpu.memory_space<vmem>>
        %dma_start3A_334 = arith.constant 0 : i32
        %dma_start3A_335 = arith.constant 0 : i32
        %dma_start3A_336 = tpu.memref_slice %arg2[%dma_start3A_334, %dma_start3A_335] : memref<10240x16xf32, #tpu.memory_space<hbm>> -> memref<10240x16xf32, #tpu.memory_space<hbm>>
        tpu.enqueue_indirect_dma source(%dma_start3A_336 : memref<10240x16xf32, #tpu.memory_space<hbm>>) target(%dma_start3A_332 : memref<128x16xf32, #tpu.memory_space<vmem>>) offsets(%dma_start3A_333 : memref<128xi32, #tpu.memory_space<vmem>>) semaphore(%arg16 : memref<!tpu.dma_semaphore, #tpu.memory_space<semaphore_mem>>)
      } else {
      }
      %dma_wait3A_109 = arith.constant 0 : i32
      %dma_wait3A_110 = arith.constant 0 : i32
      %dma_wait3A_111 = arith.constant 0 : i32
      %dma_wait3A_112 = tpu.memref_slice %arg7[%dma_wait3A_109, %dma_wait3A_110, %dma_wait3A_111] : memref<6x128x16xf32, #tpu.memory_space<vmem>> -> memref<1x128x16xf32, #tpu.memory_space<vmem>>
      %dma_wait3A_113 = tpu.memref_squeeze %dma_wait3A_112 : memref<1x128x16xf32, #tpu.memory_space<vmem>> -> memref<128x16xf32, #tpu.memory_space<vmem>>
      %dma_wait3A_114 = arith.constant 0 : i32
      %dma_wait3A_115 = tpu.memref_slice %arg5[%dma_wait3A_114] : memref<10000xi32, #tpu.memory_space<vmem>> -> memref<128xi32, #tpu.memory_space<vmem>>
      %dma_wait3A_116 = arith.constant 0 : i32
      %dma_wait3A_117 = arith.constant 0 : i32
      %dma_wait3A_118 = tpu.memref_slice %arg2[%dma_wait3A_116, %dma_wait3A_117] : memref<10240x16xf32, #tpu.memory_space<hbm>> -> memref<10240x16xf32, #tpu.memory_space<hbm>>
      tpu.wait_indirect_dma semaphore(%arg11 : memref<!tpu.dma_semaphore, #tpu.memory_space<semaphore_mem>>) src(%dma_wait3A_118 : memref<10240x16xf32, #tpu.memory_space<hbm>>) dst(%dma_wait3A_113 : memref<128x16xf32, #tpu.memory_space<vmem>>)
      %mul3A_119 = arith.constant 128 : i32
      %mul3A_120 = arith.muli %add3A_99, %mul3A_119 : i32
      %dma_start3A_121 = arith.constant 0 : i32
      %dma_start3A_122 = arith.constant 0 : i32
      %dma_start3A_123 = arith.constant 0 : i32
      %dma_start3A_124 = tpu.memref_slice %arg7[%dma_start3A_121, %dma_start3A_122, %dma_start3A_123] : memref<6x128x16xf32, #tpu.memory_space<vmem>> -> memref<1x128x16xf32, #tpu.memory_space<vmem>>
      %dma_start3A_125 = tpu.memref_squeeze %dma_start3A_124 : memref<1x128x16xf32, #tpu.memory_space<vmem>> -> memref<128x16xf32, #tpu.memory_space<vmem>>
      %dma_start3A_126 = tpu.memref_slice %arg6[%mul3A_120] : memref<10000xi32, #tpu.memory_space<vmem>> -> memref<128xi32, #tpu.memory_space<vmem>>
      %dma_start3A_127 = arith.constant 0 : i32
      %dma_start3A_128 = arith.constant 0 : i32
      %dma_start3A_129 = tpu.memref_slice %arg10[%dma_start3A_127, %dma_start3A_128] : memref<10240x16xf32, #tpu.memory_space<vmem_shared>> -> memref<10240x16xf32, #tpu.memory_space<vmem_shared>>
      tpu.enqueue_indirect_dma source(%dma_start3A_125 : memref<128x16xf32, #tpu.memory_space<vmem>>) target(%dma_start3A_129 : memref<10240x16xf32, #tpu.memory_space<vmem_shared>>) offsets(%dma_start3A_126 : memref<128xi32, #tpu.memory_space<vmem>>) semaphore(%arg17 : memref<!tpu.dma_semaphore, #tpu.memory_space<semaphore_mem>>) {add = true}
      %mul3A_130 = arith.constant 6 : i32
      %mul3A_131 = arith.muli %scan3A_94, %mul3A_130 : i32
      %add3A_132 = arith.constant 1 : i32
      %add3A_133 = arith.addi %mul3A_131, %add3A_132 : i32
      %add3A_134 = arith.constant 6 : i32
      %add3A_135 = arith.addi %add3A_133, %add3A_134 : i32
      %sub3A_136 = arith.constant 1 : i32
      %sub3A_137 = arith.subi %add3A_135, %sub3A_136 : i32
      %gt3A_138 = arith.constant 0 : i32
      %gt3A_139 = arith.cmpi sgt, %add3A_133, %gt3A_138 : i32
      %convert_element_type3A_140 = arith.extui %gt3A_139 : i1 to i32
      %cond3A_141 = arith.constant 0 : i32
      %cond3A_142 = arith.cmpi ne, %convert_element_type3A_140, %cond3A_141 : i32
      scf.if %cond3A_142 {
        %dma_wait3A_326 = arith.constant 0 : i32
        %dma_wait3A_327 = arith.constant 0 : i32
        %dma_wait3A_328 = arith.constant 0 : i32
        %dma_wait3A_329 = tpu.memref_slice %arg7[%dma_wait3A_326, %dma_wait3A_327, %dma_wait3A_328] : memref<6x128x16xf32, #tpu.memory_space<vmem>> -> memref<1x128x16xf32, #tpu.memory_space<vmem>>
        %dma_wait3A_330 = tpu.memref_squeeze %dma_wait3A_329 : memref<1x128x16xf32, #tpu.memory_space<vmem>> -> memref<128x16xf32, #tpu.memory_space<vmem>>
        %dma_wait3A_331 = arith.constant 0 : i32
        %dma_wait3A_332 = tpu.memref_slice %arg6[%dma_wait3A_331] : memref<10000xi32, #tpu.memory_space<vmem>> -> memref<128xi32, #tpu.memory_space<vmem>>
        %dma_wait3A_333 = arith.constant 0 : i32
        %dma_wait3A_334 = arith.constant 0 : i32
        %dma_wait3A_335 = tpu.memref_slice %arg10[%dma_wait3A_333, %dma_wait3A_334] : memref<10240x16xf32, #tpu.memory_space<vmem_shared>> -> memref<10240x16xf32, #tpu.memory_space<vmem_shared>>
        tpu.wait_indirect_dma semaphore(%arg17 : memref<!tpu.dma_semaphore, #tpu.memory_space<semaphore_mem>>) src(%dma_wait3A_330 : memref<128x16xf32, #tpu.memory_space<vmem>>) dst(%dma_wait3A_335 : memref<10240x16xf32, #tpu.memory_space<vmem_shared>>)
      } else {
      }
      %lt3A_143 = arith.constant 78 : i32
      %lt3A_144 = arith.cmpi slt, %sub3A_137, %lt3A_143 : i32
      %convert_element_type3A_145 = arith.extui %lt3A_144 : i1 to i32
      %cond3A_146 = arith.constant 0 : i32
      %cond3A_147 = arith.cmpi ne, %convert_element_type3A_145, %cond3A_146 : i32
      scf.if %cond3A_147 {
        %mul3A_326 = arith.constant 128 : i32
        %mul3A_327 = arith.muli %sub3A_137, %mul3A_326 : i32
        %dma_start3A_328 = arith.constant 0 : i32
        %dma_start3A_329 = arith.constant 0 : i32
        %dma_start3A_330 = arith.constant 0 : i32
        %dma_start3A_331 = tpu.memref_slice %arg7[%dma_start3A_328, %dma_start3A_329, %dma_start3A_330] : memref<6x128x16xf32, #tpu.memory_space<vmem>> -> memref<1x128x16xf32, #tpu.memory_space<vmem>>
        %dma_start3A_332 = tpu.memref_squeeze %dma_start3A_331 : memref<1x128x16xf32, #tpu.memory_space<vmem>> -> memref<128x16xf32, #tpu.memory_space<vmem>>
        %dma_start3A_333 = tpu.memref_slice %arg5[%mul3A_327] : memref<10000xi32, #tpu.memory_space<vmem>> -> memref<128xi32, #tpu.memory_space<vmem>>
        %dma_start3A_334 = arith.constant 0 : i32
        %dma_start3A_335 = arith.constant 0 : i32
        %dma_start3A_336 = tpu.memref_slice %arg2[%dma_start3A_334, %dma_start3A_335] : memref<10240x16xf32, #tpu.memory_space<hbm>> -> memref<10240x16xf32, #tpu.memory_space<hbm>>
        tpu.enqueue_indirect_dma source(%dma_start3A_336 : memref<10240x16xf32, #tpu.memory_space<hbm>>) target(%dma_start3A_332 : memref<128x16xf32, #tpu.memory_space<vmem>>) offsets(%dma_start3A_333 : memref<128xi32, #tpu.memory_space<vmem>>) semaphore(%arg11 : memref<!tpu.dma_semaphore, #tpu.memory_space<semaphore_mem>>)
      } else {
      }
      %dma_wait3A_148 = arith.constant 1 : i32
      %dma_wait3A_149 = arith.constant 0 : i32
      %dma_wait3A_150 = arith.constant 0 : i32
      %dma_wait3A_151 = tpu.memref_slice %arg7[%dma_wait3A_148, %dma_wait3A_149, %dma_wait3A_150] : memref<6x128x16xf32, #tpu.memory_space<vmem>> -> memref<1x128x16xf32, #tpu.memory_space<vmem>>
      %dma_wait3A_152 = tpu.memref_squeeze %dma_wait3A_151 : memref<1x128x16xf32, #tpu.memory_space<vmem>> -> memref<128x16xf32, #tpu.memory_space<vmem>>
      %dma_wait3A_153 = arith.constant 0 : i32
      %dma_wait3A_154 = tpu.memref_slice %arg5[%dma_wait3A_153] : memref<10000xi32, #tpu.memory_space<vmem>> -> memref<128xi32, #tpu.memory_space<vmem>>
      %dma_wait3A_155 = arith.constant 0 : i32
      %dma_wait3A_156 = arith.constant 0 : i32
      %dma_wait3A_157 = tpu.memref_slice %arg2[%dma_wait3A_155, %dma_wait3A_156] : memref<10240x16xf32, #tpu.memory_space<hbm>> -> memref<10240x16xf32, #tpu.memory_space<hbm>>
      tpu.wait_indirect_dma semaphore(%arg12 : memref<!tpu.dma_semaphore, #tpu.memory_space<semaphore_mem>>) src(%dma_wait3A_157 : memref<10240x16xf32, #tpu.memory_space<hbm>>) dst(%dma_wait3A_152 : memref<128x16xf32, #tpu.memory_space<vmem>>)
      %mul3A_158 = arith.constant 128 : i32
      %mul3A_159 = arith.muli %add3A_133, %mul3A_158 : i32
      %dma_start3A_160 = arith.constant 1 : i32
      %dma_start3A_161 = arith.constant 0 : i32
      %dma_start3A_162 = arith.constant 0 : i32
      %dma_start3A_163 = tpu.memref_slice %arg7[%dma_start3A_160, %dma_start3A_161, %dma_start3A_162] : memref<6x128x16xf32, #tpu.memory_space<vmem>> -> memref<1x128x16xf32, #tpu.memory_space<vmem>>
      %dma_start3A_164 = tpu.memref_squeeze %dma_start3A_163 : memref<1x128x16xf32, #tpu.memory_space<vmem>> -> memref<128x16xf32, #tpu.memory_space<vmem>>
      %dma_start3A_165 = tpu.memref_slice %arg6[%mul3A_159] : memref<10000xi32, #tpu.memory_space<vmem>> -> memref<128xi32, #tpu.memory_space<vmem>>
      %dma_start3A_166 = arith.constant 0 : i32
      %dma_start3A_167 = arith.constant 0 : i32
      %dma_start3A_168 = tpu.memref_slice %arg10[%dma_start3A_166, %dma_start3A_167] : memref<10240x16xf32, #tpu.memory_space<vmem_shared>> -> memref<10240x16xf32, #tpu.memory_space<vmem_shared>>
      tpu.enqueue_indirect_dma source(%dma_start3A_164 : memref<128x16xf32, #tpu.memory_space<vmem>>) target(%dma_start3A_168 : memref<10240x16xf32, #tpu.memory_space<vmem_shared>>) offsets(%dma_start3A_165 : memref<128xi32, #tpu.memory_space<vmem>>) semaphore(%arg18 : memref<!tpu.dma_semaphore, #tpu.memory_space<semaphore_mem>>) {add = true}
      %mul3A_169 = arith.constant 6 : i32
      %mul3A_170 = arith.muli %scan3A_94, %mul3A_169 : i32
      %add3A_171 = arith.constant 2 : i32
      %add3A_172 = arith.addi %mul3A_170, %add3A_171 : i32
      %add3A_173 = arith.constant 6 : i32
      %add3A_174 = arith.addi %add3A_172, %add3A_173 : i32
      %sub3A_175 = arith.constant 1 : i32
      %sub3A_176 = arith.subi %add3A_174, %sub3A_175 : i32
      %gt3A_177 = arith.constant 0 : i32
      %gt3A_178 = arith.cmpi sgt, %add3A_172, %gt3A_177 : i32
      %convert_element_type3A_179 = arith.extui %gt3A_178 : i1 to i32
      %cond3A_180 = arith.constant 0 : i32
      %cond3A_181 = arith.cmpi ne, %convert_element_type3A_179, %cond3A_180 : i32
      scf.if %cond3A_181 {
        %dma_wait3A_326 = arith.constant 1 : i32
        %dma_wait3A_327 = arith.constant 0 : i32
        %dma_wait3A_328 = arith.constant 0 : i32
        %dma_wait3A_329 = tpu.memref_slice %arg7[%dma_wait3A_326, %dma_wait3A_327, %dma_wait3A_328] : memref<6x128x16xf32, #tpu.memory_space<vmem>> -> memref<1x128x16xf32, #tpu.memory_space<vmem>>
        %dma_wait3A_330 = tpu.memref_squeeze %dma_wait3A_329 : memref<1x128x16xf32, #tpu.memory_space<vmem>> -> memref<128x16xf32, #tpu.memory_space<vmem>>
        %dma_wait3A_331 = arith.constant 0 : i32
        %dma_wait3A_332 = tpu.memref_slice %arg6[%dma_wait3A_331] : memref<10000xi32, #tpu.memory_space<vmem>> -> memref<128xi32, #tpu.memory_space<vmem>>
        %dma_wait3A_333 = arith.constant 0 : i32
        %dma_wait3A_334 = arith.constant 0 : i32
        %dma_wait3A_335 = tpu.memref_slice %arg10[%dma_wait3A_333, %dma_wait3A_334] : memref<10240x16xf32, #tpu.memory_space<vmem_shared>> -> memref<10240x16xf32, #tpu.memory_space<vmem_shared>>
        tpu.wait_indirect_dma semaphore(%arg18 : memref<!tpu.dma_semaphore, #tpu.memory_space<semaphore_mem>>) src(%dma_wait3A_330 : memref<128x16xf32, #tpu.memory_space<vmem>>) dst(%dma_wait3A_335 : memref<10240x16xf32, #tpu.memory_space<vmem_shared>>)
      } else {
      }
      %lt3A_182 = arith.constant 78 : i32
      %lt3A_183 = arith.cmpi slt, %sub3A_176, %lt3A_182 : i32
      %convert_element_type3A_184 = arith.extui %lt3A_183 : i1 to i32
      %cond3A_185 = arith.constant 0 : i32
      %cond3A_186 = arith.cmpi ne, %convert_element_type3A_184, %cond3A_185 : i32
      scf.if %cond3A_186 {
        %mul3A_326 = arith.constant 128 : i32
        %mul3A_327 = arith.muli %sub3A_176, %mul3A_326 : i32
        %dma_start3A_328 = arith.constant 1 : i32
        %dma_start3A_329 = arith.constant 0 : i32
        %dma_start3A_330 = arith.constant 0 : i32
        %dma_start3A_331 = tpu.memref_slice %arg7[%dma_start3A_328, %dma_start3A_329, %dma_start3A_330] : memref<6x128x16xf32, #tpu.memory_space<vmem>> -> memref<1x128x16xf32, #tpu.memory_space<vmem>>
        %dma_start3A_332 = tpu.memref_squeeze %dma_start3A_331 : memref<1x128x16xf32, #tpu.memory_space<vmem>> -> memref<128x16xf32, #tpu.memory_space<vmem>>
        %dma_start3A_333 = tpu.memref_slice %arg5[%mul3A_327] : memref<10000xi32, #tpu.memory_space<vmem>> -> memref<128xi32, #tpu.memory_space<vmem>>
        %dma_start3A_334 = arith.constant 0 : i32
        %dma_start3A_335 = arith.constant 0 : i32
        %dma_start3A_336 = tpu.memref_slice %arg2[%dma_start3A_334, %dma_start3A_335] : memref<10240x16xf32, #tpu.memory_space<hbm>> -> memref<10240x16xf32, #tpu.memory_space<hbm>>
        tpu.enqueue_indirect_dma source(%dma_start3A_336 : memref<10240x16xf32, #tpu.memory_space<hbm>>) target(%dma_start3A_332 : memref<128x16xf32, #tpu.memory_space<vmem>>) offsets(%dma_start3A_333 : memref<128xi32, #tpu.memory_space<vmem>>) semaphore(%arg12 : memref<!tpu.dma_semaphore, #tpu.memory_space<semaphore_mem>>)
      } else {
      }
      %dma_wait3A_187 = arith.constant 2 : i32
      %dma_wait3A_188 = arith.constant 0 : i32
      %dma_wait3A_189 = arith.constant 0 : i32
      %dma_wait3A_190 = tpu.memref_slice %arg7[%dma_wait3A_187, %dma_wait3A_188, %dma_wait3A_189] : memref<6x128x16xf32, #tpu.memory_space<vmem>> -> memref<1x128x16xf32, #tpu.memory_space<vmem>>
      %dma_wait3A_191 = tpu.memref_squeeze %dma_wait3A_190 : memref<1x128x16xf32, #tpu.memory_space<vmem>> -> memref<128x16xf32, #tpu.memory_space<vmem>>
      %dma_wait3A_192 = arith.constant 0 : i32
      %dma_wait3A_193 = tpu.memref_slice %arg5[%dma_wait3A_192] : memref<10000xi32, #tpu.memory_space<vmem>> -> memref<128xi32, #tpu.memory_space<vmem>>
      %dma_wait3A_194 = arith.constant 0 : i32
      %dma_wait3A_195 = arith.constant 0 : i32
      %dma_wait3A_196 = tpu.memref_slice %arg2[%dma_wait3A_194, %dma_wait3A_195] : memref<10240x16xf32, #tpu.memory_space<hbm>> -> memref<10240x16xf32, #tpu.memory_space<hbm>>
      tpu.wait_indirect_dma semaphore(%arg13 : memref<!tpu.dma_semaphore, #tpu.memory_space<semaphore_mem>>) src(%dma_wait3A_196 : memref<10240x16xf32, #tpu.memory_space<hbm>>) dst(%dma_wait3A_191 : memref<128x16xf32, #tpu.memory_space<vmem>>)
      %mul3A_197 = arith.constant 128 : i32
      %mul3A_198 = arith.muli %add3A_172, %mul3A_197 : i32
      %dma_start3A_199 = arith.constant 2 : i32
      %dma_start3A_200 = arith.constant 0 : i32
      %dma_start3A_201 = arith.constant 0 : i32
      %dma_start3A_202 = tpu.memref_slice %arg7[%dma_start3A_199, %dma_start3A_200, %dma_start3A_201] : memref<6x128x16xf32, #tpu.memory_space<vmem>> -> memref<1x128x16xf32, #tpu.memory_space<vmem>>
      %dma_start3A_203 = tpu.memref_squeeze %dma_start3A_202 : memref<1x128x16xf32, #tpu.memory_space<vmem>> -> memref<128x16xf32, #tpu.memory_space<vmem>>
      %dma_start3A_204 = tpu.memref_slice %arg6[%mul3A_198] : memref<10000xi32, #tpu.memory_space<vmem>> -> memref<128xi32, #tpu.memory_space<vmem>>
      %dma_start3A_205 = arith.constant 0 : i32
      %dma_start3A_206 = arith.constant 0 : i32
      %dma_start3A_207 = tpu.memref_slice %arg10[%dma_start3A_205, %dma_start3A_206] : memref<10240x16xf32, #tpu.memory_space<vmem_shared>> -> memref<10240x16xf32, #tpu.memory_space<vmem_shared>>
      tpu.enqueue_indirect_dma source(%dma_start3A_203 : memref<128x16xf32, #tpu.memory_space<vmem>>) target(%dma_start3A_207 : memref<10240x16xf32, #tpu.memory_space<vmem_shared>>) offsets(%dma_start3A_204 : memref<128xi32, #tpu.memory_space<vmem>>) semaphore(%arg19 : memref<!tpu.dma_semaphore, #tpu.memory_space<semaphore_mem>>) {add = true}
      %mul3A_208 = arith.constant 6 : i32
      %mul3A_209 = arith.muli %scan3A_94, %mul3A_208 : i32
      %add3A_210 = arith.constant 3 : i32
      %add3A_211 = arith.addi %mul3A_209, %add3A_210 : i32
      %add3A_212 = arith.constant 6 : i32
      %add3A_213 = arith.addi %add3A_211, %add3A_212 : i32
      %sub3A_214 = arith.constant 1 : i32
      %sub3A_215 = arith.subi %add3A_213, %sub3A_214 : i32
      %gt3A_216 = arith.constant 0 : i32
      %gt3A_217 = arith.cmpi sgt, %add3A_211, %gt3A_216 : i32
      %convert_element_type3A_218 = arith.extui %gt3A_217 : i1 to i32
      %cond3A_219 = arith.constant 0 : i32
      %cond3A_220 = arith.cmpi ne, %convert_element_type3A_218, %cond3A_219 : i32
      scf.if %cond3A_220 {
        %dma_wait3A_326 = arith.constant 2 : i32
        %dma_wait3A_327 = arith.constant 0 : i32
        %dma_wait3A_328 = arith.constant 0 : i32
        %dma_wait3A_329 = tpu.memref_slice %arg7[%dma_wait3A_326, %dma_wait3A_327, %dma_wait3A_328] : memref<6x128x16xf32, #tpu.memory_space<vmem>> -> memref<1x128x16xf32, #tpu.memory_space<vmem>>
        %dma_wait3A_330 = tpu.memref_squeeze %dma_wait3A_329 : memref<1x128x16xf32, #tpu.memory_space<vmem>> -> memref<128x16xf32, #tpu.memory_space<vmem>>
        %dma_wait3A_331 = arith.constant 0 : i32
        %dma_wait3A_332 = tpu.memref_slice %arg6[%dma_wait3A_331] : memref<10000xi32, #tpu.memory_space<vmem>> -> memref<128xi32, #tpu.memory_space<vmem>>
        %dma_wait3A_333 = arith.constant 0 : i32
        %dma_wait3A_334 = arith.constant 0 : i32
        %dma_wait3A_335 = tpu.memref_slice %arg10[%dma_wait3A_333, %dma_wait3A_334] : memref<10240x16xf32, #tpu.memory_space<vmem_shared>> -> memref<10240x16xf32, #tpu.memory_space<vmem_shared>>
        tpu.wait_indirect_dma semaphore(%arg19 : memref<!tpu.dma_semaphore, #tpu.memory_space<semaphore_mem>>) src(%dma_wait3A_330 : memref<128x16xf32, #tpu.memory_space<vmem>>) dst(%dma_wait3A_335 : memref<10240x16xf32, #tpu.memory_space<vmem_shared>>)
      } else {
      }
      %lt3A_221 = arith.constant 78 : i32
      %lt3A_222 = arith.cmpi slt, %sub3A_215, %lt3A_221 : i32
      %convert_element_type3A_223 = arith.extui %lt3A_222 : i1 to i32
      %cond3A_224 = arith.constant 0 : i32
      %cond3A_225 = arith.cmpi ne, %convert_element_type3A_223, %cond3A_224 : i32
      scf.if %cond3A_225 {
        %mul3A_326 = arith.constant 128 : i32
        %mul3A_327 = arith.muli %sub3A_215, %mul3A_326 : i32
        %dma_start3A_328 = arith.constant 2 : i32
        %dma_start3A_329 = arith.constant 0 : i32
        %dma_start3A_330 = arith.constant 0 : i32
        %dma_start3A_331 = tpu.memref_slice %arg7[%dma_start3A_328, %dma_start3A_329, %dma_start3A_330] : memref<6x128x16xf32, #tpu.memory_space<vmem>> -> memref<1x128x16xf32, #tpu.memory_space<vmem>>
        %dma_start3A_332 = tpu.memref_squeeze %dma_start3A_331 : memref<1x128x16xf32, #tpu.memory_space<vmem>> -> memref<128x16xf32, #tpu.memory_space<vmem>>
        %dma_start3A_333 = tpu.memref_slice %arg5[%mul3A_327] : memref<10000xi32, #tpu.memory_space<vmem>> -> memref<128xi32, #tpu.memory_space<vmem>>
        %dma_start3A_334 = arith.constant 0 : i32
        %dma_start3A_335 = arith.constant 0 : i32
        %dma_start3A_336 = tpu.memref_slice %arg2[%dma_start3A_334, %dma_start3A_335] : memref<10240x16xf32, #tpu.memory_space<hbm>> -> memref<10240x16xf32, #tpu.memory_space<hbm>>
        tpu.enqueue_indirect_dma source(%dma_start3A_336 : memref<10240x16xf32, #tpu.memory_space<hbm>>) target(%dma_start3A_332 : memref<128x16xf32, #tpu.memory_space<vmem>>) offsets(%dma_start3A_333 : memref<128xi32, #tpu.memory_space<vmem>>) semaphore(%arg13 : memref<!tpu.dma_semaphore, #tpu.memory_space<semaphore_mem>>)
      } else {
      }
      %dma_wait3A_226 = arith.constant 3 : i32
      %dma_wait3A_227 = arith.constant 0 : i32
      %dma_wait3A_228 = arith.constant 0 : i32
      %dma_wait3A_229 = tpu.memref_slice %arg7[%dma_wait3A_226, %dma_wait3A_227, %dma_wait3A_228] : memref<6x128x16xf32, #tpu.memory_space<vmem>> -> memref<1x128x16xf32, #tpu.memory_space<vmem>>
      %dma_wait3A_230 = tpu.memref_squeeze %dma_wait3A_229 : memref<1x128x16xf32, #tpu.memory_space<vmem>> -> memref<128x16xf32, #tpu.memory_space<vmem>>
      %dma_wait3A_231 = arith.constant 0 : i32
      %dma_wait3A_232 = tpu.memref_slice %arg5[%dma_wait3A_231] : memref<10000xi32, #tpu.memory_space<vmem>> -> memref<128xi32, #tpu.memory_space<vmem>>
      %dma_wait3A_233 = arith.constant 0 : i32
      %dma_wait3A_234 = arith.constant 0 : i32
      %dma_wait3A_235 = tpu.memref_slice %arg2[%dma_wait3A_233, %dma_wait3A_234] : memref<10240x16xf32, #tpu.memory_space<hbm>> -> memref<10240x16xf32, #tpu.memory_space<hbm>>
      tpu.wait_indirect_dma semaphore(%arg14 : memref<!tpu.dma_semaphore, #tpu.memory_space<semaphore_mem>>) src(%dma_wait3A_235 : memref<10240x16xf32, #tpu.memory_space<hbm>>) dst(%dma_wait3A_230 : memref<128x16xf32, #tpu.memory_space<vmem>>)
      %mul3A_236 = arith.constant 128 : i32
      %mul3A_237 = arith.muli %add3A_211, %mul3A_236 : i32
      %dma_start3A_238 = arith.constant 3 : i32
      %dma_start3A_239 = arith.constant 0 : i32
      %dma_start3A_240 = arith.constant 0 : i32
      %dma_start3A_241 = tpu.memref_slice %arg7[%dma_start3A_238, %dma_start3A_239, %dma_start3A_240] : memref<6x128x16xf32, #tpu.memory_space<vmem>> -> memref<1x128x16xf32, #tpu.memory_space<vmem>>
      %dma_start3A_242 = tpu.memref_squeeze %dma_start3A_241 : memref<1x128x16xf32, #tpu.memory_space<vmem>> -> memref<128x16xf32, #tpu.memory_space<vmem>>
      %dma_start3A_243 = tpu.memref_slice %arg6[%mul3A_237] : memref<10000xi32, #tpu.memory_space<vmem>> -> memref<128xi32, #tpu.memory_space<vmem>>
      %dma_start3A_244 = arith.constant 0 : i32
      %dma_start3A_245 = arith.constant 0 : i32
      %dma_start3A_246 = tpu.memref_slice %arg10[%dma_start3A_244, %dma_start3A_245] : memref<10240x16xf32, #tpu.memory_space<vmem_shared>> -> memref<10240x16xf32, #tpu.memory_space<vmem_shared>>
      tpu.enqueue_indirect_dma source(%dma_start3A_242 : memref<128x16xf32, #tpu.memory_space<vmem>>) target(%dma_start3A_246 : memref<10240x16xf32, #tpu.memory_space<vmem_shared>>) offsets(%dma_start3A_243 : memref<128xi32, #tpu.memory_space<vmem>>) semaphore(%arg20 : memref<!tpu.dma_semaphore, #tpu.memory_space<semaphore_mem>>) {add = true}
      %mul3A_247 = arith.constant 6 : i32
      %mul3A_248 = arith.muli %scan3A_94, %mul3A_247 : i32
      %add3A_249 = arith.constant 4 : i32
      %add3A_250 = arith.addi %mul3A_248, %add3A_249 : i32
      %add3A_251 = arith.constant 6 : i32
      %add3A_252 = arith.addi %add3A_250, %add3A_251 : i32
      %sub3A_253 = arith.constant 1 : i32
      %sub3A_254 = arith.subi %add3A_252, %sub3A_253 : i32
      %gt3A_255 = arith.constant 0 : i32
      %gt3A_256 = arith.cmpi sgt, %add3A_250, %gt3A_255 : i32
      %convert_element_type3A_257 = arith.extui %gt3A_256 : i1 to i32
      %cond3A_258 = arith.constant 0 : i32
      %cond3A_259 = arith.cmpi ne, %convert_element_type3A_257, %cond3A_258 : i32
      scf.if %cond3A_259 {
        %dma_wait3A_326 = arith.constant 3 : i32
        %dma_wait3A_327 = arith.constant 0 : i32
        %dma_wait3A_328 = arith.constant 0 : i32
        %dma_wait3A_329 = tpu.memref_slice %arg7[%dma_wait3A_326, %dma_wait3A_327, %dma_wait3A_328] : memref<6x128x16xf32, #tpu.memory_space<vmem>> -> memref<1x128x16xf32, #tpu.memory_space<vmem>>
        %dma_wait3A_330 = tpu.memref_squeeze %dma_wait3A_329 : memref<1x128x16xf32, #tpu.memory_space<vmem>> -> memref<128x16xf32, #tpu.memory_space<vmem>>
        %dma_wait3A_331 = arith.constant 0 : i32
        %dma_wait3A_332 = tpu.memref_slice %arg6[%dma_wait3A_331] : memref<10000xi32, #tpu.memory_space<vmem>> -> memref<128xi32, #tpu.memory_space<vmem>>
        %dma_wait3A_333 = arith.constant 0 : i32
        %dma_wait3A_334 = arith.constant 0 : i32
        %dma_wait3A_335 = tpu.memref_slice %arg10[%dma_wait3A_333, %dma_wait3A_334] : memref<10240x16xf32, #tpu.memory_space<vmem_shared>> -> memref<10240x16xf32, #tpu.memory_space<vmem_shared>>
        tpu.wait_indirect_dma semaphore(%arg20 : memref<!tpu.dma_semaphore, #tpu.memory_space<semaphore_mem>>) src(%dma_wait3A_330 : memref<128x16xf32, #tpu.memory_space<vmem>>) dst(%dma_wait3A_335 : memref<10240x16xf32, #tpu.memory_space<vmem_shared>>)
      } else {
      }
      %lt3A_260 = arith.constant 78 : i32
      %lt3A_261 = arith.cmpi slt, %sub3A_254, %lt3A_260 : i32
      %convert_element_type3A_262 = arith.extui %lt3A_261 : i1 to i32
      %cond3A_263 = arith.constant 0 : i32
      %cond3A_264 = arith.cmpi ne, %convert_element_type3A_262, %cond3A_263 : i32
      scf.if %cond3A_264 {
        %mul3A_326 = arith.constant 128 : i32
        %mul3A_327 = arith.muli %sub3A_254, %mul3A_326 : i32
        %dma_start3A_328 = arith.constant 3 : i32
        %dma_start3A_329 = arith.constant 0 : i32
        %dma_start3A_330 = arith.constant 0 : i32
        %dma_start3A_331 = tpu.memref_slice %arg7[%dma_start3A_328, %dma_start3A_329, %dma_start3A_330] : memref<6x128x16xf32, #tpu.memory_space<vmem>> -> memref<1x128x16xf32, #tpu.memory_space<vmem>>
        %dma_start3A_332 = tpu.memref_squeeze %dma_start3A_331 : memref<1x128x16xf32, #tpu.memory_space<vmem>> -> memref<128x16xf32, #tpu.memory_space<vmem>>
        %dma_start3A_333 = tpu.memref_slice %arg5[%mul3A_327] : memref<10000xi32, #tpu.memory_space<vmem>> -> memref<128xi32, #tpu.memory_space<vmem>>
        %dma_start3A_334 = arith.constant 0 : i32
        %dma_start3A_335 = arith.constant 0 : i32
        %dma_start3A_336 = tpu.memref_slice %arg2[%dma_start3A_334, %dma_start3A_335] : memref<10240x16xf32, #tpu.memory_space<hbm>> -> memref<10240x16xf32, #tpu.memory_space<hbm>>
        tpu.enqueue_indirect_dma source(%dma_start3A_336 : memref<10240x16xf32, #tpu.memory_space<hbm>>) target(%dma_start3A_332 : memref<128x16xf32, #tpu.memory_space<vmem>>) offsets(%dma_start3A_333 : memref<128xi32, #tpu.memory_space<vmem>>) semaphore(%arg14 : memref<!tpu.dma_semaphore, #tpu.memory_space<semaphore_mem>>)
      } else {
      }
      %dma_wait3A_265 = arith.constant 4 : i32
      %dma_wait3A_266 = arith.constant 0 : i32
      %dma_wait3A_267 = arith.constant 0 : i32
      %dma_wait3A_268 = tpu.memref_slice %arg7[%dma_wait3A_265, %dma_wait3A_266, %dma_wait3A_267] : memref<6x128x16xf32, #tpu.memory_space<vmem>> -> memref<1x128x16xf32, #tpu.memory_space<vmem>>
      %dma_wait3A_269 = tpu.memref_squeeze %dma_wait3A_268 : memref<1x128x16xf32, #tpu.memory_space<vmem>> -> memref<128x16xf32, #tpu.memory_space<vmem>>
      %dma_wait3A_270 = arith.constant 0 : i32
      %dma_wait3A_271 = tpu.memref_slice %arg5[%dma_wait3A_270] : memref<10000xi32, #tpu.memory_space<vmem>> -> memref<128xi32, #tpu.memory_space<vmem>>
      %dma_wait3A_272 = arith.constant 0 : i32
      %dma_wait3A_273 = arith.constant 0 : i32
      %dma_wait3A_274 = tpu.memref_slice %arg2[%dma_wait3A_272, %dma_wait3A_273] : memref<10240x16xf32, #tpu.memory_space<hbm>> -> memref<10240x16xf32, #tpu.memory_space<hbm>>
      tpu.wait_indirect_dma semaphore(%arg15 : memref<!tpu.dma_semaphore, #tpu.memory_space<semaphore_mem>>) src(%dma_wait3A_274 : memref<10240x16xf32, #tpu.memory_space<hbm>>) dst(%dma_wait3A_269 : memref<128x16xf32, #tpu.memory_space<vmem>>)
      %mul3A_275 = arith.constant 128 : i32
      %mul3A_276 = arith.muli %add3A_250, %mul3A_275 : i32
      %dma_start3A_277 = arith.constant 4 : i32
      %dma_start3A_278 = arith.constant 0 : i32
      %dma_start3A_279 = arith.constant 0 : i32
      %dma_start3A_280 = tpu.memref_slice %arg7[%dma_start3A_277, %dma_start3A_278, %dma_start3A_279] : memref<6x128x16xf32, #tpu.memory_space<vmem>> -> memref<1x128x16xf32, #tpu.memory_space<vmem>>
      %dma_start3A_281 = tpu.memref_squeeze %dma_start3A_280 : memref<1x128x16xf32, #tpu.memory_space<vmem>> -> memref<128x16xf32, #tpu.memory_space<vmem>>
      %dma_start3A_282 = tpu.memref_slice %arg6[%mul3A_276] : memref<10000xi32, #tpu.memory_space<vmem>> -> memref<128xi32, #tpu.memory_space<vmem>>
      %dma_start3A_283 = arith.constant 0 : i32
      %dma_start3A_284 = arith.constant 0 : i32
      %dma_start3A_285 = tpu.memref_slice %arg10[%dma_start3A_283, %dma_start3A_284] : memref<10240x16xf32, #tpu.memory_space<vmem_shared>> -> memref<10240x16xf32, #tpu.memory_space<vmem_shared>>
      tpu.enqueue_indirect_dma source(%dma_start3A_281 : memref<128x16xf32, #tpu.memory_space<vmem>>) target(%dma_start3A_285 : memref<10240x16xf32, #tpu.memory_space<vmem_shared>>) offsets(%dma_start3A_282 : memref<128xi32, #tpu.memory_space<vmem>>) semaphore(%arg21 : memref<!tpu.dma_semaphore, #tpu.memory_space<semaphore_mem>>) {add = true}
      %mul3A_286 = arith.constant 6 : i32
      %mul3A_287 = arith.muli %scan3A_94, %mul3A_286 : i32
      %add3A_288 = arith.constant 5 : i32
      %add3A_289 = arith.addi %mul3A_287, %add3A_288 : i32
      %add3A_290 = arith.constant 6 : i32
      %add3A_291 = arith.addi %add3A_289, %add3A_290 : i32
      %sub3A_292 = arith.constant 1 : i32
      %sub3A_293 = arith.subi %add3A_291, %sub3A_292 : i32
      %gt3A_294 = arith.constant 0 : i32
      %gt3A_295 = arith.cmpi sgt, %add3A_289, %gt3A_294 : i32
      %convert_element_type3A_296 = arith.extui %gt3A_295 : i1 to i32
      %cond3A_297 = arith.constant 0 : i32
      %cond3A_298 = arith.cmpi ne, %convert_element_type3A_296, %cond3A_297 : i32
      scf.if %cond3A_298 {
        %dma_wait3A_326 = arith.constant 4 : i32
        %dma_wait3A_327 = arith.constant 0 : i32
        %dma_wait3A_328 = arith.constant 0 : i32
        %dma_wait3A_329 = tpu.memref_slice %arg7[%dma_wait3A_326, %dma_wait3A_327, %dma_wait3A_328] : memref<6x128x16xf32, #tpu.memory_space<vmem>> -> memref<1x128x16xf32, #tpu.memory_space<vmem>>
        %dma_wait3A_330 = tpu.memref_squeeze %dma_wait3A_329 : memref<1x128x16xf32, #tpu.memory_space<vmem>> -> memref<128x16xf32, #tpu.memory_space<vmem>>
        %dma_wait3A_331 = arith.constant 0 : i32
        %dma_wait3A_332 = tpu.memref_slice %arg6[%dma_wait3A_331] : memref<10000xi32, #tpu.memory_space<vmem>> -> memref<128xi32, #tpu.memory_space<vmem>>
        %dma_wait3A_333 = arith.constant 0 : i32
        %dma_wait3A_334 = arith.constant 0 : i32
        %dma_wait3A_335 = tpu.memref_slice %arg10[%dma_wait3A_333, %dma_wait3A_334] : memref<10240x16xf32, #tpu.memory_space<vmem_shared>> -> memref<10240x16xf32, #tpu.memory_space<vmem_shared>>
        tpu.wait_indirect_dma semaphore(%arg21 : memref<!tpu.dma_semaphore, #tpu.memory_space<semaphore_mem>>) src(%dma_wait3A_330 : memref<128x16xf32, #tpu.memory_space<vmem>>) dst(%dma_wait3A_335 : memref<10240x16xf32, #tpu.memory_space<vmem_shared>>)
      } else {
      }
      %lt3A_299 = arith.constant 78 : i32
      %lt3A_300 = arith.cmpi slt, %sub3A_293, %lt3A_299 : i32
      %convert_element_type3A_301 = arith.extui %lt3A_300 : i1 to i32
      %cond3A_302 = arith.constant 0 : i32
      %cond3A_303 = arith.cmpi ne, %convert_element_type3A_301, %cond3A_302 : i32
      scf.if %cond3A_303 {
        %mul3A_326 = arith.constant 128 : i32
        %mul3A_327 = arith.muli %sub3A_293, %mul3A_326 : i32
        %dma_start3A_328 = arith.constant 4 : i32
        %dma_start3A_329 = arith.constant 0 : i32
        %dma_start3A_330 = arith.constant 0 : i32
        %dma_start3A_331 = tpu.memref_slice %arg7[%dma_start3A_328, %dma_start3A_329, %dma_start3A_330] : memref<6x128x16xf32, #tpu.memory_space<vmem>> -> memref<1x128x16xf32, #tpu.memory_space<vmem>>
        %dma_start3A_332 = tpu.memref_squeeze %dma_start3A_331 : memref<1x128x16xf32, #tpu.memory_space<vmem>> -> memref<128x16xf32, #tpu.memory_space<vmem>>
        %dma_start3A_333 = tpu.memref_slice %arg5[%mul3A_327] : memref<10000xi32, #tpu.memory_space<vmem>> -> memref<128xi32, #tpu.memory_space<vmem>>
        %dma_start3A_334 = arith.constant 0 : i32
        %dma_start3A_335 = arith.constant 0 : i32
        %dma_start3A_336 = tpu.memref_slice %arg2[%dma_start3A_334, %dma_start3A_335] : memref<10240x16xf32, #tpu.memory_space<hbm>> -> memref<10240x16xf32, #tpu.memory_space<hbm>>
        tpu.enqueue_indirect_dma source(%dma_start3A_336 : memref<10240x16xf32, #tpu.memory_space<hbm>>) target(%dma_start3A_332 : memref<128x16xf32, #tpu.memory_space<vmem>>) offsets(%dma_start3A_333 : memref<128xi32, #tpu.memory_space<vmem>>) semaphore(%arg15 : memref<!tpu.dma_semaphore, #tpu.memory_space<semaphore_mem>>)
      } else {
      }
      %dma_wait3A_304 = arith.constant 5 : i32
      %dma_wait3A_305 = arith.constant 0 : i32
      %dma_wait3A_306 = arith.constant 0 : i32
      %dma_wait3A_307 = tpu.memref_slice %arg7[%dma_wait3A_304, %dma_wait3A_305, %dma_wait3A_306] : memref<6x128x16xf32, #tpu.memory_space<vmem>> -> memref<1x128x16xf32, #tpu.memory_space<vmem>>
      %dma_wait3A_308 = tpu.memref_squeeze %dma_wait3A_307 : memref<1x128x16xf32, #tpu.memory_space<vmem>> -> memref<128x16xf32, #tpu.memory_space<vmem>>
      %dma_wait3A_309 = arith.constant 0 : i32
      %dma_wait3A_310 = tpu.memref_slice %arg5[%dma_wait3A_309] : memref<10000xi32, #tpu.memory_space<vmem>> -> memref<128xi32, #tpu.memory_space<vmem>>
      %dma_wait3A_311 = arith.constant 0 : i32
      %dma_wait3A_312 = arith.constant 0 : i32
      %dma_wait3A_313 = tpu.memref_slice %arg2[%dma_wait3A_311, %dma_wait3A_312] : memref<10240x16xf32, #tpu.memory_space<hbm>> -> memref<10240x16xf32, #tpu.memory_space<hbm>>
      tpu.wait_indirect_dma semaphore(%arg16 : memref<!tpu.dma_semaphore, #tpu.memory_space<semaphore_mem>>) src(%dma_wait3A_313 : memref<10240x16xf32, #tpu.memory_space<hbm>>) dst(%dma_wait3A_308 : memref<128x16xf32, #tpu.memory_space<vmem>>)
      %mul3A_314 = arith.constant 128 : i32
      %mul3A_315 = arith.muli %add3A_289, %mul3A_314 : i32
      %dma_start3A_316 = arith.constant 5 : i32
      %dma_start3A_317 = arith.constant 0 : i32
      %dma_start3A_318 = arith.constant 0 : i32
      %dma_start3A_319 = tpu.memref_slice %arg7[%dma_start3A_316, %dma_start3A_317, %dma_start3A_318] : memref<6x128x16xf32, #tpu.memory_space<vmem>> -> memref<1x128x16xf32, #tpu.memory_space<vmem>>
      %dma_start3A_320 = tpu.memref_squeeze %dma_start3A_319 : memref<1x128x16xf32, #tpu.memory_space<vmem>> -> memref<128x16xf32, #tpu.memory_space<vmem>>
      %dma_start3A_321 = tpu.memref_slice %arg6[%mul3A_315] : memref<10000xi32, #tpu.memory_space<vmem>> -> memref<128xi32, #tpu.memory_space<vmem>>
      %dma_start3A_322 = arith.constant 0 : i32
      %dma_start3A_323 = arith.constant 0 : i32
      %dma_start3A_324 = tpu.memref_slice %arg10[%dma_start3A_322, %dma_start3A_323] : memref<10240x16xf32, #tpu.memory_space<vmem_shared>> -> memref<10240x16xf32, #tpu.memory_space<vmem_shared>>
      tpu.enqueue_indirect_dma source(%dma_start3A_320 : memref<128x16xf32, #tpu.memory_space<vmem>>) target(%dma_start3A_324 : memref<10240x16xf32, #tpu.memory_space<vmem_shared>>) offsets(%dma_start3A_321 : memref<128xi32, #tpu.memory_space<vmem>>) semaphore(%arg22 : memref<!tpu.dma_semaphore, #tpu.memory_space<semaphore_mem>>) {add = true}
      %scan3A_325 = arith.constant 0 : i32
      scf.yield %scan3A_325 : i32
    }
    %scan3A_69 = arith.constant 13 : i32
    %dma_wait3A = arith.constant 5 : i32
    %dma_wait3A_70 = arith.constant 0 : i32
    %dma_wait3A_71 = arith.constant 0 : i32
    %dma_wait3A_72 = tpu.memref_slice %arg7[%dma_wait3A, %dma_wait3A_70, %dma_wait3A_71] : memref<6x128x16xf32, #tpu.memory_space<vmem>> -> memref<1x128x16xf32, #tpu.memory_space<vmem>>
    %dma_wait3A_73 = tpu.memref_squeeze %dma_wait3A_72 : memref<1x128x16xf32, #tpu.memory_space<vmem>> -> memref<128x16xf32, #tpu.memory_space<vmem>>
    %dma_wait3A_74 = arith.constant 0 : i32
    %dma_wait3A_75 = tpu.memref_slice %arg6[%dma_wait3A_74] : memref<10000xi32, #tpu.memory_space<vmem>> -> memref<128xi32, #tpu.memory_space<vmem>>
    %dma_wait3A_76 = arith.constant 0 : i32
    %dma_wait3A_77 = arith.constant 0 : i32
    %dma_wait3A_78 = tpu.memref_slice %arg10[%dma_wait3A_76, %dma_wait3A_77] : memref<10240x16xf32, #tpu.memory_space<vmem_shared>> -> memref<10240x16xf32, #tpu.memory_space<vmem_shared>>
    tpu.wait_indirect_dma semaphore(%arg22 : memref<!tpu.dma_semaphore, #tpu.memory_space<semaphore_mem>>) src(%dma_wait3A_73 : memref<128x16xf32, #tpu.memory_space<vmem>>) dst(%dma_wait3A_78 : memref<10240x16xf32, #tpu.memory_space<vmem_shared>>)
    %dma_start3A_79 = arith.constant 9984 : i32
    %dma_start3A_80 = tpu.memref_slice %arg5[%dma_start3A_79] : memref<10000xi32, #tpu.memory_space<vmem>> -> memref<16xi32, #tpu.memory_space<vmem>>
    %dma_start3A_81 = arith.constant 0 : i32
    %dma_start3A_82 = arith.constant 0 : i32
    %dma_start3A_83 = tpu.memref_slice %arg2[%dma_start3A_81, %dma_start3A_82] : memref<10240x16xf32, #tpu.memory_space<hbm>> -> memref<10240x16xf32, #tpu.memory_space<hbm>>
    tpu.enqueue_indirect_dma source(%dma_start3A_83 : memref<10240x16xf32, #tpu.memory_space<hbm>>) target(%arg8 : memref<16x16xf32, #tpu.memory_space<vmem>>) offsets(%dma_start3A_80 : memref<16xi32, #tpu.memory_space<vmem>>) semaphore(%arg23 : memref<!tpu.dma_semaphore, #tpu.memory_space<semaphore_mem>>)
    %dma_wait3A_84 = arith.constant 9984 : i32
    %dma_wait3A_85 = tpu.memref_slice %arg5[%dma_wait3A_84] : memref<10000xi32, #tpu.memory_space<vmem>> -> memref<16xi32, #tpu.memory_space<vmem>>
    %dma_wait3A_86 = arith.constant 0 : i32
    %dma_wait3A_87 = arith.constant 0 : i32
    %dma_wait3A_88 = tpu.memref_slice %arg2[%dma_wait3A_86, %dma_wait3A_87] : memref<10240x16xf32, #tpu.memory_space<hbm>> -> memref<10240x16xf32, #tpu.memory_space<hbm>>
    tpu.wait_indirect_dma semaphore(%arg23 : memref<!tpu.dma_semaphore, #tpu.memory_space<semaphore_mem>>) src(%dma_wait3A_88 : memref<10240x16xf32, #tpu.memory_space<hbm>>) dst(%arg8 : memref<16x16xf32, #tpu.memory_space<vmem>>)
    "tpu.region"() ({
      %run_scoped3A_94 = tpu.sem_alloc : memref<!tpu.dma_semaphore, #tpu.memory_space<semaphore_mem>>
      %dma_start3A_95 = arith.constant 9984 : i32
      %dma_start3A_96 = tpu.memref_slice %arg6[%dma_start3A_95] : memref<10000xi32, #tpu.memory_space<vmem>> -> memref<16xi32, #tpu.memory_space<vmem>>
      %dma_start3A_97 = arith.constant 0 : i32
      %dma_start3A_98 = arith.constant 0 : i32
      %dma_start3A_99 = tpu.memref_slice %arg10[%dma_start3A_97, %dma_start3A_98] : memref<10240x16xf32, #tpu.memory_space<vmem_shared>> -> memref<10240x16xf32, #tpu.memory_space<vmem_shared>>
      tpu.enqueue_indirect_dma source(%arg8 : memref<16x16xf32, #tpu.memory_space<vmem>>) target(%dma_start3A_99 : memref<10240x16xf32, #tpu.memory_space<vmem_shared>>) offsets(%dma_start3A_96 : memref<16xi32, #tpu.memory_space<vmem>>) semaphore(%run_scoped3A_94 : memref<!tpu.dma_semaphore, #tpu.memory_space<semaphore_mem>>) {add = true}
      %dma_wait3A_100 = arith.constant 9984 : i32
      %dma_wait3A_101 = tpu.memref_slice %arg6[%dma_wait3A_100] : memref<10000xi32, #tpu.memory_space<vmem>> -> memref<16xi32, #tpu.memory_space<vmem>>
      %dma_wait3A_102 = arith.constant 0 : i32
      %dma_wait3A_103 = arith.constant 0 : i32
      %dma_wait3A_104 = tpu.memref_slice %arg10[%dma_wait3A_102, %dma_wait3A_103] : memref<10240x16xf32, #tpu.memory_space<vmem_shared>> -> memref<10240x16xf32, #tpu.memory_space<vmem_shared>>
      tpu.wait_indirect_dma semaphore(%run_scoped3A_94 : memref<!tpu.dma_semaphore, #tpu.memory_space<semaphore_mem>>) src(%arg8 : memref<16x16xf32, #tpu.memory_space<vmem>>) dst(%dma_wait3A_104 : memref<10240x16xf32, #tpu.memory_space<vmem_shared>>)
      tpu.yield
    }) : () -> ()
    %barrier3A_89 = arith.constant 0 : index
    tpu.barrier barrier_id(%barrier3A_89)
    %mul3A_90 = arith.constant 640 : i32
    %mul3A_91 = arith.muli %arg1, %mul3A_90 : i32
    %mul3A_92 = arith.constant 640 : i32
    %mul3A_93 = arith.muli %arg1, %mul3A_92 : i32
    "tpu.region"() ({
      %run_scoped3A_94 = tpu.sem_alloc : memref<!tpu.dma_semaphore, #tpu.memory_space<semaphore_mem>>
      %dma_start3A_95 = arith.constant 0 : i32
      %dma_start3A_96 = tpu.memref_slice %arg4[%arg0, %mul3A_93, %dma_start3A_95] : memref<2x10240x16xf32, #tpu.memory_space<hbm>> -> memref<1x640x16xf32, #tpu.memory_space<hbm>>
      %dma_start3A_97 = tpu.memref_squeeze %dma_start3A_96 : memref<1x640x16xf32, #tpu.memory_space<hbm>> -> memref<640x16xf32, #tpu.memory_space<hbm>>
      %dma_start3A_98 = arith.constant 0 : i32
      %dma_start3A_99 = tpu.memref_slice %arg10[%mul3A_91, %dma_start3A_98] : memref<10240x16xf32, #tpu.memory_space<vmem_shared>> -> memref<640x16xf32, #tpu.memory_space<vmem_shared>>
      tpu.enqueue_dma source(%dma_start3A_99 : memref<640x16xf32, #tpu.memory_space<vmem_shared>>) target(%dma_start3A_97 : memref<640x16xf32, #tpu.memory_space<hbm>>) target_semaphore(%run_scoped3A_94 : memref<!tpu.dma_semaphore, #tpu.memory_space<semaphore_mem>>)
      %dma_wait3A_100 = arith.constant 0 : i32
      %dma_wait3A_101 = tpu.memref_slice %arg4[%arg0, %mul3A_93, %dma_wait3A_100] : memref<2x10240x16xf32, #tpu.memory_space<hbm>> -> memref<1x640x16xf32, #tpu.memory_space<hbm>>
      %dma_wait3A_102 = tpu.memref_squeeze %dma_wait3A_101 : memref<1x640x16xf32, #tpu.memory_space<hbm>> -> memref<640x16xf32, #tpu.memory_space<hbm>>
      %dma_wait3A_103 = arith.constant 0 : i32
      %dma_wait3A_104 = tpu.memref_slice %arg10[%mul3A_91, %dma_wait3A_103] : memref<10240x16xf32, #tpu.memory_space<vmem_shared>> -> memref<640x16xf32, #tpu.memory_space<vmem_shared>>
      tpu.wait_dma2 semaphore(%run_scoped3A_94 : memref<!tpu.dma_semaphore, #tpu.memory_space<semaphore_mem>>) src(%dma_wait3A_104 : memref<640x16xf32, #tpu.memory_space<vmem_shared>>) dst(%dma_wait3A_102 : memref<640x16xf32, #tpu.memory_space<hbm>>)
      tpu.yield
    }) : () -> ()
    return
  }
}

#map = affine_map<(d0, d1) -> (0, 0)>
module attributes {stable_mosaic.version = 14 : i64} {
  func.func @_sc_degree(%arg0: i32, %arg1: i32, %arg2: memref<2x320000xi32, #tpu.memory_space<hbm>>, %arg3: memref<2x10240xf32, #tpu.memory_space<hbm>>, %arg4: memref<10000xi32, #tpu.memory_space<vmem>>, %arg5: memref<10240xf32, #tpu.memory_space<vmem>>, %arg6: memref<640xf32, #tpu.memory_space<vmem>>, %arg7: memref<16x10240xf32, #tpu.memory_space<vmem_shared>>) attributes {dimension_semantics = [#tpu.dimension_semantics<core_parallel>, #tpu.dimension_semantics<subcore_parallel>], iteration_bounds = array<i64: 2, 16>, scalar_prefetch = 0 : i64, scratch_operands = 4 : i64, tpu.core_type = #tpu.core_type<sc_vector_subcore>, window_params = [{transform_indices = #map}, {transform_indices = #map}]} {
    %mul3A = arith.constant 2 : i32
    %mul3A_0 = arith.muli %arg1, %mul3A : i32
    %add3A = arith.addi %mul3A_0, %arg0 : i32
    %scan3A = arith.constant 0 : i32
    %scan3A_1 = arith.constant 0 : i32
    %scan3A_2 = arith.constant 640 : i32
    %scan3A_3 = arith.addi %scan3A_1, %scan3A_2 : i32
    %scan3A_4 = arith.constant 1 : i32
    %scan3A_5 = scf.for %scan3A_140 = %scan3A_1 to %scan3A_3 step %scan3A_4 iter_args(%scan3A_141 = %scan3A) -> (i32)  : i32 {
      %broadcast_in_dim3A_142 = arith.constant 0.000000e+00 : f32
      %broadcast_in_dim3A_143 = vector.broadcast %broadcast_in_dim3A_142 : f32 to vector<16xf32>
      %mul3A_144 = arith.constant 16 : i32
      %mul3A_145 = arith.muli %scan3A_140, %mul3A_144 : i32
      %swap3A = arith.index_cast %mul3A_145 : i32 to index
      %swap3A_146 = tpu.vector_load %arg5[%swap3A] {strides = array<i32>} : memref<10240xf32, #tpu.memory_space<vmem>>, vector<16xf32>,
      tpu.vector_store %arg5[%swap3A], %broadcast_in_dim3A_143 {strides = array<i32>} : memref<10240xf32, #tpu.memory_space<vmem>>, vector<16xf32>,
      %scan3A_147 = arith.constant 0 : i32
      scf.yield %scan3A_147 : i32
    }
    %scan3A_6 = arith.constant 640 : i32
    %mul3A_7 = arith.constant 10000 : i32
    %mul3A_8 = arith.muli %add3A, %mul3A_7 : i32
    %run_scoped3A = arith.constant 1 : i32
    "tpu.region"() ({
      %run_scoped3A_140 = tpu.sem_alloc : memref<!tpu.dma_semaphore, #tpu.memory_space<semaphore_mem>>
      %dma_start3A = tpu.memref_slice %arg2[%run_scoped3A, %mul3A_8] : memref<2x320000xi32, #tpu.memory_space<hbm>> -> memref<1x10000xi32, #tpu.memory_space<hbm>>
      %dma_start3A_141 = tpu.memref_squeeze %dma_start3A : memref<1x10000xi32, #tpu.memory_space<hbm>> -> memref<10000xi32, #tpu.memory_space<hbm>>
      %dma_start3A_142 = tpu.memref_slice %arg2[%run_scoped3A, %mul3A_8] : memref<2x320000xi32, #tpu.memory_space<hbm>> -> memref<1x10000xi32, #tpu.memory_space<hbm>>
      %dma_start3A_143 = tpu.memref_squeeze %dma_start3A_142 : memref<1x10000xi32, #tpu.memory_space<hbm>> -> memref<10000xi32, #tpu.memory_space<hbm>>
      tpu.enqueue_dma source(%dma_start3A_143 : memref<10000xi32, #tpu.memory_space<hbm>>) target(%arg4 : memref<10000xi32, #tpu.memory_space<vmem>>) target_semaphore(%run_scoped3A_140 : memref<!tpu.dma_semaphore, #tpu.memory_space<semaphore_mem>>)
      %dma_wait3A = tpu.memref_slice %arg2[%run_scoped3A, %mul3A_8] : memref<2x320000xi32, #tpu.memory_space<hbm>> -> memref<1x10000xi32, #tpu.memory_space<hbm>>
      %dma_wait3A_144 = tpu.memref_squeeze %dma_wait3A : memref<1x10000xi32, #tpu.memory_space<hbm>> -> memref<10000xi32, #tpu.memory_space<hbm>>
      %dma_wait3A_145 = tpu.memref_slice %arg2[%run_scoped3A, %mul3A_8] : memref<2x320000xi32, #tpu.memory_space<hbm>> -> memref<1x10000xi32, #tpu.memory_space<hbm>>
      %dma_wait3A_146 = tpu.memref_squeeze %dma_wait3A_145 : memref<1x10000xi32, #tpu.memory_space<hbm>> -> memref<10000xi32, #tpu.memory_space<hbm>>
      tpu.wait_dma2 semaphore(%run_scoped3A_140 : memref<!tpu.dma_semaphore, #tpu.memory_space<semaphore_mem>>) src(%dma_wait3A_146 : memref<10000xi32, #tpu.memory_space<hbm>>) dst(%arg4 : memref<10000xi32, #tpu.memory_space<vmem>>)
      tpu.yield
    }) : () -> ()
    %broadcast_in_dim3A = arith.constant 1.000000e+00 : f32
    %broadcast_in_dim3A_9 = vector.broadcast %broadcast_in_dim3A : f32 to vector<16xf32>
    %scan3A_10 = arith.constant 0 : i32
    %scan3A_11 = arith.constant 0 : i32
    %scan3A_12 = arith.constant 625 : i32
    %scan3A_13 = arith.addi %scan3A_11, %scan3A_12 : i32
    %scan3A_14 = arith.constant 1 : i32
    %scan3A_15 = scf.for %scan3A_140 = %scan3A_11 to %scan3A_13 step %scan3A_14 iter_args(%scan3A_141 = %scan3A_10) -> (i32)  : i32 {
      %mul3A_142 = arith.constant 16 : i32
      %mul3A_143 = arith.muli %scan3A_140, %mul3A_142 : i32
      %get3A = arith.index_cast %mul3A_143 : i32 to index
      %get3A_144 = tpu.vector_load %arg4[%get3A] {strides = array<i32>} : memref<10000xi32, #tpu.memory_space<vmem>>, vector<16xi32>,
      tpu.vector_store_idx %arg5[%get3A_144], %broadcast_in_dim3A_9 {add = true} : memref<10240xf32, #tpu.memory_space<vmem>>[vector<16xi32>], vector<16xf32>,
      %scan3A_145 = arith.constant 0 : i32
      scf.yield %scan3A_145 : i32
    }
    %scan3A_16 = arith.constant 625 : i32
    "tpu.region"() ({
      %run_scoped3A_140 = tpu.sem_alloc : memref<!tpu.dma_semaphore, #tpu.memory_space<semaphore_mem>>
      %dma_start3A = arith.constant 0 : i32
      %dma_start3A_141 = tpu.memref_slice %arg7[%arg1, %dma_start3A] : memref<16x10240xf32, #tpu.memory_space<vmem_shared>> -> memref<1x10240xf32, #tpu.memory_space<vmem_shared>>
      %dma_start3A_142 = tpu.memref_squeeze %dma_start3A_141 : memref<1x10240xf32, #tpu.memory_space<vmem_shared>> -> memref<10240xf32, #tpu.memory_space<vmem_shared>>
      %dma_start3A_143 = arith.constant 0 : i32
      %dma_start3A_144 = tpu.memref_slice %arg7[%arg1, %dma_start3A_143] : memref<16x10240xf32, #tpu.memory_space<vmem_shared>> -> memref<1x10240xf32, #tpu.memory_space<vmem_shared>>
      %dma_start3A_145 = tpu.memref_squeeze %dma_start3A_144 : memref<1x10240xf32, #tpu.memory_space<vmem_shared>> -> memref<10240xf32, #tpu.memory_space<vmem_shared>>
      tpu.enqueue_dma source(%arg5 : memref<10240xf32, #tpu.memory_space<vmem>>) target(%dma_start3A_145 : memref<10240xf32, #tpu.memory_space<vmem_shared>>) target_semaphore(%run_scoped3A_140 : memref<!tpu.dma_semaphore, #tpu.memory_space<semaphore_mem>>)
      %dma_wait3A = arith.constant 0 : i32
      %dma_wait3A_146 = tpu.memref_slice %arg7[%arg1, %dma_wait3A] : memref<16x10240xf32, #tpu.memory_space<vmem_shared>> -> memref<1x10240xf32, #tpu.memory_space<vmem_shared>>
      %dma_wait3A_147 = tpu.memref_squeeze %dma_wait3A_146 : memref<1x10240xf32, #tpu.memory_space<vmem_shared>> -> memref<10240xf32, #tpu.memory_space<vmem_shared>>
      %dma_wait3A_148 = arith.constant 0 : i32
      %dma_wait3A_149 = tpu.memref_slice %arg7[%arg1, %dma_wait3A_148] : memref<16x10240xf32, #tpu.memory_space<vmem_shared>> -> memref<1x10240xf32, #tpu.memory_space<vmem_shared>>
      %dma_wait3A_150 = tpu.memref_squeeze %dma_wait3A_149 : memref<1x10240xf32, #tpu.memory_space<vmem_shared>> -> memref<10240xf32, #tpu.memory_space<vmem_shared>>
      tpu.wait_dma2 semaphore(%run_scoped3A_140 : memref<!tpu.dma_semaphore, #tpu.memory_space<semaphore_mem>>) src(%arg5 : memref<10240xf32, #tpu.memory_space<vmem>>) dst(%dma_wait3A_150 : memref<10240xf32, #tpu.memory_space<vmem_shared>>)
      tpu.yield
    }) : () -> ()
    %barrier3A = arith.constant 0 : index
    tpu.barrier barrier_id(%barrier3A)
    %mul3A_17 = arith.constant 640 : i32
    %mul3A_18 = arith.muli %arg1, %mul3A_17 : i32
    %run_scoped3A_19 = arith.constant 0 : i32
    "tpu.region"() ({
      %run_scoped3A_140 = tpu.sem_alloc : memref<!tpu.dma_semaphore, #tpu.memory_space<semaphore_mem>>
      %dma_start3A = arith.constant 0 : i32
      %dma_start3A_141 = tpu.memref_slice %arg5[%dma_start3A] : memref<10240xf32, #tpu.memory_space<vmem>> -> memref<640xf32, #tpu.memory_space<vmem>>
      %dma_start3A_142 = tpu.memref_slice %arg7[%run_scoped3A_19, %mul3A_18] : memref<16x10240xf32, #tpu.memory_space<vmem_shared>> -> memref<1x640xf32, #tpu.memory_space<vmem_shared>>
      %dma_start3A_143 = tpu.memref_squeeze %dma_start3A_142 : memref<1x640xf32, #tpu.memory_space<vmem_shared>> -> memref<640xf32, #tpu.memory_space<vmem_shared>>
      %dma_start3A_144 = arith.constant 0 : i32
      %dma_start3A_145 = tpu.memref_slice %arg5[%dma_start3A_144] : memref<10240xf32, #tpu.memory_space<vmem>> -> memref<640xf32, #tpu.memory_space<vmem>>
      %dma_start3A_146 = tpu.memref_slice %arg7[%run_scoped3A_19, %mul3A_18] : memref<16x10240xf32, #tpu.memory_space<vmem_shared>> -> memref<1x640xf32, #tpu.memory_space<vmem_shared>>
      %dma_start3A_147 = tpu.memref_squeeze %dma_start3A_146 : memref<1x640xf32, #tpu.memory_space<vmem_shared>> -> memref<640xf32, #tpu.memory_space<vmem_shared>>
      tpu.enqueue_dma source(%dma_start3A_147 : memref<640xf32, #tpu.memory_space<vmem_shared>>) target(%dma_start3A_145 : memref<640xf32, #tpu.memory_space<vmem>>) target_semaphore(%run_scoped3A_140 : memref<!tpu.dma_semaphore, #tpu.memory_space<semaphore_mem>>)
      %dma_wait3A = arith.constant 0 : i32
      %dma_wait3A_148 = tpu.memref_slice %arg5[%dma_wait3A] : memref<10240xf32, #tpu.memory_space<vmem>> -> memref<640xf32, #tpu.memory_space<vmem>>
      %dma_wait3A_149 = tpu.memref_slice %arg7[%run_scoped3A_19, %mul3A_18] : memref<16x10240xf32, #tpu.memory_space<vmem_shared>> -> memref<1x640xf32, #tpu.memory_space<vmem_shared>>
      %dma_wait3A_150 = tpu.memref_squeeze %dma_wait3A_149 : memref<1x640xf32, #tpu.memory_space<vmem_shared>> -> memref<640xf32, #tpu.memory_space<vmem_shared>>
      %dma_wait3A_151 = arith.constant 0 : i32
      %dma_wait3A_152 = tpu.memref_slice %arg5[%dma_wait3A_151] : memref<10240xf32, #tpu.memory_space<vmem>> -> memref<640xf32, #tpu.memory_space<vmem>>
      %dma_wait3A_153 = tpu.memref_slice %arg7[%run_scoped3A_19, %mul3A_18] : memref<16x10240xf32, #tpu.memory_space<vmem_shared>> -> memref<1x640xf32, #tpu.memory_space<vmem_shared>>
      %dma_wait3A_154 = tpu.memref_squeeze %dma_wait3A_153 : memref<1x640xf32, #tpu.memory_space<vmem_shared>> -> memref<640xf32, #tpu.memory_space<vmem_shared>>
      tpu.wait_dma2 semaphore(%run_scoped3A_140 : memref<!tpu.dma_semaphore, #tpu.memory_space<semaphore_mem>>) src(%dma_wait3A_154 : memref<640xf32, #tpu.memory_space<vmem_shared>>) dst(%dma_wait3A_152 : memref<640xf32, #tpu.memory_space<vmem>>)
      tpu.yield
    }) : () -> ()
    %run_scoped3A_20 = arith.constant 1 : i32
    "tpu.region"() ({
      %run_scoped3A_140 = tpu.sem_alloc : memref<!tpu.dma_semaphore, #tpu.memory_space<semaphore_mem>>
      %dma_start3A = tpu.memref_slice %arg7[%run_scoped3A_20, %mul3A_18] : memref<16x10240xf32, #tpu.memory_space<vmem_shared>> -> memref<1x640xf32, #tpu.memory_space<vmem_shared>>
      %dma_start3A_141 = tpu.memref_squeeze %dma_start3A : memref<1x640xf32, #tpu.memory_space<vmem_shared>> -> memref<640xf32, #tpu.memory_space<vmem_shared>>
      %dma_start3A_142 = tpu.memref_slice %arg7[%run_scoped3A_20, %mul3A_18] : memref<16x10240xf32, #tpu.memory_space<vmem_shared>> -> memref<1x640xf32, #tpu.memory_space<vmem_shared>>
      %dma_start3A_143 = tpu.memref_squeeze %dma_start3A_142 : memref<1x640xf32, #tpu.memory_space<vmem_shared>> -> memref<640xf32, #tpu.memory_space<vmem_shared>>
      tpu.enqueue_dma source(%dma_start3A_143 : memref<640xf32, #tpu.memory_space<vmem_shared>>) target(%arg6 : memref<640xf32, #tpu.memory_space<vmem>>) target_semaphore(%run_scoped3A_140 : memref<!tpu.dma_semaphore, #tpu.memory_space<semaphore_mem>>)
      %dma_wait3A = tpu.memref_slice %arg7[%run_scoped3A_20, %mul3A_18] : memref<16x10240xf32, #tpu.memory_space<vmem_shared>> -> memref<1x640xf32, #tpu.memory_space<vmem_shared>>
      %dma_wait3A_144 = tpu.memref_squeeze %dma_wait3A : memref<1x640xf32, #tpu.memory_space<vmem_shared>> -> memref<640xf32, #tpu.memory_space<vmem_shared>>
      %dma_wait3A_145 = tpu.memref_slice %arg7[%run_scoped3A_20, %mul3A_18] : memref<16x10240xf32, #tpu.memory_space<vmem_shared>> -> memref<1x640xf32, #tpu.memory_space<vmem_shared>>
      %dma_wait3A_146 = tpu.memref_squeeze %dma_wait3A_145 : memref<1x640xf32, #tpu.memory_space<vmem_shared>> -> memref<640xf32, #tpu.memory_space<vmem_shared>>
      tpu.wait_dma2 semaphore(%run_scoped3A_140 : memref<!tpu.dma_semaphore, #tpu.memory_space<semaphore_mem>>) src(%dma_wait3A_146 : memref<640xf32, #tpu.memory_space<vmem_shared>>) dst(%arg6 : memref<640xf32, #tpu.memory_space<vmem>>)
      tpu.yield
    }) : () -> ()
    %scan3A_21 = arith.constant 0 : i32
    %scan3A_22 = arith.constant 0 : i32
    %scan3A_23 = arith.constant 40 : i32
    %scan3A_24 = arith.addi %scan3A_22, %scan3A_23 : i32
    %scan3A_25 = arith.constant 1 : i32
    %scan3A_26 = scf.for %scan3A_140 = %scan3A_22 to %scan3A_24 step %scan3A_25 iter_args(%scan3A_141 = %scan3A_21) -> (i32)  : i32 {
      %mul3A_142 = arith.constant 16 : i32
      %mul3A_143 = arith.muli %scan3A_140, %mul3A_142 : i32
      %get3A = arith.index_cast %mul3A_143 : i32 to index
      %get3A_144 = tpu.vector_load %arg5[%get3A] {strides = array<i32>} : memref<10240xf32, #tpu.memory_space<vmem>>, vector<16xf32>,
      %mul3A_145 = arith.constant 16 : i32
      %mul3A_146 = arith.muli %scan3A_140, %mul3A_145 : i32
      %get3A_147 = arith.index_cast %mul3A_146 : i32 to index
      %get3A_148 = tpu.vector_load %arg6[%get3A_147] {strides = array<i32>} : memref<640xf32, #tpu.memory_space<vmem>>, vector<16xf32>,
      %add3A_149 = arith.addf %get3A_144, %get3A_148 : vector<16xf32>
      %mul3A_150 = arith.constant 16 : i32
      %mul3A_151 = arith.muli %scan3A_140, %mul3A_150 : i32
      %swap3A = arith.index_cast %mul3A_151 : i32 to index
      %swap3A_152 = tpu.vector_load %arg5[%swap3A] {strides = array<i32>} : memref<10240xf32, #tpu.memory_space<vmem>>, vector<16xf32>,
      tpu.vector_store %arg5[%swap3A], %add3A_149 {strides = array<i32>} : memref<10240xf32, #tpu.memory_space<vmem>>, vector<16xf32>,
      %scan3A_153 = arith.constant 0 : i32
      scf.yield %scan3A_153 : i32
    }
    %scan3A_27 = arith.constant 40 : i32
    %run_scoped3A_28 = arith.constant 2 : i32
    "tpu.region"() ({
      %run_scoped3A_140 = tpu.sem_alloc : memref<!tpu.dma_semaphore, #tpu.memory_space<semaphore_mem>>
      %dma_start3A = tpu.memref_slice %arg7[%run_scoped3A_28, %mul3A_18] : memref<16x10240xf32, #tpu.memory_space<vmem_shared>> -> memref<1x640xf32, #tpu.memory_space<vmem_shared>>
      %dma_start3A_141 = tpu.memref_squeeze %dma_start3A : memref<1x640xf32, #tpu.memory_space<vmem_shared>> -> memref<640xf32, #tpu.memory_space<vmem_shared>>
      %dma_start3A_142 = tpu.memref_slice %arg7[%run_scoped3A_28, %mul3A_18] : memref<16x10240xf32, #tpu.memory_space<vmem_shared>> -> memref<1x640xf32, #tpu.memory_space<vmem_shared>>
      %dma_start3A_143 = tpu.memref_squeeze %dma_start3A_142 : memref<1x640xf32, #tpu.memory_space<vmem_shared>> -> memref<640xf32, #tpu.memory_space<vmem_shared>>
      tpu.enqueue_dma source(%dma_start3A_143 : memref<640xf32, #tpu.memory_space<vmem_shared>>) target(%arg6 : memref<640xf32, #tpu.memory_space<vmem>>) target_semaphore(%run_scoped3A_140 : memref<!tpu.dma_semaphore, #tpu.memory_space<semaphore_mem>>)
      %dma_wait3A = tpu.memref_slice %arg7[%run_scoped3A_28, %mul3A_18] : memref<16x10240xf32, #tpu.memory_space<vmem_shared>> -> memref<1x640xf32, #tpu.memory_space<vmem_shared>>
      %dma_wait3A_144 = tpu.memref_squeeze %dma_wait3A : memref<1x640xf32, #tpu.memory_space<vmem_shared>> -> memref<640xf32, #tpu.memory_space<vmem_shared>>
      %dma_wait3A_145 = tpu.memref_slice %arg7[%run_scoped3A_28, %mul3A_18] : memref<16x10240xf32, #tpu.memory_space<vmem_shared>> -> memref<1x640xf32, #tpu.memory_space<vmem_shared>>
      %dma_wait3A_146 = tpu.memref_squeeze %dma_wait3A_145 : memref<1x640xf32, #tpu.memory_space<vmem_shared>> -> memref<640xf32, #tpu.memory_space<vmem_shared>>
      tpu.wait_dma2 semaphore(%run_scoped3A_140 : memref<!tpu.dma_semaphore, #tpu.memory_space<semaphore_mem>>) src(%dma_wait3A_146 : memref<640xf32, #tpu.memory_space<vmem_shared>>) dst(%arg6 : memref<640xf32, #tpu.memory_space<vmem>>)
      tpu.yield
    }) : () -> ()
    %scan3A_29 = arith.constant 0 : i32
    %scan3A_30 = arith.constant 0 : i32
    %scan3A_31 = arith.constant 40 : i32
    %scan3A_32 = arith.addi %scan3A_30, %scan3A_31 : i32
    %scan3A_33 = arith.constant 1 : i32
    %scan3A_34 = scf.for %scan3A_140 = %scan3A_30 to %scan3A_32 step %scan3A_33 iter_args(%scan3A_141 = %scan3A_29) -> (i32)  : i32 {
      %mul3A_142 = arith.constant 16 : i32
      %mul3A_143 = arith.muli %scan3A_140, %mul3A_142 : i32
      %get3A = arith.index_cast %mul3A_143 : i32 to index
      %get3A_144 = tpu.vector_load %arg5[%get3A] {strides = array<i32>} : memref<10240xf32, #tpu.memory_space<vmem>>, vector<16xf32>,
      %mul3A_145 = arith.constant 16 : i32
      %mul3A_146 = arith.muli %scan3A_140, %mul3A_145 : i32
      %get3A_147 = arith.index_cast %mul3A_146 : i32 to index
      %get3A_148 = tpu.vector_load %arg6[%get3A_147] {strides = array<i32>} : memref<640xf32, #tpu.memory_space<vmem>>, vector<16xf32>,
      %add3A_149 = arith.addf %get3A_144, %get3A_148 : vector<16xf32>
      %mul3A_150 = arith.constant 16 : i32
      %mul3A_151 = arith.muli %scan3A_140, %mul3A_150 : i32
      %swap3A = arith.index_cast %mul3A_151 : i32 to index
      %swap3A_152 = tpu.vector_load %arg5[%swap3A] {strides = array<i32>} : memref<10240xf32, #tpu.memory_space<vmem>>, vector<16xf32>,
      tpu.vector_store %arg5[%swap3A], %add3A_149 {strides = array<i32>} : memref<10240xf32, #tpu.memory_space<vmem>>, vector<16xf32>,
      %scan3A_153 = arith.constant 0 : i32
      scf.yield %scan3A_153 : i32
    }
    %scan3A_35 = arith.constant 40 : i32
    %run_scoped3A_36 = arith.constant 3 : i32
    "tpu.region"() ({
      %run_scoped3A_140 = tpu.sem_alloc : memref<!tpu.dma_semaphore, #tpu.memory_space<semaphore_mem>>
      %dma_start3A = tpu.memref_slice %arg7[%run_scoped3A_36, %mul3A_18] : memref<16x10240xf32, #tpu.memory_space<vmem_shared>> -> memref<1x640xf32, #tpu.memory_space<vmem_shared>>
      %dma_start3A_141 = tpu.memref_squeeze %dma_start3A : memref<1x640xf32, #tpu.memory_space<vmem_shared>> -> memref<640xf32, #tpu.memory_space<vmem_shared>>
      %dma_start3A_142 = tpu.memref_slice %arg7[%run_scoped3A_36, %mul3A_18] : memref<16x10240xf32, #tpu.memory_space<vmem_shared>> -> memref<1x640xf32, #tpu.memory_space<vmem_shared>>
      %dma_start3A_143 = tpu.memref_squeeze %dma_start3A_142 : memref<1x640xf32, #tpu.memory_space<vmem_shared>> -> memref<640xf32, #tpu.memory_space<vmem_shared>>
      tpu.enqueue_dma source(%dma_start3A_143 : memref<640xf32, #tpu.memory_space<vmem_shared>>) target(%arg6 : memref<640xf32, #tpu.memory_space<vmem>>) target_semaphore(%run_scoped3A_140 : memref<!tpu.dma_semaphore, #tpu.memory_space<semaphore_mem>>)
      %dma_wait3A = tpu.memref_slice %arg7[%run_scoped3A_36, %mul3A_18] : memref<16x10240xf32, #tpu.memory_space<vmem_shared>> -> memref<1x640xf32, #tpu.memory_space<vmem_shared>>
      %dma_wait3A_144 = tpu.memref_squeeze %dma_wait3A : memref<1x640xf32, #tpu.memory_space<vmem_shared>> -> memref<640xf32, #tpu.memory_space<vmem_shared>>
      %dma_wait3A_145 = tpu.memref_slice %arg7[%run_scoped3A_36, %mul3A_18] : memref<16x10240xf32, #tpu.memory_space<vmem_shared>> -> memref<1x640xf32, #tpu.memory_space<vmem_shared>>
      %dma_wait3A_146 = tpu.memref_squeeze %dma_wait3A_145 : memref<1x640xf32, #tpu.memory_space<vmem_shared>> -> memref<640xf32, #tpu.memory_space<vmem_shared>>
      tpu.wait_dma2 semaphore(%run_scoped3A_140 : memref<!tpu.dma_semaphore, #tpu.memory_space<semaphore_mem>>) src(%dma_wait3A_146 : memref<640xf32, #tpu.memory_space<vmem_shared>>) dst(%arg6 : memref<640xf32, #tpu.memory_space<vmem>>)
      tpu.yield
    }) : () -> ()
    %scan3A_37 = arith.constant 0 : i32
    %scan3A_38 = arith.constant 0 : i32
    %scan3A_39 = arith.constant 40 : i32
    %scan3A_40 = arith.addi %scan3A_38, %scan3A_39 : i32
    %scan3A_41 = arith.constant 1 : i32
    %scan3A_42 = scf.for %scan3A_140 = %scan3A_38 to %scan3A_40 step %scan3A_41 iter_args(%scan3A_141 = %scan3A_37) -> (i32)  : i32 {
      %mul3A_142 = arith.constant 16 : i32
      %mul3A_143 = arith.muli %scan3A_140, %mul3A_142 : i32
      %get3A = arith.index_cast %mul3A_143 : i32 to index
      %get3A_144 = tpu.vector_load %arg5[%get3A] {strides = array<i32>} : memref<10240xf32, #tpu.memory_space<vmem>>, vector<16xf32>,
      %mul3A_145 = arith.constant 16 : i32
      %mul3A_146 = arith.muli %scan3A_140, %mul3A_145 : i32
      %get3A_147 = arith.index_cast %mul3A_146 : i32 to index
      %get3A_148 = tpu.vector_load %arg6[%get3A_147] {strides = array<i32>} : memref<640xf32, #tpu.memory_space<vmem>>, vector<16xf32>,
      %add3A_149 = arith.addf %get3A_144, %get3A_148 : vector<16xf32>
      %mul3A_150 = arith.constant 16 : i32
      %mul3A_151 = arith.muli %scan3A_140, %mul3A_150 : i32
      %swap3A = arith.index_cast %mul3A_151 : i32 to index
      %swap3A_152 = tpu.vector_load %arg5[%swap3A] {strides = array<i32>} : memref<10240xf32, #tpu.memory_space<vmem>>, vector<16xf32>,
      tpu.vector_store %arg5[%swap3A], %add3A_149 {strides = array<i32>} : memref<10240xf32, #tpu.memory_space<vmem>>, vector<16xf32>,
      %scan3A_153 = arith.constant 0 : i32
      scf.yield %scan3A_153 : i32
    }
    %scan3A_43 = arith.constant 40 : i32
    %run_scoped3A_44 = arith.constant 4 : i32
    "tpu.region"() ({
      %run_scoped3A_140 = tpu.sem_alloc : memref<!tpu.dma_semaphore, #tpu.memory_space<semaphore_mem>>
      %dma_start3A = tpu.memref_slice %arg7[%run_scoped3A_44, %mul3A_18] : memref<16x10240xf32, #tpu.memory_space<vmem_shared>> -> memref<1x640xf32, #tpu.memory_space<vmem_shared>>
      %dma_start3A_141 = tpu.memref_squeeze %dma_start3A : memref<1x640xf32, #tpu.memory_space<vmem_shared>> -> memref<640xf32, #tpu.memory_space<vmem_shared>>
      %dma_start3A_142 = tpu.memref_slice %arg7[%run_scoped3A_44, %mul3A_18] : memref<16x10240xf32, #tpu.memory_space<vmem_shared>> -> memref<1x640xf32, #tpu.memory_space<vmem_shared>>
      %dma_start3A_143 = tpu.memref_squeeze %dma_start3A_142 : memref<1x640xf32, #tpu.memory_space<vmem_shared>> -> memref<640xf32, #tpu.memory_space<vmem_shared>>
      tpu.enqueue_dma source(%dma_start3A_143 : memref<640xf32, #tpu.memory_space<vmem_shared>>) target(%arg6 : memref<640xf32, #tpu.memory_space<vmem>>) target_semaphore(%run_scoped3A_140 : memref<!tpu.dma_semaphore, #tpu.memory_space<semaphore_mem>>)
      %dma_wait3A = tpu.memref_slice %arg7[%run_scoped3A_44, %mul3A_18] : memref<16x10240xf32, #tpu.memory_space<vmem_shared>> -> memref<1x640xf32, #tpu.memory_space<vmem_shared>>
      %dma_wait3A_144 = tpu.memref_squeeze %dma_wait3A : memref<1x640xf32, #tpu.memory_space<vmem_shared>> -> memref<640xf32, #tpu.memory_space<vmem_shared>>
      %dma_wait3A_145 = tpu.memref_slice %arg7[%run_scoped3A_44, %mul3A_18] : memref<16x10240xf32, #tpu.memory_space<vmem_shared>> -> memref<1x640xf32, #tpu.memory_space<vmem_shared>>
      %dma_wait3A_146 = tpu.memref_squeeze %dma_wait3A_145 : memref<1x640xf32, #tpu.memory_space<vmem_shared>> -> memref<640xf32, #tpu.memory_space<vmem_shared>>
      tpu.wait_dma2 semaphore(%run_scoped3A_140 : memref<!tpu.dma_semaphore, #tpu.memory_space<semaphore_mem>>) src(%dma_wait3A_146 : memref<640xf32, #tpu.memory_space<vmem_shared>>) dst(%arg6 : memref<640xf32, #tpu.memory_space<vmem>>)
      tpu.yield
    }) : () -> ()
    %scan3A_45 = arith.constant 0 : i32
    %scan3A_46 = arith.constant 0 : i32
    %scan3A_47 = arith.constant 40 : i32
    %scan3A_48 = arith.addi %scan3A_46, %scan3A_47 : i32
    %scan3A_49 = arith.constant 1 : i32
    %scan3A_50 = scf.for %scan3A_140 = %scan3A_46 to %scan3A_48 step %scan3A_49 iter_args(%scan3A_141 = %scan3A_45) -> (i32)  : i32 {
      %mul3A_142 = arith.constant 16 : i32
      %mul3A_143 = arith.muli %scan3A_140, %mul3A_142 : i32
      %get3A = arith.index_cast %mul3A_143 : i32 to index
      %get3A_144 = tpu.vector_load %arg5[%get3A] {strides = array<i32>} : memref<10240xf32, #tpu.memory_space<vmem>>, vector<16xf32>,
      %mul3A_145 = arith.constant 16 : i32
      %mul3A_146 = arith.muli %scan3A_140, %mul3A_145 : i32
      %get3A_147 = arith.index_cast %mul3A_146 : i32 to index
      %get3A_148 = tpu.vector_load %arg6[%get3A_147] {strides = array<i32>} : memref<640xf32, #tpu.memory_space<vmem>>, vector<16xf32>,
      %add3A_149 = arith.addf %get3A_144, %get3A_148 : vector<16xf32>
      %mul3A_150 = arith.constant 16 : i32
      %mul3A_151 = arith.muli %scan3A_140, %mul3A_150 : i32
      %swap3A = arith.index_cast %mul3A_151 : i32 to index
      %swap3A_152 = tpu.vector_load %arg5[%swap3A] {strides = array<i32>} : memref<10240xf32, #tpu.memory_space<vmem>>, vector<16xf32>,
      tpu.vector_store %arg5[%swap3A], %add3A_149 {strides = array<i32>} : memref<10240xf32, #tpu.memory_space<vmem>>, vector<16xf32>,
      %scan3A_153 = arith.constant 0 : i32
      scf.yield %scan3A_153 : i32
    }
    %scan3A_51 = arith.constant 40 : i32
    %run_scoped3A_52 = arith.constant 5 : i32
    "tpu.region"() ({
      %run_scoped3A_140 = tpu.sem_alloc : memref<!tpu.dma_semaphore, #tpu.memory_space<semaphore_mem>>
      %dma_start3A = tpu.memref_slice %arg7[%run_scoped3A_52, %mul3A_18] : memref<16x10240xf32, #tpu.memory_space<vmem_shared>> -> memref<1x640xf32, #tpu.memory_space<vmem_shared>>
      %dma_start3A_141 = tpu.memref_squeeze %dma_start3A : memref<1x640xf32, #tpu.memory_space<vmem_shared>> -> memref<640xf32, #tpu.memory_space<vmem_shared>>
      %dma_start3A_142 = tpu.memref_slice %arg7[%run_scoped3A_52, %mul3A_18] : memref<16x10240xf32, #tpu.memory_space<vmem_shared>> -> memref<1x640xf32, #tpu.memory_space<vmem_shared>>
      %dma_start3A_143 = tpu.memref_squeeze %dma_start3A_142 : memref<1x640xf32, #tpu.memory_space<vmem_shared>> -> memref<640xf32, #tpu.memory_space<vmem_shared>>
      tpu.enqueue_dma source(%dma_start3A_143 : memref<640xf32, #tpu.memory_space<vmem_shared>>) target(%arg6 : memref<640xf32, #tpu.memory_space<vmem>>) target_semaphore(%run_scoped3A_140 : memref<!tpu.dma_semaphore, #tpu.memory_space<semaphore_mem>>)
      %dma_wait3A = tpu.memref_slice %arg7[%run_scoped3A_52, %mul3A_18] : memref<16x10240xf32, #tpu.memory_space<vmem_shared>> -> memref<1x640xf32, #tpu.memory_space<vmem_shared>>
      %dma_wait3A_144 = tpu.memref_squeeze %dma_wait3A : memref<1x640xf32, #tpu.memory_space<vmem_shared>> -> memref<640xf32, #tpu.memory_space<vmem_shared>>
      %dma_wait3A_145 = tpu.memref_slice %arg7[%run_scoped3A_52, %mul3A_18] : memref<16x10240xf32, #tpu.memory_space<vmem_shared>> -> memref<1x640xf32, #tpu.memory_space<vmem_shared>>
      %dma_wait3A_146 = tpu.memref_squeeze %dma_wait3A_145 : memref<1x640xf32, #tpu.memory_space<vmem_shared>> -> memref<640xf32, #tpu.memory_space<vmem_shared>>
      tpu.wait_dma2 semaphore(%run_scoped3A_140 : memref<!tpu.dma_semaphore, #tpu.memory_space<semaphore_mem>>) src(%dma_wait3A_146 : memref<640xf32, #tpu.memory_space<vmem_shared>>) dst(%arg6 : memref<640xf32, #tpu.memory_space<vmem>>)
      tpu.yield
    }) : () -> ()
    %scan3A_53 = arith.constant 0 : i32
    %scan3A_54 = arith.constant 0 : i32
    %scan3A_55 = arith.constant 40 : i32
    %scan3A_56 = arith.addi %scan3A_54, %scan3A_55 : i32
    %scan3A_57 = arith.constant 1 : i32
    %scan3A_58 = scf.for %scan3A_140 = %scan3A_54 to %scan3A_56 step %scan3A_57 iter_args(%scan3A_141 = %scan3A_53) -> (i32)  : i32 {
      %mul3A_142 = arith.constant 16 : i32
      %mul3A_143 = arith.muli %scan3A_140, %mul3A_142 : i32
      %get3A = arith.index_cast %mul3A_143 : i32 to index
      %get3A_144 = tpu.vector_load %arg5[%get3A] {strides = array<i32>} : memref<10240xf32, #tpu.memory_space<vmem>>, vector<16xf32>,
      %mul3A_145 = arith.constant 16 : i32
      %mul3A_146 = arith.muli %scan3A_140, %mul3A_145 : i32
      %get3A_147 = arith.index_cast %mul3A_146 : i32 to index
      %get3A_148 = tpu.vector_load %arg6[%get3A_147] {strides = array<i32>} : memref<640xf32, #tpu.memory_space<vmem>>, vector<16xf32>,
      %add3A_149 = arith.addf %get3A_144, %get3A_148 : vector<16xf32>
      %mul3A_150 = arith.constant 16 : i32
      %mul3A_151 = arith.muli %scan3A_140, %mul3A_150 : i32
      %swap3A = arith.index_cast %mul3A_151 : i32 to index
      %swap3A_152 = tpu.vector_load %arg5[%swap3A] {strides = array<i32>} : memref<10240xf32, #tpu.memory_space<vmem>>, vector<16xf32>,
      tpu.vector_store %arg5[%swap3A], %add3A_149 {strides = array<i32>} : memref<10240xf32, #tpu.memory_space<vmem>>, vector<16xf32>,
      %scan3A_153 = arith.constant 0 : i32
      scf.yield %scan3A_153 : i32
    }
    %scan3A_59 = arith.constant 40 : i32
    %run_scoped3A_60 = arith.constant 6 : i32
    "tpu.region"() ({
      %run_scoped3A_140 = tpu.sem_alloc : memref<!tpu.dma_semaphore, #tpu.memory_space<semaphore_mem>>
      %dma_start3A = tpu.memref_slice %arg7[%run_scoped3A_60, %mul3A_18] : memref<16x10240xf32, #tpu.memory_space<vmem_shared>> -> memref<1x640xf32, #tpu.memory_space<vmem_shared>>
      %dma_start3A_141 = tpu.memref_squeeze %dma_start3A : memref<1x640xf32, #tpu.memory_space<vmem_shared>> -> memref<640xf32, #tpu.memory_space<vmem_shared>>
      %dma_start3A_142 = tpu.memref_slice %arg7[%run_scoped3A_60, %mul3A_18] : memref<16x10240xf32, #tpu.memory_space<vmem_shared>> -> memref<1x640xf32, #tpu.memory_space<vmem_shared>>
      %dma_start3A_143 = tpu.memref_squeeze %dma_start3A_142 : memref<1x640xf32, #tpu.memory_space<vmem_shared>> -> memref<640xf32, #tpu.memory_space<vmem_shared>>
      tpu.enqueue_dma source(%dma_start3A_143 : memref<640xf32, #tpu.memory_space<vmem_shared>>) target(%arg6 : memref<640xf32, #tpu.memory_space<vmem>>) target_semaphore(%run_scoped3A_140 : memref<!tpu.dma_semaphore, #tpu.memory_space<semaphore_mem>>)
      %dma_wait3A = tpu.memref_slice %arg7[%run_scoped3A_60, %mul3A_18] : memref<16x10240xf32, #tpu.memory_space<vmem_shared>> -> memref<1x640xf32, #tpu.memory_space<vmem_shared>>
      %dma_wait3A_144 = tpu.memref_squeeze %dma_wait3A : memref<1x640xf32, #tpu.memory_space<vmem_shared>> -> memref<640xf32, #tpu.memory_space<vmem_shared>>
      %dma_wait3A_145 = tpu.memref_slice %arg7[%run_scoped3A_60, %mul3A_18] : memref<16x10240xf32, #tpu.memory_space<vmem_shared>> -> memref<1x640xf32, #tpu.memory_space<vmem_shared>>
      %dma_wait3A_146 = tpu.memref_squeeze %dma_wait3A_145 : memref<1x640xf32, #tpu.memory_space<vmem_shared>> -> memref<640xf32, #tpu.memory_space<vmem_shared>>
      tpu.wait_dma2 semaphore(%run_scoped3A_140 : memref<!tpu.dma_semaphore, #tpu.memory_space<semaphore_mem>>) src(%dma_wait3A_146 : memref<640xf32, #tpu.memory_space<vmem_shared>>) dst(%arg6 : memref<640xf32, #tpu.memory_space<vmem>>)
      tpu.yield
    }) : () -> ()
    %scan3A_61 = arith.constant 0 : i32
    %scan3A_62 = arith.constant 0 : i32
    %scan3A_63 = arith.constant 40 : i32
    %scan3A_64 = arith.addi %scan3A_62, %scan3A_63 : i32
    %scan3A_65 = arith.constant 1 : i32
    %scan3A_66 = scf.for %scan3A_140 = %scan3A_62 to %scan3A_64 step %scan3A_65 iter_args(%scan3A_141 = %scan3A_61) -> (i32)  : i32 {
      %mul3A_142 = arith.constant 16 : i32
      %mul3A_143 = arith.muli %scan3A_140, %mul3A_142 : i32
      %get3A = arith.index_cast %mul3A_143 : i32 to index
      %get3A_144 = tpu.vector_load %arg5[%get3A] {strides = array<i32>} : memref<10240xf32, #tpu.memory_space<vmem>>, vector<16xf32>,
      %mul3A_145 = arith.constant 16 : i32
      %mul3A_146 = arith.muli %scan3A_140, %mul3A_145 : i32
      %get3A_147 = arith.index_cast %mul3A_146 : i32 to index
      %get3A_148 = tpu.vector_load %arg6[%get3A_147] {strides = array<i32>} : memref<640xf32, #tpu.memory_space<vmem>>, vector<16xf32>,
      %add3A_149 = arith.addf %get3A_144, %get3A_148 : vector<16xf32>
      %mul3A_150 = arith.constant 16 : i32
      %mul3A_151 = arith.muli %scan3A_140, %mul3A_150 : i32
      %swap3A = arith.index_cast %mul3A_151 : i32 to index
      %swap3A_152 = tpu.vector_load %arg5[%swap3A] {strides = array<i32>} : memref<10240xf32, #tpu.memory_space<vmem>>, vector<16xf32>,
      tpu.vector_store %arg5[%swap3A], %add3A_149 {strides = array<i32>} : memref<10240xf32, #tpu.memory_space<vmem>>, vector<16xf32>,
      %scan3A_153 = arith.constant 0 : i32
      scf.yield %scan3A_153 : i32
    }
    %scan3A_67 = arith.constant 40 : i32
    %run_scoped3A_68 = arith.constant 7 : i32
    "tpu.region"() ({
      %run_scoped3A_140 = tpu.sem_alloc : memref<!tpu.dma_semaphore, #tpu.memory_space<semaphore_mem>>
      %dma_start3A = tpu.memref_slice %arg7[%run_scoped3A_68, %mul3A_18] : memref<16x10240xf32, #tpu.memory_space<vmem_shared>> -> memref<1x640xf32, #tpu.memory_space<vmem_shared>>
      %dma_start3A_141 = tpu.memref_squeeze %dma_start3A : memref<1x640xf32, #tpu.memory_space<vmem_shared>> -> memref<640xf32, #tpu.memory_space<vmem_shared>>
      %dma_start3A_142 = tpu.memref_slice %arg7[%run_scoped3A_68, %mul3A_18] : memref<16x10240xf32, #tpu.memory_space<vmem_shared>> -> memref<1x640xf32, #tpu.memory_space<vmem_shared>>
      %dma_start3A_143 = tpu.memref_squeeze %dma_start3A_142 : memref<1x640xf32, #tpu.memory_space<vmem_shared>> -> memref<640xf32, #tpu.memory_space<vmem_shared>>
      tpu.enqueue_dma source(%dma_start3A_143 : memref<640xf32, #tpu.memory_space<vmem_shared>>) target(%arg6 : memref<640xf32, #tpu.memory_space<vmem>>) target_semaphore(%run_scoped3A_140 : memref<!tpu.dma_semaphore, #tpu.memory_space<semaphore_mem>>)
      %dma_wait3A = tpu.memref_slice %arg7[%run_scoped3A_68, %mul3A_18] : memref<16x10240xf32, #tpu.memory_space<vmem_shared>> -> memref<1x640xf32, #tpu.memory_space<vmem_shared>>
      %dma_wait3A_144 = tpu.memref_squeeze %dma_wait3A : memref<1x640xf32, #tpu.memory_space<vmem_shared>> -> memref<640xf32, #tpu.memory_space<vmem_shared>>
      %dma_wait3A_145 = tpu.memref_slice %arg7[%run_scoped3A_68, %mul3A_18] : memref<16x10240xf32, #tpu.memory_space<vmem_shared>> -> memref<1x640xf32, #tpu.memory_space<vmem_shared>>
      %dma_wait3A_146 = tpu.memref_squeeze %dma_wait3A_145 : memref<1x640xf32, #tpu.memory_space<vmem_shared>> -> memref<640xf32, #tpu.memory_space<vmem_shared>>
      tpu.wait_dma2 semaphore(%run_scoped3A_140 : memref<!tpu.dma_semaphore, #tpu.memory_space<semaphore_mem>>) src(%dma_wait3A_146 : memref<640xf32, #tpu.memory_space<vmem_shared>>) dst(%arg6 : memref<640xf32, #tpu.memory_space<vmem>>)
      tpu.yield
    }) : () -> ()
    %scan3A_69 = arith.constant 0 : i32
    %scan3A_70 = arith.constant 0 : i32
    %scan3A_71 = arith.constant 40 : i32
    %scan3A_72 = arith.addi %scan3A_70, %scan3A_71 : i32
    %scan3A_73 = arith.constant 1 : i32
    %scan3A_74 = scf.for %scan3A_140 = %scan3A_70 to %scan3A_72 step %scan3A_73 iter_args(%scan3A_141 = %scan3A_69) -> (i32)  : i32 {
      %mul3A_142 = arith.constant 16 : i32
      %mul3A_143 = arith.muli %scan3A_140, %mul3A_142 : i32
      %get3A = arith.index_cast %mul3A_143 : i32 to index
      %get3A_144 = tpu.vector_load %arg5[%get3A] {strides = array<i32>} : memref<10240xf32, #tpu.memory_space<vmem>>, vector<16xf32>,
      %mul3A_145 = arith.constant 16 : i32
      %mul3A_146 = arith.muli %scan3A_140, %mul3A_145 : i32
      %get3A_147 = arith.index_cast %mul3A_146 : i32 to index
      %get3A_148 = tpu.vector_load %arg6[%get3A_147] {strides = array<i32>} : memref<640xf32, #tpu.memory_space<vmem>>, vector<16xf32>,
      %add3A_149 = arith.addf %get3A_144, %get3A_148 : vector<16xf32>
      %mul3A_150 = arith.constant 16 : i32
      %mul3A_151 = arith.muli %scan3A_140, %mul3A_150 : i32
      %swap3A = arith.index_cast %mul3A_151 : i32 to index
      %swap3A_152 = tpu.vector_load %arg5[%swap3A] {strides = array<i32>} : memref<10240xf32, #tpu.memory_space<vmem>>, vector<16xf32>,
      tpu.vector_store %arg5[%swap3A], %add3A_149 {strides = array<i32>} : memref<10240xf32, #tpu.memory_space<vmem>>, vector<16xf32>,
      %scan3A_153 = arith.constant 0 : i32
      scf.yield %scan3A_153 : i32
    }
    %scan3A_75 = arith.constant 40 : i32
    %run_scoped3A_76 = arith.constant 8 : i32
    "tpu.region"() ({
      %run_scoped3A_140 = tpu.sem_alloc : memref<!tpu.dma_semaphore, #tpu.memory_space<semaphore_mem>>
      %dma_start3A = tpu.memref_slice %arg7[%run_scoped3A_76, %mul3A_18] : memref<16x10240xf32, #tpu.memory_space<vmem_shared>> -> memref<1x640xf32, #tpu.memory_space<vmem_shared>>
      %dma_start3A_141 = tpu.memref_squeeze %dma_start3A : memref<1x640xf32, #tpu.memory_space<vmem_shared>> -> memref<640xf32, #tpu.memory_space<vmem_shared>>
      %dma_start3A_142 = tpu.memref_slice %arg7[%run_scoped3A_76, %mul3A_18] : memref<16x10240xf32, #tpu.memory_space<vmem_shared>> -> memref<1x640xf32, #tpu.memory_space<vmem_shared>>
      %dma_start3A_143 = tpu.memref_squeeze %dma_start3A_142 : memref<1x640xf32, #tpu.memory_space<vmem_shared>> -> memref<640xf32, #tpu.memory_space<vmem_shared>>
      tpu.enqueue_dma source(%dma_start3A_143 : memref<640xf32, #tpu.memory_space<vmem_shared>>) target(%arg6 : memref<640xf32, #tpu.memory_space<vmem>>) target_semaphore(%run_scoped3A_140 : memref<!tpu.dma_semaphore, #tpu.memory_space<semaphore_mem>>)
      %dma_wait3A = tpu.memref_slice %arg7[%run_scoped3A_76, %mul3A_18] : memref<16x10240xf32, #tpu.memory_space<vmem_shared>> -> memref<1x640xf32, #tpu.memory_space<vmem_shared>>
      %dma_wait3A_144 = tpu.memref_squeeze %dma_wait3A : memref<1x640xf32, #tpu.memory_space<vmem_shared>> -> memref<640xf32, #tpu.memory_space<vmem_shared>>
      %dma_wait3A_145 = tpu.memref_slice %arg7[%run_scoped3A_76, %mul3A_18] : memref<16x10240xf32, #tpu.memory_space<vmem_shared>> -> memref<1x640xf32, #tpu.memory_space<vmem_shared>>
      %dma_wait3A_146 = tpu.memref_squeeze %dma_wait3A_145 : memref<1x640xf32, #tpu.memory_space<vmem_shared>> -> memref<640xf32, #tpu.memory_space<vmem_shared>>
      tpu.wait_dma2 semaphore(%run_scoped3A_140 : memref<!tpu.dma_semaphore, #tpu.memory_space<semaphore_mem>>) src(%dma_wait3A_146 : memref<640xf32, #tpu.memory_space<vmem_shared>>) dst(%arg6 : memref<640xf32, #tpu.memory_space<vmem>>)
      tpu.yield
    }) : () -> ()
    %scan3A_77 = arith.constant 0 : i32
    %scan3A_78 = arith.constant 0 : i32
    %scan3A_79 = arith.constant 40 : i32
    %scan3A_80 = arith.addi %scan3A_78, %scan3A_79 : i32
    %scan3A_81 = arith.constant 1 : i32
    %scan3A_82 = scf.for %scan3A_140 = %scan3A_78 to %scan3A_80 step %scan3A_81 iter_args(%scan3A_141 = %scan3A_77) -> (i32)  : i32 {
      %mul3A_142 = arith.constant 16 : i32
      %mul3A_143 = arith.muli %scan3A_140, %mul3A_142 : i32
      %get3A = arith.index_cast %mul3A_143 : i32 to index
      %get3A_144 = tpu.vector_load %arg5[%get3A] {strides = array<i32>} : memref<10240xf32, #tpu.memory_space<vmem>>, vector<16xf32>,
      %mul3A_145 = arith.constant 16 : i32
      %mul3A_146 = arith.muli %scan3A_140, %mul3A_145 : i32
      %get3A_147 = arith.index_cast %mul3A_146 : i32 to index
      %get3A_148 = tpu.vector_load %arg6[%get3A_147] {strides = array<i32>} : memref<640xf32, #tpu.memory_space<vmem>>, vector<16xf32>,
      %add3A_149 = arith.addf %get3A_144, %get3A_148 : vector<16xf32>
      %mul3A_150 = arith.constant 16 : i32
      %mul3A_151 = arith.muli %scan3A_140, %mul3A_150 : i32
      %swap3A = arith.index_cast %mul3A_151 : i32 to index
      %swap3A_152 = tpu.vector_load %arg5[%swap3A] {strides = array<i32>} : memref<10240xf32, #tpu.memory_space<vmem>>, vector<16xf32>,
      tpu.vector_store %arg5[%swap3A], %add3A_149 {strides = array<i32>} : memref<10240xf32, #tpu.memory_space<vmem>>, vector<16xf32>,
      %scan3A_153 = arith.constant 0 : i32
      scf.yield %scan3A_153 : i32
    }
    %scan3A_83 = arith.constant 40 : i32
    %run_scoped3A_84 = arith.constant 9 : i32
    "tpu.region"() ({
      %run_scoped3A_140 = tpu.sem_alloc : memref<!tpu.dma_semaphore, #tpu.memory_space<semaphore_mem>>
      %dma_start3A = tpu.memref_slice %arg7[%run_scoped3A_84, %mul3A_18] : memref<16x10240xf32, #tpu.memory_space<vmem_shared>> -> memref<1x640xf32, #tpu.memory_space<vmem_shared>>
      %dma_start3A_141 = tpu.memref_squeeze %dma_start3A : memref<1x640xf32, #tpu.memory_space<vmem_shared>> -> memref<640xf32, #tpu.memory_space<vmem_shared>>
      %dma_start3A_142 = tpu.memref_slice %arg7[%run_scoped3A_84, %mul3A_18] : memref<16x10240xf32, #tpu.memory_space<vmem_shared>> -> memref<1x640xf32, #tpu.memory_space<vmem_shared>>
      %dma_start3A_143 = tpu.memref_squeeze %dma_start3A_142 : memref<1x640xf32, #tpu.memory_space<vmem_shared>> -> memref<640xf32, #tpu.memory_space<vmem_shared>>
      tpu.enqueue_dma source(%dma_start3A_143 : memref<640xf32, #tpu.memory_space<vmem_shared>>) target(%arg6 : memref<640xf32, #tpu.memory_space<vmem>>) target_semaphore(%run_scoped3A_140 : memref<!tpu.dma_semaphore, #tpu.memory_space<semaphore_mem>>)
      %dma_wait3A = tpu.memref_slice %arg7[%run_scoped3A_84, %mul3A_18] : memref<16x10240xf32, #tpu.memory_space<vmem_shared>> -> memref<1x640xf32, #tpu.memory_space<vmem_shared>>
      %dma_wait3A_144 = tpu.memref_squeeze %dma_wait3A : memref<1x640xf32, #tpu.memory_space<vmem_shared>> -> memref<640xf32, #tpu.memory_space<vmem_shared>>
      %dma_wait3A_145 = tpu.memref_slice %arg7[%run_scoped3A_84, %mul3A_18] : memref<16x10240xf32, #tpu.memory_space<vmem_shared>> -> memref<1x640xf32, #tpu.memory_space<vmem_shared>>
      %dma_wait3A_146 = tpu.memref_squeeze %dma_wait3A_145 : memref<1x640xf32, #tpu.memory_space<vmem_shared>> -> memref<640xf32, #tpu.memory_space<vmem_shared>>
      tpu.wait_dma2 semaphore(%run_scoped3A_140 : memref<!tpu.dma_semaphore, #tpu.memory_space<semaphore_mem>>) src(%dma_wait3A_146 : memref<640xf32, #tpu.memory_space<vmem_shared>>) dst(%arg6 : memref<640xf32, #tpu.memory_space<vmem>>)
      tpu.yield
    }) : () -> ()
    %scan3A_85 = arith.constant 0 : i32
    %scan3A_86 = arith.constant 0 : i32
    %scan3A_87 = arith.constant 40 : i32
    %scan3A_88 = arith.addi %scan3A_86, %scan3A_87 : i32
    %scan3A_89 = arith.constant 1 : i32
    %scan3A_90 = scf.for %scan3A_140 = %scan3A_86 to %scan3A_88 step %scan3A_89 iter_args(%scan3A_141 = %scan3A_85) -> (i32)  : i32 {
      %mul3A_142 = arith.constant 16 : i32
      %mul3A_143 = arith.muli %scan3A_140, %mul3A_142 : i32
      %get3A = arith.index_cast %mul3A_143 : i32 to index
      %get3A_144 = tpu.vector_load %arg5[%get3A] {strides = array<i32>} : memref<10240xf32, #tpu.memory_space<vmem>>, vector<16xf32>,
      %mul3A_145 = arith.constant 16 : i32
      %mul3A_146 = arith.muli %scan3A_140, %mul3A_145 : i32
      %get3A_147 = arith.index_cast %mul3A_146 : i32 to index
      %get3A_148 = tpu.vector_load %arg6[%get3A_147] {strides = array<i32>} : memref<640xf32, #tpu.memory_space<vmem>>, vector<16xf32>,
      %add3A_149 = arith.addf %get3A_144, %get3A_148 : vector<16xf32>
      %mul3A_150 = arith.constant 16 : i32
      %mul3A_151 = arith.muli %scan3A_140, %mul3A_150 : i32
      %swap3A = arith.index_cast %mul3A_151 : i32 to index
      %swap3A_152 = tpu.vector_load %arg5[%swap3A] {strides = array<i32>} : memref<10240xf32, #tpu.memory_space<vmem>>, vector<16xf32>,
      tpu.vector_store %arg5[%swap3A], %add3A_149 {strides = array<i32>} : memref<10240xf32, #tpu.memory_space<vmem>>, vector<16xf32>,
      %scan3A_153 = arith.constant 0 : i32
      scf.yield %scan3A_153 : i32
    }
    %scan3A_91 = arith.constant 40 : i32
    %run_scoped3A_92 = arith.constant 10 : i32
    "tpu.region"() ({
      %run_scoped3A_140 = tpu.sem_alloc : memref<!tpu.dma_semaphore, #tpu.memory_space<semaphore_mem>>
      %dma_start3A = tpu.memref_slice %arg7[%run_scoped3A_92, %mul3A_18] : memref<16x10240xf32, #tpu.memory_space<vmem_shared>> -> memref<1x640xf32, #tpu.memory_space<vmem_shared>>
      %dma_start3A_141 = tpu.memref_squeeze %dma_start3A : memref<1x640xf32, #tpu.memory_space<vmem_shared>> -> memref<640xf32, #tpu.memory_space<vmem_shared>>
      %dma_start3A_142 = tpu.memref_slice %arg7[%run_scoped3A_92, %mul3A_18] : memref<16x10240xf32, #tpu.memory_space<vmem_shared>> -> memref<1x640xf32, #tpu.memory_space<vmem_shared>>
      %dma_start3A_143 = tpu.memref_squeeze %dma_start3A_142 : memref<1x640xf32, #tpu.memory_space<vmem_shared>> -> memref<640xf32, #tpu.memory_space<vmem_shared>>
      tpu.enqueue_dma source(%dma_start3A_143 : memref<640xf32, #tpu.memory_space<vmem_shared>>) target(%arg6 : memref<640xf32, #tpu.memory_space<vmem>>) target_semaphore(%run_scoped3A_140 : memref<!tpu.dma_semaphore, #tpu.memory_space<semaphore_mem>>)
      %dma_wait3A = tpu.memref_slice %arg7[%run_scoped3A_92, %mul3A_18] : memref<16x10240xf32, #tpu.memory_space<vmem_shared>> -> memref<1x640xf32, #tpu.memory_space<vmem_shared>>
      %dma_wait3A_144 = tpu.memref_squeeze %dma_wait3A : memref<1x640xf32, #tpu.memory_space<vmem_shared>> -> memref<640xf32, #tpu.memory_space<vmem_shared>>
      %dma_wait3A_145 = tpu.memref_slice %arg7[%run_scoped3A_92, %mul3A_18] : memref<16x10240xf32, #tpu.memory_space<vmem_shared>> -> memref<1x640xf32, #tpu.memory_space<vmem_shared>>
      %dma_wait3A_146 = tpu.memref_squeeze %dma_wait3A_145 : memref<1x640xf32, #tpu.memory_space<vmem_shared>> -> memref<640xf32, #tpu.memory_space<vmem_shared>>
      tpu.wait_dma2 semaphore(%run_scoped3A_140 : memref<!tpu.dma_semaphore, #tpu.memory_space<semaphore_mem>>) src(%dma_wait3A_146 : memref<640xf32, #tpu.memory_space<vmem_shared>>) dst(%arg6 : memref<640xf32, #tpu.memory_space<vmem>>)
      tpu.yield
    }) : () -> ()
    %scan3A_93 = arith.constant 0 : i32
    %scan3A_94 = arith.constant 0 : i32
    %scan3A_95 = arith.constant 40 : i32
    %scan3A_96 = arith.addi %scan3A_94, %scan3A_95 : i32
    %scan3A_97 = arith.constant 1 : i32
    %scan3A_98 = scf.for %scan3A_140 = %scan3A_94 to %scan3A_96 step %scan3A_97 iter_args(%scan3A_141 = %scan3A_93) -> (i32)  : i32 {
      %mul3A_142 = arith.constant 16 : i32
      %mul3A_143 = arith.muli %scan3A_140, %mul3A_142 : i32
      %get3A = arith.index_cast %mul3A_143 : i32 to index
      %get3A_144 = tpu.vector_load %arg5[%get3A] {strides = array<i32>} : memref<10240xf32, #tpu.memory_space<vmem>>, vector<16xf32>,
      %mul3A_145 = arith.constant 16 : i32
      %mul3A_146 = arith.muli %scan3A_140, %mul3A_145 : i32
      %get3A_147 = arith.index_cast %mul3A_146 : i32 to index
      %get3A_148 = tpu.vector_load %arg6[%get3A_147] {strides = array<i32>} : memref<640xf32, #tpu.memory_space<vmem>>, vector<16xf32>,
      %add3A_149 = arith.addf %get3A_144, %get3A_148 : vector<16xf32>
      %mul3A_150 = arith.constant 16 : i32
      %mul3A_151 = arith.muli %scan3A_140, %mul3A_150 : i32
      %swap3A = arith.index_cast %mul3A_151 : i32 to index
      %swap3A_152 = tpu.vector_load %arg5[%swap3A] {strides = array<i32>} : memref<10240xf32, #tpu.memory_space<vmem>>, vector<16xf32>,
      tpu.vector_store %arg5[%swap3A], %add3A_149 {strides = array<i32>} : memref<10240xf32, #tpu.memory_space<vmem>>, vector<16xf32>,
      %scan3A_153 = arith.constant 0 : i32
      scf.yield %scan3A_153 : i32
    }
    %scan3A_99 = arith.constant 40 : i32
    %run_scoped3A_100 = arith.constant 11 : i32
    "tpu.region"() ({
      %run_scoped3A_140 = tpu.sem_alloc : memref<!tpu.dma_semaphore, #tpu.memory_space<semaphore_mem>>
      %dma_start3A = tpu.memref_slice %arg7[%run_scoped3A_100, %mul3A_18] : memref<16x10240xf32, #tpu.memory_space<vmem_shared>> -> memref<1x640xf32, #tpu.memory_space<vmem_shared>>
      %dma_start3A_141 = tpu.memref_squeeze %dma_start3A : memref<1x640xf32, #tpu.memory_space<vmem_shared>> -> memref<640xf32, #tpu.memory_space<vmem_shared>>
      %dma_start3A_142 = tpu.memref_slice %arg7[%run_scoped3A_100, %mul3A_18] : memref<16x10240xf32, #tpu.memory_space<vmem_shared>> -> memref<1x640xf32, #tpu.memory_space<vmem_shared>>
      %dma_start3A_143 = tpu.memref_squeeze %dma_start3A_142 : memref<1x640xf32, #tpu.memory_space<vmem_shared>> -> memref<640xf32, #tpu.memory_space<vmem_shared>>
      tpu.enqueue_dma source(%dma_start3A_143 : memref<640xf32, #tpu.memory_space<vmem_shared>>) target(%arg6 : memref<640xf32, #tpu.memory_space<vmem>>) target_semaphore(%run_scoped3A_140 : memref<!tpu.dma_semaphore, #tpu.memory_space<semaphore_mem>>)
      %dma_wait3A = tpu.memref_slice %arg7[%run_scoped3A_100, %mul3A_18] : memref<16x10240xf32, #tpu.memory_space<vmem_shared>> -> memref<1x640xf32, #tpu.memory_space<vmem_shared>>
      %dma_wait3A_144 = tpu.memref_squeeze %dma_wait3A : memref<1x640xf32, #tpu.memory_space<vmem_shared>> -> memref<640xf32, #tpu.memory_space<vmem_shared>>
      %dma_wait3A_145 = tpu.memref_slice %arg7[%run_scoped3A_100, %mul3A_18] : memref<16x10240xf32, #tpu.memory_space<vmem_shared>> -> memref<1x640xf32, #tpu.memory_space<vmem_shared>>
      %dma_wait3A_146 = tpu.memref_squeeze %dma_wait3A_145 : memref<1x640xf32, #tpu.memory_space<vmem_shared>> -> memref<640xf32, #tpu.memory_space<vmem_shared>>
      tpu.wait_dma2 semaphore(%run_scoped3A_140 : memref<!tpu.dma_semaphore, #tpu.memory_space<semaphore_mem>>) src(%dma_wait3A_146 : memref<640xf32, #tpu.memory_space<vmem_shared>>) dst(%arg6 : memref<640xf32, #tpu.memory_space<vmem>>)
      tpu.yield
    }) : () -> ()
    %scan3A_101 = arith.constant 0 : i32
    %scan3A_102 = arith.constant 0 : i32
    %scan3A_103 = arith.constant 40 : i32
    %scan3A_104 = arith.addi %scan3A_102, %scan3A_103 : i32
    %scan3A_105 = arith.constant 1 : i32
    %scan3A_106 = scf.for %scan3A_140 = %scan3A_102 to %scan3A_104 step %scan3A_105 iter_args(%scan3A_141 = %scan3A_101) -> (i32)  : i32 {
      %mul3A_142 = arith.constant 16 : i32
      %mul3A_143 = arith.muli %scan3A_140, %mul3A_142 : i32
      %get3A = arith.index_cast %mul3A_143 : i32 to index
      %get3A_144 = tpu.vector_load %arg5[%get3A] {strides = array<i32>} : memref<10240xf32, #tpu.memory_space<vmem>>, vector<16xf32>,
      %mul3A_145 = arith.constant 16 : i32
      %mul3A_146 = arith.muli %scan3A_140, %mul3A_145 : i32
      %get3A_147 = arith.index_cast %mul3A_146 : i32 to index
      %get3A_148 = tpu.vector_load %arg6[%get3A_147] {strides = array<i32>} : memref<640xf32, #tpu.memory_space<vmem>>, vector<16xf32>,
      %add3A_149 = arith.addf %get3A_144, %get3A_148 : vector<16xf32>
      %mul3A_150 = arith.constant 16 : i32
      %mul3A_151 = arith.muli %scan3A_140, %mul3A_150 : i32
      %swap3A = arith.index_cast %mul3A_151 : i32 to index
      %swap3A_152 = tpu.vector_load %arg5[%swap3A] {strides = array<i32>} : memref<10240xf32, #tpu.memory_space<vmem>>, vector<16xf32>,
      tpu.vector_store %arg5[%swap3A], %add3A_149 {strides = array<i32>} : memref<10240xf32, #tpu.memory_space<vmem>>, vector<16xf32>,
      %scan3A_153 = arith.constant 0 : i32
      scf.yield %scan3A_153 : i32
    }
    %scan3A_107 = arith.constant 40 : i32
    %run_scoped3A_108 = arith.constant 12 : i32
    "tpu.region"() ({
      %run_scoped3A_140 = tpu.sem_alloc : memref<!tpu.dma_semaphore, #tpu.memory_space<semaphore_mem>>
      %dma_start3A = tpu.memref_slice %arg7[%run_scoped3A_108, %mul3A_18] : memref<16x10240xf32, #tpu.memory_space<vmem_shared>> -> memref<1x640xf32, #tpu.memory_space<vmem_shared>>
      %dma_start3A_141 = tpu.memref_squeeze %dma_start3A : memref<1x640xf32, #tpu.memory_space<vmem_shared>> -> memref<640xf32, #tpu.memory_space<vmem_shared>>
      %dma_start3A_142 = tpu.memref_slice %arg7[%run_scoped3A_108, %mul3A_18] : memref<16x10240xf32, #tpu.memory_space<vmem_shared>> -> memref<1x640xf32, #tpu.memory_space<vmem_shared>>
      %dma_start3A_143 = tpu.memref_squeeze %dma_start3A_142 : memref<1x640xf32, #tpu.memory_space<vmem_shared>> -> memref<640xf32, #tpu.memory_space<vmem_shared>>
      tpu.enqueue_dma source(%dma_start3A_143 : memref<640xf32, #tpu.memory_space<vmem_shared>>) target(%arg6 : memref<640xf32, #tpu.memory_space<vmem>>) target_semaphore(%run_scoped3A_140 : memref<!tpu.dma_semaphore, #tpu.memory_space<semaphore_mem>>)
      %dma_wait3A = tpu.memref_slice %arg7[%run_scoped3A_108, %mul3A_18] : memref<16x10240xf32, #tpu.memory_space<vmem_shared>> -> memref<1x640xf32, #tpu.memory_space<vmem_shared>>
      %dma_wait3A_144 = tpu.memref_squeeze %dma_wait3A : memref<1x640xf32, #tpu.memory_space<vmem_shared>> -> memref<640xf32, #tpu.memory_space<vmem_shared>>
      %dma_wait3A_145 = tpu.memref_slice %arg7[%run_scoped3A_108, %mul3A_18] : memref<16x10240xf32, #tpu.memory_space<vmem_shared>> -> memref<1x640xf32, #tpu.memory_space<vmem_shared>>
      %dma_wait3A_146 = tpu.memref_squeeze %dma_wait3A_145 : memref<1x640xf32, #tpu.memory_space<vmem_shared>> -> memref<640xf32, #tpu.memory_space<vmem_shared>>
      tpu.wait_dma2 semaphore(%run_scoped3A_140 : memref<!tpu.dma_semaphore, #tpu.memory_space<semaphore_mem>>) src(%dma_wait3A_146 : memref<640xf32, #tpu.memory_space<vmem_shared>>) dst(%arg6 : memref<640xf32, #tpu.memory_space<vmem>>)
      tpu.yield
    }) : () -> ()
    %scan3A_109 = arith.constant 0 : i32
    %scan3A_110 = arith.constant 0 : i32
    %scan3A_111 = arith.constant 40 : i32
    %scan3A_112 = arith.addi %scan3A_110, %scan3A_111 : i32
    %scan3A_113 = arith.constant 1 : i32
    %scan3A_114 = scf.for %scan3A_140 = %scan3A_110 to %scan3A_112 step %scan3A_113 iter_args(%scan3A_141 = %scan3A_109) -> (i32)  : i32 {
      %mul3A_142 = arith.constant 16 : i32
      %mul3A_143 = arith.muli %scan3A_140, %mul3A_142 : i32
      %get3A = arith.index_cast %mul3A_143 : i32 to index
      %get3A_144 = tpu.vector_load %arg5[%get3A] {strides = array<i32>} : memref<10240xf32, #tpu.memory_space<vmem>>, vector<16xf32>,
      %mul3A_145 = arith.constant 16 : i32
      %mul3A_146 = arith.muli %scan3A_140, %mul3A_145 : i32
      %get3A_147 = arith.index_cast %mul3A_146 : i32 to index
      %get3A_148 = tpu.vector_load %arg6[%get3A_147] {strides = array<i32>} : memref<640xf32, #tpu.memory_space<vmem>>, vector<16xf32>,
      %add3A_149 = arith.addf %get3A_144, %get3A_148 : vector<16xf32>
      %mul3A_150 = arith.constant 16 : i32
      %mul3A_151 = arith.muli %scan3A_140, %mul3A_150 : i32
      %swap3A = arith.index_cast %mul3A_151 : i32 to index
      %swap3A_152 = tpu.vector_load %arg5[%swap3A] {strides = array<i32>} : memref<10240xf32, #tpu.memory_space<vmem>>, vector<16xf32>,
      tpu.vector_store %arg5[%swap3A], %add3A_149 {strides = array<i32>} : memref<10240xf32, #tpu.memory_space<vmem>>, vector<16xf32>,
      %scan3A_153 = arith.constant 0 : i32
      scf.yield %scan3A_153 : i32
    }
    %scan3A_115 = arith.constant 40 : i32
    %run_scoped3A_116 = arith.constant 13 : i32
    "tpu.region"() ({
      %run_scoped3A_140 = tpu.sem_alloc : memref<!tpu.dma_semaphore, #tpu.memory_space<semaphore_mem>>
      %dma_start3A = tpu.memref_slice %arg7[%run_scoped3A_116, %mul3A_18] : memref<16x10240xf32, #tpu.memory_space<vmem_shared>> -> memref<1x640xf32, #tpu.memory_space<vmem_shared>>
      %dma_start3A_141 = tpu.memref_squeeze %dma_start3A : memref<1x640xf32, #tpu.memory_space<vmem_shared>> -> memref<640xf32, #tpu.memory_space<vmem_shared>>
      %dma_start3A_142 = tpu.memref_slice %arg7[%run_scoped3A_116, %mul3A_18] : memref<16x10240xf32, #tpu.memory_space<vmem_shared>> -> memref<1x640xf32, #tpu.memory_space<vmem_shared>>
      %dma_start3A_143 = tpu.memref_squeeze %dma_start3A_142 : memref<1x640xf32, #tpu.memory_space<vmem_shared>> -> memref<640xf32, #tpu.memory_space<vmem_shared>>
      tpu.enqueue_dma source(%dma_start3A_143 : memref<640xf32, #tpu.memory_space<vmem_shared>>) target(%arg6 : memref<640xf32, #tpu.memory_space<vmem>>) target_semaphore(%run_scoped3A_140 : memref<!tpu.dma_semaphore, #tpu.memory_space<semaphore_mem>>)
      %dma_wait3A = tpu.memref_slice %arg7[%run_scoped3A_116, %mul3A_18] : memref<16x10240xf32, #tpu.memory_space<vmem_shared>> -> memref<1x640xf32, #tpu.memory_space<vmem_shared>>
      %dma_wait3A_144 = tpu.memref_squeeze %dma_wait3A : memref<1x640xf32, #tpu.memory_space<vmem_shared>> -> memref<640xf32, #tpu.memory_space<vmem_shared>>
      %dma_wait3A_145 = tpu.memref_slice %arg7[%run_scoped3A_116, %mul3A_18] : memref<16x10240xf32, #tpu.memory_space<vmem_shared>> -> memref<1x640xf32, #tpu.memory_space<vmem_shared>>
      %dma_wait3A_146 = tpu.memref_squeeze %dma_wait3A_145 : memref<1x640xf32, #tpu.memory_space<vmem_shared>> -> memref<640xf32, #tpu.memory_space<vmem_shared>>
      tpu.wait_dma2 semaphore(%run_scoped3A_140 : memref<!tpu.dma_semaphore, #tpu.memory_space<semaphore_mem>>) src(%dma_wait3A_146 : memref<640xf32, #tpu.memory_space<vmem_shared>>) dst(%arg6 : memref<640xf32, #tpu.memory_space<vmem>>)
      tpu.yield
    }) : () -> ()
    %scan3A_117 = arith.constant 0 : i32
    %scan3A_118 = arith.constant 0 : i32
    %scan3A_119 = arith.constant 40 : i32
    %scan3A_120 = arith.addi %scan3A_118, %scan3A_119 : i32
    %scan3A_121 = arith.constant 1 : i32
    %scan3A_122 = scf.for %scan3A_140 = %scan3A_118 to %scan3A_120 step %scan3A_121 iter_args(%scan3A_141 = %scan3A_117) -> (i32)  : i32 {
      %mul3A_142 = arith.constant 16 : i32
      %mul3A_143 = arith.muli %scan3A_140, %mul3A_142 : i32
      %get3A = arith.index_cast %mul3A_143 : i32 to index
      %get3A_144 = tpu.vector_load %arg5[%get3A] {strides = array<i32>} : memref<10240xf32, #tpu.memory_space<vmem>>, vector<16xf32>,
      %mul3A_145 = arith.constant 16 : i32
      %mul3A_146 = arith.muli %scan3A_140, %mul3A_145 : i32
      %get3A_147 = arith.index_cast %mul3A_146 : i32 to index
      %get3A_148 = tpu.vector_load %arg6[%get3A_147] {strides = array<i32>} : memref<640xf32, #tpu.memory_space<vmem>>, vector<16xf32>,
      %add3A_149 = arith.addf %get3A_144, %get3A_148 : vector<16xf32>
      %mul3A_150 = arith.constant 16 : i32
      %mul3A_151 = arith.muli %scan3A_140, %mul3A_150 : i32
      %swap3A = arith.index_cast %mul3A_151 : i32 to index
      %swap3A_152 = tpu.vector_load %arg5[%swap3A] {strides = array<i32>} : memref<10240xf32, #tpu.memory_space<vmem>>, vector<16xf32>,
      tpu.vector_store %arg5[%swap3A], %add3A_149 {strides = array<i32>} : memref<10240xf32, #tpu.memory_space<vmem>>, vector<16xf32>,
      %scan3A_153 = arith.constant 0 : i32
      scf.yield %scan3A_153 : i32
    }
    %scan3A_123 = arith.constant 40 : i32
    %run_scoped3A_124 = arith.constant 14 : i32
    "tpu.region"() ({
      %run_scoped3A_140 = tpu.sem_alloc : memref<!tpu.dma_semaphore, #tpu.memory_space<semaphore_mem>>
      %dma_start3A = tpu.memref_slice %arg7[%run_scoped3A_124, %mul3A_18] : memref<16x10240xf32, #tpu.memory_space<vmem_shared>> -> memref<1x640xf32, #tpu.memory_space<vmem_shared>>
      %dma_start3A_141 = tpu.memref_squeeze %dma_start3A : memref<1x640xf32, #tpu.memory_space<vmem_shared>> -> memref<640xf32, #tpu.memory_space<vmem_shared>>
      %dma_start3A_142 = tpu.memref_slice %arg7[%run_scoped3A_124, %mul3A_18] : memref<16x10240xf32, #tpu.memory_space<vmem_shared>> -> memref<1x640xf32, #tpu.memory_space<vmem_shared>>
      %dma_start3A_143 = tpu.memref_squeeze %dma_start3A_142 : memref<1x640xf32, #tpu.memory_space<vmem_shared>> -> memref<640xf32, #tpu.memory_space<vmem_shared>>
      tpu.enqueue_dma source(%dma_start3A_143 : memref<640xf32, #tpu.memory_space<vmem_shared>>) target(%arg6 : memref<640xf32, #tpu.memory_space<vmem>>) target_semaphore(%run_scoped3A_140 : memref<!tpu.dma_semaphore, #tpu.memory_space<semaphore_mem>>)
      %dma_wait3A = tpu.memref_slice %arg7[%run_scoped3A_124, %mul3A_18] : memref<16x10240xf32, #tpu.memory_space<vmem_shared>> -> memref<1x640xf32, #tpu.memory_space<vmem_shared>>
      %dma_wait3A_144 = tpu.memref_squeeze %dma_wait3A : memref<1x640xf32, #tpu.memory_space<vmem_shared>> -> memref<640xf32, #tpu.memory_space<vmem_shared>>
      %dma_wait3A_145 = tpu.memref_slice %arg7[%run_scoped3A_124, %mul3A_18] : memref<16x10240xf32, #tpu.memory_space<vmem_shared>> -> memref<1x640xf32, #tpu.memory_space<vmem_shared>>
      %dma_wait3A_146 = tpu.memref_squeeze %dma_wait3A_145 : memref<1x640xf32, #tpu.memory_space<vmem_shared>> -> memref<640xf32, #tpu.memory_space<vmem_shared>>
      tpu.wait_dma2 semaphore(%run_scoped3A_140 : memref<!tpu.dma_semaphore, #tpu.memory_space<semaphore_mem>>) src(%dma_wait3A_146 : memref<640xf32, #tpu.memory_space<vmem_shared>>) dst(%arg6 : memref<640xf32, #tpu.memory_space<vmem>>)
      tpu.yield
    }) : () -> ()
    %scan3A_125 = arith.constant 0 : i32
    %scan3A_126 = arith.constant 0 : i32
    %scan3A_127 = arith.constant 40 : i32
    %scan3A_128 = arith.addi %scan3A_126, %scan3A_127 : i32
    %scan3A_129 = arith.constant 1 : i32
    %scan3A_130 = scf.for %scan3A_140 = %scan3A_126 to %scan3A_128 step %scan3A_129 iter_args(%scan3A_141 = %scan3A_125) -> (i32)  : i32 {
      %mul3A_142 = arith.constant 16 : i32
      %mul3A_143 = arith.muli %scan3A_140, %mul3A_142 : i32
      %get3A = arith.index_cast %mul3A_143 : i32 to index
      %get3A_144 = tpu.vector_load %arg5[%get3A] {strides = array<i32>} : memref<10240xf32, #tpu.memory_space<vmem>>, vector<16xf32>,
      %mul3A_145 = arith.constant 16 : i32
      %mul3A_146 = arith.muli %scan3A_140, %mul3A_145 : i32
      %get3A_147 = arith.index_cast %mul3A_146 : i32 to index
      %get3A_148 = tpu.vector_load %arg6[%get3A_147] {strides = array<i32>} : memref<640xf32, #tpu.memory_space<vmem>>, vector<16xf32>,
      %add3A_149 = arith.addf %get3A_144, %get3A_148 : vector<16xf32>
      %mul3A_150 = arith.constant 16 : i32
      %mul3A_151 = arith.muli %scan3A_140, %mul3A_150 : i32
      %swap3A = arith.index_cast %mul3A_151 : i32 to index
      %swap3A_152 = tpu.vector_load %arg5[%swap3A] {strides = array<i32>} : memref<10240xf32, #tpu.memory_space<vmem>>, vector<16xf32>,
      tpu.vector_store %arg5[%swap3A], %add3A_149 {strides = array<i32>} : memref<10240xf32, #tpu.memory_space<vmem>>, vector<16xf32>,
      %scan3A_153 = arith.constant 0 : i32
      scf.yield %scan3A_153 : i32
    }
    %scan3A_131 = arith.constant 40 : i32
    %run_scoped3A_132 = arith.constant 15 : i32
    "tpu.region"() ({
      %run_scoped3A_140 = tpu.sem_alloc : memref<!tpu.dma_semaphore, #tpu.memory_space<semaphore_mem>>
      %dma_start3A = tpu.memref_slice %arg7[%run_scoped3A_132, %mul3A_18] : memref<16x10240xf32, #tpu.memory_space<vmem_shared>> -> memref<1x640xf32, #tpu.memory_space<vmem_shared>>
      %dma_start3A_141 = tpu.memref_squeeze %dma_start3A : memref<1x640xf32, #tpu.memory_space<vmem_shared>> -> memref<640xf32, #tpu.memory_space<vmem_shared>>
      %dma_start3A_142 = tpu.memref_slice %arg7[%run_scoped3A_132, %mul3A_18] : memref<16x10240xf32, #tpu.memory_space<vmem_shared>> -> memref<1x640xf32, #tpu.memory_space<vmem_shared>>
      %dma_start3A_143 = tpu.memref_squeeze %dma_start3A_142 : memref<1x640xf32, #tpu.memory_space<vmem_shared>> -> memref<640xf32, #tpu.memory_space<vmem_shared>>
      tpu.enqueue_dma source(%dma_start3A_143 : memref<640xf32, #tpu.memory_space<vmem_shared>>) target(%arg6 : memref<640xf32, #tpu.memory_space<vmem>>) target_semaphore(%run_scoped3A_140 : memref<!tpu.dma_semaphore, #tpu.memory_space<semaphore_mem>>)
      %dma_wait3A = tpu.memref_slice %arg7[%run_scoped3A_132, %mul3A_18] : memref<16x10240xf32, #tpu.memory_space<vmem_shared>> -> memref<1x640xf32, #tpu.memory_space<vmem_shared>>
      %dma_wait3A_144 = tpu.memref_squeeze %dma_wait3A : memref<1x640xf32, #tpu.memory_space<vmem_shared>> -> memref<640xf32, #tpu.memory_space<vmem_shared>>
      %dma_wait3A_145 = tpu.memref_slice %arg7[%run_scoped3A_132, %mul3A_18] : memref<16x10240xf32, #tpu.memory_space<vmem_shared>> -> memref<1x640xf32, #tpu.memory_space<vmem_shared>>
      %dma_wait3A_146 = tpu.memref_squeeze %dma_wait3A_145 : memref<1x640xf32, #tpu.memory_space<vmem_shared>> -> memref<640xf32, #tpu.memory_space<vmem_shared>>
      tpu.wait_dma2 semaphore(%run_scoped3A_140 : memref<!tpu.dma_semaphore, #tpu.memory_space<semaphore_mem>>) src(%dma_wait3A_146 : memref<640xf32, #tpu.memory_space<vmem_shared>>) dst(%arg6 : memref<640xf32, #tpu.memory_space<vmem>>)
      tpu.yield
    }) : () -> ()
    %scan3A_133 = arith.constant 0 : i32
    %scan3A_134 = arith.constant 0 : i32
    %scan3A_135 = arith.constant 40 : i32
    %scan3A_136 = arith.addi %scan3A_134, %scan3A_135 : i32
    %scan3A_137 = arith.constant 1 : i32
    %scan3A_138 = scf.for %scan3A_140 = %scan3A_134 to %scan3A_136 step %scan3A_137 iter_args(%scan3A_141 = %scan3A_133) -> (i32)  : i32 {
      %mul3A_142 = arith.constant 16 : i32
      %mul3A_143 = arith.muli %scan3A_140, %mul3A_142 : i32
      %get3A = arith.index_cast %mul3A_143 : i32 to index
      %get3A_144 = tpu.vector_load %arg5[%get3A] {strides = array<i32>} : memref<10240xf32, #tpu.memory_space<vmem>>, vector<16xf32>,
      %mul3A_145 = arith.constant 16 : i32
      %mul3A_146 = arith.muli %scan3A_140, %mul3A_145 : i32
      %get3A_147 = arith.index_cast %mul3A_146 : i32 to index
      %get3A_148 = tpu.vector_load %arg6[%get3A_147] {strides = array<i32>} : memref<640xf32, #tpu.memory_space<vmem>>, vector<16xf32>,
      %add3A_149 = arith.addf %get3A_144, %get3A_148 : vector<16xf32>
      %mul3A_150 = arith.constant 16 : i32
      %mul3A_151 = arith.muli %scan3A_140, %mul3A_150 : i32
      %swap3A = arith.index_cast %mul3A_151 : i32 to index
      %swap3A_152 = tpu.vector_load %arg5[%swap3A] {strides = array<i32>} : memref<10240xf32, #tpu.memory_space<vmem>>, vector<16xf32>,
      tpu.vector_store %arg5[%swap3A], %add3A_149 {strides = array<i32>} : memref<10240xf32, #tpu.memory_space<vmem>>, vector<16xf32>,
      %scan3A_153 = arith.constant 0 : i32
      scf.yield %scan3A_153 : i32
    }
    %scan3A_139 = arith.constant 40 : i32
    "tpu.region"() ({
      %run_scoped3A_140 = tpu.sem_alloc : memref<!tpu.dma_semaphore, #tpu.memory_space<semaphore_mem>>
      %dma_start3A = arith.constant 0 : i32
      %dma_start3A_141 = tpu.memref_slice %arg5[%dma_start3A] : memref<10240xf32, #tpu.memory_space<vmem>> -> memref<640xf32, #tpu.memory_space<vmem>>
      %dma_start3A_142 = tpu.memref_slice %arg3[%arg0, %mul3A_18] : memref<2x10240xf32, #tpu.memory_space<hbm>> -> memref<1x640xf32, #tpu.memory_space<hbm>>
      %dma_start3A_143 = tpu.memref_squeeze %dma_start3A_142 : memref<1x640xf32, #tpu.memory_space<hbm>> -> memref<640xf32, #tpu.memory_space<hbm>>
      %dma_start3A_144 = tpu.memref_slice %arg3[%arg0, %mul3A_18] : memref<2x10240xf32, #tpu.memory_space<hbm>> -> memref<1x640xf32, #tpu.memory_space<hbm>>
      %dma_start3A_145 = tpu.memref_squeeze %dma_start3A_144 : memref<1x640xf32, #tpu.memory_space<hbm>> -> memref<640xf32, #tpu.memory_space<hbm>>
      %dma_start3A_146 = arith.constant 0 : i32
      %dma_start3A_147 = tpu.memref_slice %arg5[%dma_start3A_146] : memref<10240xf32, #tpu.memory_space<vmem>> -> memref<640xf32, #tpu.memory_space<vmem>>
      tpu.enqueue_dma source(%dma_start3A_147 : memref<640xf32, #tpu.memory_space<vmem>>) target(%dma_start3A_145 : memref<640xf32, #tpu.memory_space<hbm>>) target_semaphore(%run_scoped3A_140 : memref<!tpu.dma_semaphore, #tpu.memory_space<semaphore_mem>>)
      %dma_wait3A = arith.constant 0 : i32
      %dma_wait3A_148 = tpu.memref_slice %arg5[%dma_wait3A] : memref<10240xf32, #tpu.memory_space<vmem>> -> memref<640xf32, #tpu.memory_space<vmem>>
      %dma_wait3A_149 = tpu.memref_slice %arg3[%arg0, %mul3A_18] : memref<2x10240xf32, #tpu.memory_space<hbm>> -> memref<1x640xf32, #tpu.memory_space<hbm>>
      %dma_wait3A_150 = tpu.memref_squeeze %dma_wait3A_149 : memref<1x640xf32, #tpu.memory_space<hbm>> -> memref<640xf32, #tpu.memory_space<hbm>>
      %dma_wait3A_151 = tpu.memref_slice %arg3[%arg0, %mul3A_18] : memref<2x10240xf32, #tpu.memory_space<hbm>> -> memref<1x640xf32, #tpu.memory_space<hbm>>
      %dma_wait3A_152 = tpu.memref_squeeze %dma_wait3A_151 : memref<1x640xf32, #tpu.memory_space<hbm>> -> memref<640xf32, #tpu.memory_space<hbm>>
      %dma_wait3A_153 = arith.constant 0 : i32
      %dma_wait3A_154 = tpu.memref_slice %arg5[%dma_wait3A_153] : memref<10240xf32, #tpu.memory_space<vmem>> -> memref<640xf32, #tpu.memory_space<vmem>>
      tpu.wait_dma2 semaphore(%run_scoped3A_140 : memref<!tpu.dma_semaphore, #tpu.memory_space<semaphore_mem>>) src(%dma_wait3A_154 : memref<640xf32, #tpu.memory_space<vmem>>) dst(%dma_wait3A_152 : memref<640xf32, #tpu.memory_space<hbm>>)
      tpu.yield
    }) : () -> ()
    return
  }
}

#map = affine_map<(d0, d1) -> (0, 0)>
#map1 = affine_map<(d0, d1) -> (0, 0, 0)>
module attributes {stable_mosaic.version = 14 : i64} {
  func.func @_sc_propagate(%arg0: i32, %arg1: i32, %arg2: memref<10240x16xf32, #tpu.memory_space<hbm>>, %arg3: memref<2x320000xi32, #tpu.memory_space<hbm>>, %arg4: memref<2x10240x16xf32, #tpu.memory_space<hbm>>, %arg5: memref<10000xi32, #tpu.memory_space<vmem>>, %arg6: memref<10000xi32, #tpu.memory_space<vmem>>, %arg7: memref<6x128x16xf32, #tpu.memory_space<vmem>>, %arg8: memref<16x16xf32, #tpu.memory_space<vmem>>, %arg9: memref<640x16xf32, #tpu.memory_space<vmem>>, %arg10: memref<10240x16xf32, #tpu.memory_space<vmem_shared>>, %arg11: memref<!tpu.dma_semaphore, #tpu.memory_space<semaphore_mem>>, %arg12: memref<!tpu.dma_semaphore, #tpu.memory_space<semaphore_mem>>, %arg13: memref<!tpu.dma_semaphore, #tpu.memory_space<semaphore_mem>>, %arg14: memref<!tpu.dma_semaphore, #tpu.memory_space<semaphore_mem>>, %arg15: memref<!tpu.dma_semaphore, #tpu.memory_space<semaphore_mem>>, %arg16: memref<!tpu.dma_semaphore, #tpu.memory_space<semaphore_mem>>, %arg17: memref<!tpu.dma_semaphore, #tpu.memory_space<semaphore_mem>>, %arg18: memref<!tpu.dma_semaphore, #tpu.memory_space<semaphore_mem>>, %arg19: memref<!tpu.dma_semaphore, #tpu.memory_space<semaphore_mem>>, %arg20: memref<!tpu.dma_semaphore, #tpu.memory_space<semaphore_mem>>, %arg21: memref<!tpu.dma_semaphore, #tpu.memory_space<semaphore_mem>>, %arg22: memref<!tpu.dma_semaphore, #tpu.memory_space<semaphore_mem>>, %arg23: memref<!tpu.dma_semaphore, #tpu.memory_space<semaphore_mem>>) attributes {dimension_semantics = [#tpu.dimension_semantics<core_parallel>, #tpu.dimension_semantics<subcore_parallel>], iteration_bounds = array<i64: 2, 16>, scalar_prefetch = 0 : i64, scratch_operands = 19 : i64, tpu.core_type = #tpu.core_type<sc_vector_subcore>, window_params = [{transform_indices = #map}, {transform_indices = #map}, {transform_indices = #map1}]} {
    %mul3A = arith.constant 2 : i32
    %mul3A_0 = arith.muli %arg1, %mul3A : i32
    %add3A = arith.addi %mul3A_0, %arg0 : i32
    %scan3A = arith.constant 0 : i32
    %scan3A_1 = arith.constant 0 : i32
    %scan3A_2 = arith.constant 640 : i32
    %scan3A_3 = arith.addi %scan3A_1, %scan3A_2 : i32
    %scan3A_4 = arith.constant 1 : i32
    %scan3A_5 = scf.for %scan3A_94 = %scan3A_1 to %scan3A_3 step %scan3A_4 iter_args(%scan3A_95 = %scan3A) -> (i32)  : i32 {
      %broadcast_in_dim3A = arith.constant 0.000000e+00 : f32
      %broadcast_in_dim3A_96 = vector.broadcast %broadcast_in_dim3A : f32 to vector<16xf32>
      %swap3A = arith.index_cast %scan3A_94 : i32 to index
      %swap3A_97 = arith.constant 0 : index
      %swap3A_98 = tpu.vector_load %arg9[%swap3A, %swap3A_97] {strides = array<i32>} : memref<640x16xf32, #tpu.memory_space<vmem>>, vector<1x16xf32>,
      %swap3A_99 = vector.shape_cast %swap3A_98 : vector<1x16xf32> to vector<16xf32>
      %swap3A_100 = vector.shape_cast %broadcast_in_dim3A_96 : vector<16xf32> to vector<1x16xf32>
      tpu.vector_store %arg9[%swap3A, %swap3A_97], %swap3A_100 {strides = array<i32>} : memref<640x16xf32, #tpu.memory_space<vmem>>, vector<1x16xf32>,
      %scan3A_101 = arith.constant 0 : i32
      scf.yield %scan3A_101 : i32
    }
    %scan3A_6 = arith.constant 640 : i32
    %mul3A_7 = arith.constant 640 : i32
    %mul3A_8 = arith.muli %arg1, %mul3A_7 : i32
    "tpu.region"() ({
      %run_scoped3A_94 = tpu.sem_alloc : memref<!tpu.dma_semaphore, #tpu.memory_space<semaphore_mem>>
      %dma_start3A_95 = arith.constant 0 : i32
      %dma_start3A_96 = tpu.memref_slice %arg10[%mul3A_8, %dma_start3A_95] : memref<10240x16xf32, #tpu.memory_space<vmem_shared>> -> memref<640x16xf32, #tpu.memory_space<vmem_shared>>
      %dma_start3A_97 = arith.constant 0 : i32
      %dma_start3A_98 = tpu.memref_slice %arg10[%mul3A_8, %dma_start3A_97] : memref<10240x16xf32, #tpu.memory_space<vmem_shared>> -> memref<640x16xf32, #tpu.memory_space<vmem_shared>>
      tpu.enqueue_dma source(%arg9 : memref<640x16xf32, #tpu.memory_space<vmem>>) target(%dma_start3A_98 : memref<640x16xf32, #tpu.memory_space<vmem_shared>>) target_semaphore(%run_scoped3A_94 : memref<!tpu.dma_semaphore, #tpu.memory_space<semaphore_mem>>)
      %dma_wait3A_99 = arith.constant 0 : i32
      %dma_wait3A_100 = tpu.memref_slice %arg10[%mul3A_8, %dma_wait3A_99] : memref<10240x16xf32, #tpu.memory_space<vmem_shared>> -> memref<640x16xf32, #tpu.memory_space<vmem_shared>>
      %dma_wait3A_101 = arith.constant 0 : i32
      %dma_wait3A_102 = tpu.memref_slice %arg10[%mul3A_8, %dma_wait3A_101] : memref<10240x16xf32, #tpu.memory_space<vmem_shared>> -> memref<640x16xf32, #tpu.memory_space<vmem_shared>>
      tpu.wait_dma2 semaphore(%run_scoped3A_94 : memref<!tpu.dma_semaphore, #tpu.memory_space<semaphore_mem>>) src(%arg9 : memref<640x16xf32, #tpu.memory_space<vmem>>) dst(%dma_wait3A_102 : memref<640x16xf32, #tpu.memory_space<vmem_shared>>)
      tpu.yield
    }) : () -> ()
    %mul3A_9 = arith.constant 10000 : i32
    %mul3A_10 = arith.muli %add3A, %mul3A_9 : i32
    %run_scoped3A = arith.constant 0 : i32
    "tpu.region"() ({
      %run_scoped3A_94 = tpu.sem_alloc : memref<!tpu.dma_semaphore, #tpu.memory_space<semaphore_mem>>
      %dma_start3A_95 = tpu.memref_slice %arg3[%run_scoped3A, %mul3A_10] : memref<2x320000xi32, #tpu.memory_space<hbm>> -> memref<1x10000xi32, #tpu.memory_space<hbm>>
      %dma_start3A_96 = tpu.memref_squeeze %dma_start3A_95 : memref<1x10000xi32, #tpu.memory_space<hbm>> -> memref<10000xi32, #tpu.memory_space<hbm>>
      %dma_start3A_97 = tpu.memref_slice %arg3[%run_scoped3A, %mul3A_10] : memref<2x320000xi32, #tpu.memory_space<hbm>> -> memref<1x10000xi32, #tpu.memory_space<hbm>>
      %dma_start3A_98 = tpu.memref_squeeze %dma_start3A_97 : memref<1x10000xi32, #tpu.memory_space<hbm>> -> memref<10000xi32, #tpu.memory_space<hbm>>
      tpu.enqueue_dma source(%dma_start3A_98 : memref<10000xi32, #tpu.memory_space<hbm>>) target(%arg5 : memref<10000xi32, #tpu.memory_space<vmem>>) target_semaphore(%run_scoped3A_94 : memref<!tpu.dma_semaphore, #tpu.memory_space<semaphore_mem>>)
      %dma_wait3A_99 = tpu.memref_slice %arg3[%run_scoped3A, %mul3A_10] : memref<2x320000xi32, #tpu.memory_space<hbm>> -> memref<1x10000xi32, #tpu.memory_space<hbm>>
      %dma_wait3A_100 = tpu.memref_squeeze %dma_wait3A_99 : memref<1x10000xi32, #tpu.memory_space<hbm>> -> memref<10000xi32, #tpu.memory_space<hbm>>
      %dma_wait3A_101 = tpu.memref_slice %arg3[%run_scoped3A, %mul3A_10] : memref<2x320000xi32, #tpu.memory_space<hbm>> -> memref<1x10000xi32, #tpu.memory_space<hbm>>
      %dma_wait3A_102 = tpu.memref_squeeze %dma_wait3A_101 : memref<1x10000xi32, #tpu.memory_space<hbm>> -> memref<10000xi32, #tpu.memory_space<hbm>>
      tpu.wait_dma2 semaphore(%run_scoped3A_94 : memref<!tpu.dma_semaphore, #tpu.memory_space<semaphore_mem>>) src(%dma_wait3A_102 : memref<10000xi32, #tpu.memory_space<hbm>>) dst(%arg5 : memref<10000xi32, #tpu.memory_space<vmem>>)
      tpu.yield
    }) : () -> ()
    %mul3A_11 = arith.constant 10000 : i32
    %mul3A_12 = arith.muli %add3A, %mul3A_11 : i32
    %run_scoped3A_13 = arith.constant 1 : i32
    "tpu.region"() ({
      %run_scoped3A_94 = tpu.sem_alloc : memref<!tpu.dma_semaphore, #tpu.memory_space<semaphore_mem>>
      %dma_start3A_95 = tpu.memref_slice %arg3[%run_scoped3A_13, %mul3A_12] : memref<2x320000xi32, #tpu.memory_space<hbm>> -> memref<1x10000xi32, #tpu.memory_space<hbm>>
      %dma_start3A_96 = tpu.memref_squeeze %dma_start3A_95 : memref<1x10000xi32, #tpu.memory_space<hbm>> -> memref<10000xi32, #tpu.memory_space<hbm>>
      %dma_start3A_97 = tpu.memref_slice %arg3[%run_scoped3A_13, %mul3A_12] : memref<2x320000xi32, #tpu.memory_space<hbm>> -> memref<1x10000xi32, #tpu.memory_space<hbm>>
      %dma_start3A_98 = tpu.memref_squeeze %dma_start3A_97 : memref<1x10000xi32, #tpu.memory_space<hbm>> -> memref<10000xi32, #tpu.memory_space<hbm>>
      tpu.enqueue_dma source(%dma_start3A_98 : memref<10000xi32, #tpu.memory_space<hbm>>) target(%arg6 : memref<10000xi32, #tpu.memory_space<vmem>>) target_semaphore(%run_scoped3A_94 : memref<!tpu.dma_semaphore, #tpu.memory_space<semaphore_mem>>)
      %dma_wait3A_99 = tpu.memref_slice %arg3[%run_scoped3A_13, %mul3A_12] : memref<2x320000xi32, #tpu.memory_space<hbm>> -> memref<1x10000xi32, #tpu.memory_space<hbm>>
      %dma_wait3A_100 = tpu.memref_squeeze %dma_wait3A_99 : memref<1x10000xi32, #tpu.memory_space<hbm>> -> memref<10000xi32, #tpu.memory_space<hbm>>
      %dma_wait3A_101 = tpu.memref_slice %arg3[%run_scoped3A_13, %mul3A_12] : memref<2x320000xi32, #tpu.memory_space<hbm>> -> memref<1x10000xi32, #tpu.memory_space<hbm>>
      %dma_wait3A_102 = tpu.memref_squeeze %dma_wait3A_101 : memref<1x10000xi32, #tpu.memory_space<hbm>> -> memref<10000xi32, #tpu.memory_space<hbm>>
      tpu.wait_dma2 semaphore(%run_scoped3A_94 : memref<!tpu.dma_semaphore, #tpu.memory_space<semaphore_mem>>) src(%dma_wait3A_102 : memref<10000xi32, #tpu.memory_space<hbm>>) dst(%arg6 : memref<10000xi32, #tpu.memory_space<vmem>>)
      tpu.yield
    }) : () -> ()
    %barrier3A = arith.constant 0 : index
    tpu.barrier barrier_id(%barrier3A)
    %dma_start3A = arith.constant 0 : i32
    %dma_start3A_14 = arith.constant 0 : i32
    %dma_start3A_15 = arith.constant 0 : i32
    %dma_start3A_16 = tpu.memref_slice %arg7[%dma_start3A, %dma_start3A_14, %dma_start3A_15] : memref<6x128x16xf32, #tpu.memory_space<vmem>> -> memref<1x128x16xf32, #tpu.memory_space<vmem>>
    %dma_start3A_17 = tpu.memref_squeeze %dma_start3A_16 : memref<1x128x16xf32, #tpu.memory_space<vmem>> -> memref<128x16xf32, #tpu.memory_space<vmem>>
    %dma_start3A_18 = arith.constant 0 : i32
    %dma_start3A_19 = tpu.memref_slice %arg5[%dma_start3A_18] : memref<10000xi32, #tpu.memory_space<vmem>> -> memref<128xi32, #tpu.memory_space<vmem>>
    %dma_start3A_20 = arith.constant 0 : i32
    %dma_start3A_21 = arith.constant 0 : i32
    %dma_start3A_22 = tpu.memref_slice %arg2[%dma_start3A_20, %dma_start3A_21] : memref<10240x16xf32, #tpu.memory_space<hbm>> -> memref<10240x16xf32, #tpu.memory_space<hbm>>
    tpu.enqueue_indirect_dma source(%dma_start3A_22 : memref<10240x16xf32, #tpu.memory_space<hbm>>) target(%dma_start3A_17 : memref<128x16xf32, #tpu.memory_space<vmem>>) offsets(%dma_start3A_19 : memref<128xi32, #tpu.memory_space<vmem>>) semaphore(%arg11 : memref<!tpu.dma_semaphore, #tpu.memory_space<semaphore_mem>>)
    %dma_start3A_23 = arith.constant 1 : i32
    %dma_start3A_24 = arith.constant 0 : i32
    %dma_start3A_25 = arith.constant 0 : i32
    %dma_start3A_26 = tpu.memref_slice %arg7[%dma_start3A_23, %dma_start3A_24, %dma_start3A_25] : memref<6x128x16xf32, #tpu.memory_space<vmem>> -> memref<1x128x16xf32, #tpu.memory_space<vmem>>
    %dma_start3A_27 = tpu.memref_squeeze %dma_start3A_26 : memref<1x128x16xf32, #tpu.memory_space<vmem>> -> memref<128x16xf32, #tpu.memory_space<vmem>>
    %dma_start3A_28 = arith.constant 128 : i32
    %dma_start3A_29 = tpu.memref_slice %arg5[%dma_start3A_28] : memref<10000xi32, #tpu.memory_space<vmem>> -> memref<128xi32, #tpu.memory_space<vmem>>
    %dma_start3A_30 = arith.constant 0 : i32
    %dma_start3A_31 = arith.constant 0 : i32
    %dma_start3A_32 = tpu.memref_slice %arg2[%dma_start3A_30, %dma_start3A_31] : memref<10240x16xf32, #tpu.memory_space<hbm>> -> memref<10240x16xf32, #tpu.memory_space<hbm>>
    tpu.enqueue_indirect_dma source(%dma_start3A_32 : memref<10240x16xf32, #tpu.memory_space<hbm>>) target(%dma_start3A_27 : memref<128x16xf32, #tpu.memory_space<vmem>>) offsets(%dma_start3A_29 : memref<128xi32, #tpu.memory_space<vmem>>) semaphore(%arg12 : memref<!tpu.dma_semaphore, #tpu.memory_space<semaphore_mem>>)
    %dma_start3A_33 = arith.constant 2 : i32
    %dma_start3A_34 = arith.constant 0 : i32
    %dma_start3A_35 = arith.constant 0 : i32
    %dma_start3A_36 = tpu.memref_slice %arg7[%dma_start3A_33, %dma_start3A_34, %dma_start3A_35] : memref<6x128x16xf32, #tpu.memory_space<vmem>> -> memref<1x128x16xf32, #tpu.memory_space<vmem>>
    %dma_start3A_37 = tpu.memref_squeeze %dma_start3A_36 : memref<1x128x16xf32, #tpu.memory_space<vmem>> -> memref<128x16xf32, #tpu.memory_space<vmem>>
    %dma_start3A_38 = arith.constant 256 : i32
    %dma_start3A_39 = tpu.memref_slice %arg5[%dma_start3A_38] : memref<10000xi32, #tpu.memory_space<vmem>> -> memref<128xi32, #tpu.memory_space<vmem>>
    %dma_start3A_40 = arith.constant 0 : i32
    %dma_start3A_41 = arith.constant 0 : i32
    %dma_start3A_42 = tpu.memref_slice %arg2[%dma_start3A_40, %dma_start3A_41] : memref<10240x16xf32, #tpu.memory_space<hbm>> -> memref<10240x16xf32, #tpu.memory_space<hbm>>
    tpu.enqueue_indirect_dma source(%dma_start3A_42 : memref<10240x16xf32, #tpu.memory_space<hbm>>) target(%dma_start3A_37 : memref<128x16xf32, #tpu.memory_space<vmem>>) offsets(%dma_start3A_39 : memref<128xi32, #tpu.memory_space<vmem>>) semaphore(%arg13 : memref<!tpu.dma_semaphore, #tpu.memory_space<semaphore_mem>>)
    %dma_start3A_43 = arith.constant 3 : i32
    %dma_start3A_44 = arith.constant 0 : i32
    %dma_start3A_45 = arith.constant 0 : i32
    %dma_start3A_46 = tpu.memref_slice %arg7[%dma_start3A_43, %dma_start3A_44, %dma_start3A_45] : memref<6x128x16xf32, #tpu.memory_space<vmem>> -> memref<1x128x16xf32, #tpu.memory_space<vmem>>
    %dma_start3A_47 = tpu.memref_squeeze %dma_start3A_46 : memref<1x128x16xf32, #tpu.memory_space<vmem>> -> memref<128x16xf32, #tpu.memory_space<vmem>>
    %dma_start3A_48 = arith.constant 384 : i32
    %dma_start3A_49 = tpu.memref_slice %arg5[%dma_start3A_48] : memref<10000xi32, #tpu.memory_space<vmem>> -> memref<128xi32, #tpu.memory_space<vmem>>
    %dma_start3A_50 = arith.constant 0 : i32
    %dma_start3A_51 = arith.constant 0 : i32
    %dma_start3A_52 = tpu.memref_slice %arg2[%dma_start3A_50, %dma_start3A_51] : memref<10240x16xf32, #tpu.memory_space<hbm>> -> memref<10240x16xf32, #tpu.memory_space<hbm>>
    tpu.enqueue_indirect_dma source(%dma_start3A_52 : memref<10240x16xf32, #tpu.memory_space<hbm>>) target(%dma_start3A_47 : memref<128x16xf32, #tpu.memory_space<vmem>>) offsets(%dma_start3A_49 : memref<128xi32, #tpu.memory_space<vmem>>) semaphore(%arg14 : memref<!tpu.dma_semaphore, #tpu.memory_space<semaphore_mem>>)
    %dma_start3A_53 = arith.constant 4 : i32
    %dma_start3A_54 = arith.constant 0 : i32
    %dma_start3A_55 = arith.constant 0 : i32
    %dma_start3A_56 = tpu.memref_slice %arg7[%dma_start3A_53, %dma_start3A_54, %dma_start3A_55] : memref<6x128x16xf32, #tpu.memory_space<vmem>> -> memref<1x128x16xf32, #tpu.memory_space<vmem>>
    %dma_start3A_57 = tpu.memref_squeeze %dma_start3A_56 : memref<1x128x16xf32, #tpu.memory_space<vmem>> -> memref<128x16xf32, #tpu.memory_space<vmem>>
    %dma_start3A_58 = arith.constant 512 : i32
    %dma_start3A_59 = tpu.memref_slice %arg5[%dma_start3A_58] : memref<10000xi32, #tpu.memory_space<vmem>> -> memref<128xi32, #tpu.memory_space<vmem>>
    %dma_start3A_60 = arith.constant 0 : i32
    %dma_start3A_61 = arith.constant 0 : i32
    %dma_start3A_62 = tpu.memref_slice %arg2[%dma_start3A_60, %dma_start3A_61] : memref<10240x16xf32, #tpu.memory_space<hbm>> -> memref<10240x16xf32, #tpu.memory_space<hbm>>
    tpu.enqueue_indirect_dma source(%dma_start3A_62 : memref<10240x16xf32, #tpu.memory_space<hbm>>) target(%dma_start3A_57 : memref<128x16xf32, #tpu.memory_space<vmem>>) offsets(%dma_start3A_59 : memref<128xi32, #tpu.memory_space<vmem>>) semaphore(%arg15 : memref<!tpu.dma_semaphore, #tpu.memory_space<semaphore_mem>>)
    %scan3A_63 = arith.constant 0 : i32
    %scan3A_64 = arith.constant 0 : i32
    %scan3A_65 = arith.constant 13 : i32
    %scan3A_66 = arith.addi %scan3A_64, %scan3A_65 : i32
    %scan3A_67 = arith.constant 1 : i32
    %scan3A_68 = scf.for %scan3A_94 = %scan3A_64 to %scan3A_66 step %scan3A_67 iter_args(%scan3A_95 = %scan3A_63) -> (i32)  : i32 {
      %mul3A_96 = arith.constant 6 : i32
      %mul3A_97 = arith.muli %scan3A_94, %mul3A_96 : i32
      %add3A_98 = arith.constant 0 : i32
      %add3A_99 = arith.addi %mul3A_97, %add3A_98 : i32
      %add3A_100 = arith.constant 6 : i32
      %add3A_101 = arith.addi %add3A_99, %add3A_100 : i32
      %sub3A = arith.constant 1 : i32
      %sub3A_102 = arith.subi %add3A_101, %sub3A : i32
      %gt3A = arith.constant 0 : i32
      %gt3A_103 = arith.cmpi sgt, %add3A_99, %gt3A : i32
      %convert_element_type3A = arith.extui %gt3A_103 : i1 to i32
      %cond3A = arith.constant 0 : i32
      %cond3A_104 = arith.cmpi ne, %convert_element_type3A, %cond3A : i32
      scf.if %cond3A_104 {
        %dma_wait3A_326 = arith.constant 5 : i32
        %dma_wait3A_327 = arith.constant 0 : i32
        %dma_wait3A_328 = arith.constant 0 : i32
        %dma_wait3A_329 = tpu.memref_slice %arg7[%dma_wait3A_326, %dma_wait3A_327, %dma_wait3A_328] : memref<6x128x16xf32, #tpu.memory_space<vmem>> -> memref<1x128x16xf32, #tpu.memory_space<vmem>>
        %dma_wait3A_330 = tpu.memref_squeeze %dma_wait3A_329 : memref<1x128x16xf32, #tpu.memory_space<vmem>> -> memref<128x16xf32, #tpu.memory_space<vmem>>
        %dma_wait3A_331 = arith.constant 0 : i32
        %dma_wait3A_332 = tpu.memref_slice %arg6[%dma_wait3A_331] : memref<10000xi32, #tpu.memory_space<vmem>> -> memref<128xi32, #tpu.memory_space<vmem>>
        %dma_wait3A_333 = arith.constant 0 : i32
        %dma_wait3A_334 = arith.constant 0 : i32
        %dma_wait3A_335 = tpu.memref_slice %arg10[%dma_wait3A_333, %dma_wait3A_334] : memref<10240x16xf32, #tpu.memory_space<vmem_shared>> -> memref<10240x16xf32, #tpu.memory_space<vmem_shared>>
        tpu.wait_indirect_dma semaphore(%arg22 : memref<!tpu.dma_semaphore, #tpu.memory_space<semaphore_mem>>) src(%dma_wait3A_330 : memref<128x16xf32, #tpu.memory_space<vmem>>) dst(%dma_wait3A_335 : memref<10240x16xf32, #tpu.memory_space<vmem_shared>>)
      } else {
      }
      %lt3A = arith.constant 78 : i32
      %lt3A_105 = arith.cmpi slt, %sub3A_102, %lt3A : i32
      %convert_element_type3A_106 = arith.extui %lt3A_105 : i1 to i32
      %cond3A_107 = arith.constant 0 : i32
      %cond3A_108 = arith.cmpi ne, %convert_element_type3A_106, %cond3A_107 : i32
      scf.if %cond3A_108 {
        %mul3A_326 = arith.constant 128 : i32
        %mul3A_327 = arith.muli %sub3A_102, %mul3A_326 : i32
        %dma_start3A_328 = arith.constant 5 : i32
        %dma_start3A_329 = arith.constant 0 : i32
        %dma_start3A_330 = arith.constant 0 : i32
        %dma_start3A_331 = tpu.memref_slice %arg7[%dma_start3A_328, %dma_start3A_329, %dma_start3A_330] : memref<6x128x16xf32, #tpu.memory_space<vmem>> -> memref<1x128x16xf32, #tpu.memory_space<vmem>>
        %dma_start3A_332 = tpu.memref_squeeze %dma_start3A_331 : memref<1x128x16xf32, #tpu.memory_space<vmem>> -> memref<128x16xf32, #tpu.memory_space<vmem>>
        %dma_start3A_333 = tpu.memref_slice %arg5[%mul3A_327] : memref<10000xi32, #tpu.memory_space<vmem>> -> memref<128xi32, #tpu.memory_space<vmem>>
        %dma_start3A_334 = arith.constant 0 : i32
        %dma_start3A_335 = arith.constant 0 : i32
        %dma_start3A_336 = tpu.memref_slice %arg2[%dma_start3A_334, %dma_start3A_335] : memref<10240x16xf32, #tpu.memory_space<hbm>> -> memref<10240x16xf32, #tpu.memory_space<hbm>>
        tpu.enqueue_indirect_dma source(%dma_start3A_336 : memref<10240x16xf32, #tpu.memory_space<hbm>>) target(%dma_start3A_332 : memref<128x16xf32, #tpu.memory_space<vmem>>) offsets(%dma_start3A_333 : memref<128xi32, #tpu.memory_space<vmem>>) semaphore(%arg16 : memref<!tpu.dma_semaphore, #tpu.memory_space<semaphore_mem>>)
      } else {
      }
      %dma_wait3A_109 = arith.constant 0 : i32
      %dma_wait3A_110 = arith.constant 0 : i32
      %dma_wait3A_111 = arith.constant 0 : i32
      %dma_wait3A_112 = tpu.memref_slice %arg7[%dma_wait3A_109, %dma_wait3A_110, %dma_wait3A_111] : memref<6x128x16xf32, #tpu.memory_space<vmem>> -> memref<1x128x16xf32, #tpu.memory_space<vmem>>
      %dma_wait3A_113 = tpu.memref_squeeze %dma_wait3A_112 : memref<1x128x16xf32, #tpu.memory_space<vmem>> -> memref<128x16xf32, #tpu.memory_space<vmem>>
      %dma_wait3A_114 = arith.constant 0 : i32
      %dma_wait3A_115 = tpu.memref_slice %arg5[%dma_wait3A_114] : memref<10000xi32, #tpu.memory_space<vmem>> -> memref<128xi32, #tpu.memory_space<vmem>>
      %dma_wait3A_116 = arith.constant 0 : i32
      %dma_wait3A_117 = arith.constant 0 : i32
      %dma_wait3A_118 = tpu.memref_slice %arg2[%dma_wait3A_116, %dma_wait3A_117] : memref<10240x16xf32, #tpu.memory_space<hbm>> -> memref<10240x16xf32, #tpu.memory_space<hbm>>
      tpu.wait_indirect_dma semaphore(%arg11 : memref<!tpu.dma_semaphore, #tpu.memory_space<semaphore_mem>>) src(%dma_wait3A_118 : memref<10240x16xf32, #tpu.memory_space<hbm>>) dst(%dma_wait3A_113 : memref<128x16xf32, #tpu.memory_space<vmem>>)
      %mul3A_119 = arith.constant 128 : i32
      %mul3A_120 = arith.muli %add3A_99, %mul3A_119 : i32
      %dma_start3A_121 = arith.constant 0 : i32
      %dma_start3A_122 = arith.constant 0 : i32
      %dma_start3A_123 = arith.constant 0 : i32
      %dma_start3A_124 = tpu.memref_slice %arg7[%dma_start3A_121, %dma_start3A_122, %dma_start3A_123] : memref<6x128x16xf32, #tpu.memory_space<vmem>> -> memref<1x128x16xf32, #tpu.memory_space<vmem>>
      %dma_start3A_125 = tpu.memref_squeeze %dma_start3A_124 : memref<1x128x16xf32, #tpu.memory_space<vmem>> -> memref<128x16xf32, #tpu.memory_space<vmem>>
      %dma_start3A_126 = tpu.memref_slice %arg6[%mul3A_120] : memref<10000xi32, #tpu.memory_space<vmem>> -> memref<128xi32, #tpu.memory_space<vmem>>
      %dma_start3A_127 = arith.constant 0 : i32
      %dma_start3A_128 = arith.constant 0 : i32
      %dma_start3A_129 = tpu.memref_slice %arg10[%dma_start3A_127, %dma_start3A_128] : memref<10240x16xf32, #tpu.memory_space<vmem_shared>> -> memref<10240x16xf32, #tpu.memory_space<vmem_shared>>
      tpu.enqueue_indirect_dma source(%dma_start3A_125 : memref<128x16xf32, #tpu.memory_space<vmem>>) target(%dma_start3A_129 : memref<10240x16xf32, #tpu.memory_space<vmem_shared>>) offsets(%dma_start3A_126 : memref<128xi32, #tpu.memory_space<vmem>>) semaphore(%arg17 : memref<!tpu.dma_semaphore, #tpu.memory_space<semaphore_mem>>) {add = true}
      %mul3A_130 = arith.constant 6 : i32
      %mul3A_131 = arith.muli %scan3A_94, %mul3A_130 : i32
      %add3A_132 = arith.constant 1 : i32
      %add3A_133 = arith.addi %mul3A_131, %add3A_132 : i32
      %add3A_134 = arith.constant 6 : i32
      %add3A_135 = arith.addi %add3A_133, %add3A_134 : i32
      %sub3A_136 = arith.constant 1 : i32
      %sub3A_137 = arith.subi %add3A_135, %sub3A_136 : i32
      %gt3A_138 = arith.constant 0 : i32
      %gt3A_139 = arith.cmpi sgt, %add3A_133, %gt3A_138 : i32
      %convert_element_type3A_140 = arith.extui %gt3A_139 : i1 to i32
      %cond3A_141 = arith.constant 0 : i32
      %cond3A_142 = arith.cmpi ne, %convert_element_type3A_140, %cond3A_141 : i32
      scf.if %cond3A_142 {
        %dma_wait3A_326 = arith.constant 0 : i32
        %dma_wait3A_327 = arith.constant 0 : i32
        %dma_wait3A_328 = arith.constant 0 : i32
        %dma_wait3A_329 = tpu.memref_slice %arg7[%dma_wait3A_326, %dma_wait3A_327, %dma_wait3A_328] : memref<6x128x16xf32, #tpu.memory_space<vmem>> -> memref<1x128x16xf32, #tpu.memory_space<vmem>>
        %dma_wait3A_330 = tpu.memref_squeeze %dma_wait3A_329 : memref<1x128x16xf32, #tpu.memory_space<vmem>> -> memref<128x16xf32, #tpu.memory_space<vmem>>
        %dma_wait3A_331 = arith.constant 0 : i32
        %dma_wait3A_332 = tpu.memref_slice %arg6[%dma_wait3A_331] : memref<10000xi32, #tpu.memory_space<vmem>> -> memref<128xi32, #tpu.memory_space<vmem>>
        %dma_wait3A_333 = arith.constant 0 : i32
        %dma_wait3A_334 = arith.constant 0 : i32
        %dma_wait3A_335 = tpu.memref_slice %arg10[%dma_wait3A_333, %dma_wait3A_334] : memref<10240x16xf32, #tpu.memory_space<vmem_shared>> -> memref<10240x16xf32, #tpu.memory_space<vmem_shared>>
        tpu.wait_indirect_dma semaphore(%arg17 : memref<!tpu.dma_semaphore, #tpu.memory_space<semaphore_mem>>) src(%dma_wait3A_330 : memref<128x16xf32, #tpu.memory_space<vmem>>) dst(%dma_wait3A_335 : memref<10240x16xf32, #tpu.memory_space<vmem_shared>>)
      } else {
      }
      %lt3A_143 = arith.constant 78 : i32
      %lt3A_144 = arith.cmpi slt, %sub3A_137, %lt3A_143 : i32
      %convert_element_type3A_145 = arith.extui %lt3A_144 : i1 to i32
      %cond3A_146 = arith.constant 0 : i32
      %cond3A_147 = arith.cmpi ne, %convert_element_type3A_145, %cond3A_146 : i32
      scf.if %cond3A_147 {
        %mul3A_326 = arith.constant 128 : i32
        %mul3A_327 = arith.muli %sub3A_137, %mul3A_326 : i32
        %dma_start3A_328 = arith.constant 0 : i32
        %dma_start3A_329 = arith.constant 0 : i32
        %dma_start3A_330 = arith.constant 0 : i32
        %dma_start3A_331 = tpu.memref_slice %arg7[%dma_start3A_328, %dma_start3A_329, %dma_start3A_330] : memref<6x128x16xf32, #tpu.memory_space<vmem>> -> memref<1x128x16xf32, #tpu.memory_space<vmem>>
        %dma_start3A_332 = tpu.memref_squeeze %dma_start3A_331 : memref<1x128x16xf32, #tpu.memory_space<vmem>> -> memref<128x16xf32, #tpu.memory_space<vmem>>
        %dma_start3A_333 = tpu.memref_slice %arg5[%mul3A_327] : memref<10000xi32, #tpu.memory_space<vmem>> -> memref<128xi32, #tpu.memory_space<vmem>>
        %dma_start3A_334 = arith.constant 0 : i32
        %dma_start3A_335 = arith.constant 0 : i32
        %dma_start3A_336 = tpu.memref_slice %arg2[%dma_start3A_334, %dma_start3A_335] : memref<10240x16xf32, #tpu.memory_space<hbm>> -> memref<10240x16xf32, #tpu.memory_space<hbm>>
        tpu.enqueue_indirect_dma source(%dma_start3A_336 : memref<10240x16xf32, #tpu.memory_space<hbm>>) target(%dma_start3A_332 : memref<128x16xf32, #tpu.memory_space<vmem>>) offsets(%dma_start3A_333 : memref<128xi32, #tpu.memory_space<vmem>>) semaphore(%arg11 : memref<!tpu.dma_semaphore, #tpu.memory_space<semaphore_mem>>)
      } else {
      }
      %dma_wait3A_148 = arith.constant 1 : i32
      %dma_wait3A_149 = arith.constant 0 : i32
      %dma_wait3A_150 = arith.constant 0 : i32
      %dma_wait3A_151 = tpu.memref_slice %arg7[%dma_wait3A_148, %dma_wait3A_149, %dma_wait3A_150] : memref<6x128x16xf32, #tpu.memory_space<vmem>> -> memref<1x128x16xf32, #tpu.memory_space<vmem>>
      %dma_wait3A_152 = tpu.memref_squeeze %dma_wait3A_151 : memref<1x128x16xf32, #tpu.memory_space<vmem>> -> memref<128x16xf32, #tpu.memory_space<vmem>>
      %dma_wait3A_153 = arith.constant 0 : i32
      %dma_wait3A_154 = tpu.memref_slice %arg5[%dma_wait3A_153] : memref<10000xi32, #tpu.memory_space<vmem>> -> memref<128xi32, #tpu.memory_space<vmem>>
      %dma_wait3A_155 = arith.constant 0 : i32
      %dma_wait3A_156 = arith.constant 0 : i32
      %dma_wait3A_157 = tpu.memref_slice %arg2[%dma_wait3A_155, %dma_wait3A_156] : memref<10240x16xf32, #tpu.memory_space<hbm>> -> memref<10240x16xf32, #tpu.memory_space<hbm>>
      tpu.wait_indirect_dma semaphore(%arg12 : memref<!tpu.dma_semaphore, #tpu.memory_space<semaphore_mem>>) src(%dma_wait3A_157 : memref<10240x16xf32, #tpu.memory_space<hbm>>) dst(%dma_wait3A_152 : memref<128x16xf32, #tpu.memory_space<vmem>>)
      %mul3A_158 = arith.constant 128 : i32
      %mul3A_159 = arith.muli %add3A_133, %mul3A_158 : i32
      %dma_start3A_160 = arith.constant 1 : i32
      %dma_start3A_161 = arith.constant 0 : i32
      %dma_start3A_162 = arith.constant 0 : i32
      %dma_start3A_163 = tpu.memref_slice %arg7[%dma_start3A_160, %dma_start3A_161, %dma_start3A_162] : memref<6x128x16xf32, #tpu.memory_space<vmem>> -> memref<1x128x16xf32, #tpu.memory_space<vmem>>
      %dma_start3A_164 = tpu.memref_squeeze %dma_start3A_163 : memref<1x128x16xf32, #tpu.memory_space<vmem>> -> memref<128x16xf32, #tpu.memory_space<vmem>>
      %dma_start3A_165 = tpu.memref_slice %arg6[%mul3A_159] : memref<10000xi32, #tpu.memory_space<vmem>> -> memref<128xi32, #tpu.memory_space<vmem>>
      %dma_start3A_166 = arith.constant 0 : i32
      %dma_start3A_167 = arith.constant 0 : i32
      %dma_start3A_168 = tpu.memref_slice %arg10[%dma_start3A_166, %dma_start3A_167] : memref<10240x16xf32, #tpu.memory_space<vmem_shared>> -> memref<10240x16xf32, #tpu.memory_space<vmem_shared>>
      tpu.enqueue_indirect_dma source(%dma_start3A_164 : memref<128x16xf32, #tpu.memory_space<vmem>>) target(%dma_start3A_168 : memref<10240x16xf32, #tpu.memory_space<vmem_shared>>) offsets(%dma_start3A_165 : memref<128xi32, #tpu.memory_space<vmem>>) semaphore(%arg18 : memref<!tpu.dma_semaphore, #tpu.memory_space<semaphore_mem>>) {add = true}
      %mul3A_169 = arith.constant 6 : i32
      %mul3A_170 = arith.muli %scan3A_94, %mul3A_169 : i32
      %add3A_171 = arith.constant 2 : i32
      %add3A_172 = arith.addi %mul3A_170, %add3A_171 : i32
      %add3A_173 = arith.constant 6 : i32
      %add3A_174 = arith.addi %add3A_172, %add3A_173 : i32
      %sub3A_175 = arith.constant 1 : i32
      %sub3A_176 = arith.subi %add3A_174, %sub3A_175 : i32
      %gt3A_177 = arith.constant 0 : i32
      %gt3A_178 = arith.cmpi sgt, %add3A_172, %gt3A_177 : i32
      %convert_element_type3A_179 = arith.extui %gt3A_178 : i1 to i32
      %cond3A_180 = arith.constant 0 : i32
      %cond3A_181 = arith.cmpi ne, %convert_element_type3A_179, %cond3A_180 : i32
      scf.if %cond3A_181 {
        %dma_wait3A_326 = arith.constant 1 : i32
        %dma_wait3A_327 = arith.constant 0 : i32
        %dma_wait3A_328 = arith.constant 0 : i32
        %dma_wait3A_329 = tpu.memref_slice %arg7[%dma_wait3A_326, %dma_wait3A_327, %dma_wait3A_328] : memref<6x128x16xf32, #tpu.memory_space<vmem>> -> memref<1x128x16xf32, #tpu.memory_space<vmem>>
        %dma_wait3A_330 = tpu.memref_squeeze %dma_wait3A_329 : memref<1x128x16xf32, #tpu.memory_space<vmem>> -> memref<128x16xf32, #tpu.memory_space<vmem>>
        %dma_wait3A_331 = arith.constant 0 : i32
        %dma_wait3A_332 = tpu.memref_slice %arg6[%dma_wait3A_331] : memref<10000xi32, #tpu.memory_space<vmem>> -> memref<128xi32, #tpu.memory_space<vmem>>
        %dma_wait3A_333 = arith.constant 0 : i32
        %dma_wait3A_334 = arith.constant 0 : i32
        %dma_wait3A_335 = tpu.memref_slice %arg10[%dma_wait3A_333, %dma_wait3A_334] : memref<10240x16xf32, #tpu.memory_space<vmem_shared>> -> memref<10240x16xf32, #tpu.memory_space<vmem_shared>>
        tpu.wait_indirect_dma semaphore(%arg18 : memref<!tpu.dma_semaphore, #tpu.memory_space<semaphore_mem>>) src(%dma_wait3A_330 : memref<128x16xf32, #tpu.memory_space<vmem>>) dst(%dma_wait3A_335 : memref<10240x16xf32, #tpu.memory_space<vmem_shared>>)
      } else {
      }
      %lt3A_182 = arith.constant 78 : i32
      %lt3A_183 = arith.cmpi slt, %sub3A_176, %lt3A_182 : i32
      %convert_element_type3A_184 = arith.extui %lt3A_183 : i1 to i32
      %cond3A_185 = arith.constant 0 : i32
      %cond3A_186 = arith.cmpi ne, %convert_element_type3A_184, %cond3A_185 : i32
      scf.if %cond3A_186 {
        %mul3A_326 = arith.constant 128 : i32
        %mul3A_327 = arith.muli %sub3A_176, %mul3A_326 : i32
        %dma_start3A_328 = arith.constant 1 : i32
        %dma_start3A_329 = arith.constant 0 : i32
        %dma_start3A_330 = arith.constant 0 : i32
        %dma_start3A_331 = tpu.memref_slice %arg7[%dma_start3A_328, %dma_start3A_329, %dma_start3A_330] : memref<6x128x16xf32, #tpu.memory_space<vmem>> -> memref<1x128x16xf32, #tpu.memory_space<vmem>>
        %dma_start3A_332 = tpu.memref_squeeze %dma_start3A_331 : memref<1x128x16xf32, #tpu.memory_space<vmem>> -> memref<128x16xf32, #tpu.memory_space<vmem>>
        %dma_start3A_333 = tpu.memref_slice %arg5[%mul3A_327] : memref<10000xi32, #tpu.memory_space<vmem>> -> memref<128xi32, #tpu.memory_space<vmem>>
        %dma_start3A_334 = arith.constant 0 : i32
        %dma_start3A_335 = arith.constant 0 : i32
        %dma_start3A_336 = tpu.memref_slice %arg2[%dma_start3A_334, %dma_start3A_335] : memref<10240x16xf32, #tpu.memory_space<hbm>> -> memref<10240x16xf32, #tpu.memory_space<hbm>>
        tpu.enqueue_indirect_dma source(%dma_start3A_336 : memref<10240x16xf32, #tpu.memory_space<hbm>>) target(%dma_start3A_332 : memref<128x16xf32, #tpu.memory_space<vmem>>) offsets(%dma_start3A_333 : memref<128xi32, #tpu.memory_space<vmem>>) semaphore(%arg12 : memref<!tpu.dma_semaphore, #tpu.memory_space<semaphore_mem>>)
      } else {
      }
      %dma_wait3A_187 = arith.constant 2 : i32
      %dma_wait3A_188 = arith.constant 0 : i32
      %dma_wait3A_189 = arith.constant 0 : i32
      %dma_wait3A_190 = tpu.memref_slice %arg7[%dma_wait3A_187, %dma_wait3A_188, %dma_wait3A_189] : memref<6x128x16xf32, #tpu.memory_space<vmem>> -> memref<1x128x16xf32, #tpu.memory_space<vmem>>
      %dma_wait3A_191 = tpu.memref_squeeze %dma_wait3A_190 : memref<1x128x16xf32, #tpu.memory_space<vmem>> -> memref<128x16xf32, #tpu.memory_space<vmem>>
      %dma_wait3A_192 = arith.constant 0 : i32
      %dma_wait3A_193 = tpu.memref_slice %arg5[%dma_wait3A_192] : memref<10000xi32, #tpu.memory_space<vmem>> -> memref<128xi32, #tpu.memory_space<vmem>>
      %dma_wait3A_194 = arith.constant 0 : i32
      %dma_wait3A_195 = arith.constant 0 : i32
      %dma_wait3A_196 = tpu.memref_slice %arg2[%dma_wait3A_194, %dma_wait3A_195] : memref<10240x16xf32, #tpu.memory_space<hbm>> -> memref<10240x16xf32, #tpu.memory_space<hbm>>
      tpu.wait_indirect_dma semaphore(%arg13 : memref<!tpu.dma_semaphore, #tpu.memory_space<semaphore_mem>>) src(%dma_wait3A_196 : memref<10240x16xf32, #tpu.memory_space<hbm>>) dst(%dma_wait3A_191 : memref<128x16xf32, #tpu.memory_space<vmem>>)
      %mul3A_197 = arith.constant 128 : i32
      %mul3A_198 = arith.muli %add3A_172, %mul3A_197 : i32
      %dma_start3A_199 = arith.constant 2 : i32
      %dma_start3A_200 = arith.constant 0 : i32
      %dma_start3A_201 = arith.constant 0 : i32
      %dma_start3A_202 = tpu.memref_slice %arg7[%dma_start3A_199, %dma_start3A_200, %dma_start3A_201] : memref<6x128x16xf32, #tpu.memory_space<vmem>> -> memref<1x128x16xf32, #tpu.memory_space<vmem>>
      %dma_start3A_203 = tpu.memref_squeeze %dma_start3A_202 : memref<1x128x16xf32, #tpu.memory_space<vmem>> -> memref<128x16xf32, #tpu.memory_space<vmem>>
      %dma_start3A_204 = tpu.memref_slice %arg6[%mul3A_198] : memref<10000xi32, #tpu.memory_space<vmem>> -> memref<128xi32, #tpu.memory_space<vmem>>
      %dma_start3A_205 = arith.constant 0 : i32
      %dma_start3A_206 = arith.constant 0 : i32
      %dma_start3A_207 = tpu.memref_slice %arg10[%dma_start3A_205, %dma_start3A_206] : memref<10240x16xf32, #tpu.memory_space<vmem_shared>> -> memref<10240x16xf32, #tpu.memory_space<vmem_shared>>
      tpu.enqueue_indirect_dma source(%dma_start3A_203 : memref<128x16xf32, #tpu.memory_space<vmem>>) target(%dma_start3A_207 : memref<10240x16xf32, #tpu.memory_space<vmem_shared>>) offsets(%dma_start3A_204 : memref<128xi32, #tpu.memory_space<vmem>>) semaphore(%arg19 : memref<!tpu.dma_semaphore, #tpu.memory_space<semaphore_mem>>) {add = true}
      %mul3A_208 = arith.constant 6 : i32
      %mul3A_209 = arith.muli %scan3A_94, %mul3A_208 : i32
      %add3A_210 = arith.constant 3 : i32
      %add3A_211 = arith.addi %mul3A_209, %add3A_210 : i32
      %add3A_212 = arith.constant 6 : i32
      %add3A_213 = arith.addi %add3A_211, %add3A_212 : i32
      %sub3A_214 = arith.constant 1 : i32
      %sub3A_215 = arith.subi %add3A_213, %sub3A_214 : i32
      %gt3A_216 = arith.constant 0 : i32
      %gt3A_217 = arith.cmpi sgt, %add3A_211, %gt3A_216 : i32
      %convert_element_type3A_218 = arith.extui %gt3A_217 : i1 to i32
      %cond3A_219 = arith.constant 0 : i32
      %cond3A_220 = arith.cmpi ne, %convert_element_type3A_218, %cond3A_219 : i32
      scf.if %cond3A_220 {
        %dma_wait3A_326 = arith.constant 2 : i32
        %dma_wait3A_327 = arith.constant 0 : i32
        %dma_wait3A_328 = arith.constant 0 : i32
        %dma_wait3A_329 = tpu.memref_slice %arg7[%dma_wait3A_326, %dma_wait3A_327, %dma_wait3A_328] : memref<6x128x16xf32, #tpu.memory_space<vmem>> -> memref<1x128x16xf32, #tpu.memory_space<vmem>>
        %dma_wait3A_330 = tpu.memref_squeeze %dma_wait3A_329 : memref<1x128x16xf32, #tpu.memory_space<vmem>> -> memref<128x16xf32, #tpu.memory_space<vmem>>
        %dma_wait3A_331 = arith.constant 0 : i32
        %dma_wait3A_332 = tpu.memref_slice %arg6[%dma_wait3A_331] : memref<10000xi32, #tpu.memory_space<vmem>> -> memref<128xi32, #tpu.memory_space<vmem>>
        %dma_wait3A_333 = arith.constant 0 : i32
        %dma_wait3A_334 = arith.constant 0 : i32
        %dma_wait3A_335 = tpu.memref_slice %arg10[%dma_wait3A_333, %dma_wait3A_334] : memref<10240x16xf32, #tpu.memory_space<vmem_shared>> -> memref<10240x16xf32, #tpu.memory_space<vmem_shared>>
        tpu.wait_indirect_dma semaphore(%arg19 : memref<!tpu.dma_semaphore, #tpu.memory_space<semaphore_mem>>) src(%dma_wait3A_330 : memref<128x16xf32, #tpu.memory_space<vmem>>) dst(%dma_wait3A_335 : memref<10240x16xf32, #tpu.memory_space<vmem_shared>>)
      } else {
      }
      %lt3A_221 = arith.constant 78 : i32
      %lt3A_222 = arith.cmpi slt, %sub3A_215, %lt3A_221 : i32
      %convert_element_type3A_223 = arith.extui %lt3A_222 : i1 to i32
      %cond3A_224 = arith.constant 0 : i32
      %cond3A_225 = arith.cmpi ne, %convert_element_type3A_223, %cond3A_224 : i32
      scf.if %cond3A_225 {
        %mul3A_326 = arith.constant 128 : i32
        %mul3A_327 = arith.muli %sub3A_215, %mul3A_326 : i32
        %dma_start3A_328 = arith.constant 2 : i32
        %dma_start3A_329 = arith.constant 0 : i32
        %dma_start3A_330 = arith.constant 0 : i32
        %dma_start3A_331 = tpu.memref_slice %arg7[%dma_start3A_328, %dma_start3A_329, %dma_start3A_330] : memref<6x128x16xf32, #tpu.memory_space<vmem>> -> memref<1x128x16xf32, #tpu.memory_space<vmem>>
        %dma_start3A_332 = tpu.memref_squeeze %dma_start3A_331 : memref<1x128x16xf32, #tpu.memory_space<vmem>> -> memref<128x16xf32, #tpu.memory_space<vmem>>
        %dma_start3A_333 = tpu.memref_slice %arg5[%mul3A_327] : memref<10000xi32, #tpu.memory_space<vmem>> -> memref<128xi32, #tpu.memory_space<vmem>>
        %dma_start3A_334 = arith.constant 0 : i32
        %dma_start3A_335 = arith.constant 0 : i32
        %dma_start3A_336 = tpu.memref_slice %arg2[%dma_start3A_334, %dma_start3A_335] : memref<10240x16xf32, #tpu.memory_space<hbm>> -> memref<10240x16xf32, #tpu.memory_space<hbm>>
        tpu.enqueue_indirect_dma source(%dma_start3A_336 : memref<10240x16xf32, #tpu.memory_space<hbm>>) target(%dma_start3A_332 : memref<128x16xf32, #tpu.memory_space<vmem>>) offsets(%dma_start3A_333 : memref<128xi32, #tpu.memory_space<vmem>>) semaphore(%arg13 : memref<!tpu.dma_semaphore, #tpu.memory_space<semaphore_mem>>)
      } else {
      }
      %dma_wait3A_226 = arith.constant 3 : i32
      %dma_wait3A_227 = arith.constant 0 : i32
      %dma_wait3A_228 = arith.constant 0 : i32
      %dma_wait3A_229 = tpu.memref_slice %arg7[%dma_wait3A_226, %dma_wait3A_227, %dma_wait3A_228] : memref<6x128x16xf32, #tpu.memory_space<vmem>> -> memref<1x128x16xf32, #tpu.memory_space<vmem>>
      %dma_wait3A_230 = tpu.memref_squeeze %dma_wait3A_229 : memref<1x128x16xf32, #tpu.memory_space<vmem>> -> memref<128x16xf32, #tpu.memory_space<vmem>>
      %dma_wait3A_231 = arith.constant 0 : i32
      %dma_wait3A_232 = tpu.memref_slice %arg5[%dma_wait3A_231] : memref<10000xi32, #tpu.memory_space<vmem>> -> memref<128xi32, #tpu.memory_space<vmem>>
      %dma_wait3A_233 = arith.constant 0 : i32
      %dma_wait3A_234 = arith.constant 0 : i32
      %dma_wait3A_235 = tpu.memref_slice %arg2[%dma_wait3A_233, %dma_wait3A_234] : memref<10240x16xf32, #tpu.memory_space<hbm>> -> memref<10240x16xf32, #tpu.memory_space<hbm>>
      tpu.wait_indirect_dma semaphore(%arg14 : memref<!tpu.dma_semaphore, #tpu.memory_space<semaphore_mem>>) src(%dma_wait3A_235 : memref<10240x16xf32, #tpu.memory_space<hbm>>) dst(%dma_wait3A_230 : memref<128x16xf32, #tpu.memory_space<vmem>>)
      %mul3A_236 = arith.constant 128 : i32
      %mul3A_237 = arith.muli %add3A_211, %mul3A_236 : i32
      %dma_start3A_238 = arith.constant 3 : i32
      %dma_start3A_239 = arith.constant 0 : i32
      %dma_start3A_240 = arith.constant 0 : i32
      %dma_start3A_241 = tpu.memref_slice %arg7[%dma_start3A_238, %dma_start3A_239, %dma_start3A_240] : memref<6x128x16xf32, #tpu.memory_space<vmem>> -> memref<1x128x16xf32, #tpu.memory_space<vmem>>
      %dma_start3A_242 = tpu.memref_squeeze %dma_start3A_241 : memref<1x128x16xf32, #tpu.memory_space<vmem>> -> memref<128x16xf32, #tpu.memory_space<vmem>>
      %dma_start3A_243 = tpu.memref_slice %arg6[%mul3A_237] : memref<10000xi32, #tpu.memory_space<vmem>> -> memref<128xi32, #tpu.memory_space<vmem>>
      %dma_start3A_244 = arith.constant 0 : i32
      %dma_start3A_245 = arith.constant 0 : i32
      %dma_start3A_246 = tpu.memref_slice %arg10[%dma_start3A_244, %dma_start3A_245] : memref<10240x16xf32, #tpu.memory_space<vmem_shared>> -> memref<10240x16xf32, #tpu.memory_space<vmem_shared>>
      tpu.enqueue_indirect_dma source(%dma_start3A_242 : memref<128x16xf32, #tpu.memory_space<vmem>>) target(%dma_start3A_246 : memref<10240x16xf32, #tpu.memory_space<vmem_shared>>) offsets(%dma_start3A_243 : memref<128xi32, #tpu.memory_space<vmem>>) semaphore(%arg20 : memref<!tpu.dma_semaphore, #tpu.memory_space<semaphore_mem>>) {add = true}
      %mul3A_247 = arith.constant 6 : i32
      %mul3A_248 = arith.muli %scan3A_94, %mul3A_247 : i32
      %add3A_249 = arith.constant 4 : i32
      %add3A_250 = arith.addi %mul3A_248, %add3A_249 : i32
      %add3A_251 = arith.constant 6 : i32
      %add3A_252 = arith.addi %add3A_250, %add3A_251 : i32
      %sub3A_253 = arith.constant 1 : i32
      %sub3A_254 = arith.subi %add3A_252, %sub3A_253 : i32
      %gt3A_255 = arith.constant 0 : i32
      %gt3A_256 = arith.cmpi sgt, %add3A_250, %gt3A_255 : i32
      %convert_element_type3A_257 = arith.extui %gt3A_256 : i1 to i32
      %cond3A_258 = arith.constant 0 : i32
      %cond3A_259 = arith.cmpi ne, %convert_element_type3A_257, %cond3A_258 : i32
      scf.if %cond3A_259 {
        %dma_wait3A_326 = arith.constant 3 : i32
        %dma_wait3A_327 = arith.constant 0 : i32
        %dma_wait3A_328 = arith.constant 0 : i32
        %dma_wait3A_329 = tpu.memref_slice %arg7[%dma_wait3A_326, %dma_wait3A_327, %dma_wait3A_328] : memref<6x128x16xf32, #tpu.memory_space<vmem>> -> memref<1x128x16xf32, #tpu.memory_space<vmem>>
        %dma_wait3A_330 = tpu.memref_squeeze %dma_wait3A_329 : memref<1x128x16xf32, #tpu.memory_space<vmem>> -> memref<128x16xf32, #tpu.memory_space<vmem>>
        %dma_wait3A_331 = arith.constant 0 : i32
        %dma_wait3A_332 = tpu.memref_slice %arg6[%dma_wait3A_331] : memref<10000xi32, #tpu.memory_space<vmem>> -> memref<128xi32, #tpu.memory_space<vmem>>
        %dma_wait3A_333 = arith.constant 0 : i32
        %dma_wait3A_334 = arith.constant 0 : i32
        %dma_wait3A_335 = tpu.memref_slice %arg10[%dma_wait3A_333, %dma_wait3A_334] : memref<10240x16xf32, #tpu.memory_space<vmem_shared>> -> memref<10240x16xf32, #tpu.memory_space<vmem_shared>>
        tpu.wait_indirect_dma semaphore(%arg20 : memref<!tpu.dma_semaphore, #tpu.memory_space<semaphore_mem>>) src(%dma_wait3A_330 : memref<128x16xf32, #tpu.memory_space<vmem>>) dst(%dma_wait3A_335 : memref<10240x16xf32, #tpu.memory_space<vmem_shared>>)
      } else {
      }
      %lt3A_260 = arith.constant 78 : i32
      %lt3A_261 = arith.cmpi slt, %sub3A_254, %lt3A_260 : i32
      %convert_element_type3A_262 = arith.extui %lt3A_261 : i1 to i32
      %cond3A_263 = arith.constant 0 : i32
      %cond3A_264 = arith.cmpi ne, %convert_element_type3A_262, %cond3A_263 : i32
      scf.if %cond3A_264 {
        %mul3A_326 = arith.constant 128 : i32
        %mul3A_327 = arith.muli %sub3A_254, %mul3A_326 : i32
        %dma_start3A_328 = arith.constant 3 : i32
        %dma_start3A_329 = arith.constant 0 : i32
        %dma_start3A_330 = arith.constant 0 : i32
        %dma_start3A_331 = tpu.memref_slice %arg7[%dma_start3A_328, %dma_start3A_329, %dma_start3A_330] : memref<6x128x16xf32, #tpu.memory_space<vmem>> -> memref<1x128x16xf32, #tpu.memory_space<vmem>>
        %dma_start3A_332 = tpu.memref_squeeze %dma_start3A_331 : memref<1x128x16xf32, #tpu.memory_space<vmem>> -> memref<128x16xf32, #tpu.memory_space<vmem>>
        %dma_start3A_333 = tpu.memref_slice %arg5[%mul3A_327] : memref<10000xi32, #tpu.memory_space<vmem>> -> memref<128xi32, #tpu.memory_space<vmem>>
        %dma_start3A_334 = arith.constant 0 : i32
        %dma_start3A_335 = arith.constant 0 : i32
        %dma_start3A_336 = tpu.memref_slice %arg2[%dma_start3A_334, %dma_start3A_335] : memref<10240x16xf32, #tpu.memory_space<hbm>> -> memref<10240x16xf32, #tpu.memory_space<hbm>>
        tpu.enqueue_indirect_dma source(%dma_start3A_336 : memref<10240x16xf32, #tpu.memory_space<hbm>>) target(%dma_start3A_332 : memref<128x16xf32, #tpu.memory_space<vmem>>) offsets(%dma_start3A_333 : memref<128xi32, #tpu.memory_space<vmem>>) semaphore(%arg14 : memref<!tpu.dma_semaphore, #tpu.memory_space<semaphore_mem>>)
      } else {
      }
      %dma_wait3A_265 = arith.constant 4 : i32
      %dma_wait3A_266 = arith.constant 0 : i32
      %dma_wait3A_267 = arith.constant 0 : i32
      %dma_wait3A_268 = tpu.memref_slice %arg7[%dma_wait3A_265, %dma_wait3A_266, %dma_wait3A_267] : memref<6x128x16xf32, #tpu.memory_space<vmem>> -> memref<1x128x16xf32, #tpu.memory_space<vmem>>
      %dma_wait3A_269 = tpu.memref_squeeze %dma_wait3A_268 : memref<1x128x16xf32, #tpu.memory_space<vmem>> -> memref<128x16xf32, #tpu.memory_space<vmem>>
      %dma_wait3A_270 = arith.constant 0 : i32
      %dma_wait3A_271 = tpu.memref_slice %arg5[%dma_wait3A_270] : memref<10000xi32, #tpu.memory_space<vmem>> -> memref<128xi32, #tpu.memory_space<vmem>>
      %dma_wait3A_272 = arith.constant 0 : i32
      %dma_wait3A_273 = arith.constant 0 : i32
      %dma_wait3A_274 = tpu.memref_slice %arg2[%dma_wait3A_272, %dma_wait3A_273] : memref<10240x16xf32, #tpu.memory_space<hbm>> -> memref<10240x16xf32, #tpu.memory_space<hbm>>
      tpu.wait_indirect_dma semaphore(%arg15 : memref<!tpu.dma_semaphore, #tpu.memory_space<semaphore_mem>>) src(%dma_wait3A_274 : memref<10240x16xf32, #tpu.memory_space<hbm>>) dst(%dma_wait3A_269 : memref<128x16xf32, #tpu.memory_space<vmem>>)
      %mul3A_275 = arith.constant 128 : i32
      %mul3A_276 = arith.muli %add3A_250, %mul3A_275 : i32
      %dma_start3A_277 = arith.constant 4 : i32
      %dma_start3A_278 = arith.constant 0 : i32
      %dma_start3A_279 = arith.constant 0 : i32
      %dma_start3A_280 = tpu.memref_slice %arg7[%dma_start3A_277, %dma_start3A_278, %dma_start3A_279] : memref<6x128x16xf32, #tpu.memory_space<vmem>> -> memref<1x128x16xf32, #tpu.memory_space<vmem>>
      %dma_start3A_281 = tpu.memref_squeeze %dma_start3A_280 : memref<1x128x16xf32, #tpu.memory_space<vmem>> -> memref<128x16xf32, #tpu.memory_space<vmem>>
      %dma_start3A_282 = tpu.memref_slice %arg6[%mul3A_276] : memref<10000xi32, #tpu.memory_space<vmem>> -> memref<128xi32, #tpu.memory_space<vmem>>
      %dma_start3A_283 = arith.constant 0 : i32
      %dma_start3A_284 = arith.constant 0 : i32
      %dma_start3A_285 = tpu.memref_slice %arg10[%dma_start3A_283, %dma_start3A_284] : memref<10240x16xf32, #tpu.memory_space<vmem_shared>> -> memref<10240x16xf32, #tpu.memory_space<vmem_shared>>
      tpu.enqueue_indirect_dma source(%dma_start3A_281 : memref<128x16xf32, #tpu.memory_space<vmem>>) target(%dma_start3A_285 : memref<10240x16xf32, #tpu.memory_space<vmem_shared>>) offsets(%dma_start3A_282 : memref<128xi32, #tpu.memory_space<vmem>>) semaphore(%arg21 : memref<!tpu.dma_semaphore, #tpu.memory_space<semaphore_mem>>) {add = true}
      %mul3A_286 = arith.constant 6 : i32
      %mul3A_287 = arith.muli %scan3A_94, %mul3A_286 : i32
      %add3A_288 = arith.constant 5 : i32
      %add3A_289 = arith.addi %mul3A_287, %add3A_288 : i32
      %add3A_290 = arith.constant 6 : i32
      %add3A_291 = arith.addi %add3A_289, %add3A_290 : i32
      %sub3A_292 = arith.constant 1 : i32
      %sub3A_293 = arith.subi %add3A_291, %sub3A_292 : i32
      %gt3A_294 = arith.constant 0 : i32
      %gt3A_295 = arith.cmpi sgt, %add3A_289, %gt3A_294 : i32
      %convert_element_type3A_296 = arith.extui %gt3A_295 : i1 to i32
      %cond3A_297 = arith.constant 0 : i32
      %cond3A_298 = arith.cmpi ne, %convert_element_type3A_296, %cond3A_297 : i32
      scf.if %cond3A_298 {
        %dma_wait3A_326 = arith.constant 4 : i32
        %dma_wait3A_327 = arith.constant 0 : i32
        %dma_wait3A_328 = arith.constant 0 : i32
        %dma_wait3A_329 = tpu.memref_slice %arg7[%dma_wait3A_326, %dma_wait3A_327, %dma_wait3A_328] : memref<6x128x16xf32, #tpu.memory_space<vmem>> -> memref<1x128x16xf32, #tpu.memory_space<vmem>>
        %dma_wait3A_330 = tpu.memref_squeeze %dma_wait3A_329 : memref<1x128x16xf32, #tpu.memory_space<vmem>> -> memref<128x16xf32, #tpu.memory_space<vmem>>
        %dma_wait3A_331 = arith.constant 0 : i32
        %dma_wait3A_332 = tpu.memref_slice %arg6[%dma_wait3A_331] : memref<10000xi32, #tpu.memory_space<vmem>> -> memref<128xi32, #tpu.memory_space<vmem>>
        %dma_wait3A_333 = arith.constant 0 : i32
        %dma_wait3A_334 = arith.constant 0 : i32
        %dma_wait3A_335 = tpu.memref_slice %arg10[%dma_wait3A_333, %dma_wait3A_334] : memref<10240x16xf32, #tpu.memory_space<vmem_shared>> -> memref<10240x16xf32, #tpu.memory_space<vmem_shared>>
        tpu.wait_indirect_dma semaphore(%arg21 : memref<!tpu.dma_semaphore, #tpu.memory_space<semaphore_mem>>) src(%dma_wait3A_330 : memref<128x16xf32, #tpu.memory_space<vmem>>) dst(%dma_wait3A_335 : memref<10240x16xf32, #tpu.memory_space<vmem_shared>>)
      } else {
      }
      %lt3A_299 = arith.constant 78 : i32
      %lt3A_300 = arith.cmpi slt, %sub3A_293, %lt3A_299 : i32
      %convert_element_type3A_301 = arith.extui %lt3A_300 : i1 to i32
      %cond3A_302 = arith.constant 0 : i32
      %cond3A_303 = arith.cmpi ne, %convert_element_type3A_301, %cond3A_302 : i32
      scf.if %cond3A_303 {
        %mul3A_326 = arith.constant 128 : i32
        %mul3A_327 = arith.muli %sub3A_293, %mul3A_326 : i32
        %dma_start3A_328 = arith.constant 4 : i32
        %dma_start3A_329 = arith.constant 0 : i32
        %dma_start3A_330 = arith.constant 0 : i32
        %dma_start3A_331 = tpu.memref_slice %arg7[%dma_start3A_328, %dma_start3A_329, %dma_start3A_330] : memref<6x128x16xf32, #tpu.memory_space<vmem>> -> memref<1x128x16xf32, #tpu.memory_space<vmem>>
        %dma_start3A_332 = tpu.memref_squeeze %dma_start3A_331 : memref<1x128x16xf32, #tpu.memory_space<vmem>> -> memref<128x16xf32, #tpu.memory_space<vmem>>
        %dma_start3A_333 = tpu.memref_slice %arg5[%mul3A_327] : memref<10000xi32, #tpu.memory_space<vmem>> -> memref<128xi32, #tpu.memory_space<vmem>>
        %dma_start3A_334 = arith.constant 0 : i32
        %dma_start3A_335 = arith.constant 0 : i32
        %dma_start3A_336 = tpu.memref_slice %arg2[%dma_start3A_334, %dma_start3A_335] : memref<10240x16xf32, #tpu.memory_space<hbm>> -> memref<10240x16xf32, #tpu.memory_space<hbm>>
        tpu.enqueue_indirect_dma source(%dma_start3A_336 : memref<10240x16xf32, #tpu.memory_space<hbm>>) target(%dma_start3A_332 : memref<128x16xf32, #tpu.memory_space<vmem>>) offsets(%dma_start3A_333 : memref<128xi32, #tpu.memory_space<vmem>>) semaphore(%arg15 : memref<!tpu.dma_semaphore, #tpu.memory_space<semaphore_mem>>)
      } else {
      }
      %dma_wait3A_304 = arith.constant 5 : i32
      %dma_wait3A_305 = arith.constant 0 : i32
      %dma_wait3A_306 = arith.constant 0 : i32
      %dma_wait3A_307 = tpu.memref_slice %arg7[%dma_wait3A_304, %dma_wait3A_305, %dma_wait3A_306] : memref<6x128x16xf32, #tpu.memory_space<vmem>> -> memref<1x128x16xf32, #tpu.memory_space<vmem>>
      %dma_wait3A_308 = tpu.memref_squeeze %dma_wait3A_307 : memref<1x128x16xf32, #tpu.memory_space<vmem>> -> memref<128x16xf32, #tpu.memory_space<vmem>>
      %dma_wait3A_309 = arith.constant 0 : i32
      %dma_wait3A_310 = tpu.memref_slice %arg5[%dma_wait3A_309] : memref<10000xi32, #tpu.memory_space<vmem>> -> memref<128xi32, #tpu.memory_space<vmem>>
      %dma_wait3A_311 = arith.constant 0 : i32
      %dma_wait3A_312 = arith.constant 0 : i32
      %dma_wait3A_313 = tpu.memref_slice %arg2[%dma_wait3A_311, %dma_wait3A_312] : memref<10240x16xf32, #tpu.memory_space<hbm>> -> memref<10240x16xf32, #tpu.memory_space<hbm>>
      tpu.wait_indirect_dma semaphore(%arg16 : memref<!tpu.dma_semaphore, #tpu.memory_space<semaphore_mem>>) src(%dma_wait3A_313 : memref<10240x16xf32, #tpu.memory_space<hbm>>) dst(%dma_wait3A_308 : memref<128x16xf32, #tpu.memory_space<vmem>>)
      %mul3A_314 = arith.constant 128 : i32
      %mul3A_315 = arith.muli %add3A_289, %mul3A_314 : i32
      %dma_start3A_316 = arith.constant 5 : i32
      %dma_start3A_317 = arith.constant 0 : i32
      %dma_start3A_318 = arith.constant 0 : i32
      %dma_start3A_319 = tpu.memref_slice %arg7[%dma_start3A_316, %dma_start3A_317, %dma_start3A_318] : memref<6x128x16xf32, #tpu.memory_space<vmem>> -> memref<1x128x16xf32, #tpu.memory_space<vmem>>
      %dma_start3A_320 = tpu.memref_squeeze %dma_start3A_319 : memref<1x128x16xf32, #tpu.memory_space<vmem>> -> memref<128x16xf32, #tpu.memory_space<vmem>>
      %dma_start3A_321 = tpu.memref_slice %arg6[%mul3A_315] : memref<10000xi32, #tpu.memory_space<vmem>> -> memref<128xi32, #tpu.memory_space<vmem>>
      %dma_start3A_322 = arith.constant 0 : i32
      %dma_start3A_323 = arith.constant 0 : i32
      %dma_start3A_324 = tpu.memref_slice %arg10[%dma_start3A_322, %dma_start3A_323] : memref<10240x16xf32, #tpu.memory_space<vmem_shared>> -> memref<10240x16xf32, #tpu.memory_space<vmem_shared>>
      tpu.enqueue_indirect_dma source(%dma_start3A_320 : memref<128x16xf32, #tpu.memory_space<vmem>>) target(%dma_start3A_324 : memref<10240x16xf32, #tpu.memory_space<vmem_shared>>) offsets(%dma_start3A_321 : memref<128xi32, #tpu.memory_space<vmem>>) semaphore(%arg22 : memref<!tpu.dma_semaphore, #tpu.memory_space<semaphore_mem>>) {add = true}
      %scan3A_325 = arith.constant 0 : i32
      scf.yield %scan3A_325 : i32
    }
    %scan3A_69 = arith.constant 13 : i32
    %dma_wait3A = arith.constant 5 : i32
    %dma_wait3A_70 = arith.constant 0 : i32
    %dma_wait3A_71 = arith.constant 0 : i32
    %dma_wait3A_72 = tpu.memref_slice %arg7[%dma_wait3A, %dma_wait3A_70, %dma_wait3A_71] : memref<6x128x16xf32, #tpu.memory_space<vmem>> -> memref<1x128x16xf32, #tpu.memory_space<vmem>>
    %dma_wait3A_73 = tpu.memref_squeeze %dma_wait3A_72 : memref<1x128x16xf32, #tpu.memory_space<vmem>> -> memref<128x16xf32, #tpu.memory_space<vmem>>
    %dma_wait3A_74 = arith.constant 0 : i32
    %dma_wait3A_75 = tpu.memref_slice %arg6[%dma_wait3A_74] : memref<10000xi32, #tpu.memory_space<vmem>> -> memref<128xi32, #tpu.memory_space<vmem>>
    %dma_wait3A_76 = arith.constant 0 : i32
    %dma_wait3A_77 = arith.constant 0 : i32
    %dma_wait3A_78 = tpu.memref_slice %arg10[%dma_wait3A_76, %dma_wait3A_77] : memref<10240x16xf32, #tpu.memory_space<vmem_shared>> -> memref<10240x16xf32, #tpu.memory_space<vmem_shared>>
    tpu.wait_indirect_dma semaphore(%arg22 : memref<!tpu.dma_semaphore, #tpu.memory_space<semaphore_mem>>) src(%dma_wait3A_73 : memref<128x16xf32, #tpu.memory_space<vmem>>) dst(%dma_wait3A_78 : memref<10240x16xf32, #tpu.memory_space<vmem_shared>>)
    %dma_start3A_79 = arith.constant 9984 : i32
    %dma_start3A_80 = tpu.memref_slice %arg5[%dma_start3A_79] : memref<10000xi32, #tpu.memory_space<vmem>> -> memref<16xi32, #tpu.memory_space<vmem>>
    %dma_start3A_81 = arith.constant 0 : i32
    %dma_start3A_82 = arith.constant 0 : i32
    %dma_start3A_83 = tpu.memref_slice %arg2[%dma_start3A_81, %dma_start3A_82] : memref<10240x16xf32, #tpu.memory_space<hbm>> -> memref<10240x16xf32, #tpu.memory_space<hbm>>
    tpu.enqueue_indirect_dma source(%dma_start3A_83 : memref<10240x16xf32, #tpu.memory_space<hbm>>) target(%arg8 : memref<16x16xf32, #tpu.memory_space<vmem>>) offsets(%dma_start3A_80 : memref<16xi32, #tpu.memory_space<vmem>>) semaphore(%arg23 : memref<!tpu.dma_semaphore, #tpu.memory_space<semaphore_mem>>)
    %dma_wait3A_84 = arith.constant 9984 : i32
    %dma_wait3A_85 = tpu.memref_slice %arg5[%dma_wait3A_84] : memref<10000xi32, #tpu.memory_space<vmem>> -> memref<16xi32, #tpu.memory_space<vmem>>
    %dma_wait3A_86 = arith.constant 0 : i32
    %dma_wait3A_87 = arith.constant 0 : i32
    %dma_wait3A_88 = tpu.memref_slice %arg2[%dma_wait3A_86, %dma_wait3A_87] : memref<10240x16xf32, #tpu.memory_space<hbm>> -> memref<10240x16xf32, #tpu.memory_space<hbm>>
    tpu.wait_indirect_dma semaphore(%arg23 : memref<!tpu.dma_semaphore, #tpu.memory_space<semaphore_mem>>) src(%dma_wait3A_88 : memref<10240x16xf32, #tpu.memory_space<hbm>>) dst(%arg8 : memref<16x16xf32, #tpu.memory_space<vmem>>)
    "tpu.region"() ({
      %run_scoped3A_94 = tpu.sem_alloc : memref<!tpu.dma_semaphore, #tpu.memory_space<semaphore_mem>>
      %dma_start3A_95 = arith.constant 9984 : i32
      %dma_start3A_96 = tpu.memref_slice %arg6[%dma_start3A_95] : memref<10000xi32, #tpu.memory_space<vmem>> -> memref<16xi32, #tpu.memory_space<vmem>>
      %dma_start3A_97 = arith.constant 0 : i32
      %dma_start3A_98 = arith.constant 0 : i32
      %dma_start3A_99 = tpu.memref_slice %arg10[%dma_start3A_97, %dma_start3A_98] : memref<10240x16xf32, #tpu.memory_space<vmem_shared>> -> memref<10240x16xf32, #tpu.memory_space<vmem_shared>>
      tpu.enqueue_indirect_dma source(%arg8 : memref<16x16xf32, #tpu.memory_space<vmem>>) target(%dma_start3A_99 : memref<10240x16xf32, #tpu.memory_space<vmem_shared>>) offsets(%dma_start3A_96 : memref<16xi32, #tpu.memory_space<vmem>>) semaphore(%run_scoped3A_94 : memref<!tpu.dma_semaphore, #tpu.memory_space<semaphore_mem>>) {add = true}
      %dma_wait3A_100 = arith.constant 9984 : i32
      %dma_wait3A_101 = tpu.memref_slice %arg6[%dma_wait3A_100] : memref<10000xi32, #tpu.memory_space<vmem>> -> memref<16xi32, #tpu.memory_space<vmem>>
      %dma_wait3A_102 = arith.constant 0 : i32
      %dma_wait3A_103 = arith.constant 0 : i32
      %dma_wait3A_104 = tpu.memref_slice %arg10[%dma_wait3A_102, %dma_wait3A_103] : memref<10240x16xf32, #tpu.memory_space<vmem_shared>> -> memref<10240x16xf32, #tpu.memory_space<vmem_shared>>
      tpu.wait_indirect_dma semaphore(%run_scoped3A_94 : memref<!tpu.dma_semaphore, #tpu.memory_space<semaphore_mem>>) src(%arg8 : memref<16x16xf32, #tpu.memory_space<vmem>>) dst(%dma_wait3A_104 : memref<10240x16xf32, #tpu.memory_space<vmem_shared>>)
      tpu.yield
    }) : () -> ()
    %barrier3A_89 = arith.constant 0 : index
    tpu.barrier barrier_id(%barrier3A_89)
    %mul3A_90 = arith.constant 640 : i32
    %mul3A_91 = arith.muli %arg1, %mul3A_90 : i32
    %mul3A_92 = arith.constant 640 : i32
    %mul3A_93 = arith.muli %arg1, %mul3A_92 : i32
    "tpu.region"() ({
      %run_scoped3A_94 = tpu.sem_alloc : memref<!tpu.dma_semaphore, #tpu.memory_space<semaphore_mem>>
      %dma_start3A_95 = arith.constant 0 : i32
      %dma_start3A_96 = tpu.memref_slice %arg4[%arg0, %mul3A_93, %dma_start3A_95] : memref<2x10240x16xf32, #tpu.memory_space<hbm>> -> memref<1x640x16xf32, #tpu.memory_space<hbm>>
      %dma_start3A_97 = tpu.memref_squeeze %dma_start3A_96 : memref<1x640x16xf32, #tpu.memory_space<hbm>> -> memref<640x16xf32, #tpu.memory_space<hbm>>
      %dma_start3A_98 = arith.constant 0 : i32
      %dma_start3A_99 = tpu.memref_slice %arg10[%mul3A_91, %dma_start3A_98] : memref<10240x16xf32, #tpu.memory_space<vmem_shared>> -> memref<640x16xf32, #tpu.memory_space<vmem_shared>>
      tpu.enqueue_dma source(%dma_start3A_99 : memref<640x16xf32, #tpu.memory_space<vmem_shared>>) target(%dma_start3A_97 : memref<640x16xf32, #tpu.memory_space<hbm>>) target_semaphore(%run_scoped3A_94 : memref<!tpu.dma_semaphore, #tpu.memory_space<semaphore_mem>>)
      %dma_wait3A_100 = arith.constant 0 : i32
      %dma_wait3A_101 = tpu.memref_slice %arg4[%arg0, %mul3A_93, %dma_wait3A_100] : memref<2x10240x16xf32, #tpu.memory_space<hbm>> -> memref<1x640x16xf32, #tpu.memory_space<hbm>>
      %dma_wait3A_102 = tpu.memref_squeeze %dma_wait3A_101 : memref<1x640x16xf32, #tpu.memory_space<hbm>> -> memref<640x16xf32, #tpu.memory_space<hbm>>
      %dma_wait3A_103 = arith.constant 0 : i32
      %dma_wait3A_104 = tpu.memref_slice %arg10[%mul3A_91, %dma_wait3A_103] : memref<10240x16xf32, #tpu.memory_space<vmem_shared>> -> memref<640x16xf32, #tpu.memory_space<vmem_shared>>
      tpu.wait_dma2 semaphore(%run_scoped3A_94 : memref<!tpu.dma_semaphore, #tpu.memory_space<semaphore_mem>>) src(%dma_wait3A_104 : memref<640x16xf32, #tpu.memory_space<vmem_shared>>) dst(%dma_wait3A_102 : memref<640x16xf32, #tpu.memory_space<hbm>>)
      tpu.yield
    }) : () -> ()
    return
  }
}

module attributes {stable_mosaic.version = 14 : i64} {
  func.func @_tc_scale_in(%arg0: memref<1280x1024xf32, #tpu.memory_space<vmem>>, %arg1: memref<128x16xf32, #tpu.memory_space<vmem>>, %arg2: memref<2x1280x8xf32, #tpu.memory_space<vmem>>, %arg3: memref<1280x128xf32, #tpu.memory_space<vmem>>, %arg4: memref<1280x128xf32, #tpu.memory_space<vmem>>) attributes {dimension_semantics = [], scalar_prefetch = 0 : i64, scratch_operands = 0 : i64, tpu.core_type = #tpu.core_type<tc>} {
    %get3A = arith.constant 0 : index
    %get3A_0 = arith.constant 0 : index
    %get3A_1 = arith.constant 0 : index
    %get3A_2 = vector.load %arg2[%get3A, %get3A_0, %get3A_1] : memref<2x1280x8xf32, #tpu.memory_space<vmem>>, vector<1x1280x8xf32>
    %get3A_3 = vector.shape_cast %get3A_2 : vector<1x1280x8xf32> to vector<1280x8xf32>
    %add3A = arith.constant 1.000000e+00 : f32
    %add3A_4 = vector.broadcast %add3A : f32 to vector<1280x8xf32>
    %add3A_5 = arith.addf %add3A_4, %get3A_3 : vector<1280x8xf32>
    %get3A_6 = arith.constant 1 : index
    %get3A_7 = arith.constant 0 : index
    %get3A_8 = arith.constant 0 : index
    %get3A_9 = vector.load %arg2[%get3A_6, %get3A_7, %get3A_8] : memref<2x1280x8xf32, #tpu.memory_space<vmem>>, vector<1x1280x8xf32>
    %get3A_10 = vector.shape_cast %get3A_9 : vector<1x1280x8xf32> to vector<1280x8xf32>
    %add3A_11 = arith.addf %add3A_5, %get3A_10 : vector<1280x8xf32>
    %rsqrt3A = math.rsqrt %add3A_11 : vector<1280x8xf32>
    %iota3A = tpu.iota {dimensions = array<i32: 0>} : vector<8x128xi32>
    %iota3A_12 = tpu.iota {dimensions = array<i32: 1>} : vector<8x128xi32>
    %jit3A = arith.constant 16 : i32
    %div3A = vector.broadcast %jit3A : i32 to vector<8x128xi32>
    %div3A_13 = arith.divsi %iota3A_12, %div3A : vector<8x128xi32>
    %sign3A = arith.constant 0 : i32
    %sign3A_14 = vector.broadcast %sign3A : i32 to vector<8x128xi32>
    %sign3A_15 = arith.cmpi sgt, %iota3A_12, %sign3A_14 : vector<8x128xi32>
    %sign3A_16 = arith.extui %sign3A_15 : vector<8x128xi1> to vector<8x128xi32>
    %sign3A_17 = arith.constant 0 : i32
    %sign3A_18 = vector.broadcast %sign3A_17 : i32 to vector<8x128xi32>
    %sign3A_19 = arith.cmpi slt, %iota3A_12, %sign3A_18 : vector<8x128xi32>
    %sign3A_20 = arith.extui %sign3A_19 : vector<8x128xi1> to vector<8x128xi32>
    %sign3A_21 = arith.subi %sign3A_16, %sign3A_20 : vector<8x128xi32>
    %sign3A_22 = arith.constant 0 : i32
    %sign3A_23 = arith.cmpi sgt, %jit3A, %sign3A_22 : i32
    %sign3A_24 = arith.extui %sign3A_23 : i1 to i32
    %sign3A_25 = arith.constant 0 : i32
    %sign3A_26 = arith.cmpi slt, %jit3A, %sign3A_25 : i32
    %sign3A_27 = arith.extui %sign3A_26 : i1 to i32
    %sign3A_28 = arith.subi %sign3A_24, %sign3A_27 : i32
    %ne3A = vector.broadcast %sign3A_28 : i32 to vector<8x128xi32>
    %ne3A_29 = arith.cmpi ne, %sign3A_21, %ne3A : vector<8x128xi32>
    %rem3A = vector.broadcast %jit3A : i32 to vector<8x128xi32>
    %rem3A_30 = arith.remsi %iota3A_12, %rem3A : vector<8x128xi32>
    %ne3A_31 = arith.constant 0 : i32
    %ne3A_32 = vector.broadcast %ne3A_31 : i32 to vector<8x128xi32>
    %ne3A_33 = arith.cmpi ne, %rem3A_30, %ne3A_32 : vector<8x128xi32>
    %and3A = arith.andi %ne3A_29, %ne3A_33 : vector<8x128xi1>
    %sub3A = arith.constant 1 : i32
    %sub3A_34 = vector.broadcast %sub3A : i32 to vector<8x128xi32>
    %sub3A_35 = arith.subi %div3A_13, %sub3A_34 : vector<8x128xi32>
    %select_n3A = arith.select %and3A, %sub3A_35, %div3A_13 : vector<8x128xi1>, vector<8x128xi32>
    %eq3A = arith.cmpi eq, %iota3A, %select_n3A : vector<8x128xi32>
    %jit3A_36 = arith.constant 1.000000e+00 : f32
    %jit3A_37 = arith.constant 0.000000e+00 : f32
    %broadcast_in_dim3A = vector.broadcast %jit3A_36 : f32 to vector<8x128xf32>
    %broadcast_in_dim3A_38 = vector.broadcast %jit3A_37 : f32 to vector<8x128xf32>
    %select_n3A_39 = arith.select %eq3A, %broadcast_in_dim3A, %broadcast_in_dim3A_38 : vector<8x128xi1>, vector<8x128xf32>
    %dot_general3A = arith.constant dense<0.000000e+00> : vector<1280x128xf32>
    %dot_general3A_40 = tpu.matmul %rsqrt3A, %select_n3A_39, %dot_general3A {dimension_numbers = #tpu.dot_dimension_numbers<[1], [0], [0], [1], [0, 0, 1, 1], [], []>, transpose_lhs_hint = false} : vector<1280x8xf32>, vector<8x128xf32>, vector<1280x128xf32> -> vector<1280x128xf32>
    %get3A_41 = arith.constant 0 : index
    %get3A_42 = arith.constant 0 : index
    %get3A_43 = vector.load %arg1[%get3A_41, %get3A_42] : memref<128x16xf32, #tpu.memory_space<vmem>>, vector<128x16xf32>
    %tile3A = tpu.concatenate %get3A_43, %get3A_43, %get3A_43, %get3A_43, %get3A_43, %get3A_43, %get3A_43, %get3A_43 in 0 : vector<128x16xf32>, vector<128x16xf32>, vector<128x16xf32>, vector<128x16xf32>, vector<128x16xf32>, vector<128x16xf32>, vector<128x16xf32>, vector<128x16xf32> -> vector<1024x16xf32>
    %tile3A_44 = tpu.concatenate %tile3A, %tile3A, %tile3A, %tile3A, %tile3A, %tile3A, %tile3A, %tile3A in 1 : vector<1024x16xf32>, vector<1024x16xf32>, vector<1024x16xf32>, vector<1024x16xf32>, vector<1024x16xf32>, vector<1024x16xf32>, vector<1024x16xf32>, vector<1024x16xf32> -> vector<1024x128xf32>
    %iota3A_45 = tpu.iota {dimensions = array<i32: 0>} : vector<1024x128xi32>
    %jit3A_46 = arith.constant 128 : i32
    %div3A_47 = vector.broadcast %jit3A_46 : i32 to vector<1024x128xi32>
    %div3A_48 = arith.divsi %iota3A_45, %div3A_47 : vector<1024x128xi32>
    %sign3A_49 = arith.constant 0 : i32
    %sign3A_50 = vector.broadcast %sign3A_49 : i32 to vector<1024x128xi32>
    %sign3A_51 = arith.cmpi sgt, %iota3A_45, %sign3A_50 : vector<1024x128xi32>
    %sign3A_52 = arith.extui %sign3A_51 : vector<1024x128xi1> to vector<1024x128xi32>
    %sign3A_53 = arith.constant 0 : i32
    %sign3A_54 = vector.broadcast %sign3A_53 : i32 to vector<1024x128xi32>
    %sign3A_55 = arith.cmpi slt, %iota3A_45, %sign3A_54 : vector<1024x128xi32>
    %sign3A_56 = arith.extui %sign3A_55 : vector<1024x128xi1> to vector<1024x128xi32>
    %sign3A_57 = arith.subi %sign3A_52, %sign3A_56 : vector<1024x128xi32>
    %sign3A_58 = arith.constant 0 : i32
    %sign3A_59 = arith.cmpi sgt, %jit3A_46, %sign3A_58 : i32
    %sign3A_60 = arith.extui %sign3A_59 : i1 to i32
    %sign3A_61 = arith.constant 0 : i32
    %sign3A_62 = arith.cmpi slt, %jit3A_46, %sign3A_61 : i32
    %sign3A_63 = arith.extui %sign3A_62 : i1 to i32
    %sign3A_64 = arith.subi %sign3A_60, %sign3A_63 : i32
    %ne3A_65 = vector.broadcast %sign3A_64 : i32 to vector<1024x128xi32>
    %ne3A_66 = arith.cmpi ne, %sign3A_57, %ne3A_65 : vector<1024x128xi32>
    %rem3A_67 = vector.broadcast %jit3A_46 : i32 to vector<1024x128xi32>
    %rem3A_68 = arith.remsi %iota3A_45, %rem3A_67 : vector<1024x128xi32>
    %ne3A_69 = arith.constant 0 : i32
    %ne3A_70 = vector.broadcast %ne3A_69 : i32 to vector<1024x128xi32>
    %ne3A_71 = arith.cmpi ne, %rem3A_68, %ne3A_70 : vector<1024x128xi32>
    %and3A_72 = arith.andi %ne3A_66, %ne3A_71 : vector<1024x128xi1>
    %sub3A_73 = arith.constant 1 : i32
    %sub3A_74 = vector.broadcast %sub3A_73 : i32 to vector<1024x128xi32>
    %sub3A_75 = arith.subi %div3A_48, %sub3A_74 : vector<1024x128xi32>
    %select_n3A_76 = arith.select %and3A_72, %sub3A_75, %div3A_48 : vector<1024x128xi1>, vector<1024x128xi32>
    %iota3A_77 = tpu.iota {dimensions = array<i32: 1>} : vector<1024x128xi32>
    %jit3A_78 = arith.constant 16 : i32
    %div3A_79 = vector.broadcast %jit3A_78 : i32 to vector<1024x128xi32>
    %div3A_80 = arith.divsi %iota3A_77, %div3A_79 : vector<1024x128xi32>
    %sign3A_81 = arith.constant 0 : i32
    %sign3A_82 = vector.broadcast %sign3A_81 : i32 to vector<1024x128xi32>
    %sign3A_83 = arith.cmpi sgt, %iota3A_77, %sign3A_82 : vector<1024x128xi32>
    %sign3A_84 = arith.extui %sign3A_83 : vector<1024x128xi1> to vector<1024x128xi32>
    %sign3A_85 = arith.constant 0 : i32
    %sign3A_86 = vector.broadcast %sign3A_85 : i32 to vector<1024x128xi32>
    %sign3A_87 = arith.cmpi slt, %iota3A_77, %sign3A_86 : vector<1024x128xi32>
    %sign3A_88 = arith.extui %sign3A_87 : vector<1024x128xi1> to vector<1024x128xi32>
    %sign3A_89 = arith.subi %sign3A_84, %sign3A_88 : vector<1024x128xi32>
    %sign3A_90 = arith.constant 0 : i32
    %sign3A_91 = arith.cmpi sgt, %jit3A_78, %sign3A_90 : i32
    %sign3A_92 = arith.extui %sign3A_91 : i1 to i32
    %sign3A_93 = arith.constant 0 : i32
    %sign3A_94 = arith.cmpi slt, %jit3A_78, %sign3A_93 : i32
    %sign3A_95 = arith.extui %sign3A_94 : i1 to i32
    %sign3A_96 = arith.subi %sign3A_92, %sign3A_95 : i32
    %ne3A_97 = vector.broadcast %sign3A_96 : i32 to vector<1024x128xi32>
    %ne3A_98 = arith.cmpi ne, %sign3A_89, %ne3A_97 : vector<1024x128xi32>
    %rem3A_99 = vector.broadcast %jit3A_78 : i32 to vector<1024x128xi32>
    %rem3A_100 = arith.remsi %iota3A_77, %rem3A_99 : vector<1024x128xi32>
    %ne3A_101 = arith.constant 0 : i32
    %ne3A_102 = vector.broadcast %ne3A_101 : i32 to vector<1024x128xi32>
    %ne3A_103 = arith.cmpi ne, %rem3A_100, %ne3A_102 : vector<1024x128xi32>
    %and3A_104 = arith.andi %ne3A_98, %ne3A_103 : vector<1024x128xi1>
    %sub3A_105 = arith.constant 1 : i32
    %sub3A_106 = vector.broadcast %sub3A_105 : i32 to vector<1024x128xi32>
    %sub3A_107 = arith.subi %div3A_80, %sub3A_106 : vector<1024x128xi32>
    %select_n3A_108 = arith.select %and3A_104, %sub3A_107, %div3A_80 : vector<1024x128xi1>, vector<1024x128xi32>
    %eq3A_109 = arith.cmpi eq, %select_n3A_76, %select_n3A_108 : vector<1024x128xi32>
    %jit3A_110 = arith.constant 0.000000e+00 : f32
    %broadcast_in_dim3A_111 = vector.broadcast %jit3A_110 : f32 to vector<1024x128xf32>
    %select_n3A_112 = arith.select %eq3A_109, %tile3A_44, %broadcast_in_dim3A_111 : vector<1024x128xi1>, vector<1024x128xf32>
    %get3A_113 = arith.constant 0 : index
    %get3A_114 = arith.constant 0 : index
    %get3A_115 = vector.load %arg0[%get3A_113, %get3A_114] : memref<1280x1024xf32, #tpu.memory_space<vmem>>, vector<1280x1024xf32>
    %dot_general3A_116 = arith.constant dense<0.000000e+00> : vector<1280x128xf32>
    %dot_general3A_117 = tpu.matmul %get3A_115, %select_n3A_112, %dot_general3A_116 {dimension_numbers = #tpu.dot_dimension_numbers<[1], [0], [0], [1], [0, 0, 1, 1], [], []>, transpose_lhs_hint = false} : vector<1280x1024xf32>, vector<1024x128xf32>, vector<1280x128xf32> -> vector<1280x128xf32>
    %swap3A = arith.constant 0 : index
    %swap3A_118 = arith.constant 0 : index
    %swap3A_119 = vector.load %arg4[%swap3A, %swap3A_118] : memref<1280x128xf32, #tpu.memory_space<vmem>>, vector<1280x128xf32>
    tpu.vector_store %arg4[%swap3A, %swap3A_118], %dot_general3A_40 {strides = array<i32>} : memref<1280x128xf32, #tpu.memory_space<vmem>>, vector<1280x128xf32>,
    %mul3A = arith.mulf %dot_general3A_117, %dot_general3A_40 : vector<1280x128xf32>
    %swap3A_120 = arith.constant 0 : index
    %swap3A_121 = arith.constant 0 : index
    %swap3A_122 = vector.load %arg3[%swap3A_120, %swap3A_121] : memref<1280x128xf32, #tpu.memory_space<vmem>>, vector<1280x128xf32>
    tpu.vector_store %arg3[%swap3A_120, %swap3A_121], %mul3A {strides = array<i32>} : memref<1280x128xf32, #tpu.memory_space<vmem>>, vector<1280x128xf32>,
    return
  }
}

module attributes {stable_mosaic.version = 14 : i64} {
  func.func @_tc_mid(%arg0: memref<2x1280x128xf32, #tpu.memory_space<vmem>>, %arg1: memref<1280x128xf32, #tpu.memory_space<vmem>>, %arg2: memref<1280x128xf32, #tpu.memory_space<vmem>>, %arg3: memref<16xf32, #tpu.memory_space<vmem>>, %arg4: memref<1280x128xf32, #tpu.memory_space<vmem>>) attributes {dimension_semantics = [], scalar_prefetch = 0 : i64, scratch_operands = 0 : i64, tpu.core_type = #tpu.core_type<tc>} {
    %get3A = arith.constant 0 : index
    %get3A_0 = arith.constant 0 : index
    %get3A_1 = vector.load %arg2[%get3A, %get3A_0] : memref<1280x128xf32, #tpu.memory_space<vmem>>, vector<1280x128xf32>
    %get3A_2 = arith.constant 0 : index
    %get3A_3 = vector.load %arg3[%get3A_2] : memref<16xf32, #tpu.memory_space<vmem>>, vector<16xf32>
    %tile3A = tpu.concatenate %get3A_3, %get3A_3, %get3A_3, %get3A_3, %get3A_3, %get3A_3, %get3A_3, %get3A_3 in 0 : vector<16xf32>, vector<16xf32>, vector<16xf32>, vector<16xf32>, vector<16xf32>, vector<16xf32>, vector<16xf32>, vector<16xf32> -> vector<128xf32>
    %get3A_4 = arith.constant 0 : index
    %get3A_5 = arith.constant 0 : index
    %get3A_6 = arith.constant 0 : index
    %get3A_7 = vector.load %arg0[%get3A_4, %get3A_5, %get3A_6] : memref<2x1280x128xf32, #tpu.memory_space<vmem>>, vector<1x1280x128xf32>
    %get3A_8 = vector.shape_cast %get3A_7 : vector<1x1280x128xf32> to vector<1280x128xf32>
    %get3A_9 = arith.constant 1 : index
    %get3A_10 = arith.constant 0 : index
    %get3A_11 = arith.constant 0 : index
    %get3A_12 = vector.load %arg0[%get3A_9, %get3A_10, %get3A_11] : memref<2x1280x128xf32, #tpu.memory_space<vmem>>, vector<1x1280x128xf32>
    %get3A_13 = vector.shape_cast %get3A_12 : vector<1x1280x128xf32> to vector<1280x128xf32>
    %add3A = arith.addf %get3A_8, %get3A_13 : vector<1280x128xf32>
    %get3A_14 = arith.constant 0 : index
    %get3A_15 = arith.constant 0 : index
    %get3A_16 = vector.load %arg1[%get3A_14, %get3A_15] : memref<1280x128xf32, #tpu.memory_space<vmem>>, vector<1280x128xf32>
    %add3A_17 = arith.addf %add3A, %get3A_16 : vector<1280x128xf32>
    %mul3A = arith.mulf %add3A_17, %get3A_1 : vector<1280x128xf32>
    %broadcast_in_dim3A = vector.shape_cast %tile3A : vector<128xf32> to vector<1x128xf32>
    %add3A_18 = vector.broadcast %broadcast_in_dim3A : vector<1x128xf32> to vector<1280x128xf32>
    %add3A_19 = arith.addf %mul3A, %add3A_18 : vector<1280x128xf32>
    %max3A = arith.constant 0.000000e+00 : f32
    %max3A_20 = vector.broadcast %max3A : f32 to vector<1280x128xf32>
    %max3A_21 = arith.maximumf %add3A_19, %max3A_20 : vector<1280x128xf32>
    %mul3A_22 = arith.mulf %max3A_21, %get3A_1 : vector<1280x128xf32>
    %swap3A = arith.constant 0 : index
    %swap3A_23 = arith.constant 0 : index
    %swap3A_24 = vector.load %arg4[%swap3A, %swap3A_23] : memref<1280x128xf32, #tpu.memory_space<vmem>>, vector<1280x128xf32>
    tpu.vector_store %arg4[%swap3A, %swap3A_23], %mul3A_22 {strides = array<i32>} : memref<1280x128xf32, #tpu.memory_space<vmem>>, vector<1280x128xf32>,
    return
  }
}

module attributes {stable_mosaic.version = 14 : i64} {
  func.func @_tc_out(%arg0: memref<2x1280x128xf32, #tpu.memory_space<vmem>>, %arg1: memref<1280x128xf32, #tpu.memory_space<vmem>>, %arg2: memref<1280x128xf32, #tpu.memory_space<vmem>>, %arg3: memref<16x2xf32, #tpu.memory_space<vmem>>, %arg4: memref<2xf32, #tpu.memory_space<vmem>>, %arg5: memref<1280x16xf32, #tpu.memory_space<vmem>>) attributes {dimension_semantics = [], scalar_prefetch = 0 : i64, scratch_operands = 0 : i64, tpu.core_type = #tpu.core_type<tc>} {
    %get3A = arith.constant 0 : index
    %get3A_0 = arith.constant 0 : index
    %get3A_1 = arith.constant 0 : index
    %get3A_2 = vector.load %arg0[%get3A, %get3A_0, %get3A_1] : memref<2x1280x128xf32, #tpu.memory_space<vmem>>, vector<1x1280x128xf32>
    %get3A_3 = vector.shape_cast %get3A_2 : vector<1x1280x128xf32> to vector<1280x128xf32>
    %get3A_4 = arith.constant 1 : index
    %get3A_5 = arith.constant 0 : index
    %get3A_6 = arith.constant 0 : index
    %get3A_7 = vector.load %arg0[%get3A_4, %get3A_5, %get3A_6] : memref<2x1280x128xf32, #tpu.memory_space<vmem>>, vector<1x1280x128xf32>
    %get3A_8 = vector.shape_cast %get3A_7 : vector<1x1280x128xf32> to vector<1280x128xf32>
    %add3A = arith.addf %get3A_3, %get3A_8 : vector<1280x128xf32>
    %get3A_9 = arith.constant 0 : index
    %get3A_10 = arith.constant 0 : index
    %get3A_11 = vector.load %arg1[%get3A_9, %get3A_10] : memref<1280x128xf32, #tpu.memory_space<vmem>>, vector<1280x128xf32>
    %add3A_12 = arith.addf %add3A, %get3A_11 : vector<1280x128xf32>
    %get3A_13 = arith.constant 0 : index
    %get3A_14 = arith.constant 0 : index
    %get3A_15 = vector.load %arg2[%get3A_13, %get3A_14] : memref<1280x128xf32, #tpu.memory_space<vmem>>, vector<1280x128xf32>
    %mul3A = arith.mulf %add3A_12, %get3A_15 : vector<1280x128xf32>
    %get3A_16 = arith.constant 0 : index
    %get3A_17 = arith.constant 0 : index
    %get3A_18 = vector.load %arg3[%get3A_16, %get3A_17] : memref<16x2xf32, #tpu.memory_space<vmem>>, vector<16x2xf32>
    %tile3A = tpu.concatenate %get3A_18, %get3A_18, %get3A_18, %get3A_18, %get3A_18, %get3A_18, %get3A_18, %get3A_18 in 0 : vector<16x2xf32>, vector<16x2xf32>, vector<16x2xf32>, vector<16x2xf32>, vector<16x2xf32>, vector<16x2xf32>, vector<16x2xf32>, vector<16x2xf32> -> vector<128x2xf32>
    %tile3A_19 = tpu.concatenate %tile3A, %tile3A, %tile3A, %tile3A, %tile3A, %tile3A, %tile3A, %tile3A in 1 : vector<128x2xf32>, vector<128x2xf32>, vector<128x2xf32>, vector<128x2xf32>, vector<128x2xf32>, vector<128x2xf32>, vector<128x2xf32>, vector<128x2xf32> -> vector<128x16xf32>
    %iota3A = tpu.iota {dimensions = array<i32: 0>} : vector<128x16xi32>
    %jit3A = arith.constant 16 : i32
    %div3A = vector.broadcast %jit3A : i32 to vector<128x16xi32>
    %div3A_20 = arith.divsi %iota3A, %div3A : vector<128x16xi32>
    %sign3A = arith.constant 0 : i32
    %sign3A_21 = vector.broadcast %sign3A : i32 to vector<128x16xi32>
    %sign3A_22 = arith.cmpi sgt, %iota3A, %sign3A_21 : vector<128x16xi32>
    %sign3A_23 = arith.extui %sign3A_22 : vector<128x16xi1> to vector<128x16xi32>
    %sign3A_24 = arith.constant 0 : i32
    %sign3A_25 = vector.broadcast %sign3A_24 : i32 to vector<128x16xi32>
    %sign3A_26 = arith.cmpi slt, %iota3A, %sign3A_25 : vector<128x16xi32>
    %sign3A_27 = arith.extui %sign3A_26 : vector<128x16xi1> to vector<128x16xi32>
    %sign3A_28 = arith.subi %sign3A_23, %sign3A_27 : vector<128x16xi32>
    %sign3A_29 = arith.constant 0 : i32
    %sign3A_30 = arith.cmpi sgt, %jit3A, %sign3A_29 : i32
    %sign3A_31 = arith.extui %sign3A_30 : i1 to i32
    %sign3A_32 = arith.constant 0 : i32
    %sign3A_33 = arith.cmpi slt, %jit3A, %sign3A_32 : i32
    %sign3A_34 = arith.extui %sign3A_33 : i1 to i32
    %sign3A_35 = arith.subi %sign3A_31, %sign3A_34 : i32
    %ne3A = vector.broadcast %sign3A_35 : i32 to vector<128x16xi32>
    %ne3A_36 = arith.cmpi ne, %sign3A_28, %ne3A : vector<128x16xi32>
    %rem3A = vector.broadcast %jit3A : i32 to vector<128x16xi32>
    %rem3A_37 = arith.remsi %iota3A, %rem3A : vector<128x16xi32>
    %ne3A_38 = arith.constant 0 : i32
    %ne3A_39 = vector.broadcast %ne3A_38 : i32 to vector<128x16xi32>
    %ne3A_40 = arith.cmpi ne, %rem3A_37, %ne3A_39 : vector<128x16xi32>
    %and3A = arith.andi %ne3A_36, %ne3A_40 : vector<128x16xi1>
    %sub3A = arith.constant 1 : i32
    %sub3A_41 = vector.broadcast %sub3A : i32 to vector<128x16xi32>
    %sub3A_42 = arith.subi %div3A_20, %sub3A_41 : vector<128x16xi32>
    %select_n3A = arith.select %and3A, %sub3A_42, %div3A_20 : vector<128x16xi1>, vector<128x16xi32>
    %iota3A_43 = tpu.iota {dimensions = array<i32: 1>} : vector<128x16xi32>
    %jit3A_44 = arith.constant 2 : i32
    %div3A_45 = vector.broadcast %jit3A_44 : i32 to vector<128x16xi32>
    %div3A_46 = arith.divsi %iota3A_43, %div3A_45 : vector<128x16xi32>
    %sign3A_47 = arith.constant 0 : i32
    %sign3A_48 = vector.broadcast %sign3A_47 : i32 to vector<128x16xi32>
    %sign3A_49 = arith.cmpi sgt, %iota3A_43, %sign3A_48 : vector<128x16xi32>
    %sign3A_50 = arith.extui %sign3A_49 : vector<128x16xi1> to vector<128x16xi32>
    %sign3A_51 = arith.constant 0 : i32
    %sign3A_52 = vector.broadcast %sign3A_51 : i32 to vector<128x16xi32>
    %sign3A_53 = arith.cmpi slt, %iota3A_43, %sign3A_52 : vector<128x16xi32>
    %sign3A_54 = arith.extui %sign3A_53 : vector<128x16xi1> to vector<128x16xi32>
    %sign3A_55 = arith.subi %sign3A_50, %sign3A_54 : vector<128x16xi32>
    %sign3A_56 = arith.constant 0 : i32
    %sign3A_57 = arith.cmpi sgt, %jit3A_44, %sign3A_56 : i32
    %sign3A_58 = arith.extui %sign3A_57 : i1 to i32
    %sign3A_59 = arith.constant 0 : i32
    %sign3A_60 = arith.cmpi slt, %jit3A_44, %sign3A_59 : i32
    %sign3A_61 = arith.extui %sign3A_60 : i1 to i32
    %sign3A_62 = arith.subi %sign3A_58, %sign3A_61 : i32
    %ne3A_63 = vector.broadcast %sign3A_62 : i32 to vector<128x16xi32>
    %ne3A_64 = arith.cmpi ne, %sign3A_55, %ne3A_63 : vector<128x16xi32>
    %rem3A_65 = vector.broadcast %jit3A_44 : i32 to vector<128x16xi32>
    %rem3A_66 = arith.remsi %iota3A_43, %rem3A_65 : vector<128x16xi32>
    %ne3A_67 = arith.constant 0 : i32
    %ne3A_68 = vector.broadcast %ne3A_67 : i32 to vector<128x16xi32>
    %ne3A_69 = arith.cmpi ne, %rem3A_66, %ne3A_68 : vector<128x16xi32>
    %and3A_70 = arith.andi %ne3A_64, %ne3A_69 : vector<128x16xi1>
    %sub3A_71 = arith.constant 1 : i32
    %sub3A_72 = vector.broadcast %sub3A_71 : i32 to vector<128x16xi32>
    %sub3A_73 = arith.subi %div3A_46, %sub3A_72 : vector<128x16xi32>
    %select_n3A_74 = arith.select %and3A_70, %sub3A_73, %div3A_46 : vector<128x16xi1>, vector<128x16xi32>
    %eq3A = arith.cmpi eq, %select_n3A, %select_n3A_74 : vector<128x16xi32>
    %jit3A_75 = arith.constant 0.000000e+00 : f32
    %broadcast_in_dim3A = vector.broadcast %jit3A_75 : f32 to vector<128x16xf32>
    %select_n3A_76 = arith.select %eq3A, %tile3A_19, %broadcast_in_dim3A : vector<128x16xi1>, vector<128x16xf32>
    %dot_general3A = arith.constant dense<0.000000e+00> : vector<1280x16xf32>
    %dot_general3A_77 = tpu.matmul %mul3A, %select_n3A_76, %dot_general3A {dimension_numbers = #tpu.dot_dimension_numbers<[1], [0], [0], [1], [0, 0, 1, 1], [], []>, transpose_lhs_hint = false} : vector<1280x128xf32>, vector<128x16xf32>, vector<1280x16xf32> -> vector<1280x16xf32>
    %get3A_78 = arith.constant 0 : index
    %get3A_79 = vector.load %arg4[%get3A_78] : memref<2xf32, #tpu.memory_space<vmem>>, vector<2xf32>
    %tile3A_80 = tpu.concatenate %get3A_79, %get3A_79, %get3A_79, %get3A_79, %get3A_79, %get3A_79, %get3A_79, %get3A_79 in 0 : vector<2xf32>, vector<2xf32>, vector<2xf32>, vector<2xf32>, vector<2xf32>, vector<2xf32>, vector<2xf32>, vector<2xf32> -> vector<16xf32>
    %broadcast_in_dim3A_81 = vector.shape_cast %tile3A_80 : vector<16xf32> to vector<1x16xf32>
    %add3A_82 = vector.broadcast %broadcast_in_dim3A_81 : vector<1x16xf32> to vector<1280x16xf32>
    %add3A_83 = arith.addf %dot_general3A_77, %add3A_82 : vector<1280x16xf32>
    %iota3A_84 = tpu.iota {dimensions = array<i32: 0>} : vector<16x16xi32>
    %xor3A = arith.constant 1 : i32
    %xor3A_85 = vector.broadcast %xor3A : i32 to vector<16x16xi32>
    %xor3A_86 = arith.xori %iota3A_84, %xor3A_85 : vector<16x16xi32>
    %iota3A_87 = tpu.iota {dimensions = array<i32: 1>} : vector<16x16xi32>
    %eq3A_88 = arith.cmpi eq, %xor3A_86, %iota3A_87 : vector<16x16xi32>
    %jit3A_89 = arith.constant 1.000000e+00 : f32
    %jit3A_90 = arith.constant 0.000000e+00 : f32
    %broadcast_in_dim3A_91 = vector.broadcast %jit3A_89 : f32 to vector<16x16xf32>
    %broadcast_in_dim3A_92 = vector.broadcast %jit3A_90 : f32 to vector<16x16xf32>
    %select_n3A_93 = arith.select %eq3A_88, %broadcast_in_dim3A_91, %broadcast_in_dim3A_92 : vector<16x16xi1>, vector<16x16xf32>
    %dot_general3A_94 = arith.constant dense<0.000000e+00> : vector<1280x16xf32>
    %dot_general3A_95 = tpu.matmul %add3A_83, %select_n3A_93, %dot_general3A_94 {dimension_numbers = #tpu.dot_dimension_numbers<[1], [0], [0], [1], [0, 0, 1, 1], [], []>, transpose_lhs_hint = false} : vector<1280x16xf32>, vector<16x16xf32>, vector<1280x16xf32> -> vector<1280x16xf32>
    %max3A = arith.maximumf %add3A_83, %dot_general3A_95 : vector<1280x16xf32>
    %sub3A_96 = arith.subf %add3A_83, %max3A : vector<1280x16xf32>
    %exp3A = math.exp %sub3A_96 : vector<1280x16xf32>
    %sub3A_97 = arith.subf %dot_general3A_95, %max3A : vector<1280x16xf32>
    %exp3A_98 = math.exp %sub3A_97 : vector<1280x16xf32>
    %add3A_99 = arith.addf %exp3A, %exp3A_98 : vector<1280x16xf32>
    %log3A = math.log %add3A_99 : vector<1280x16xf32>
    %add3A_100 = arith.addf %max3A, %log3A : vector<1280x16xf32>
    %sub3A_101 = arith.subf %add3A_83, %add3A_100 : vector<1280x16xf32>
    %swap3A = arith.constant 0 : index
    %swap3A_102 = arith.constant 0 : index
    %swap3A_103 = vector.load %arg5[%swap3A, %swap3A_102] : memref<1280x16xf32, #tpu.memory_space<vmem>>, vector<1280x16xf32>
    tpu.vector_store %arg5[%swap3A, %swap3A_102], %sub3A_101 {strides = array<i32>} : memref<1280x16xf32, #tpu.memory_space<vmem>>, vector<1280x16xf32>,
    return
  }
}

</mosaic_0001>

<sc_bundles>
// kernel: kernel.11.cloned.1.call-start
scs
__scs_entry_jumppad:
0x0: {  	(pc) =	sbr.rel $0x88, $3  }
0x1: {  	(tag) =	ssettag $0x0;
	lr =	simm.s32 $0x1  }
0x2: {  	[smem:$0x3F9B] =	sst lr;
	_ =	strace $0xD0000000  }
0x3: {  	_ = 	snop  }
0x4: {  	_ = 	snop  }
0x5: {  	_ = 	snop  }
0x6: {  	_ = 	snop  }
0x7: {  	_ = 	snop  }
__scs_overlays_trampoline_lowered:
0x8: {  	[smem:$0x3FAA] =	sst s0  }
0x9: {  	[smem:$0x3FAB] =	sst s1  }
0xa: {  	[smem:$0x3FAC] =	sst s2  }
0xb: {  	[smem:$0x3FAD] =	sst s3  }
0xc: {  	[smem:$0x3FAE] =	sst s4  }
0xd: {  	[smem:$0x3FAF] =	sst s5  }
0xe: {  	[smem:$0x3FB0] =	sst s6  }
0xf: {  	[smem:$0x3FB1] =	sst s7  }
0x10: {  	[smem:$0x3FB2] =	sst s8  }
0x11: {  	[smem:$0x3FB3] =	sst s9;
	s0 =	simm.s32 @!p0 $0x0  }
0x12: {  	s1 =	sld [smem:$0x3F99];
	s0 =	simm.s32 @p0 $0x1  }
0x13: {  	[smem:$0x3FB4] =	sst s0;
	s0 =	simm.s32 @!p1 $0x0  }
0x14: {  	s2 =	sld [smem:$0x3F98];
	s0 =	simm.s32 @p1 $0x1  }
0x15: {  	[smem:$0x3FB5] =	sst s0;
	s0 =	simm.s32 @!p2 $0x0  }
0x16: {  	s3 =	sld [smem:$0x3FDB];
	s0 =	simm.s32 @p2 $0x1  }
0x17: {  	s4 =	simm.s32 $0x1BF5;
	[smem:$0x3FB7] =	sst s0  }
0x18: {  	s0 =	sld [smem:$0x3F9A];
	_ =	swait.ge [sflag:s4], $0x0  }
0x19: {  	s7 =	sld [smem:$0x3F9B]  }
0x1a: {  	s8 =	sadd.s32 $0xFFFFE003, lr  }
0x1b: {  	s9 =	sadd.s32 $0xFFFFFEF7, lr;
	s5 =	simm.s32 $0xFFFFFFFF;
	p2 =	slt.u32 s8, $0xFFFFF086  }
0x1c: {  	p1 =	slt.u32 s9, $0xF7A;
	s5 =	simm.s32 @!p2 $0x0  }
0x1d: {  	s5 =	simm.s32 @p1 $0x1;
	p0 =	seq.s32 s7, s2  }
0x1e: {  	s7 =	smul.u32 @!p0 $0xF7A, s2;
	p2 =	seq.s32 @!p0 s5, $0x0  }
0x1f: {  	s9 =	smul.u32 $0xF7A, s1;
	s8 =	simm.s32 @!p0 $0x1BF5;
	p2 =	por !p2, p0  }
0x20: {  	[sflag:s8] =	ssyncset.s32 @!p0 $0xFFFFF086;
	s6 =	sadd.s32 @!p0 s3, s7;
	s7 =	simm.s32 @!p0 $0x108  }
0x21: {  	s3 =	sadd.s32 s3, s9;
	s6 =	sadd.s32 @!p0 $0x88, s6;
	s7 =	simm.s32 @p2 $0x1082  }
0x22: {  	[simem:s7], [sflag:s8] =	dma.local @!p0 [hbm:s6], $0xF7A  }
0x23: {  	s9 =	sor.u32 $0xD0000000, s2;
	s6 =	simm.s32 $0x108;
	_ =	swait.ge @!p0 [sflag:s8], $0x0  }
0x24: {  	s3 =	sadd.s32 $0x88, s3;
	s6 =	simm.s32 @!p1 $0x1082;
	[sflag:s4] =	ssyncset.s32 $0xFFFFF086  }
0x25: {  	[simem:s6], [sflag:s4] =	dma.local [hbm:s3], $0xF7A  }
0x26: {  	[smem:$0x3F9B] =	sst s1;
	(tag) =	ssettag s2;
	_ =	strace s9  }
0x27: {  	s1 =	sld [smem:$0x3FAB]  }
0x28: {  	s2 =	sld [smem:$0x3FAC]  }
0x29: {  	s4 =	sld [smem:$0x3FAE]  }
0x2a: {  	p0 =	seq.s32 s5, $0x0;
	s5 =	sld [smem:$0x3FAF]  }
0x2b: {  	s6 =	sld [smem:$0x3FB0]  }
0x2c: {  	s7 =	sld [smem:$0x3FB1]  }
0x2d: {  	s3 =	simm.s32 $0x108;
	s8 =	sld [smem:$0x3FB2]  }
0x2e: {  	s3 =	simm.s32 @!p0 $0x1082;
	s9 =	sld [smem:$0x3FB3]  }
0x2f: {  	lr =	sadd.s32 s0, s3;
	s0 =	sld [smem:$0x3FAA]  }
0x30: {  	s3 =	sld [smem:$0x3FAD]  }
0x31: {  	[smem:$0x3FB6] =	sst s10  }
0x32: {  	s10 =	sld [smem:$0x3FB4];
	_ =	sdelay $0x3  }
0x33: {  	p0 =	seq.s32 s10, $0x1;
	s10 =	sld [smem:$0x3FB6];
	_ =	sdelay $0x3  }
0x34: {  	[smem:$0x3FB6] =	sst s10  }
0x35: {  	s10 =	sld [smem:$0x3FB5];
	_ =	sdelay $0x3  }
0x36: {  	p1 =	seq.s32 s10, $0x1;
	s10 =	sld [smem:$0x3FB6];
	_ =	sdelay $0x3  }
0x37: {  	[smem:$0x3FB6] =	sst s10  }
0x38: {  	s10 =	sld [smem:$0x3FB7]  }
0x39: {  	_ = 	snop;
	(pc) =	sbr.ind lr, $3  }
0x3a: {  	_ = 	snop  }
0x3b: {  	_ = 	snop  }
0x3c: {  	p2 =	seq.s32 s10, $0x1;
	s10 =	sld [smem:$0x3FB6]  }
0x3d: {  	_ =	shalt  }
0x3e: {  	_ =	shalt  }
0x3f: {  	_ =	shalt  }
0x40: {  	_ =	shalt  }
0x41: {  	_ =	shalt  }
0x42: {  	_ =	shalt  }
0x43: {  	_ =	shalt  }
0x44: {  	_ =	shalt  }
0x45: {  	_ =	shalt  }
0x46: {  	_ =	shalt  }
0x47: {  	_ =	shalt  }
0x48: {  	_ =	shalt  }
0x49: {  	_ =	shalt  }
0x4a: {  	_ =	shalt  }
0x4b: {  	_ =	shalt  }
0x4c: {  	_ =	shalt  }
0x4d: {  	_ =	shalt  }
0x4e: {  	_ =	shalt  }
0x4f: {  	_ =	shalt  }
0x50: {  	_ =	shalt  }
0x51: {  	_ =	shalt  }
0x52: {  	_ =	shalt  }
0x53: {  	_ =	shalt  }
0x54: {  	_ =	shalt  }
0x55: {  	_ =	shalt  }
0x56: {  	_ =	shalt  }
0x57: {  	_ =	shalt  }
0x58: {  	_ =	shalt  }
0x59: {  	_ =	shalt  }
0x5a: {  	_ =	shalt  }
0x5b: {  	_ =	shalt  }
0x5c: {  	_ =	shalt  }
0x5d: {  	_ =	shalt  }
0x5e: {  	_ =	shalt  }
0x5f: {  	_ =	shalt  }
0x60: {  	_ =	shalt  }
0x61: {  	_ =	shalt  }
0x62: {  	_ =	shalt  }
0x63: {  	_ =	shalt  }
0x64: {  	_ =	shalt  }
0x65: {  	_ =	shalt  }
0x66: {  	_ =	shalt  }
0x67: {  	_ =	shalt  }
0x68: {  	_ =	shalt  }
0x69: {  	_ =	shalt  }
0x6a: {  	_ =	shalt  }
0x6b: {  	_ =	shalt  }
0x6c: {  	_ =	shalt  }
0x6d: {  	_ =	shalt  }
0x6e: {  	_ =	shalt  }
0x6f: {  	_ =	shalt  }
0x70: {  	_ =	shalt  }
0x71: {  	_ =	shalt  }
0x72: {  	_ =	shalt  }
0x73: {  	_ =	shalt  }
0x74: {  	_ =	shalt  }
0x75: {  	_ =	shalt  }
0x76: {  	_ =	shalt  }
0x77: {  	_ =	shalt  }
0x78: {  	_ =	shalt  }
0x79: {  	_ =	shalt  }
0x7a: {  	_ =	shalt  }
0x7b: {  	_ =	shalt  }
0x7c: {  	_ =	shalt  }
0x7d: {  	_ =	shalt  }
0x7e: {  	_ =	shalt  }
0x7f: {  	_ =	shalt  }
0x80: {  	_ =	shalt  }
0x81: {  	_ =	shalt  }
0x82: {  	_ =	shalt  }
0x83: {  	_ =	shalt  }
0x84: {  	_ =	shalt  }
0x85: {  	_ =	shalt  }
0x86: {  	_ =	shalt  }
0x87: {  	_ =	shalt  }
.Lfunc_end0:
.L_simem_size_0:
called_computation.1_lowered:
.L_overlay_start_0:
0x88: {  	s2 =	sld [smem:$0x3FD9]  }
0x89: {  	s3 =	sld [smem:$0x3FFE];
	_ =	sdelay $0x1  }
0x8a: {  	s1 =	srdreg.scid  }
0x8b: {  	s0 =	sand.u32 $0x1, s1  }
0x8c: {  	s16 =	sshll.u32 s0, $0xA;
	s2 =	sadd.s32 s3, s2  }
0x8d: {  	s2 =	sadd.s32 s2, s16  }
0x8e: {  	[smem:$0x3FC2] =	sst s2  }
0x8f: {  	_ = 	snop  }
0x90: {  	(tm) =	ssettm $0x1  }
0x91: {  	s17 =	sld [smem:$0x3FFB];
	_ =	sdelay $0x3  }
0x92: {  	_ =	strace s17  }
0x93: {  	s2 =	sld [smem:$0x3FFC];
	_ =	sdelay $0x3  }
0x94: {  	_ =	strace s2  }
0x95: {  	s2 =	sld [smem:$0x3FFD];
	_ =	sdelay $0x3  }
0x96: {  	_ =	strace s2  }
0x97: {  	_ =	strace $0x8FFFFFFF  }
0x98: {  	s18 =	sld [smem:$0x3FDB];
	_ =	sdelay $0x1  }
0x99: {  	s19 =	simm.s32 $_scs_section_size  }
0x9a: {  	s4 =	simm.s32 $_size__tile_overlayer_lowered;
	s5 =	simm.s32 $_tile_overlayer_lowered  }
0x9b: {  	s22 =	simm.s32 $0x1BFF;
	s21 =	sshll.u32 s5, $0x1;
	s2 =	sadd.s32 s19, s18  }
0x9c: {  	s6 =	simm.s32 $0x0;
	s20 =	sshll.u32 s4, $0x1;
	s4 =	sadd.s32 s21, s2  }
0x9d: {  	[timem:s6], [sflag:s22] =	dma.local [hbm:s4], s20  }
0x9e: {  	_ =	swait.ge [sflag:s22], s20  }
0x9f: {  	s3 =	ssub.s32 $0x0, s20;
	[sflag:s22] =	ssyncset.done $0x0  }
0xa0: {  	[sflag:s22] =	ssyncadd.s32 s3;
	_ =	sdelay $0x1  }
0xa1: {  	s23 =	simm.s32 $0x1B8B  }
0xa2: {  	_ =	swait.ge [sflag:s23], $0x1  }
0xa3: {  	[sflag:s23] =	ssyncset.done $0x0  }
0xa4: {  	s25 =	simm.s32 $0x1B8E;
	s24 =	sld [smem:$0x3FFE];
	[sflag:s23] =	ssyncadd.s32 $0xFFFFFFFF  }
0xa5: {  	s26 =	simm.s32 $execute0_lowered;
	[smem:$0x3FD2] =	sst s25  }
0xa6: {  	s4 =	sshll.u32 s26, $0x1;
	_ =	strace $0x80000049;
	[dreg:$0x1] =	wrdreg $0xFFFFFFFF  }
0xa7: {  	s28 =	simm.s32 $_size_execute0_lowered;
	s2 =	sadd.s32 s2, s4;
	[dreg:$0x0] =	wrdreg $0x0  }
0xa8: {  	s4 =	sshll.u32 s28, $0x1;
	[dreg:$0x2] =	wrdreg s2  }
0xa9: {  	[dreg:$0x3] =	wrdreg s4  }
0xaa: {  	[dreg:$0x4] =	wrdreg $0xC0  }
0xab: {  	_ =	task [dreg:s6], $0x5FFFF  }
0xac: {  	[dreg:$0x1] =	wrdreg $0xFFFFFFFF  }
0xad: {  	[dreg:$0x0] =	wrdreg $0x60  }
0xae: {  	[dreg:$0x2] =	wrdreg s24  }
0xaf: {  	[dreg:$0x3] =	wrdreg $0xA7200  }
0xb0: {  	[dreg:$0x4] =	wrdreg $0x9  }
0xb1: {  	_ =	task.clear_ibuf [dreg:s6], $0x5FFFF;
	_ =	strace $0x90000049  }
0xb2: {  	s29 =	simm.s32 $0x9;
	_ =	strace $0x8000004B  }
0xb3: {  	_ =	swait.ge [sflag:s29], $0x1  }
0xb4: {  	[sflag:s29] =	ssyncadd.s32 $0xFFFFFFFF  }
0xb5: {  	_ =	strace $0x9000004B  }
0xb6: {  	_ =	sfence  }
0xb7: {  	s30 =	sld [smem:$0x0];
	_ =	sdelay $0x2  }
0xb8: {  	s31 =	sshll.u32 s1, $0xD;
	s1 =	sshrl.u32 s1, $0x2  }
0xb9: {  	s3 =	sand.u32 $0x4000, s31;
	s1 =	sadd.s32 s1, s30  }
0xba: {  	s0 =	sor.u32 s3, s0;
	s1 =	sshll.u32 s1, $0x11  }
0xbb: {  	s0 =	sor.u32 s1, s0  }
0xbc: {  	s0 =	sadd.s32 $0x8F2B, s0  }
0xbd: {  	[sflag:s0] =	ssyncadd.remote.s32 $0x1  }
0xbe: {  	_ =	sfence.sel $0xFFFF  }
0xbf: {  	[dreg:$0x0] =	wrdreg $0xFFFFFFFF;
	(pc) =	sbr.abs _section_cstart, $3  }
0xc0: {  	[dreg:$0x1] =	wrdreg $0xFFFFFFFF  }
0xc1: {  	_ =	task.clear_ibuf [dreg:s6], $0x2FFFF;
	_ =	strace $0x9FFFFFFF  }
0xc2: {  	(tm) =	ssettm $0x7FFFFFFF  }
0xc3: {  	_ =	shalt  }
tec
execute0_lowered:
.L_overlay_start_1:
0x0: {  	(tag) =	ssettag $0x1  }
0x1: {  	s0 =	srdreg.scid  }
0x2: {  	s3 =	stileid.u32;
	s5 =	rddreg [dreg:$0x0]  }
0x3: {  	s2 =	rddreg [dreg:$0x1];
	s9 =	simm.s32 $0x0;
	s11 =	simm.s32 $0xE  }
0x4: {  	s13 =	simm.s32 $0x80;
	s14 =	simm.s32 $0x4E20;
	s17 =	simm.s32 $0x5E20  }
0x5: {  	s21 =	simm.s32 $0x6E20;
	s22 =	simm.s32 $0x7620;
	s23 =	simm.s32 $0x1  }
0x6: {  	s24 =	simm.s32 $0x7;
	s25 =	simm.s32 $0x3;
	s28 =	simm.s32 $0x5  }
0x7: {  	s0 =	sand.u32 $0x1, s0;
	s1 =	sshll.u32 s3, $0x1;
	s6 =	smul.u32 $0x2800, s3  }
0x8: {  	s29 =	simm.s32 $0xB;
	s1 =	sor.u32 s0, s1;
	s7 =	smul.u32 $0x28000, s0  }
0x9: {  	[smem:$0x7FF] =	sst s9;
	s0 =	ssub.s32 $0x2, s0;
	s1 =	smul.u32 $0x2710, s1  }
0xa: {  	_ =	strace $0x8000004A;
	s8 =	sshrl.u32 s0, $0x1;
	s3 =	sadd.s32 s6, s2  }
0xb: {  	s7 =	sadd.s32 s6, s7;
	s0 =	ssub.s32 s0, s8;
	s1 =	sshrl.u32 s1, $0x3  }
0xc: {  	[dreg:$0x4] =	wrdreg s3;
	s0 =	smax.u32 s0, $0x1;
	s1 =	sadd.s32 s1, s5  }
0xd: {  	s7 =	sshrl.u32 s7, $0x3;
	[dreg:$0x8] =	wrdreg s0;
	s26 =	sadd.s32 $0x2A00, s1  }
0xe: {  	s7 =	sadd.s32 s7, s5;
	s1 =	sadd.s32 $0xC640, s1;
	[dreg:$0x5] =	wrdreg s26  }
0xf: {  	s30 =	simm.s32 $0x6;
	s31 =	sadd.s32 $0x1B400, s7;
	[dreg:$0x6] =	wrdreg s1  }
0x10: {  	v0 =	vimm.f32 $0.0e+00;
	s4 =	sadd.s32 $0x16400, s5;
	[dreg:$0x7] =	wrdreg s31;
	s26 =	simm.s32 $0x9  }
.LBB2_1:
0x11: {  	[dreg:$0x3] =	wrdreg s9;
	s0 =	simm.s32 $0x40;
	s6 =	simm.s32 $0x0  }
.LBB2_2:
0x12: {  	p0 =	sne.s32 s0, $0x9FC0;
	[tilespmem:s6+$0x7F20] =	vst v0;
	s6 =	smov.u32 s0;
	s0 =	sadd.s32 $0x40, s0  }
.Ltmp0:
0x13: {  	(pc) =	sbr.rel @p0 .LBB2_2-.Ltmp0, $2  }
0x14: {  	_ =	sdelay $0x2  }
0x15: {  	s6 =	sshra.s32 s6, $0x2  }
0x16: {  	[tilespmem:s6+$0x7F20] =	vst v0;
	s0 =	simm.s32 $0x7F20  }
0x17: {  	[spmem:s3] =	stream.linear.scatter [tilespmem:s0], [sflag:$0xE], $0x2800, $0x38;
	[tilespmem:$0xCF20] =	vst v63  }
0x18: {  	_ =	swait.ge [sflag:s11], $0x2800  }
0x19: {  	[sflag:s11] =	ssyncset.done $0x0  }
0x1a: {  	s6 =	simm.s32 $0x0;
	s1 =	rddreg [dreg:$0x5];
	[sflag:s11] =	ssyncadd.s32 $0xFFFFD800  }
0x1b: {  	[tilespmem:s6], [sflag:$0xE] =	stream.linear.gather [hbm4b:s1+s6], $0x2710, $0x38;
	[tilespmem:$0xCF20] =	vst v63  }
0x1c: {  	_ =	swait.ge [sflag:s11], $0x2710  }
0x1d: {  	[sflag:s11] =	ssyncset.done $0x0  }
0x1e: {  	s8 =	simm.s32 $0x2710;
	s7 =	rddreg [dreg:$0x6];
	[sflag:s11] =	ssyncadd.s32 $0xFFFFD8F0  }
0x1f: {  	[tilespmem:s8], [sflag:$0xE] =	stream.linear.gather [hbm4b:s7+s6], $0x2710, $0x38;
	[tilespmem:$0xCF20] =	vst v63  }
0x20: {  	_ =	swait.ge [sflag:s11], $0x2710  }
0x21: {  	[sflag:s11] =	ssyncset.done $0x0  }
0x22: {  	[sflag:s11] =	ssyncadd.s32 $0xFFFFD8F0  }
0x23: {  	[bflag:$0x0] =	sbarrier.arrive $0xFFFF  }
0x24: {  	[tilespmem:s14], [sflag:$0x1] =	stream.indirect.gather [hbm4b:s4+s13], $0x10, s6, s13, $0xb8;
	[tilespmem:$0xCF20] =	vst v63  }
0x25: {  	s9 =	simm.s32 $0x5620  }
0x26: {  	[tilespmem:s9], [sflag:$0x2] =	stream.indirect.gather [hbm4b:s4+s13], $0x10, s13, s13, $0xb8;
	[tilespmem:$0xCF20] =	vst v63  }
0x27: {  	s10 =	simm.s32 $0x100  }
0x28: {  	[tilespmem:s17], [sflag:$0x3] =	stream.indirect.gather [hbm4b:s4+s13], $0x10, s10, s13, $0xb8;
	[tilespmem:$0xCF20] =	vst v63  }
0x29: {  	s12 =	simm.s32 $0x180;
	s15 =	simm.s32 $0x6620;
	p0 =	por $0x1, $0x1  }
0x2a: {  	[tilespmem:s15], [sflag:$0x4] =	stream.indirect.gather [hbm4b:s4+s13], $0x10, s12, s13, $0xb8;
	[tilespmem:$0xCF20] =	vst v63  }
0x2b: {  	s16 =	simm.s32 $0x200;
	s0 =	simm.s32 @!p0 $0xC  }
0x2c: {  	[tilespmem:s21], [sflag:$0x5] =	stream.indirect.gather [hbm4b:s4+s13], $0x10, s16, s13, $0xb8;
	[tilespmem:$0xCF20] =	vst v63  }
0x2d: {  	_ =	swait.ge @!p0 [sflag:s0], $0x800  }
0x2e: {  	[sflag:s0] =	ssyncset.done @!p0 $0x0  }
0x2f: {  	s18 =	simm.s32 $0x280;
	[sflag:s0] =	ssyncadd.s32 @!p0 $0xFFFFF800  }
0x30: {  	[tilespmem:s22], [sflag:$0x6] =	stream.indirect.gather [hbm4b:s4+s13], $0x10, s18, s13, $0xb8;
	[tilespmem:$0xCF20] =	vst v63  }
0x31: {  	_ =	swait.ge [sflag:s23], $0x800  }
0x32: {  	[sflag:s23] =	ssyncset.done $0x0  }
0x33: {  	s19 =	simm.s32 $0x2710;
	[sflag:s23] =	ssyncadd.s32 $0xFFFFF800  }
0x34: {  	[spmem:s2] =	stream.indirect.scatter.add.f32 [tilespmem:s14], [sflag:$0x7], $0x10, s19, s13, $0xb8;
	[tilespmem:$0xCF20] =	vst v63  }
0x35: {  	_ =	swait.ge [sflag:s24], $0x800  }
0x36: {  	p0 =	por $0x0, $0x0;
	[sflag:s24] =	ssyncset.done $0x0  }
0x37: {  	s0 =	simm.s32 @p0 $0x2;
	[sflag:s24] =	ssyncadd.s32 $0xFFFFF800  }
0x38: {  	_ =	swait.ge @p0 [sflag:s0], $0x800  }
0x39: {  	s6 =	simm.s32 @p0 $0x5620;
	s7 =	simm.s32 @p0 $0x80;
	[sflag:s0] =	ssyncset.done @p0 $0x0  }
0x3a: {  	s8 =	simm.s32 @p0 $0x8;
	[sflag:s0] =	ssyncadd.s32 @p0 $0xFFFFF800;
	s0 =	simm.s32 @p0 $0x2790  }
0x3b: {  	[spmem:s2] =	stream.indirect.scatter.add.f32 @p0 [tilespmem:s6], [sflag:$0x8], $0x10, s0, s7, $0xb8;
	[tilespmem:$0xCF20] =	vst v63  }
0x3c: {  	_ =	swait.ge @p0 [sflag:s8], $0x800  }
0x3d: {  	s0 =	simm.s32 @!p0 $0x300;
	[sflag:s8] =	ssyncset.done @p0 $0x0  }
0x3e: {  	s6 =	simm.s32 @!p0 $0x80;
	[sflag:s8] =	ssyncadd.s32 @p0 $0xFFFFF800;
	s8 =	simm.s32 @!p0 $0x4E20  }
0x3f: {  	[tilespmem:s8], [sflag:$0x1] =	stream.indirect.gather @!p0 [hbm4b:s4+s6], $0x10, s0, s6, $0xb8;
	[tilespmem:$0xCF20] =	vst v63  }
0x40: {  	s0 =	simm.s32 @!p0 $0x2  }
0x41: {  	_ =	swait.ge @!p0 [sflag:s0], $0x800  }
0x42: {  	[sflag:s0] =	ssyncset.done @!p0 $0x0  }
0x43: {  	s8 =	simm.s32 @!p0 $0x2790;
	[sflag:s0] =	ssyncadd.s32 @!p0 $0xFFFFF800;
	s0 =	simm.s32 @!p0 $0x5620  }
0x44: {  	[spmem:s2] =	stream.indirect.scatter.add.f32 @!p0 [tilespmem:s0], [sflag:$0x8], $0x10, s8, s6, $0xb8;
	[tilespmem:$0xCF20] =	vst v63  }
0x45: {  	s8 =	simm.s32 @!p0 $0x8  }
0x46: {  	_ =	swait.ge @!p0 [sflag:s8], $0x800  }
0x47: {  	[sflag:s8] =	ssyncset.done @!p0 $0x0  }
0x48: {  	[sflag:s8] =	ssyncadd.s32 @!p0 $0xFFFFF800;
	s8 =	simm.s32 @!p0 $0x380  }
0x49: {  	[tilespmem:s0], [sflag:$0x2] =	stream.indirect.gather @!p0 [hbm4b:s4+s6], $0x10, s8, s6, $0xb8;
	[tilespmem:$0xCF20] =	vst v63  }
0x4a: {  	_ =	swait.ge [sflag:s25], $0x800  }
0x4b: {  	[sflag:s25] =	ssyncset.done $0x0  }
0x4c: {  	s20 =	simm.s32 $0x2810;
	[sflag:s25] =	ssyncadd.s32 $0xFFFFF800  }
0x4d: {  	[spmem:s2] =	stream.indirect.scatter.add.f32 [tilespmem:s17], [sflag:$0x9], $0x10, s20, s13, $0xb8;
	[tilespmem:$0xCF20] =	vst v63  }
0x4e: {  	_ =	swait.ge [sflag:s26], $0x800  }
0x4f: {  	[sflag:s26] =	ssyncset.done $0x0  }
0x50: {  	s0 =	simm.s32 @p0 $0x4;
	[sflag:s26] =	ssyncadd.s32 $0xFFFFF800  }
0x51: {  	_ =	swait.ge @p0 [sflag:s0], $0x800  }
0x52: {  	[sflag:s0] =	ssyncset.done @p0 $0x0  }
0x53: {  	s8 =	simm.s32 @p0 $0x2890;
	[sflag:s0] =	ssyncadd.s32 @p0 $0xFFFFF800;
	s0 =	simm.s32 @p0 $0x6620  }
0x54: {  	[spmem:s2] =	stream.indirect.scatter.add.f32 @p0 [tilespmem:s0], [sflag:$0xA], $0x10, s8, s7, $0xb8;
	[tilespmem:$0xCF20] =	vst v63  }
0x55: {  	s0 =	simm.s32 @p0 $0xA  }
0x56: {  	_ =	swait.ge @p0 [sflag:s0], $0x800  }
0x57: {  	[sflag:s0] =	ssyncset.done @p0 $0x0  }
0x58: {  	s7 =	simm.s32 @!p0 $0x400;
	[sflag:s0] =	ssyncadd.s32 @p0 $0xFFFFF800;
	s0 =	simm.s32 @!p0 $0x5E20  }
0x59: {  	[tilespmem:s0], [sflag:$0x3] =	stream.indirect.gather @!p0 [hbm4b:s4+s6], $0x10, s7, s6, $0xb8;
	[tilespmem:$0xCF20] =	vst v63  }
0x5a: {  	s0 =	simm.s32 @!p0 $0x4  }
0x5b: {  	_ =	swait.ge @!p0 [sflag:s0], $0x800  }
0x5c: {  	[sflag:s0] =	ssyncset.done @!p0 $0x0  }
0x5d: {  	s7 =	simm.s32 @!p0 $0x2890;
	[sflag:s0] =	ssyncadd.s32 @!p0 $0xFFFFF800;
	s0 =	simm.s32 @!p0 $0x6620  }
0x5e: {  	[spmem:s2] =	stream.indirect.scatter.add.f32 @!p0 [tilespmem:s0], [sflag:$0xA], $0x10, s7, s6, $0xb8;
	[tilespmem:$0xCF20] =	vst v63  }
0x5f: {  	s7 =	simm.s32 @!p0 $0xA  }
0x60: {  	_ =	swait.ge @!p0 [sflag:s7], $0x800  }
0x61: {  	[sflag:s7] =	ssyncset.done @!p0 $0x0  }
0x62: {  	[sflag:s7] =	ssyncadd.s32 @!p0 $0xFFFFF800;
	s7 =	simm.s32 @!p0 $0x480  }
0x63: {  	[tilespmem:s0], [sflag:$0x4] =	stream.indirect.gather @!p0 [hbm4b:s4+s6], $0x10, s7, s6, $0xb8;
	[tilespmem:$0xCF20] =	vst v63  }
0x64: {  	_ =	swait.ge [sflag:s28], $0x800  }
0x65: {  	[sflag:s28] =	ssyncset.done $0x0  }
0x66: {  	s31 =	simm.s32 $0x2910;
	[sflag:s28] =	ssyncadd.s32 $0xFFFFF800  }
0x67: {  	[spmem:s2] =	stream.indirect.scatter.add.f32 [tilespmem:s21], [sflag:$0xB], $0x10, s31, s13, $0xb8;
	[tilespmem:$0xCF20] =	vst v63  }
0x68: {  	_ =	swait.ge [sflag:s29], $0x800  }
0x69: {  	[sflag:s29] =	ssyncset.done $0x0  }
0x6a: {  	s0 =	simm.s32 @!p0 $0x500;
	s7 =	simm.s32 @!p0 $0x6E20;
	[sflag:s29] =	ssyncadd.s32 $0xFFFFF800  }
0x6b: {  	[tilespmem:s7], [sflag:$0x5] =	stream.indirect.gather @!p0 [hbm4b:s4+s6], $0x10, s0, s6, $0xb8;
	[tilespmem:$0xCF20] =	vst v63  }
0x6c: {  	p1 =	por $0x0, $0x0;
	s18 =	simm.s32 $0x1800;
	_ =	swait.ge [sflag:s30], $0x800  }
0x6d: {  	s19 =	simm.s32 $0xC00;
	s20 =	simm.s32 $0x2990;
	[sflag:s30] =	ssyncset.done $0x0  }
.LBB2_4:
0x6e: {  	s7 =	simm.s32 @!p1 $0xC  }
0x6f: {  	[sflag:s30] =	ssyncadd.s32 $0xFFFFF800;
	s6 =	smov.u32 s18;
	s18 =	sadd.s32 $0xC00, s18  }
0x70: {  	[spmem:s2] =	stream.indirect.scatter.add.f32 [tilespmem:s22], [sflag:$0xC], $0x10, s20, s13, $0xb8;
	[tilespmem:$0xCF20] =	vst v63  }
0x71: {  	p0 =	sne.s32 s18, $0x9C00;
	_ =	swait.ge @!p1 [sflag:s7], $0x800  }
0x72: {  	s0 =	sshra.s32 s19, $0x2;
	[sflag:s7] =	ssyncset.done @!p1 $0x0  }
0x73: {  	s20 =	sadd.s32 $0x2990, s0;
	[sflag:s7] =	ssyncadd.s32 @!p1 $0xFFFFF800;
	s7 =	sadd.s32 $0x280, s0  }
0x74: {  	[tilespmem:s22], [sflag:$0x6] =	stream.indirect.gather [hbm4b:s4+s13], $0x10, s7, s13, $0xb8;
	[tilespmem:$0xCF20] =	vst v63  }
0x75: {  	_ =	swait.ge [sflag:s23], $0x800  }
0x76: {  	[sflag:s23] =	ssyncset.done $0x0  }
0x77: {  	s7 =	sadd.s32 $0x2710, s0;
	[sflag:s23] =	ssyncadd.s32 $0xFFFFF800  }
0x78: {  	[spmem:s2] =	stream.indirect.scatter.add.f32 [tilespmem:s14], [sflag:$0x7], $0x10, s7, s13, $0xb8;
	[tilespmem:$0xCF20] =	vst v63  }
0x79: {  	_ =	swait.ge [sflag:s24], $0x800  }
0x7a: {  	p1 =	seq.s32 s19, $0x9000;
	[sflag:s24] =	ssyncset.done $0x0  }
0x7b: {  	s8 =	simm.s32 @p1 $0x2;
	s9 =	simm.s32 @p1 $0x5620;
	[sflag:s24] =	ssyncadd.s32 $0xFFFFF800  }
0x7c: {  	s16 =	sshra.s32 @!p1 s19, $0x2;
	_ =	swait.ge @p1 [sflag:s8], $0x800  }
0x7d: {  	s19 =	sshra.s32 @p1 s19, $0x2;
	s7 =	simm.s32 @p1 $0x80;
	[sflag:s8] =	ssyncset.done @p1 $0x0  }
0x7e: {  	s10 =	simm.s32 @p1 $0x8;
	[sflag:s8] =	ssyncadd.s32 @p1 $0xFFFFF800;
	s8 =	sadd.s32 @p1 $0x2790, s19  }
0x7f: {  	[spmem:s2] =	stream.indirect.scatter.add.f32 @p1 [tilespmem:s9], [sflag:$0x8], $0x10, s8, s7, $0xb8;
	[tilespmem:$0xCF20] =	vst v63  }
0x80: {  	s1 =	sadd.s32 @!p1 $0x2790, s16;
	s8 =	sadd.s32 @!p1 $0x300, s16;
	_ =	swait.ge @p1 [sflag:s10], $0x800  }
0x81: {  	s12 =	simm.s32 @!p1 $0x2;
	s31 =	sadd.s32 @!p1 $0x380, s16;
	[sflag:s10] =	ssyncset.done @p1 $0x0  }
0x82: {  	s9 =	simm.s32 @!p1 $0x4E20;
	[sflag:s10] =	ssyncadd.s32 @p1 $0xFFFFF800;
	s10 =	simm.s32 @!p1 $0x80  }
0x83: {  	[tilespmem:s9], [sflag:$0x1] =	stream.indirect.gather @!p1 [hbm4b:s4+s10], $0x10, s8, s10, $0xb8;
	[tilespmem:$0xCF20] =	vst v63  }
0x84: {  	s15 =	sadd.s32 @p1 $0x2890, s19;
	s5 =	sadd.s32 @!p1 $0x400, s16;
	_ =	swait.ge @!p1 [sflag:s12], $0x800  }
0x85: {  	s9 =	sadd.s32 @!p1 $0x2890, s16;
	s8 =	sadd.s32 @!p1 $0x480, s16;
	[sflag:s12] =	ssyncset.done @!p1 $0x0  }
0x86: {  	s3 =	simm.s32 @!p1 $0x8;
	[sflag:s12] =	ssyncadd.s32 @!p1 $0xFFFFF800;
	s12 =	simm.s32 @!p1 $0x5620  }
0x87: {  	[spmem:s2] =	stream.indirect.scatter.add.f32 @!p1 [tilespmem:s12], [sflag:$0x8], $0x10, s1, s10, $0xb8;
	[tilespmem:$0xCF20] =	vst v63  }
0x88: {  	s19 =	smov.u32 s6;
	s16 =	sadd.s32 @!p1 $0x500, s16;
	_ =	swait.ge @!p1 [sflag:s3], $0x800  }
0x89: {  	[sflag:s3] =	ssyncset.done @!p1 $0x0  }
0x8a: {  	[sflag:s3] =	ssyncadd.s32 @!p1 $0xFFFFF800  }
0x8b: {  	[tilespmem:s12], [sflag:$0x2] =	stream.indirect.gather @!p1 [hbm4b:s4+s10], $0x10, s31, s10, $0xb8;
	[tilespmem:$0xCF20] =	vst v63  }
0x8c: {  	_ =	swait.ge [sflag:s25], $0x800  }
0x8d: {  	[sflag:s25] =	ssyncset.done $0x0  }
0x8e: {  	s1 =	sadd.s32 $0x2810, s0;
	[sflag:s25] =	ssyncadd.s32 $0xFFFFF800  }
0x8f: {  	[spmem:s2] =	stream.indirect.scatter.add.f32 [tilespmem:s17], [sflag:$0x9], $0x10, s1, s13, $0xb8;
	[tilespmem:$0xCF20] =	vst v63  }
0x90: {  	_ =	swait.ge [sflag:s26], $0x800  }
0x91: {  	[sflag:s26] =	ssyncset.done $0x0  }
0x92: {  	s1 =	simm.s32 @p1 $0x4;
	[sflag:s26] =	ssyncadd.s32 $0xFFFFF800  }
0x93: {  	_ =	swait.ge @p1 [sflag:s1], $0x800  }
0x94: {  	[sflag:s1] =	ssyncset.done @p1 $0x0  }
0x95: {  	s3 =	simm.s32 @p1 $0xA;
	[sflag:s1] =	ssyncadd.s32 @p1 $0xFFFFF800;
	s1 =	simm.s32 @p1 $0x6620  }
0x96: {  	[spmem:s2] =	stream.indirect.scatter.add.f32 @p1 [tilespmem:s1], [sflag:$0xA], $0x10, s15, s7, $0xb8;
	[tilespmem:$0xCF20] =	vst v63  }
0x97: {  	_ =	swait.ge @p1 [sflag:s3], $0x800  }
0x98: {  	[sflag:s3] =	ssyncset.done @p1 $0x0  }
0x99: {  	s1 =	simm.s32 @!p1 $0x5E20;
	[sflag:s3] =	ssyncadd.s32 @p1 $0xFFFFF800;
	s3 =	simm.s32 @!p1 $0x4  }
0x9a: {  	[tilespmem:s1], [sflag:$0x3] =	stream.indirect.gather @!p1 [hbm4b:s4+s10], $0x10, s5, s10, $0xb8;
	[tilespmem:$0xCF20] =	vst v63  }
0x9b: {  	_ =	swait.ge @!p1 [sflag:s3], $0x800  }
0x9c: {  	[sflag:s3] =	ssyncset.done @!p1 $0x0  }
0x9d: {  	s1 =	simm.s32 @!p1 $0x6620;
	[sflag:s3] =	ssyncadd.s32 @!p1 $0xFFFFF800;
	s3 =	simm.s32 @!p1 $0xA  }
0x9e: {  	[spmem:s2] =	stream.indirect.scatter.add.f32 @!p1 [tilespmem:s1], [sflag:$0xA], $0x10, s9, s10, $0xb8;
	[tilespmem:$0xCF20] =	vst v63  }
0x9f: {  	_ =	swait.ge @!p1 [sflag:s3], $0x800  }
0xa0: {  	[sflag:s3] =	ssyncset.done @!p1 $0x0  }
0xa1: {  	[sflag:s3] =	ssyncadd.s32 @!p1 $0xFFFFF800  }
0xa2: {  	[tilespmem:s1], [sflag:$0x4] =	stream.indirect.gather @!p1 [hbm4b:s4+s10], $0x10, s8, s10, $0xb8;
	[tilespmem:$0xCF20] =	vst v63  }
0xa3: {  	_ =	swait.ge [sflag:s28], $0x800  }
0xa4: {  	[sflag:s28] =	ssyncset.done $0x0  }
0xa5: {  	s0 =	sadd.s32 $0x2910, s0;
	[sflag:s28] =	ssyncadd.s32 $0xFFFFF800  }
0xa6: {  	[spmem:s2] =	stream.indirect.scatter.add.f32 [tilespmem:s21], [sflag:$0xB], $0x10, s0, s13, $0xb8;
	[tilespmem:$0xCF20] =	vst v63  }
0xa7: {  	_ =	swait.ge [sflag:s29], $0x800  }
.Ltmp1:
0xa8: {  	[sflag:s29] =	ssyncset.done $0x0;
	(pc) =	sbr.rel @p0 .LBB2_4-.Ltmp1, $4  }
0xa9: {  	s0 =	simm.s32 @!p1 $0x6E20;
	[sflag:s29] =	ssyncadd.s32 $0xFFFFF800  }
0xaa: {  	[tilespmem:s0], [sflag:$0x5] =	stream.indirect.gather @!p1 [hbm4b:s4+s10], $0x10, s16, s10, $0xb8;
	[tilespmem:$0xCF20] =	vst v63  }
0xab: {  	_ =	swait.ge [sflag:s30], $0x800  }
0xac: {  	p1 =	seq.s32 s19, $0x0;
	[sflag:s30] =	ssyncset.done $0x0  }
0xad: {  	s1 =	simm.s32 @!p1 $0xC;
	[sflag:s30] =	ssyncadd.s32 $0xFFFFF800  }
0xae: {  	[spmem:s2] =	stream.indirect.scatter.add.f32 [tilespmem:s22], [sflag:$0xC], $0x10, s20, s13, $0xb8;
	[tilespmem:$0xCF20] =	vst v63  }
0xaf: {  	_ =	swait.ge @!p1 [sflag:s1], $0x800  }
0xb0: {  	s0 =	sshra.s32 s19, $0x2;
	[sflag:s1] =	ssyncset.done @!p1 $0x0  }
0xb1: {  	s18 =	sadd.s32 $0x280, s0;
	[sflag:s1] =	ssyncadd.s32 @!p1 $0xFFFFF800  }
0xb2: {  	[tilespmem:s22], [sflag:$0x6] =	stream.indirect.gather [hbm4b:s4+s13], $0x10, s18, s13, $0xb8;
	[tilespmem:$0xCF20] =	vst v63  }
0xb3: {  	_ =	swait.ge [sflag:s23], $0x800  }
0xb4: {  	[sflag:s23] =	ssyncset.done $0x0  }
0xb5: {  	s20 =	sadd.s32 $0x2710, s0;
	[sflag:s23] =	ssyncadd.s32 $0xFFFFF800  }
0xb6: {  	[spmem:s2] =	stream.indirect.scatter.add.f32 [tilespmem:s14], [sflag:$0x7], $0x10, s20, s13, $0xb8;
	[tilespmem:$0xCF20] =	vst v63  }
0xb7: {  	_ =	swait.ge [sflag:s24], $0x800  }
0xb8: {  	p0 =	seq.s32 s19, $0x9000;
	[sflag:s24] =	ssyncset.done $0x0  }
0xb9: {  	s1 =	simm.s32 @p0 $0x2;
	[sflag:s24] =	ssyncadd.s32 $0xFFFFF800  }
0xba: {  	s3 =	simm.s32 @p0 $0x5620;
	_ =	swait.ge @p0 [sflag:s1], $0x800  }
0xbb: {  	s5 =	sshra.s32 @p0 s19, $0x2;
	s7 =	simm.s32 @p0 $0x80;
	[sflag:s1] =	ssyncset.done @p0 $0x0  }
0xbc: {  	s8 =	simm.s32 @p0 $0x8;
	[sflag:s1] =	ssyncadd.s32 @p0 $0xFFFFF800;
	s1 =	sadd.s32 @p0 $0x2790, s5  }
0xbd: {  	[spmem:s2] =	stream.indirect.scatter.add.f32 @p0 [tilespmem:s3], [sflag:$0x8], $0x10, s1, s7, $0xb8;
	[tilespmem:$0xCF20] =	vst v63  }
0xbe: {  	s6 =	sshra.s32 @!p0 s19, $0x2;
	_ =	swait.ge @p0 [sflag:s8], $0x800  }
0xbf: {  	s1 =	sadd.s32 @!p0 $0x300, s6;
	[sflag:s8] =	ssyncset.done @p0 $0x0  }
0xc0: {  	s3 =	simm.s32 @!p0 $0x80;
	[sflag:s8] =	ssyncadd.s32 @p0 $0xFFFFF800;
	s8 =	simm.s32 @!p0 $0x4E20  }
0xc1: {  	[tilespmem:s8], [sflag:$0x1] =	stream.indirect.gather @!p0 [hbm4b:s4+s3], $0x10, s1, s3, $0xb8;
	[tilespmem:$0xCF20] =	vst v63  }
0xc2: {  	s1 =	simm.s32 @!p0 $0x2  }
0xc3: {  	_ =	swait.ge @!p0 [sflag:s1], $0x800  }
0xc4: {  	[sflag:s1] =	ssyncset.done @!p0 $0x0  }
0xc5: {  	s8 =	sadd.s32 @!p0 $0x2790, s6;
	[sflag:s1] =	ssyncadd.s32 @!p0 $0xFFFFF800;
	s1 =	simm.s32 @!p0 $0x5620  }
0xc6: {  	[spmem:s2] =	stream.indirect.scatter.add.f32 @!p0 [tilespmem:s1], [sflag:$0x8], $0x10, s8, s3, $0xb8;
	[tilespmem:$0xCF20] =	vst v63  }
0xc7: {  	s8 =	simm.s32 @!p0 $0x8  }
0xc8: {  	_ =	swait.ge @!p0 [sflag:s8], $0x800  }
0xc9: {  	[sflag:s8] =	ssyncset.done @!p0 $0x0  }
0xca: {  	[sflag:s8] =	ssyncadd.s32 @!p0 $0xFFFFF800;
	s8 =	sadd.s32 @!p0 $0x380, s6  }
0xcb: {  	[tilespmem:s1], [sflag:$0x2] =	stream.indirect.gather @!p0 [hbm4b:s4+s3], $0x10, s8, s3, $0xb8;
	[tilespmem:$0xCF20] =	vst v63  }
0xcc: {  	_ =	swait.ge [sflag:s25], $0x800  }
0xcd: {  	[sflag:s25] =	ssyncset.done $0x0  }
0xce: {  	s31 =	sadd.s32 $0x2810, s0;
	[sflag:s25] =	ssyncadd.s32 $0xFFFFF800  }
0xcf: {  	[spmem:s2] =	stream.indirect.scatter.add.f32 [tilespmem:s17], [sflag:$0x9], $0x10, s31, s13, $0xb8;
	[tilespmem:$0xCF20] =	vst v63  }
0xd0: {  	_ =	swait.ge [sflag:s26], $0x800  }
0xd1: {  	[sflag:s26] =	ssyncset.done $0x0  }
0xd2: {  	s1 =	simm.s32 @p0 $0x4;
	[sflag:s26] =	ssyncadd.s32 $0xFFFFF800  }
0xd3: {  	_ =	swait.ge @p0 [sflag:s1], $0x800  }
0xd4: {  	[sflag:s1] =	ssyncset.done @p0 $0x0  }
0xd5: {  	s5 =	sadd.s32 @p0 $0x2890, s5;
	[sflag:s1] =	ssyncadd.s32 @p0 $0xFFFFF800;
	s1 =	simm.s32 @p0 $0x6620  }
0xd6: {  	[spmem:s2] =	stream.indirect.scatter.add.f32 @p0 [tilespmem:s1], [sflag:$0xA], $0x10, s5, s7, $0xb8;
	[tilespmem:$0xCF20] =	vst v63  }
0xd7: {  	s1 =	simm.s32 @p0 $0xA  }
0xd8: {  	_ =	swait.ge @p0 [sflag:s1], $0x800  }
0xd9: {  	[sflag:s1] =	ssyncset.done @p0 $0x0  }
0xda: {  	s5 =	sadd.s32 @!p0 $0x400, s6;
	[sflag:s1] =	ssyncadd.s32 @p0 $0xFFFFF800;
	s1 =	simm.s32 @!p0 $0x5E20  }
0xdb: {  	[tilespmem:s1], [sflag:$0x3] =	stream.indirect.gather @!p0 [hbm4b:s4+s3], $0x10, s5, s3, $0xb8;
	[tilespmem:$0xCF20] =	vst v63  }
0xdc: {  	s1 =	simm.s32 @!p0 $0x4  }
0xdd: {  	_ =	swait.ge @!p0 [sflag:s1], $0x800  }
0xde: {  	[sflag:s1] =	ssyncset.done @!p0 $0x0  }
0xdf: {  	s5 =	sadd.s32 @!p0 $0x2890, s6;
	[sflag:s1] =	ssyncadd.s32 @!p0 $0xFFFFF800;
	s1 =	simm.s32 @!p0 $0x6620  }
0xe0: {  	[spmem:s2] =	stream.indirect.scatter.add.f32 @!p0 [tilespmem:s1], [sflag:$0xA], $0x10, s5, s3, $0xb8;
	[tilespmem:$0xCF20] =	vst v63  }
0xe1: {  	s5 =	simm.s32 @!p0 $0xA  }
0xe2: {  	_ =	swait.ge @!p0 [sflag:s5], $0x800  }
0xe3: {  	[sflag:s5] =	ssyncset.done @!p0 $0x0  }
0xe4: {  	[sflag:s5] =	ssyncadd.s32 @!p0 $0xFFFFF800;
	s5 =	sadd.s32 @!p0 $0x480, s6  }
0xe5: {  	[tilespmem:s1], [sflag:$0x4] =	stream.indirect.gather @!p0 [hbm4b:s4+s3], $0x10, s5, s3, $0xb8;
	[tilespmem:$0xCF20] =	vst v63  }
0xe6: {  	_ =	swait.ge [sflag:s28], $0x800  }
0xe7: {  	[sflag:s28] =	ssyncset.done $0x0  }
0xe8: {  	s7 =	sadd.s32 $0x2910, s0;
	[sflag:s28] =	ssyncadd.s32 $0xFFFFF800  }
0xe9: {  	[spmem:s2] =	stream.indirect.scatter.add.f32 [tilespmem:s21], [sflag:$0xB], $0x10, s7, s13, $0xb8;
	[tilespmem:$0xCF20] =	vst v63  }
0xea: {  	_ =	swait.ge [sflag:s29], $0x800  }
0xeb: {  	[sflag:s29] =	ssyncset.done $0x0  }
0xec: {  	s1 =	sadd.s32 @!p0 $0x500, s6;
	s5 =	simm.s32 @!p0 $0x6E20;
	[sflag:s29] =	ssyncadd.s32 $0xFFFFF800  }
0xed: {  	[tilespmem:s5], [sflag:$0x5] =	stream.indirect.gather @!p0 [hbm4b:s4+s3], $0x10, s1, s3, $0xb8;
	[tilespmem:$0xCF20] =	vst v63  }
0xee: {  	_ =	swait.ge [sflag:s30], $0x800  }
0xef: {  	[sflag:s30] =	ssyncset.done $0x0  }
0xf0: {  	s8 =	simm.s32 $0xC;
	s0 =	sadd.s32 $0x2990, s0;
	[sflag:s30] =	ssyncadd.s32 $0xFFFFF800  }
0xf1: {  	[spmem:s2] =	stream.indirect.scatter.add.f32 [tilespmem:s22], [sflag:$0xC], $0x10, s0, s13, $0xb8;
	[tilespmem:$0xCF20] =	vst v63  }
0xf2: {  	_ =	swait.ge [sflag:s8], $0x800  }
0xf3: {  	s9 =	simm.s32 $0x10;
	s10 =	simm.s32 $0x2700;
	[sflag:s8] =	ssyncset.done $0x0  }
0xf4: {  	s12 =	simm.s32 $0x7E20;
	s15 =	simm.s32 $0xD;
	[sflag:s8] =	ssyncadd.s32 $0xFFFFF800  }
0xf5: {  	[tilespmem:s12], [sflag:$0xD] =	stream.indirect.gather [hbm4b:s4+s9], $0x10, s10, s9, $0xb8;
	[tilespmem:$0xCF20] =	vst v63  }
0xf6: {  	_ =	swait.ge [sflag:s15], $0x100  }
0xf7: {  	[sflag:s15] =	ssyncset.done $0x0  }
0xf8: {  	s16 =	simm.s32 $0x4E10;
	[sflag:s15] =	ssyncadd.s32 $0xFFFFFF00  }
0xf9: {  	[spmem:s2] =	stream.indirect.scatter.add.f32 [tilespmem:s12], [sflag:$0xE], $0x10, s16, s9, $0xb8;
	[tilespmem:$0xCF20] =	vst v63  }
0xfa: {  	_ =	swait.ge [sflag:s11], $0x100  }
0xfb: {  	[sflag:s11] =	ssyncset.done $0x0  }
0xfc: {  	[sflag:s11] =	ssyncadd.s32 $0xFFFFFF00  }
0xfd: {  	s18 =	stileid.u32;
	[bflag:$0x0] =	sbarrier.arrive $0xFFFF  }
0xfe: {  	s0 =	sshll.u32 s18, $0x6;
	s3 =	rddreg [dreg:$0x4]  }
0xff: {  	s0 =	sor.u32 $0x1C0E, s0;
	s20 =	rddreg [dreg:$0x7];
	s19 =	sshrl.u32 s3, $0x3  }
0x100: {  	[hbm:s20], [sflag:s0] =	dma.local [spmem:s19], $0x500  }
0x101: {  	_ =	swait.ge [sflag:s11], $0x500  }
0x102: {  	s9 =	rddreg [dreg:$0x3]  }
0x103: {  	s31 =	rddreg [dreg:$0x8];
	s9 =	sadd.s32 $0x1, s9  }
0x104: {  	p0 =	sne.s32 s9, s31  }
.Ltmp2:
0x105: {  	_ = 	snop;
	(pc) =	sbr.rel @p0 .LBB2_1-.Ltmp2, $3  }
0x106: {  	_ =	sdelay $0x1  }
0x107: {  	[sflag:s11] =	ssyncset.done $0x0  }
0x108: {  	[sflag:s11] =	ssyncadd.s32 $0xFFFFFB00  }
0x109: {  	_ =	sfence.sel $0x180000  }
0x10a: {  	[bflag:$0x0] =	sbarrier.arrive $0xFFFF  }
0x10b: {  	_ =	strace $0x9000004A  }
0x10c: {  	s0 =	stileid.u32;
	[bflag:$0x2] =	sbarrier.arrive $0xFFFF  }
0x10d: {  	p0 =	sne.s32 s0, $0x0;
	s0 =	rddreg [dreg:$0x2]  }
0x10e: {  	s0 =	sadd.s32 @!p0 $0x100000, s0  }
0x10f: {  	[sflag:s0] =	ssyncadd.tile.s32 @!p0 $0x1;
	_ =	shalt  }
.Lfunc_end2:
_tile_overlayer_lowered:
.L_overlay_start_2:
0x110: {  	(tag) =	ssettag $0x2  }
0x111: {  	s0 =	rddreg [dreg:$0x0];
	s2 =	stileid.u32  }
0x112: {  	s1 =	rddreg [dreg:$0x1];
	p0 =	sne.s32 s2, $0x0  }
0x113: {  	s3 =	rddreg [dreg:$0x2];
	[bflag:$0x3] =	sbarrier.arrive $0xFFFF;
	s2 =	simm.s32 @!p0 $0x1C0E  }
0x114: {  	[timem:s3], [sflag:s2] =	dma.local @!p0 [hbm:s0], s1  }
0x115: {  	s0 =	simm.s32 @!p0 $0xE  }
0x116: {  	_ =	swait.ge @!p0 [sflag:s0], s1  }
0x117: {  	s1 =	ssub.s32 @!p0 $0x0, s1;
	[sflag:s0] =	ssyncset.done @!p0 $0x0  }
0x118: {  	[sflag:s0] =	ssyncadd.s32 @!p0 s1  }
0x119: {  	[bflag:$0x3] =	sbarrier.arrive $0xFFFF  }
0x11a: {  	_ =	shalt  }

// kernel: kernel.14.cloned.1.call-start
scs
__scs_entry_jumppad:
0x0: {  	(pc) =	sbr.rel $0x88, $3  }
0x1: {  	(tag) =	ssettag $0x0;
	lr =	simm.s32 $0x1  }
0x2: {  	[smem:$0x3F9B] =	sst lr;
	_ =	strace $0xD0000000  }
0x3: {  	_ = 	snop  }
0x4: {  	_ = 	snop  }
0x5: {  	_ = 	snop  }
0x6: {  	_ = 	snop  }
0x7: {  	_ = 	snop  }
__scs_overlays_trampoline_lowered:
0x8: {  	[smem:$0x3FAA] =	sst s0  }
0x9: {  	[smem:$0x3FAB] =	sst s1  }
0xa: {  	[smem:$0x3FAC] =	sst s2  }
0xb: {  	[smem:$0x3FAD] =	sst s3  }
0xc: {  	[smem:$0x3FAE] =	sst s4  }
0xd: {  	[smem:$0x3FAF] =	sst s5  }
0xe: {  	[smem:$0x3FB0] =	sst s6  }
0xf: {  	[smem:$0x3FB1] =	sst s7  }
0x10: {  	[smem:$0x3FB2] =	sst s8  }
0x11: {  	[smem:$0x3FB3] =	sst s9;
	s0 =	simm.s32 @!p0 $0x0  }
0x12: {  	s1 =	sld [smem:$0x3F99];
	s0 =	simm.s32 @p0 $0x1  }
0x13: {  	[smem:$0x3FB4] =	sst s0;
	s0 =	simm.s32 @!p1 $0x0  }
0x14: {  	s2 =	sld [smem:$0x3F98];
	s0 =	simm.s32 @p1 $0x1  }
0x15: {  	[smem:$0x3FB5] =	sst s0;
	s0 =	simm.s32 @!p2 $0x0  }
0x16: {  	s3 =	sld [smem:$0x3FDB];
	s0 =	simm.s32 @p2 $0x1  }
0x17: {  	s4 =	simm.s32 $0x1BF5;
	[smem:$0x3FB7] =	sst s0  }
0x18: {  	s0 =	sld [smem:$0x3F9A];
	_ =	swait.ge [sflag:s4], $0x0  }
0x19: {  	s7 =	sld [smem:$0x3F9B]  }
0x1a: {  	s8 =	sadd.s32 $0xFFFFE003, lr  }
0x1b: {  	s9 =	sadd.s32 $0xFFFFFEF7, lr;
	s5 =	simm.s32 $0xFFFFFFFF;
	p2 =	slt.u32 s8, $0xFFFFF086  }
0x1c: {  	p1 =	slt.u32 s9, $0xF7A;
	s5 =	simm.s32 @!p2 $0x0  }
0x1d: {  	s5 =	simm.s32 @p1 $0x1;
	p0 =	seq.s32 s7, s2  }
0x1e: {  	s7 =	smul.u32 @!p0 $0xF7A, s2;
	p2 =	seq.s32 @!p0 s5, $0x0  }
0x1f: {  	s9 =	smul.u32 $0xF7A, s1;
	s8 =	simm.s32 @!p0 $0x1BF5;
	p2 =	por !p2, p0  }
0x20: {  	[sflag:s8] =	ssyncset.s32 @!p0 $0xFFFFF086;
	s6 =	sadd.s32 @!p0 s3, s7;
	s7 =	simm.s32 @!p0 $0x108  }
0x21: {  	s3 =	sadd.s32 s3, s9;
	s6 =	sadd.s32 @!p0 $0x88, s6;
	s7 =	simm.s32 @p2 $0x1082  }
0x22: {  	[simem:s7], [sflag:s8] =	dma.local @!p0 [hbm:s6], $0xF7A  }
0x23: {  	s9 =	sor.u32 $0xD0000000, s2;
	s6 =	simm.s32 $0x108;
	_ =	swait.ge @!p0 [sflag:s8], $0x0  }
0x24: {  	s3 =	sadd.s32 $0x88, s3;
	s6 =	simm.s32 @!p1 $0x1082;
	[sflag:s4] =	ssyncset.s32 $0xFFFFF086  }
0x25: {  	[simem:s6], [sflag:s4] =	dma.local [hbm:s3], $0xF7A  }
0x26: {  	[smem:$0x3F9B] =	sst s1;
	(tag) =	ssettag s2;
	_ =	strace s9  }
0x27: {  	s1 =	sld [smem:$0x3FAB]  }
0x28: {  	s2 =	sld [smem:$0x3FAC]  }
0x29: {  	s4 =	sld [smem:$0x3FAE]  }
0x2a: {  	p0 =	seq.s32 s5, $0x0;
	s5 =	sld [smem:$0x3FAF]  }
0x2b: {  	s6 =	sld [smem:$0x3FB0]  }
0x2c: {  	s7 =	sld [smem:$0x3FB1]  }
0x2d: {  	s3 =	simm.s32 $0x108;
	s8 =	sld [smem:$0x3FB2]  }
0x2e: {  	s3 =	simm.s32 @!p0 $0x1082;
	s9 =	sld [smem:$0x3FB3]  }
0x2f: {  	lr =	sadd.s32 s0, s3;
	s0 =	sld [smem:$0x3FAA]  }
0x30: {  	s3 =	sld [smem:$0x3FAD]  }
0x31: {  	[smem:$0x3FB6] =	sst s10  }
0x32: {  	s10 =	sld [smem:$0x3FB4];
	_ =	sdelay $0x3  }
0x33: {  	p0 =	seq.s32 s10, $0x1;
	s10 =	sld [smem:$0x3FB6];
	_ =	sdelay $0x3  }
0x34: {  	[smem:$0x3FB6] =	sst s10  }
0x35: {  	s10 =	sld [smem:$0x3FB5];
	_ =	sdelay $0x3  }
0x36: {  	p1 =	seq.s32 s10, $0x1;
	s10 =	sld [smem:$0x3FB6];
	_ =	sdelay $0x3  }
0x37: {  	[smem:$0x3FB6] =	sst s10  }
0x38: {  	s10 =	sld [smem:$0x3FB7]  }
0x39: {  	_ = 	snop;
	(pc) =	sbr.ind lr, $3  }
0x3a: {  	_ = 	snop  }
0x3b: {  	_ = 	snop  }
0x3c: {  	p2 =	seq.s32 s10, $0x1;
	s10 =	sld [smem:$0x3FB6]  }
0x3d: {  	_ =	shalt  }
0x3e: {  	_ =	shalt  }
0x3f: {  	_ =	shalt  }
0x40: {  	_ =	shalt  }
0x41: {  	_ =	shalt  }
0x42: {  	_ =	shalt  }
0x43: {  	_ =	shalt  }
0x44: {  	_ =	shalt  }
0x45: {  	_ =	shalt  }
0x46: {  	_ =	shalt  }
0x47: {  	_ =	shalt  }
0x48: {  	_ =	shalt  }
0x49: {  	_ =	shalt  }
0x4a: {  	_ =	shalt  }
0x4b: {  	_ =	shalt  }
0x4c: {  	_ =	shalt  }
0x4d: {  	_ =	shalt  }
0x4e: {  	_ =	shalt  }
0x4f: {  	_ =	shalt  }
0x50: {  	_ =	shalt  }
0x51: {  	_ =	shalt  }
0x52: {  	_ =	shalt  }
0x53: {  	_ =	shalt  }
0x54: {  	_ =	shalt  }
0x55: {  	_ =	shalt  }
0x56: {  	_ =	shalt  }
0x57: {  	_ =	shalt  }
0x58: {  	_ =	shalt  }
0x59: {  	_ =	shalt  }
0x5a: {  	_ =	shalt  }
0x5b: {  	_ =	shalt  }
0x5c: {  	_ =	shalt  }
0x5d: {  	_ =	shalt  }
0x5e: {  	_ =	shalt  }
0x5f: {  	_ =	shalt  }
0x60: {  	_ =	shalt  }
0x61: {  	_ =	shalt  }
0x62: {  	_ =	shalt  }
0x63: {  	_ =	shalt  }
0x64: {  	_ =	shalt  }
0x65: {  	_ =	shalt  }
0x66: {  	_ =	shalt  }
0x67: {  	_ =	shalt  }
0x68: {  	_ =	shalt  }
0x69: {  	_ =	shalt  }
0x6a: {  	_ =	shalt  }
0x6b: {  	_ =	shalt  }
0x6c: {  	_ =	shalt  }
0x6d: {  	_ =	shalt  }
0x6e: {  	_ =	shalt  }
0x6f: {  	_ =	shalt  }
0x70: {  	_ =	shalt  }
0x71: {  	_ =	shalt  }
0x72: {  	_ =	shalt  }
0x73: {  	_ =	shalt  }
0x74: {  	_ =	shalt  }
0x75: {  	_ =	shalt  }
0x76: {  	_ =	shalt  }
0x77: {  	_ =	shalt  }
0x78: {  	_ =	shalt  }
0x79: {  	_ =	shalt  }
0x7a: {  	_ =	shalt  }
0x7b: {  	_ =	shalt  }
0x7c: {  	_ =	shalt  }
0x7d: {  	_ =	shalt  }
0x7e: {  	_ =	shalt  }
0x7f: {  	_ =	shalt  }
0x80: {  	_ =	shalt  }
0x81: {  	_ =	shalt  }
0x82: {  	_ =	shalt  }
0x83: {  	_ =	shalt  }
0x84: {  	_ =	shalt  }
0x85: {  	_ =	shalt  }
0x86: {  	_ =	shalt  }
0x87: {  	_ =	shalt  }
.Lfunc_end0:
.L_simem_size_0:
called_computation.2_lowered:
.L_overlay_start_0:
0x88: {  	s2 =	sld [smem:$0x3FD9]  }
0x89: {  	s3 =	sld [smem:$0x3FFE];
	_ =	sdelay $0x1  }
0x8a: {  	s1 =	srdreg.scid  }
0x8b: {  	s0 =	sand.u32 $0x1, s1  }
0x8c: {  	s16 =	sshll.u32 s0, $0xA;
	s2 =	sadd.s32 s3, s2  }
0x8d: {  	s2 =	sadd.s32 s2, s16  }
0x8e: {  	[smem:$0x3FC2] =	sst s2  }
0x8f: {  	_ = 	snop  }
0x90: {  	(tm) =	ssettm $0x1  }
0x91: {  	s17 =	sld [smem:$0x3FFB];
	_ =	sdelay $0x3  }
0x92: {  	_ =	strace s17  }
0x93: {  	s2 =	sld [smem:$0x3FFC];
	_ =	sdelay $0x3  }
0x94: {  	_ =	strace s2  }
0x95: {  	s2 =	sld [smem:$0x3FFD];
	_ =	sdelay $0x3  }
0x96: {  	_ =	strace s2  }
0x97: {  	_ =	strace $0x8FFFFFFF  }
0x98: {  	s18 =	sld [smem:$0x3FDB];
	_ =	sdelay $0x1  }
0x99: {  	s19 =	simm.s32 $_scs_section_size  }
0x9a: {  	s4 =	simm.s32 $_size__tile_overlayer_lowered;
	s5 =	simm.s32 $_tile_overlayer_lowered  }
0x9b: {  	s22 =	simm.s32 $0x1BFF;
	s21 =	sshll.u32 s5, $0x1;
	s2 =	sadd.s32 s19, s18  }
0x9c: {  	s6 =	simm.s32 $0x0;
	s20 =	sshll.u32 s4, $0x1;
	s4 =	sadd.s32 s21, s2  }
0x9d: {  	[timem:s6], [sflag:s22] =	dma.local [hbm:s4], s20  }
0x9e: {  	_ =	swait.ge [sflag:s22], s20  }
0x9f: {  	s3 =	ssub.s32 $0x0, s20;
	[sflag:s22] =	ssyncset.done $0x0  }
0xa0: {  	[sflag:s22] =	ssyncadd.s32 s3;
	_ =	sdelay $0x1  }
0xa1: {  	s23 =	simm.s32 $0x1B8B  }
0xa2: {  	_ =	swait.ge [sflag:s23], $0x1  }
0xa3: {  	[sflag:s23] =	ssyncset.done $0x0  }
0xa4: {  	s25 =	simm.s32 $0x1B8E;
	s24 =	sld [smem:$0x3FFE];
	[sflag:s23] =	ssyncadd.s32 $0xFFFFFFFF  }
0xa5: {  	s26 =	simm.s32 $execute0_lowered;
	[smem:$0x3FD2] =	sst s25  }
0xa6: {  	s4 =	sshll.u32 s26, $0x1;
	_ =	strace $0x8000004C;
	[dreg:$0x1] =	wrdreg $0xFFFFFFFF  }
0xa7: {  	s28 =	simm.s32 $_size_execute0_lowered;
	s2 =	sadd.s32 s2, s4;
	[dreg:$0x0] =	wrdreg $0x0  }
0xa8: {  	s4 =	sshll.u32 s28, $0x1;
	[dreg:$0x2] =	wrdreg s2  }
0xa9: {  	[dreg:$0x3] =	wrdreg s4  }
0xaa: {  	[dreg:$0x4] =	wrdreg $0xC0  }
0xab: {  	_ =	task [dreg:s6], $0x5FFFF  }
0xac: {  	[dreg:$0x1] =	wrdreg $0xFFFFFFFF  }
0xad: {  	[dreg:$0x0] =	wrdreg $0x60  }
0xae: {  	[dreg:$0x2] =	wrdreg s24  }
0xaf: {  	[dreg:$0x3] =	wrdreg $0xA7200  }
0xb0: {  	[dreg:$0x4] =	wrdreg $0x9  }
0xb1: {  	_ =	task.clear_ibuf [dreg:s6], $0x5FFFF;
	_ =	strace $0x9000004C  }
0xb2: {  	s29 =	simm.s32 $0x9;
	_ =	strace $0x8000004E  }
0xb3: {  	_ =	swait.ge [sflag:s29], $0x1  }
0xb4: {  	[sflag:s29] =	ssyncadd.s32 $0xFFFFFFFF  }
0xb5: {  	_ =	strace $0x9000004E  }
0xb6: {  	_ =	sfence  }
0xb7: {  	s30 =	sld [smem:$0x0];
	_ =	sdelay $0x2  }
0xb8: {  	s31 =	sshll.u32 s1, $0xD;
	s1 =	sshrl.u32 s1, $0x2  }
0xb9: {  	s3 =	sand.u32 $0x4000, s31;
	s1 =	sadd.s32 s1, s30  }
0xba: {  	s0 =	sor.u32 s3, s0;
	s1 =	sshll.u32 s1, $0x11  }
0xbb: {  	s0 =	sor.u32 s1, s0  }
0xbc: {  	s0 =	sadd.s32 $0x8F2B, s0  }
0xbd: {  	[sflag:s0] =	ssyncadd.remote.s32 $0x1  }
0xbe: {  	_ =	sfence.sel $0xFFFF  }
0xbf: {  	[dreg:$0x0] =	wrdreg $0xFFFFFFFF;
	(pc) =	sbr.abs _section_cstart, $3  }
0xc0: {  	[dreg:$0x1] =	wrdreg $0xFFFFFFFF  }
0xc1: {  	_ =	task.clear_ibuf [dreg:s6], $0x2FFFF;
	_ =	strace $0x9FFFFFFF  }
0xc2: {  	(tm) =	ssettm $0x7FFFFFFF  }
0xc3: {  	_ =	shalt  }
tec
execute0_lowered:
.L_overlay_start_1:
0x0: {  	(tag) =	ssettag $0x1  }
0x1: {  	s0 =	srdreg.scid  }
0x2: {  	s3 =	stileid.u32;
	s5 =	rddreg [dreg:$0x0]  }
0x3: {  	s2 =	rddreg [dreg:$0x1];
	s9 =	simm.s32 $0x0;
	s11 =	simm.s32 $0xE  }
0x4: {  	s13 =	simm.s32 $0x80;
	s14 =	simm.s32 $0x4E20;
	s17 =	simm.s32 $0x5E20  }
0x5: {  	s21 =	simm.s32 $0x6E20;
	s22 =	simm.s32 $0x7620;
	s23 =	simm.s32 $0x1  }
0x6: {  	s24 =	simm.s32 $0x7;
	s25 =	simm.s32 $0x3;
	s28 =	simm.s32 $0x5  }
0x7: {  	s0 =	sand.u32 $0x1, s0;
	s1 =	sshll.u32 s3, $0x1;
	s6 =	smul.u32 $0x2800, s3  }
0x8: {  	s29 =	simm.s32 $0xB;
	s1 =	sor.u32 s0, s1;
	s7 =	smul.u32 $0x28000, s0  }
0x9: {  	[smem:$0x7FF] =	sst s9;
	s0 =	ssub.s32 $0x2, s0;
	s1 =	smul.u32 $0x2710, s1  }
0xa: {  	_ =	strace $0x8000004D;
	s8 =	sshrl.u32 s0, $0x1;
	s3 =	sadd.s32 s6, s2  }
0xb: {  	s7 =	sadd.s32 s6, s7;
	s0 =	ssub.s32 s0, s8;
	s1 =	sshrl.u32 s1, $0x3  }
0xc: {  	[dreg:$0x4] =	wrdreg s3;
	s0 =	smax.u32 s0, $0x1;
	s1 =	sadd.s32 s1, s5  }
0xd: {  	s7 =	sshrl.u32 s7, $0x3;
	[dreg:$0x8] =	wrdreg s0;
	s26 =	sadd.s32 $0x2A00, s1  }
0xe: {  	s7 =	sadd.s32 s7, s5;
	s1 =	sadd.s32 $0xC640, s1;
	[dreg:$0x5] =	wrdreg s26  }
0xf: {  	s30 =	simm.s32 $0x6;
	s31 =	sadd.s32 $0x1B400, s7;
	[dreg:$0x6] =	wrdreg s1  }
0x10: {  	v0 =	vimm.f32 $0.0e+00;
	s4 =	sadd.s32 $0x16400, s5;
	[dreg:$0x7] =	wrdreg s31;
	s26 =	simm.s32 $0x9  }
.LBB2_1:
0x11: {  	[dreg:$0x3] =	wrdreg s9;
	s0 =	simm.s32 $0x40;
	s6 =	simm.s32 $0x0  }
.LBB2_2:
0x12: {  	p0 =	sne.s32 s0, $0x9FC0;
	[tilespmem:s6+$0x7F20] =	vst v0;
	s6 =	smov.u32 s0;
	s0 =	sadd.s32 $0x40, s0  }
.Ltmp0:
0x13: {  	(pc) =	sbr.rel @p0 .LBB2_2-.Ltmp0, $2  }
0x14: {  	_ =	sdelay $0x2  }
0x15: {  	s6 =	sshra.s32 s6, $0x2  }
0x16: {  	[tilespmem:s6+$0x7F20] =	vst v0;
	s0 =	simm.s32 $0x7F20  }
0x17: {  	[spmem:s3] =	stream.linear.scatter [tilespmem:s0], [sflag:$0xE], $0x2800, $0x38;
	[tilespmem:$0xCF20] =	vst v63  }
0x18: {  	_ =	swait.ge [sflag:s11], $0x2800  }
0x19: {  	[sflag:s11] =	ssyncset.done $0x0  }
0x1a: {  	s6 =	simm.s32 $0x0;
	s1 =	rddreg [dreg:$0x5];
	[sflag:s11] =	ssyncadd.s32 $0xFFFFD800  }
0x1b: {  	[tilespmem:s6], [sflag:$0xE] =	stream.linear.gather [hbm4b:s1+s6], $0x2710, $0x38;
	[tilespmem:$0xCF20] =	vst v63  }
0x1c: {  	_ =	swait.ge [sflag:s11], $0x2710  }
0x1d: {  	[sflag:s11] =	ssyncset.done $0x0  }
0x1e: {  	s8 =	simm.s32 $0x2710;
	s7 =	rddreg [dreg:$0x6];
	[sflag:s11] =	ssyncadd.s32 $0xFFFFD8F0  }
0x1f: {  	[tilespmem:s8], [sflag:$0xE] =	stream.linear.gather [hbm4b:s7+s6], $0x2710, $0x38;
	[tilespmem:$0xCF20] =	vst v63  }
0x20: {  	_ =	swait.ge [sflag:s11], $0x2710  }
0x21: {  	[sflag:s11] =	ssyncset.done $0x0  }
0x22: {  	[sflag:s11] =	ssyncadd.s32 $0xFFFFD8F0  }
0x23: {  	[bflag:$0x0] =	sbarrier.arrive $0xFFFF  }
0x24: {  	[tilespmem:s14], [sflag:$0x1] =	stream.indirect.gather [hbm4b:s4+s13], $0x10, s6, s13, $0xb8;
	[tilespmem:$0xCF20] =	vst v63  }
0x25: {  	s9 =	simm.s32 $0x5620  }
0x26: {  	[tilespmem:s9], [sflag:$0x2] =	stream.indirect.gather [hbm4b:s4+s13], $0x10, s13, s13, $0xb8;
	[tilespmem:$0xCF20] =	vst v63  }
0x27: {  	s10 =	simm.s32 $0x100  }
0x28: {  	[tilespmem:s17], [sflag:$0x3] =	stream.indirect.gather [hbm4b:s4+s13], $0x10, s10, s13, $0xb8;
	[tilespmem:$0xCF20] =	vst v63  }
0x29: {  	s12 =	simm.s32 $0x180;
	s15 =	simm.s32 $0x6620;
	p0 =	por $0x1, $0x1  }
0x2a: {  	[tilespmem:s15], [sflag:$0x4] =	stream.indirect.gather [hbm4b:s4+s13], $0x10, s12, s13, $0xb8;
	[tilespmem:$0xCF20] =	vst v63  }
0x2b: {  	s16 =	simm.s32 $0x200;
	s0 =	simm.s32 @!p0 $0xC  }
0x2c: {  	[tilespmem:s21], [sflag:$0x5] =	stream.indirect.gather [hbm4b:s4+s13], $0x10, s16, s13, $0xb8;
	[tilespmem:$0xCF20] =	vst v63  }
0x2d: {  	_ =	swait.ge @!p0 [sflag:s0], $0x800  }
0x2e: {  	[sflag:s0] =	ssyncset.done @!p0 $0x0  }
0x2f: {  	s18 =	simm.s32 $0x280;
	[sflag:s0] =	ssyncadd.s32 @!p0 $0xFFFFF800  }
0x30: {  	[tilespmem:s22], [sflag:$0x6] =	stream.indirect.gather [hbm4b:s4+s13], $0x10, s18, s13, $0xb8;
	[tilespmem:$0xCF20] =	vst v63  }
0x31: {  	_ =	swait.ge [sflag:s23], $0x800  }
0x32: {  	[sflag:s23] =	ssyncset.done $0x0  }
0x33: {  	s19 =	simm.s32 $0x2710;
	[sflag:s23] =	ssyncadd.s32 $0xFFFFF800  }
0x34: {  	[spmem:s2] =	stream.indirect.scatter.add.f32 [tilespmem:s14], [sflag:$0x7], $0x10, s19, s13, $0xb8;
	[tilespmem:$0xCF20] =	vst v63  }
0x35: {  	_ =	swait.ge [sflag:s24], $0x800  }
0x36: {  	p0 =	por $0x0, $0x0;
	[sflag:s24] =	ssyncset.done $0x0  }
0x37: {  	s0 =	simm.s32 @p0 $0x2;
	[sflag:s24] =	ssyncadd.s32 $0xFFFFF800  }
0x38: {  	_ =	swait.ge @p0 [sflag:s0], $0x800  }
0x39: {  	s6 =	simm.s32 @p0 $0x5620;
	s7 =	simm.s32 @p0 $0x80;
	[sflag:s0] =	ssyncset.done @p0 $0x0  }
0x3a: {  	s8 =	simm.s32 @p0 $0x8;
	[sflag:s0] =	ssyncadd.s32 @p0 $0xFFFFF800;
	s0 =	simm.s32 @p0 $0x2790  }
0x3b: {  	[spmem:s2] =	stream.indirect.scatter.add.f32 @p0 [tilespmem:s6], [sflag:$0x8], $0x10, s0, s7, $0xb8;
	[tilespmem:$0xCF20] =	vst v63  }
0x3c: {  	_ =	swait.ge @p0 [sflag:s8], $0x800  }
0x3d: {  	s0 =	simm.s32 @!p0 $0x300;
	[sflag:s8] =	ssyncset.done @p0 $0x0  }
0x3e: {  	s6 =	simm.s32 @!p0 $0x80;
	[sflag:s8] =	ssyncadd.s32 @p0 $0xFFFFF800;
	s8 =	simm.s32 @!p0 $0x4E20  }
0x3f: {  	[tilespmem:s8], [sflag:$0x1] =	stream.indirect.gather @!p0 [hbm4b:s4+s6], $0x10, s0, s6, $0xb8;
	[tilespmem:$0xCF20] =	vst v63  }
0x40: {  	s0 =	simm.s32 @!p0 $0x2  }
0x41: {  	_ =	swait.ge @!p0 [sflag:s0], $0x800  }
0x42: {  	[sflag:s0] =	ssyncset.done @!p0 $0x0  }
0x43: {  	s8 =	simm.s32 @!p0 $0x2790;
	[sflag:s0] =	ssyncadd.s32 @!p0 $0xFFFFF800;
	s0 =	simm.s32 @!p0 $0x5620  }
0x44: {  	[spmem:s2] =	stream.indirect.scatter.add.f32 @!p0 [tilespmem:s0], [sflag:$0x8], $0x10, s8, s6, $0xb8;
	[tilespmem:$0xCF20] =	vst v63  }
0x45: {  	s8 =	simm.s32 @!p0 $0x8  }
0x46: {  	_ =	swait.ge @!p0 [sflag:s8], $0x800  }
0x47: {  	[sflag:s8] =	ssyncset.done @!p0 $0x0  }
0x48: {  	[sflag:s8] =	ssyncadd.s32 @!p0 $0xFFFFF800;
	s8 =	simm.s32 @!p0 $0x380  }
0x49: {  	[tilespmem:s0], [sflag:$0x2] =	stream.indirect.gather @!p0 [hbm4b:s4+s6], $0x10, s8, s6, $0xb8;
	[tilespmem:$0xCF20] =	vst v63  }
0x4a: {  	_ =	swait.ge [sflag:s25], $0x800  }
0x4b: {  	[sflag:s25] =	ssyncset.done $0x0  }
0x4c: {  	s20 =	simm.s32 $0x2810;
	[sflag:s25] =	ssyncadd.s32 $0xFFFFF800  }
0x4d: {  	[spmem:s2] =	stream.indirect.scatter.add.f32 [tilespmem:s17], [sflag:$0x9], $0x10, s20, s13, $0xb8;
	[tilespmem:$0xCF20] =	vst v63  }
0x4e: {  	_ =	swait.ge [sflag:s26], $0x800  }
0x4f: {  	[sflag:s26] =	ssyncset.done $0x0  }
0x50: {  	s0 =	simm.s32 @p0 $0x4;
	[sflag:s26] =	ssyncadd.s32 $0xFFFFF800  }
0x51: {  	_ =	swait.ge @p0 [sflag:s0], $0x800  }
0x52: {  	[sflag:s0] =	ssyncset.done @p0 $0x0  }
0x53: {  	s8 =	simm.s32 @p0 $0x2890;
	[sflag:s0] =	ssyncadd.s32 @p0 $0xFFFFF800;
	s0 =	simm.s32 @p0 $0x6620  }
0x54: {  	[spmem:s2] =	stream.indirect.scatter.add.f32 @p0 [tilespmem:s0], [sflag:$0xA], $0x10, s8, s7, $0xb8;
	[tilespmem:$0xCF20] =	vst v63  }
0x55: {  	s0 =	simm.s32 @p0 $0xA  }
0x56: {  	_ =	swait.ge @p0 [sflag:s0], $0x800  }
0x57: {  	[sflag:s0] =	ssyncset.done @p0 $0x0  }
0x58: {  	s7 =	simm.s32 @!p0 $0x400;
	[sflag:s0] =	ssyncadd.s32 @p0 $0xFFFFF800;
	s0 =	simm.s32 @!p0 $0x5E20  }
0x59: {  	[tilespmem:s0], [sflag:$0x3] =	stream.indirect.gather @!p0 [hbm4b:s4+s6], $0x10, s7, s6, $0xb8;
	[tilespmem:$0xCF20] =	vst v63  }
0x5a: {  	s0 =	simm.s32 @!p0 $0x4  }
0x5b: {  	_ =	swait.ge @!p0 [sflag:s0], $0x800  }
0x5c: {  	[sflag:s0] =	ssyncset.done @!p0 $0x0  }
0x5d: {  	s7 =	simm.s32 @!p0 $0x2890;
	[sflag:s0] =	ssyncadd.s32 @!p0 $0xFFFFF800;
	s0 =	simm.s32 @!p0 $0x6620  }
0x5e: {  	[spmem:s2] =	stream.indirect.scatter.add.f32 @!p0 [tilespmem:s0], [sflag:$0xA], $0x10, s7, s6, $0xb8;
	[tilespmem:$0xCF20] =	vst v63  }
0x5f: {  	s7 =	simm.s32 @!p0 $0xA  }
0x60: {  	_ =	swait.ge @!p0 [sflag:s7], $0x800  }
0x61: {  	[sflag:s7] =	ssyncset.done @!p0 $0x0  }
0x62: {  	[sflag:s7] =	ssyncadd.s32 @!p0 $0xFFFFF800;
	s7 =	simm.s32 @!p0 $0x480  }
0x63: {  	[tilespmem:s0], [sflag:$0x4] =	stream.indirect.gather @!p0 [hbm4b:s4+s6], $0x10, s7, s6, $0xb8;
	[tilespmem:$0xCF20] =	vst v63  }
0x64: {  	_ =	swait.ge [sflag:s28], $0x800  }
0x65: {  	[sflag:s28] =	ssyncset.done $0x0  }
0x66: {  	s31 =	simm.s32 $0x2910;
	[sflag:s28] =	ssyncadd.s32 $0xFFFFF800  }
0x67: {  	[spmem:s2] =	stream.indirect.scatter.add.f32 [tilespmem:s21], [sflag:$0xB], $0x10, s31, s13, $0xb8;
	[tilespmem:$0xCF20] =	vst v63  }
0x68: {  	_ =	swait.ge [sflag:s29], $0x800  }
0x69: {  	[sflag:s29] =	ssyncset.done $0x0  }
0x6a: {  	s0 =	simm.s32 @!p0 $0x500;
	s7 =	simm.s32 @!p0 $0x6E20;
	[sflag:s29] =	ssyncadd.s32 $0xFFFFF800  }
0x6b: {  	[tilespmem:s7], [sflag:$0x5] =	stream.indirect.gather @!p0 [hbm4b:s4+s6], $0x10, s0, s6, $0xb8;
	[tilespmem:$0xCF20] =	vst v63  }
0x6c: {  	p1 =	por $0x0, $0x0;
	s18 =	simm.s32 $0x1800;
	_ =	swait.ge [sflag:s30], $0x800  }
0x6d: {  	s19 =	simm.s32 $0xC00;
	s20 =	simm.s32 $0x2990;
	[sflag:s30] =	ssyncset.done $0x0  }
.LBB2_4:
0x6e: {  	s7 =	simm.s32 @!p1 $0xC  }
0x6f: {  	[sflag:s30] =	ssyncadd.s32 $0xFFFFF800;
	s6 =	smov.u32 s18;
	s18 =	sadd.s32 $0xC00, s18  }
0x70: {  	[spmem:s2] =	stream.indirect.scatter.add.f32 [tilespmem:s22], [sflag:$0xC], $0x10, s20, s13, $0xb8;
	[tilespmem:$0xCF20] =	vst v63  }
0x71: {  	p0 =	sne.s32 s18, $0x9C00;
	_ =	swait.ge @!p1 [sflag:s7], $0x800  }
0x72: {  	s0 =	sshra.s32 s19, $0x2;
	[sflag:s7] =	ssyncset.done @!p1 $0x0  }
0x73: {  	s20 =	sadd.s32 $0x2990, s0;
	[sflag:s7] =	ssyncadd.s32 @!p1 $0xFFFFF800;
	s7 =	sadd.s32 $0x280, s0  }
0x74: {  	[tilespmem:s22], [sflag:$0x6] =	stream.indirect.gather [hbm4b:s4+s13], $0x10, s7, s13, $0xb8;
	[tilespmem:$0xCF20] =	vst v63  }
0x75: {  	_ =	swait.ge [sflag:s23], $0x800  }
0x76: {  	[sflag:s23] =	ssyncset.done $0x0  }
0x77: {  	s7 =	sadd.s32 $0x2710, s0;
	[sflag:s23] =	ssyncadd.s32 $0xFFFFF800  }
0x78: {  	[spmem:s2] =	stream.indirect.scatter.add.f32 [tilespmem:s14], [sflag:$0x7], $0x10, s7, s13, $0xb8;
	[tilespmem:$0xCF20] =	vst v63  }
0x79: {  	_ =	swait.ge [sflag:s24], $0x800  }
0x7a: {  	p1 =	seq.s32 s19, $0x9000;
	[sflag:s24] =	ssyncset.done $0x0  }
0x7b: {  	s8 =	simm.s32 @p1 $0x2;
	s9 =	simm.s32 @p1 $0x5620;
	[sflag:s24] =	ssyncadd.s32 $0xFFFFF800  }
0x7c: {  	s16 =	sshra.s32 @!p1 s19, $0x2;
	_ =	swait.ge @p1 [sflag:s8], $0x800  }
0x7d: {  	s19 =	sshra.s32 @p1 s19, $0x2;
	s7 =	simm.s32 @p1 $0x80;
	[sflag:s8] =	ssyncset.done @p1 $0x0  }
0x7e: {  	s10 =	simm.s32 @p1 $0x8;
	[sflag:s8] =	ssyncadd.s32 @p1 $0xFFFFF800;
	s8 =	sadd.s32 @p1 $0x2790, s19  }
0x7f: {  	[spmem:s2] =	stream.indirect.scatter.add.f32 @p1 [tilespmem:s9], [sflag:$0x8], $0x10, s8, s7, $0xb8;
	[tilespmem:$0xCF20] =	vst v63  }
0x80: {  	s1 =	sadd.s32 @!p1 $0x2790, s16;
	s8 =	sadd.s32 @!p1 $0x300, s16;
	_ =	swait.ge @p1 [sflag:s10], $0x800  }
0x81: {  	s12 =	simm.s32 @!p1 $0x2;
	s31 =	sadd.s32 @!p1 $0x380, s16;
	[sflag:s10] =	ssyncset.done @p1 $0x0  }
0x82: {  	s9 =	simm.s32 @!p1 $0x4E20;
	[sflag:s10] =	ssyncadd.s32 @p1 $0xFFFFF800;
	s10 =	simm.s32 @!p1 $0x80  }
0x83: {  	[tilespmem:s9], [sflag:$0x1] =	stream.indirect.gather @!p1 [hbm4b:s4+s10], $0x10, s8, s10, $0xb8;
	[tilespmem:$0xCF20] =	vst v63  }
0x84: {  	s15 =	sadd.s32 @p1 $0x2890, s19;
	s5 =	sadd.s32 @!p1 $0x400, s16;
	_ =	swait.ge @!p1 [sflag:s12], $0x800  }
0x85: {  	s9 =	sadd.s32 @!p1 $0x2890, s16;
	s8 =	sadd.s32 @!p1 $0x480, s16;
	[sflag:s12] =	ssyncset.done @!p1 $0x0  }
0x86: {  	s3 =	simm.s32 @!p1 $0x8;
	[sflag:s12] =	ssyncadd.s32 @!p1 $0xFFFFF800;
	s12 =	simm.s32 @!p1 $0x5620  }
0x87: {  	[spmem:s2] =	stream.indirect.scatter.add.f32 @!p1 [tilespmem:s12], [sflag:$0x8], $0x10, s1, s10, $0xb8;
	[tilespmem:$0xCF20] =	vst v63  }
0x88: {  	s19 =	smov.u32 s6;
	s16 =	sadd.s32 @!p1 $0x500, s16;
	_ =	swait.ge @!p1 [sflag:s3], $0x800  }
0x89: {  	[sflag:s3] =	ssyncset.done @!p1 $0x0  }
0x8a: {  	[sflag:s3] =	ssyncadd.s32 @!p1 $0xFFFFF800  }
0x8b: {  	[tilespmem:s12], [sflag:$0x2] =	stream.indirect.gather @!p1 [hbm4b:s4+s10], $0x10, s31, s10, $0xb8;
	[tilespmem:$0xCF20] =	vst v63  }
0x8c: {  	_ =	swait.ge [sflag:s25], $0x800  }
0x8d: {  	[sflag:s25] =	ssyncset.done $0x0  }
0x8e: {  	s1 =	sadd.s32 $0x2810, s0;
	[sflag:s25] =	ssyncadd.s32 $0xFFFFF800  }
0x8f: {  	[spmem:s2] =	stream.indirect.scatter.add.f32 [tilespmem:s17], [sflag:$0x9], $0x10, s1, s13, $0xb8;
	[tilespmem:$0xCF20] =	vst v63  }
0x90: {  	_ =	swait.ge [sflag:s26], $0x800  }
0x91: {  	[sflag:s26] =	ssyncset.done $0x0  }
0x92: {  	s1 =	simm.s32 @p1 $0x4;
	[sflag:s26] =	ssyncadd.s32 $0xFFFFF800  }
0x93: {  	_ =	swait.ge @p1 [sflag:s1], $0x800  }
0x94: {  	[sflag:s1] =	ssyncset.done @p1 $0x0  }
0x95: {  	s3 =	simm.s32 @p1 $0xA;
	[sflag:s1] =	ssyncadd.s32 @p1 $0xFFFFF800;
	s1 =	simm.s32 @p1 $0x6620  }
0x96: {  	[spmem:s2] =	stream.indirect.scatter.add.f32 @p1 [tilespmem:s1], [sflag:$0xA], $0x10, s15, s7, $0xb8;
	[tilespmem:$0xCF20] =	vst v63  }
0x97: {  	_ =	swait.ge @p1 [sflag:s3], $0x800  }
0x98: {  	[sflag:s3] =	ssyncset.done @p1 $0x0  }
0x99: {  	s1 =	simm.s32 @!p1 $0x5E20;
	[sflag:s3] =	ssyncadd.s32 @p1 $0xFFFFF800;
	s3 =	simm.s32 @!p1 $0x4  }
0x9a: {  	[tilespmem:s1], [sflag:$0x3] =	stream.indirect.gather @!p1 [hbm4b:s4+s10], $0x10, s5, s10, $0xb8;
	[tilespmem:$0xCF20] =	vst v63  }
0x9b: {  	_ =	swait.ge @!p1 [sflag:s3], $0x800  }
0x9c: {  	[sflag:s3] =	ssyncset.done @!p1 $0x0  }
0x9d: {  	s1 =	simm.s32 @!p1 $0x6620;
	[sflag:s3] =	ssyncadd.s32 @!p1 $0xFFFFF800;
	s3 =	simm.s32 @!p1 $0xA  }
0x9e: {  	[spmem:s2] =	stream.indirect.scatter.add.f32 @!p1 [tilespmem:s1], [sflag:$0xA], $0x10, s9, s10, $0xb8;
	[tilespmem:$0xCF20] =	vst v63  }
0x9f: {  	_ =	swait.ge @!p1 [sflag:s3], $0x800  }
0xa0: {  	[sflag:s3] =	ssyncset.done @!p1 $0x0  }
0xa1: {  	[sflag:s3] =	ssyncadd.s32 @!p1 $0xFFFFF800  }
0xa2: {  	[tilespmem:s1], [sflag:$0x4] =	stream.indirect.gather @!p1 [hbm4b:s4+s10], $0x10, s8, s10, $0xb8;
	[tilespmem:$0xCF20] =	vst v63  }
0xa3: {  	_ =	swait.ge [sflag:s28], $0x800  }
0xa4: {  	[sflag:s28] =	ssyncset.done $0x0  }
0xa5: {  	s0 =	sadd.s32 $0x2910, s0;
	[sflag:s28] =	ssyncadd.s32 $0xFFFFF800  }
0xa6: {  	[spmem:s2] =	stream.indirect.scatter.add.f32 [tilespmem:s21], [sflag:$0xB], $0x10, s0, s13, $0xb8;
	[tilespmem:$0xCF20] =	vst v63  }
0xa7: {  	_ =	swait.ge [sflag:s29], $0x800  }
.Ltmp1:
0xa8: {  	[sflag:s29] =	ssyncset.done $0x0;
	(pc) =	sbr.rel @p0 .LBB2_4-.Ltmp1, $4  }
0xa9: {  	s0 =	simm.s32 @!p1 $0x6E20;
	[sflag:s29] =	ssyncadd.s32 $0xFFFFF800  }
0xaa: {  	[tilespmem:s0], [sflag:$0x5] =	stream.indirect.gather @!p1 [hbm4b:s4+s10], $0x10, s16, s10, $0xb8;
	[tilespmem:$0xCF20] =	vst v63  }
0xab: {  	_ =	swait.ge [sflag:s30], $0x800  }
0xac: {  	p1 =	seq.s32 s19, $0x0;
	[sflag:s30] =	ssyncset.done $0x0  }
0xad: {  	s1 =	simm.s32 @!p1 $0xC;
	[sflag:s30] =	ssyncadd.s32 $0xFFFFF800  }
0xae: {  	[spmem:s2] =	stream.indirect.scatter.add.f32 [tilespmem:s22], [sflag:$0xC], $0x10, s20, s13, $0xb8;
	[tilespmem:$0xCF20] =	vst v63  }
0xaf: {  	_ =	swait.ge @!p1 [sflag:s1], $0x800  }
0xb0: {  	s0 =	sshra.s32 s19, $0x2;
	[sflag:s1] =	ssyncset.done @!p1 $0x0  }
0xb1: {  	s18 =	sadd.s32 $0x280, s0;
	[sflag:s1] =	ssyncadd.s32 @!p1 $0xFFFFF800  }
0xb2: {  	[tilespmem:s22], [sflag:$0x6] =	stream.indirect.gather [hbm4b:s4+s13], $0x10, s18, s13, $0xb8;
	[tilespmem:$0xCF20] =	vst v63  }
0xb3: {  	_ =	swait.ge [sflag:s23], $0x800  }
0xb4: {  	[sflag:s23] =	ssyncset.done $0x0  }
0xb5: {  	s20 =	sadd.s32 $0x2710, s0;
	[sflag:s23] =	ssyncadd.s32 $0xFFFFF800  }
0xb6: {  	[spmem:s2] =	stream.indirect.scatter.add.f32 [tilespmem:s14], [sflag:$0x7], $0x10, s20, s13, $0xb8;
	[tilespmem:$0xCF20] =	vst v63  }
0xb7: {  	_ =	swait.ge [sflag:s24], $0x800  }
0xb8: {  	p0 =	seq.s32 s19, $0x9000;
	[sflag:s24] =	ssyncset.done $0x0  }
0xb9: {  	s1 =	simm.s32 @p0 $0x2;
	[sflag:s24] =	ssyncadd.s32 $0xFFFFF800  }
0xba: {  	s3 =	simm.s32 @p0 $0x5620;
	_ =	swait.ge @p0 [sflag:s1], $0x800  }
0xbb: {  	s5 =	sshra.s32 @p0 s19, $0x2;
	s7 =	simm.s32 @p0 $0x80;
	[sflag:s1] =	ssyncset.done @p0 $0x0  }
0xbc: {  	s8 =	simm.s32 @p0 $0x8;
	[sflag:s1] =	ssyncadd.s32 @p0 $0xFFFFF800;
	s1 =	sadd.s32 @p0 $0x2790, s5  }
0xbd: {  	[spmem:s2] =	stream.indirect.scatter.add.f32 @p0 [tilespmem:s3], [sflag:$0x8], $0x10, s1, s7, $0xb8;
	[tilespmem:$0xCF20] =	vst v63  }
0xbe: {  	s6 =	sshra.s32 @!p0 s19, $0x2;
	_ =	swait.ge @p0 [sflag:s8], $0x800  }
0xbf: {  	s1 =	sadd.s32 @!p0 $0x300, s6;
	[sflag:s8] =	ssyncset.done @p0 $0x0  }
0xc0: {  	s3 =	simm.s32 @!p0 $0x80;
	[sflag:s8] =	ssyncadd.s32 @p0 $0xFFFFF800;
	s8 =	simm.s32 @!p0 $0x4E20  }
0xc1: {  	[tilespmem:s8], [sflag:$0x1] =	stream.indirect.gather @!p0 [hbm4b:s4+s3], $0x10, s1, s3, $0xb8;
	[tilespmem:$0xCF20] =	vst v63  }
0xc2: {  	s1 =	simm.s32 @!p0 $0x2  }
0xc3: {  	_ =	swait.ge @!p0 [sflag:s1], $0x800  }
0xc4: {  	[sflag:s1] =	ssyncset.done @!p0 $0x0  }
0xc5: {  	s8 =	sadd.s32 @!p0 $0x2790, s6;
	[sflag:s1] =	ssyncadd.s32 @!p0 $0xFFFFF800;
	s1 =	simm.s32 @!p0 $0x5620  }
0xc6: {  	[spmem:s2] =	stream.indirect.scatter.add.f32 @!p0 [tilespmem:s1], [sflag:$0x8], $0x10, s8, s3, $0xb8;
	[tilespmem:$0xCF20] =	vst v63  }
0xc7: {  	s8 =	simm.s32 @!p0 $0x8  }
0xc8: {  	_ =	swait.ge @!p0 [sflag:s8], $0x800  }
0xc9: {  	[sflag:s8] =	ssyncset.done @!p0 $0x0  }
0xca: {  	[sflag:s8] =	ssyncadd.s32 @!p0 $0xFFFFF800;
	s8 =	sadd.s32 @!p0 $0x380, s6  }
0xcb: {  	[tilespmem:s1], [sflag:$0x2] =	stream.indirect.gather @!p0 [hbm4b:s4+s3], $0x10, s8, s3, $0xb8;
	[tilespmem:$0xCF20] =	vst v63  }
0xcc: {  	_ =	swait.ge [sflag:s25], $0x800  }
0xcd: {  	[sflag:s25] =	ssyncset.done $0x0  }
0xce: {  	s31 =	sadd.s32 $0x2810, s0;
	[sflag:s25] =	ssyncadd.s32 $0xFFFFF800  }
0xcf: {  	[spmem:s2] =	stream.indirect.scatter.add.f32 [tilespmem:s17], [sflag:$0x9], $0x10, s31, s13, $0xb8;
	[tilespmem:$0xCF20] =	vst v63  }
0xd0: {  	_ =	swait.ge [sflag:s26], $0x800  }
0xd1: {  	[sflag:s26] =	ssyncset.done $0x0  }
0xd2: {  	s1 =	simm.s32 @p0 $0x4;
	[sflag:s26] =	ssyncadd.s32 $0xFFFFF800  }
0xd3: {  	_ =	swait.ge @p0 [sflag:s1], $0x800  }
0xd4: {  	[sflag:s1] =	ssyncset.done @p0 $0x0  }
0xd5: {  	s5 =	sadd.s32 @p0 $0x2890, s5;
	[sflag:s1] =	ssyncadd.s32 @p0 $0xFFFFF800;
	s1 =	simm.s32 @p0 $0x6620  }
0xd6: {  	[spmem:s2] =	stream.indirect.scatter.add.f32 @p0 [tilespmem:s1], [sflag:$0xA], $0x10, s5, s7, $0xb8;
	[tilespmem:$0xCF20] =	vst v63  }
0xd7: {  	s1 =	simm.s32 @p0 $0xA  }
0xd8: {  	_ =	swait.ge @p0 [sflag:s1], $0x800  }
0xd9: {  	[sflag:s1] =	ssyncset.done @p0 $0x0  }
0xda: {  	s5 =	sadd.s32 @!p0 $0x400, s6;
	[sflag:s1] =	ssyncadd.s32 @p0 $0xFFFFF800;
	s1 =	simm.s32 @!p0 $0x5E20  }
0xdb: {  	[tilespmem:s1], [sflag:$0x3] =	stream.indirect.gather @!p0 [hbm4b:s4+s3], $0x10, s5, s3, $0xb8;
	[tilespmem:$0xCF20] =	vst v63  }
0xdc: {  	s1 =	simm.s32 @!p0 $0x4  }
0xdd: {  	_ =	swait.ge @!p0 [sflag:s1], $0x800  }
0xde: {  	[sflag:s1] =	ssyncset.done @!p0 $0x0  }
0xdf: {  	s5 =	sadd.s32 @!p0 $0x2890, s6;
	[sflag:s1] =	ssyncadd.s32 @!p0 $0xFFFFF800;
	s1 =	simm.s32 @!p0 $0x6620  }
0xe0: {  	[spmem:s2] =	stream.indirect.scatter.add.f32 @!p0 [tilespmem:s1], [sflag:$0xA], $0x10, s5, s3, $0xb8;
	[tilespmem:$0xCF20] =	vst v63  }
0xe1: {  	s5 =	simm.s32 @!p0 $0xA  }
0xe2: {  	_ =	swait.ge @!p0 [sflag:s5], $0x800  }
0xe3: {  	[sflag:s5] =	ssyncset.done @!p0 $0x0  }
0xe4: {  	[sflag:s5] =	ssyncadd.s32 @!p0 $0xFFFFF800;
	s5 =	sadd.s32 @!p0 $0x480, s6  }
0xe5: {  	[tilespmem:s1], [sflag:$0x4] =	stream.indirect.gather @!p0 [hbm4b:s4+s3], $0x10, s5, s3, $0xb8;
	[tilespmem:$0xCF20] =	vst v63  }
0xe6: {  	_ =	swait.ge [sflag:s28], $0x800  }
0xe7: {  	[sflag:s28] =	ssyncset.done $0x0  }
0xe8: {  	s7 =	sadd.s32 $0x2910, s0;
	[sflag:s28] =	ssyncadd.s32 $0xFFFFF800  }
0xe9: {  	[spmem:s2] =	stream.indirect.scatter.add.f32 [tilespmem:s21], [sflag:$0xB], $0x10, s7, s13, $0xb8;
	[tilespmem:$0xCF20] =	vst v63  }
0xea: {  	_ =	swait.ge [sflag:s29], $0x800  }
0xeb: {  	[sflag:s29] =	ssyncset.done $0x0  }
0xec: {  	s1 =	sadd.s32 @!p0 $0x500, s6;
	s5 =	simm.s32 @!p0 $0x6E20;
	[sflag:s29] =	ssyncadd.s32 $0xFFFFF800  }
0xed: {  	[tilespmem:s5], [sflag:$0x5] =	stream.indirect.gather @!p0 [hbm4b:s4+s3], $0x10, s1, s3, $0xb8;
	[tilespmem:$0xCF20] =	vst v63  }
0xee: {  	_ =	swait.ge [sflag:s30], $0x800  }
0xef: {  	[sflag:s30] =	ssyncset.done $0x0  }
0xf0: {  	s8 =	simm.s32 $0xC;
	s0 =	sadd.s32 $0x2990, s0;
	[sflag:s30] =	ssyncadd.s32 $0xFFFFF800  }
0xf1: {  	[spmem:s2] =	stream.indirect.scatter.add.f32 [tilespmem:s22], [sflag:$0xC], $0x10, s0, s13, $0xb8;
	[tilespmem:$0xCF20] =	vst v63  }
0xf2: {  	_ =	swait.ge [sflag:s8], $0x800  }
0xf3: {  	s9 =	simm.s32 $0x10;
	s10 =	simm.s32 $0x2700;
	[sflag:s8] =	ssyncset.done $0x0  }
0xf4: {  	s12 =	simm.s32 $0x7E20;
	s15 =	simm.s32 $0xD;
	[sflag:s8] =	ssyncadd.s32 $0xFFFFF800  }
0xf5: {  	[tilespmem:s12], [sflag:$0xD] =	stream.indirect.gather [hbm4b:s4+s9], $0x10, s10, s9, $0xb8;
	[tilespmem:$0xCF20] =	vst v63  }
0xf6: {  	_ =	swait.ge [sflag:s15], $0x100  }
0xf7: {  	[sflag:s15] =	ssyncset.done $0x0  }
0xf8: {  	s16 =	simm.s32 $0x4E10;
	[sflag:s15] =	ssyncadd.s32 $0xFFFFFF00  }
0xf9: {  	[spmem:s2] =	stream.indirect.scatter.add.f32 [tilespmem:s12], [sflag:$0xE], $0x10, s16, s9, $0xb8;
	[tilespmem:$0xCF20] =	vst v63  }
0xfa: {  	_ =	swait.ge [sflag:s11], $0x100  }
0xfb: {  	[sflag:s11] =	ssyncset.done $0x0  }
0xfc: {  	[sflag:s11] =	ssyncadd.s32 $0xFFFFFF00  }
0xfd: {  	s18 =	stileid.u32;
	[bflag:$0x0] =	sbarrier.arrive $0xFFFF  }
0xfe: {  	s0 =	sshll.u32 s18, $0x6;
	s3 =	rddreg [dreg:$0x4]  }
0xff: {  	s0 =	sor.u32 $0x1C0E, s0;
	s20 =	rddreg [dreg:$0x7];
	s19 =	sshrl.u32 s3, $0x3  }
0x100: {  	[hbm:s20], [sflag:s0] =	dma.local [spmem:s19], $0x500  }
0x101: {  	_ =	swait.ge [sflag:s11], $0x500  }
0x102: {  	s9 =	rddreg [dreg:$0x3]  }
0x103: {  	s31 =	rddreg [dreg:$0x8];
	s9 =	sadd.s32 $0x1, s9  }
0x104: {  	p0 =	sne.s32 s9, s31  }
.Ltmp2:
0x105: {  	_ = 	snop;
	(pc) =	sbr.rel @p0 .LBB2_1-.Ltmp2, $3  }
0x106: {  	_ =	sdelay $0x1  }
0x107: {  	[sflag:s11] =	ssyncset.done $0x0  }
0x108: {  	[sflag:s11] =	ssyncadd.s32 $0xFFFFFB00  }
0x109: {  	_ =	sfence.sel $0x180000  }
0x10a: {  	[bflag:$0x0] =	sbarrier.arrive $0xFFFF  }
0x10b: {  	_ =	strace $0x9000004D  }
0x10c: {  	s0 =	stileid.u32;
	[bflag:$0x2] =	sbarrier.arrive $0xFFFF  }
0x10d: {  	p0 =	sne.s32 s0, $0x0;
	s0 =	rddreg [dreg:$0x2]  }
0x10e: {  	s0 =	sadd.s32 @!p0 $0x100000, s0  }
0x10f: {  	[sflag:s0] =	ssyncadd.tile.s32 @!p0 $0x1;
	_ =	shalt  }
.Lfunc_end2:
_tile_overlayer_lowered:
.L_overlay_start_2:
0x110: {  	(tag) =	ssettag $0x2  }
0x111: {  	s0 =	rddreg [dreg:$0x0];
	s2 =	stileid.u32  }
0x112: {  	s1 =	rddreg [dreg:$0x1];
	p0 =	sne.s32 s2, $0x0  }
0x113: {  	s3 =	rddreg [dreg:$0x2];
	[bflag:$0x3] =	sbarrier.arrive $0xFFFF;
	s2 =	simm.s32 @!p0 $0x1C0E  }
0x114: {  	[timem:s3], [sflag:s2] =	dma.local @!p0 [hbm:s0], s1  }
0x115: {  	s0 =	simm.s32 @!p0 $0xE  }
0x116: {  	_ =	swait.ge @!p0 [sflag:s0], s1  }
0x117: {  	s1 =	ssub.s32 @!p0 $0x0, s1;
	[sflag:s0] =	ssyncset.done @!p0 $0x0  }
0x118: {  	[sflag:s0] =	ssyncadd.s32 @!p0 s1  }
0x119: {  	[bflag:$0x3] =	sbarrier.arrive $0xFFFF  }
0x11a: {  	_ =	shalt  }

// kernel: kernel.8.cloned.1.call-start
scs
__scs_entry_jumppad:
0x0: {  	(pc) =	sbr.rel $0x88, $3  }
0x1: {  	(tag) =	ssettag $0x0;
	lr =	simm.s32 $0x1  }
0x2: {  	[smem:$0x3F9B] =	sst lr;
	_ =	strace $0xD0000000  }
0x3: {  	_ = 	snop  }
0x4: {  	_ = 	snop  }
0x5: {  	_ = 	snop  }
0x6: {  	_ = 	snop  }
0x7: {  	_ = 	snop  }
__scs_overlays_trampoline_lowered:
0x8: {  	[smem:$0x3FAA] =	sst s0  }
0x9: {  	[smem:$0x3FAB] =	sst s1  }
0xa: {  	[smem:$0x3FAC] =	sst s2  }
0xb: {  	[smem:$0x3FAD] =	sst s3  }
0xc: {  	[smem:$0x3FAE] =	sst s4  }
0xd: {  	[smem:$0x3FAF] =	sst s5  }
0xe: {  	[smem:$0x3FB0] =	sst s6  }
0xf: {  	[smem:$0x3FB1] =	sst s7  }
0x10: {  	[smem:$0x3FB2] =	sst s8  }
0x11: {  	[smem:$0x3FB3] =	sst s9;
	s0 =	simm.s32 @!p0 $0x0  }
0x12: {  	s1 =	sld [smem:$0x3F99];
	s0 =	simm.s32 @p0 $0x1  }
0x13: {  	[smem:$0x3FB4] =	sst s0;
	s0 =	simm.s32 @!p1 $0x0  }
0x14: {  	s2 =	sld [smem:$0x3F98];
	s0 =	simm.s32 @p1 $0x1  }
0x15: {  	[smem:$0x3FB5] =	sst s0;
	s0 =	simm.s32 @!p2 $0x0  }
0x16: {  	s3 =	sld [smem:$0x3FDB];
	s0 =	simm.s32 @p2 $0x1  }
0x17: {  	s4 =	simm.s32 $0x1BF5;
	[smem:$0x3FB7] =	sst s0  }
0x18: {  	s0 =	sld [smem:$0x3F9A];
	_ =	swait.ge [sflag:s4], $0x0  }
0x19: {  	s7 =	sld [smem:$0x3F9B]  }
0x1a: {  	s8 =	sadd.s32 $0xFFFFE003, lr  }
0x1b: {  	s9 =	sadd.s32 $0xFFFFFEF7, lr;
	s5 =	simm.s32 $0xFFFFFFFF;
	p2 =	slt.u32 s8, $0xFFFFF086  }
0x1c: {  	p1 =	slt.u32 s9, $0xF7A;
	s5 =	simm.s32 @!p2 $0x0  }
0x1d: {  	s5 =	simm.s32 @p1 $0x1;
	p0 =	seq.s32 s7, s2  }
0x1e: {  	s7 =	smul.u32 @!p0 $0xF7A, s2;
	p2 =	seq.s32 @!p0 s5, $0x0  }
0x1f: {  	s9 =	smul.u32 $0xF7A, s1;
	s8 =	simm.s32 @!p0 $0x1BF5;
	p2 =	por !p2, p0  }
0x20: {  	[sflag:s8] =	ssyncset.s32 @!p0 $0xFFFFF086;
	s6 =	sadd.s32 @!p0 s3, s7;
	s7 =	simm.s32 @!p0 $0x108  }
0x21: {  	s3 =	sadd.s32 s3, s9;
	s6 =	sadd.s32 @!p0 $0x88, s6;
	s7 =	simm.s32 @p2 $0x1082  }
0x22: {  	[simem:s7], [sflag:s8] =	dma.local @!p0 [hbm:s6], $0xF7A  }
0x23: {  	s9 =	sor.u32 $0xD0000000, s2;
	s6 =	simm.s32 $0x108;
	_ =	swait.ge @!p0 [sflag:s8], $0x0  }
0x24: {  	s3 =	sadd.s32 $0x88, s3;
	s6 =	simm.s32 @!p1 $0x1082;
	[sflag:s4] =	ssyncset.s32 $0xFFFFF086  }
0x25: {  	[simem:s6], [sflag:s4] =	dma.local [hbm:s3], $0xF7A  }
0x26: {  	[smem:$0x3F9B] =	sst s1;
	(tag) =	ssettag s2;
	_ =	strace s9  }
0x27: {  	s1 =	sld [smem:$0x3FAB]  }
0x28: {  	s2 =	sld [smem:$0x3FAC]  }
0x29: {  	s4 =	sld [smem:$0x3FAE]  }
0x2a: {  	p0 =	seq.s32 s5, $0x0;
	s5 =	sld [smem:$0x3FAF]  }
0x2b: {  	s6 =	sld [smem:$0x3FB0]  }
0x2c: {  	s7 =	sld [smem:$0x3FB1]  }
0x2d: {  	s3 =	simm.s32 $0x108;
	s8 =	sld [smem:$0x3FB2]  }
0x2e: {  	s3 =	simm.s32 @!p0 $0x1082;
	s9 =	sld [smem:$0x3FB3]  }
0x2f: {  	lr =	sadd.s32 s0, s3;
	s0 =	sld [smem:$0x3FAA]  }
0x30: {  	s3 =	sld [smem:$0x3FAD]  }
0x31: {  	[smem:$0x3FB6] =	sst s10  }
0x32: {  	s10 =	sld [smem:$0x3FB4];
	_ =	sdelay $0x3  }
0x33: {  	p0 =	seq.s32 s10, $0x1;
	s10 =	sld [smem:$0x3FB6];
	_ =	sdelay $0x3  }
0x34: {  	[smem:$0x3FB6] =	sst s10  }
0x35: {  	s10 =	sld [smem:$0x3FB5];
	_ =	sdelay $0x3  }
0x36: {  	p1 =	seq.s32 s10, $0x1;
	s10 =	sld [smem:$0x3FB6];
	_ =	sdelay $0x3  }
0x37: {  	[smem:$0x3FB6] =	sst s10  }
0x38: {  	s10 =	sld [smem:$0x3FB7]  }
0x39: {  	_ = 	snop;
	(pc) =	sbr.ind lr, $3  }
0x3a: {  	_ = 	snop  }
0x3b: {  	_ = 	snop  }
0x3c: {  	p2 =	seq.s32 s10, $0x1;
	s10 =	sld [smem:$0x3FB6]  }
0x3d: {  	_ =	shalt  }
0x3e: {  	_ =	shalt  }
0x3f: {  	_ =	shalt  }
0x40: {  	_ =	shalt  }
0x41: {  	_ =	shalt  }
0x42: {  	_ =	shalt  }
0x43: {  	_ =	shalt  }
0x44: {  	_ =	shalt  }
0x45: {  	_ =	shalt  }
0x46: {  	_ =	shalt  }
0x47: {  	_ =	shalt  }
0x48: {  	_ =	shalt  }
0x49: {  	_ =	shalt  }
0x4a: {  	_ =	shalt  }
0x4b: {  	_ =	shalt  }
0x4c: {  	_ =	shalt  }
0x4d: {  	_ =	shalt  }
0x4e: {  	_ =	shalt  }
0x4f: {  	_ =	shalt  }
0x50: {  	_ =	shalt  }
0x51: {  	_ =	shalt  }
0x52: {  	_ =	shalt  }
0x53: {  	_ =	shalt  }
0x54: {  	_ =	shalt  }
0x55: {  	_ =	shalt  }
0x56: {  	_ =	shalt  }
0x57: {  	_ =	shalt  }
0x58: {  	_ =	shalt  }
0x59: {  	_ =	shalt  }
0x5a: {  	_ =	shalt  }
0x5b: {  	_ =	shalt  }
0x5c: {  	_ =	shalt  }
0x5d: {  	_ =	shalt  }
0x5e: {  	_ =	shalt  }
0x5f: {  	_ =	shalt  }
0x60: {  	_ =	shalt  }
0x61: {  	_ =	shalt  }
0x62: {  	_ =	shalt  }
0x63: {  	_ =	shalt  }
0x64: {  	_ =	shalt  }
0x65: {  	_ =	shalt  }
0x66: {  	_ =	shalt  }
0x67: {  	_ =	shalt  }
0x68: {  	_ =	shalt  }
0x69: {  	_ =	shalt  }
0x6a: {  	_ =	shalt  }
0x6b: {  	_ =	shalt  }
0x6c: {  	_ =	shalt  }
0x6d: {  	_ =	shalt  }
0x6e: {  	_ =	shalt  }
0x6f: {  	_ =	shalt  }
0x70: {  	_ =	shalt  }
0x71: {  	_ =	shalt  }
0x72: {  	_ =	shalt  }
0x73: {  	_ =	shalt  }
0x74: {  	_ =	shalt  }
0x75: {  	_ =	shalt  }
0x76: {  	_ =	shalt  }
0x77: {  	_ =	shalt  }
0x78: {  	_ =	shalt  }
0x79: {  	_ =	shalt  }
0x7a: {  	_ =	shalt  }
0x7b: {  	_ =	shalt  }
0x7c: {  	_ =	shalt  }
0x7d: {  	_ =	shalt  }
0x7e: {  	_ =	shalt  }
0x7f: {  	_ =	shalt  }
0x80: {  	_ =	shalt  }
0x81: {  	_ =	shalt  }
0x82: {  	_ =	shalt  }
0x83: {  	_ =	shalt  }
0x84: {  	_ =	shalt  }
0x85: {  	_ =	shalt  }
0x86: {  	_ =	shalt  }
0x87: {  	_ =	shalt  }
.Lfunc_end0:
.L_simem_size_0:
called_computation_lowered:
.L_overlay_start_0:
0x88: {  	s2 =	sld [smem:$0x3FD9]  }
0x89: {  	s3 =	sld [smem:$0x3FFE];
	_ =	sdelay $0x1  }
0x8a: {  	s1 =	srdreg.scid  }
0x8b: {  	s0 =	sand.u32 $0x1, s1  }
0x8c: {  	s16 =	sshll.u32 s0, $0xA;
	s2 =	sadd.s32 s3, s2  }
0x8d: {  	s2 =	sadd.s32 s2, s16  }
0x8e: {  	[smem:$0x3FC2] =	sst s2  }
0x8f: {  	_ = 	snop  }
0x90: {  	(tm) =	ssettm $0x1  }
0x91: {  	s17 =	sld [smem:$0x3FFB];
	_ =	sdelay $0x3  }
0x92: {  	_ =	strace s17  }
0x93: {  	s2 =	sld [smem:$0x3FFC];
	_ =	sdelay $0x3  }
0x94: {  	_ =	strace s2  }
0x95: {  	s2 =	sld [smem:$0x3FFD];
	_ =	sdelay $0x3  }
0x96: {  	_ =	strace s2  }
0x97: {  	_ =	strace $0x8FFFFFFF  }
0x98: {  	s18 =	sld [smem:$0x3FDB];
	_ =	sdelay $0x1  }
0x99: {  	s19 =	simm.s32 $_scs_section_size  }
0x9a: {  	s4 =	simm.s32 $_size__tile_overlayer_lowered;
	s5 =	simm.s32 $_tile_overlayer_lowered  }
0x9b: {  	s22 =	simm.s32 $0x1BFF;
	s21 =	sshll.u32 s5, $0x1;
	s2 =	sadd.s32 s19, s18  }
0x9c: {  	s6 =	simm.s32 $0x0;
	s20 =	sshll.u32 s4, $0x1;
	s4 =	sadd.s32 s21, s2  }
0x9d: {  	[timem:s6], [sflag:s22] =	dma.local [hbm:s4], s20  }
0x9e: {  	_ =	swait.ge [sflag:s22], s20  }
0x9f: {  	s3 =	ssub.s32 $0x0, s20;
	[sflag:s22] =	ssyncset.done $0x0  }
0xa0: {  	[sflag:s22] =	ssyncadd.s32 s3;
	_ =	sdelay $0x1  }
0xa1: {  	s23 =	simm.s32 $0x1B8B  }
0xa2: {  	_ =	swait.ge [sflag:s23], $0x1  }
0xa3: {  	[sflag:s23] =	ssyncset.done $0x0  }
0xa4: {  	s25 =	simm.s32 $0x1B8E;
	s24 =	sld [smem:$0x3FFE];
	[sflag:s23] =	ssyncadd.s32 $0xFFFFFFFF  }
0xa5: {  	s26 =	simm.s32 $execute0_lowered;
	[smem:$0x3FD2] =	sst s25  }
0xa6: {  	s4 =	sshll.u32 s26, $0x1;
	_ =	strace $0x80000046;
	[dreg:$0x1] =	wrdreg $0xFFFFFFFF  }
0xa7: {  	s28 =	simm.s32 $_size_execute0_lowered;
	s2 =	sadd.s32 s2, s4;
	[dreg:$0x0] =	wrdreg $0x0  }
0xa8: {  	s4 =	sshll.u32 s28, $0x1;
	[dreg:$0x2] =	wrdreg s2  }
0xa9: {  	[dreg:$0x3] =	wrdreg s4  }
0xaa: {  	[dreg:$0x4] =	wrdreg $0xC0  }
0xab: {  	_ =	task [dreg:s6], $0x5FFFF  }
0xac: {  	[dreg:$0x1] =	wrdreg $0xFFFFFFFF  }
0xad: {  	[dreg:$0x0] =	wrdreg $0x60  }
0xae: {  	[dreg:$0x2] =	wrdreg s24  }
0xaf: {  	[dreg:$0x3] =	wrdreg $0x51900  }
0xb0: {  	[dreg:$0x4] =	wrdreg $0x9  }
0xb1: {  	_ =	task.clear_ibuf [dreg:s6], $0x5FFFF;
	_ =	strace $0x90000046  }
0xb2: {  	s29 =	simm.s32 $0x9;
	_ =	strace $0x80000048  }
0xb3: {  	_ =	swait.ge [sflag:s29], $0x1  }
0xb4: {  	[sflag:s29] =	ssyncadd.s32 $0xFFFFFFFF  }
0xb5: {  	_ =	strace $0x90000048  }
0xb6: {  	_ =	sfence  }
0xb7: {  	s30 =	sld [smem:$0x0];
	_ =	sdelay $0x2  }
0xb8: {  	s31 =	sshll.u32 s1, $0xD;
	s1 =	sshrl.u32 s1, $0x2  }
0xb9: {  	s3 =	sand.u32 $0x4000, s31;
	s1 =	sadd.s32 s1, s30  }
0xba: {  	s0 =	sor.u32 s3, s0;
	s1 =	sshll.u32 s1, $0x11  }
0xbb: {  	s0 =	sor.u32 s1, s0  }
0xbc: {  	s0 =	sadd.s32 $0x8F2B, s0  }
0xbd: {  	[sflag:s0] =	ssyncadd.remote.s32 $0x1  }
0xbe: {  	_ =	sfence.sel $0xFFFF  }
0xbf: {  	[dreg:$0x0] =	wrdreg $0xFFFFFFFF;
	(pc) =	sbr.abs _section_cstart, $3  }
0xc0: {  	[dreg:$0x1] =	wrdreg $0xFFFFFFFF  }
0xc1: {  	_ =	task.clear_ibuf [dreg:s6], $0x2FFFF;
	_ =	strace $0x9FFFFFFF  }
0xc2: {  	(tm) =	ssettm $0x7FFFFFFF  }
0xc3: {  	_ =	shalt  }
tec
execute0_lowered:
.L_overlay_start_1:
0x0: {  	(tag) =	ssettag $0x1  }
0x1: {  	s3 =	rddreg [dreg:$0x0]  }
0x2: {  	s5 =	rddreg [dreg:$0x1];
	s2 =	srdreg.scid  }
0x3: {  	s1 =	stileid.u32;
	s0 =	rddreg [dreg:$0x2];
	s23 =	simm.s32 $0x1  }
0x4: {  	s24 =	simm.s32 $0x2710;
	s25 =	simm.s32 $0x4F10;
	s6 =	smul.u32 $0x280, s1  }
0x5: {  	s26 =	simm.s32 $0x0;
	s4 =	sand.u32 $0x1, s2;
	s9 =	smul.u32 $0xA000, s1  }
0x6: {  	s2 =	simm.s32 $0x0;
	s8 =	sshll.u32 s1, $0x1;
	s7 =	smul.u32 $0x2800, s4  }
0x7: {  	[smem:$0x7FF] =	sst s2;
	s8 =	sor.u32 s4, s8;
	s4 =	ssub.s32 $0x2, s4  }
0x8: {  	_ =	strace $0x80000047;
	s8 =	smul.u32 $0x2710, s8;
	s30 =	sshrl.u32 s4, $0x1  }
0x9: {  	s31 =	sshrl.u32 s9, $0x2;
	s7 =	sadd.s32 s6, s7;
	s22 =	ssub.s32 s4, s30  }
0xa: {  	s4 =	sadd.s32 s31, s5;
	s5 =	sadd.s32 s6, s5;
	s7 =	sshrl.u32 s7, $0x3  }
0xb: {  	s8 =	sshrl.u32 s8, $0x3;
	s6 =	sadd.s32 $0x2800, s5;
	s9 =	sadd.s32 $0xA000, s5  }
0xc: {  	s10 =	sadd.s32 $0xC800, s5;
	s11 =	sadd.s32 $0xF000, s5;
	s12 =	sadd.s32 $0x11800, s5  }
0xd: {  	s13 =	sadd.s32 $0x14000, s5;
	s14 =	sadd.s32 $0x16800, s5;
	s15 =	sadd.s32 $0x19000, s5  }
0xe: {  	s16 =	sadd.s32 $0x1B800, s5;
	s17 =	sadd.s32 $0x1E000, s5;
	s18 =	sadd.s32 $0x20800, s5  }
0xf: {  	s19 =	sadd.s32 $0x23000, s5;
	s20 =	sadd.s32 $0x25800, s5;
	s22 =	smax.u32 s22, $0x1  }
0x10: {  	s21 =	sadd.s32 s7, s3;
	s3 =	sadd.s32 s3, s8;
	s7 =	sadd.s32 $0x5000, s5  }
0x11: {  	v0 =	vimm.f32 $0.0e+00;
	v1 =	vimm.f32 $1.000000000e+00;
	s8 =	sadd.s32 $0x7800, s5;
	s3 =	sadd.s32 $0xC640, s3;
	s21 =	sadd.s32 $0x16400, s21  }
.LBB2_1:
0x12: {  	s28 =	simm.s32 $0x40;
	s29 =	simm.s32 $0x0  }
.LBB2_2:
0x13: {  	p0 =	sne.s32 s28, $0x9FC0;
	[tilespmem:s29+$0x2710] =	vst v0;
	s29 =	smov.u32 s28;
	s28 =	sadd.s32 $0x40, s28  }
.Ltmp0:
0x14: {  	(pc) =	sbr.rel @p0 .LBB2_2-.Ltmp0, $2  }
0x15: {  	_ =	sdelay $0x2  }
0x16: {  	s29 =	sshra.s32 s29, $0x2  }
0x17: {  	[tilespmem:s29+$0x2710] =	vst v0;
	s28 =	simm.s32 $0x0  }
0x18: {  	[tilespmem:s28], [sflag:$0x1] =	stream.linear.gather [hbm4b:s3+s28], $0x2710, $0x38;
	[tilespmem:$0x7990] =	vst v63  }
0x19: {  	_ =	swait.ge [sflag:s23], $0x2710  }
0x1a: {  	[sflag:s23] =	ssyncset.done $0x0  }
0x1b: {  	s29 =	simm.s32 $0x0;
	s28 =	simm.s32 $0x40;
	[sflag:s23] =	ssyncadd.s32 $0xFFFFD8F0  }
.LBB2_4:
0x1c: {  	p0 =	sne.s32 s28, $0x9C00;
	v2 =	vld [tilespmem:s29+$0x0];
	_ =	sdelay $0x3  }
.Ltmp1:
0x1d: {  	(pc) =	sbr.rel @p0 .LBB2_4-.Ltmp1, $2  }
0x1e: {  	_ =	sdelay $0x2  }
0x1f: {  	s29 =	sshra.s32 s28, $0x2;
	s28 =	sadd.s32 $0x40, s28;
	[tilespmem:v2+s24+$0x0] =	vst.idx.add.f32.msk $0xffff, v1  }
0x20: {  	v2 =	vld [tilespmem:s29+$0x0];
	_ =	sdelay $0x7  }
0x21: {  	[tilespmem:v2+s24+$0x0] =	vst.idx.add.f32.msk $0xffff, v1  }
0x22: {  	[spmem:s4] =	stream.linear.scatter [tilespmem:s24], [sflag:$0x1], $0x2800, $0x38;
	[tilespmem:$0x7990] =	vst v63  }
0x23: {  	_ =	swait.ge [sflag:s23], $0x2800  }
0x24: {  	[sflag:s23] =	ssyncset.done $0x0  }
0x25: {  	[sflag:s23] =	ssyncadd.s32 $0xFFFFD800  }
0x26: {  	[bflag:$0x0] =	sbarrier.arrive $0xFFFF  }
0x27: {  	[tilespmem:s24], [sflag:$0x1] =	stream.linear.gather [spmem:s5], $0x280, $0x38;
	[tilespmem:$0x7990] =	vst v63  }
0x28: {  	_ =	swait.ge [sflag:s23], $0x280  }
0x29: {  	[sflag:s23] =	ssyncset.done $0x0  }
0x2a: {  	[sflag:s23] =	ssyncadd.s32 $0xFFFFFD80  }
0x2b: {  	[tilespmem:s25], [sflag:$0x1] =	stream.linear.gather [spmem:s6], $0x280, $0x38;
	[tilespmem:$0x7990] =	vst v63  }
0x2c: {  	_ =	swait.ge [sflag:s23], $0x280  }
0x2d: {  	[sflag:s23] =	ssyncset.done $0x0  }
0x2e: {  	s28 =	simm.s32 $0x0;
	[sflag:s23] =	ssyncadd.s32 $0xFFFFFD80  }
0x2f: {  	s29 =	simm.s32 $0x40;
	v2 =	vld [tilespmem:s28+$0x4F10]  }
.LBB2_6:
0x30: {  	p0 =	sne.s32 s29, $0x9C0;
	v3 =	vld [tilespmem:s28+$0x2710];
	_ =	sdelay $0x2  }
.Ltmp2:
0x31: {  	(pc) =	sbr.rel @p0 .LBB2_6-.Ltmp2, $4  }
0x32: {  	_ = 	snop  }
0x33: {  	v3 =	vadd.f32 v2, v3  }
0x34: {  	s30 =	sshra.s32 s29, $0x2  }
0x35: {  	s29 =	sadd.s32 $0x40, s29;
	v2 =	vld [tilespmem:s30+$0x4F10];
	[tilespmem:s28+$0x2710] =	vst v3;
	s28 =	smov.u32 s30  }
0x36: {  	v3 =	vld [tilespmem:s28+$0x2710];
	_ =	sdelay $0x4  }
0x37: {  	v2 =	vadd.f32 v2, v3;
	_ =	sdelay $0x1  }
0x38: {  	[tilespmem:s28+$0x2710] =	vst v2  }
0x39: {  	[tilespmem:s25], [sflag:$0x1] =	stream.linear.gather [spmem:s7], $0x280, $0x38;
	[tilespmem:$0x7990] =	vst v63  }
0x3a: {  	_ =	swait.ge [sflag:s23], $0x280  }
0x3b: {  	[sflag:s23] =	ssyncset.done $0x0  }
0x3c: {  	s28 =	simm.s32 $0x0;
	[sflag:s23] =	ssyncadd.s32 $0xFFFFFD80  }
0x3d: {  	s29 =	simm.s32 $0x40;
	v2 =	vld [tilespmem:s28+$0x4F10]  }
.LBB2_8:
0x3e: {  	p0 =	sne.s32 s29, $0x9C0;
	v3 =	vld [tilespmem:s28+$0x2710];
	_ =	sdelay $0x2  }
.Ltmp3:
0x3f: {  	(pc) =	sbr.rel @p0 .LBB2_8-.Ltmp3, $4  }
0x40: {  	_ = 	snop  }
0x41: {  	v3 =	vadd.f32 v2, v3  }
0x42: {  	s30 =	sshra.s32 s29, $0x2  }
0x43: {  	s29 =	sadd.s32 $0x40, s29;
	v2 =	vld [tilespmem:s30+$0x4F10];
	[tilespmem:s28+$0x2710] =	vst v3;
	s28 =	smov.u32 s30  }
0x44: {  	v3 =	vld [tilespmem:s28+$0x2710];
	_ =	sdelay $0x4  }
0x45: {  	v2 =	vadd.f32 v2, v3;
	_ =	sdelay $0x1  }
0x46: {  	[tilespmem:s28+$0x2710] =	vst v2  }
0x47: {  	[tilespmem:s25], [sflag:$0x1] =	stream.linear.gather [spmem:s8], $0x280, $0x38;
	[tilespmem:$0x7990] =	vst v63  }
0x48: {  	_ =	swait.ge [sflag:s23], $0x280  }
0x49: {  	[sflag:s23] =	ssyncset.done $0x0  }
0x4a: {  	s28 =	simm.s32 $0x0;
	[sflag:s23] =	ssyncadd.s32 $0xFFFFFD80  }
0x4b: {  	s29 =	simm.s32 $0x40;
	v2 =	vld [tilespmem:s28+$0x4F10]  }
.LBB2_10:
0x4c: {  	p0 =	sne.s32 s29, $0x9C0;
	v3 =	vld [tilespmem:s28+$0x2710];
	_ =	sdelay $0x2  }
.Ltmp4:
0x4d: {  	(pc) =	sbr.rel @p0 .LBB2_10-.Ltmp4, $4  }
0x4e: {  	_ = 	snop  }
0x4f: {  	v3 =	vadd.f32 v2, v3  }
0x50: {  	s30 =	sshra.s32 s29, $0x2  }
0x51: {  	s29 =	sadd.s32 $0x40, s29;
	v2 =	vld [tilespmem:s30+$0x4F10];
	[tilespmem:s28+$0x2710] =	vst v3;
	s28 =	smov.u32 s30  }
0x52: {  	v3 =	vld [tilespmem:s28+$0x2710];
	_ =	sdelay $0x4  }
0x53: {  	v2 =	vadd.f32 v2, v3;
	_ =	sdelay $0x1  }
0x54: {  	[tilespmem:s28+$0x2710] =	vst v2  }
0x55: {  	[tilespmem:s25], [sflag:$0x1] =	stream.linear.gather [spmem:s9], $0x280, $0x38;
	[tilespmem:$0x7990] =	vst v63  }
0x56: {  	_ =	swait.ge [sflag:s23], $0x280  }
0x57: {  	[sflag:s23] =	ssyncset.done $0x0  }
0x58: {  	s28 =	simm.s32 $0x0;
	[sflag:s23] =	ssyncadd.s32 $0xFFFFFD80  }
0x59: {  	s29 =	simm.s32 $0x40;
	v2 =	vld [tilespmem:s28+$0x4F10]  }
.LBB2_12:
0x5a: {  	p0 =	sne.s32 s29, $0x9C0;
	v3 =	vld [tilespmem:s28+$0x2710];
	_ =	sdelay $0x2  }
.Ltmp5:
0x5b: {  	(pc) =	sbr.rel @p0 .LBB2_12-.Ltmp5, $4  }
0x5c: {  	_ = 	snop  }
0x5d: {  	v3 =	vadd.f32 v2, v3  }
0x5e: {  	s30 =	sshra.s32 s29, $0x2  }
0x5f: {  	s29 =	sadd.s32 $0x40, s29;
	v2 =	vld [tilespmem:s30+$0x4F10];
	[tilespmem:s28+$0x2710] =	vst v3;
	s28 =	smov.u32 s30  }
0x60: {  	v3 =	vld [tilespmem:s28+$0x2710];
	_ =	sdelay $0x4  }
0x61: {  	v2 =	vadd.f32 v2, v3;
	_ =	sdelay $0x1  }
0x62: {  	[tilespmem:s28+$0x2710] =	vst v2  }
0x63: {  	[tilespmem:s25], [sflag:$0x1] =	stream.linear.gather [spmem:s10], $0x280, $0x38;
	[tilespmem:$0x7990] =	vst v63  }
0x64: {  	_ =	swait.ge [sflag:s23], $0x280  }
0x65: {  	[sflag:s23] =	ssyncset.done $0x0  }
0x66: {  	s28 =	simm.s32 $0x0;
	[sflag:s23] =	ssyncadd.s32 $0xFFFFFD80  }
0x67: {  	s29 =	simm.s32 $0x40;
	v2 =	vld [tilespmem:s28+$0x4F10]  }
.LBB2_14:
0x68: {  	p0 =	sne.s32 s29, $0x9C0;
	v3 =	vld [tilespmem:s28+$0x2710];
	_ =	sdelay $0x2  }
.Ltmp6:
0x69: {  	(pc) =	sbr.rel @p0 .LBB2_14-.Ltmp6, $4  }
0x6a: {  	_ = 	snop  }
0x6b: {  	v3 =	vadd.f32 v2, v3  }
0x6c: {  	s30 =	sshra.s32 s29, $0x2  }
0x6d: {  	s29 =	sadd.s32 $0x40, s29;
	v2 =	vld [tilespmem:s30+$0x4F10];
	[tilespmem:s28+$0x2710] =	vst v3;
	s28 =	smov.u32 s30  }
0x6e: {  	v3 =	vld [tilespmem:s28+$0x2710];
	_ =	sdelay $0x4  }
0x6f: {  	v2 =	vadd.f32 v2, v3;
	_ =	sdelay $0x1  }
0x70: {  	[tilespmem:s28+$0x2710] =	vst v2  }
0x71: {  	[tilespmem:s25], [sflag:$0x1] =	stream.linear.gather [spmem:s11], $0x280, $0x38;
	[tilespmem:$0x7990] =	vst v63  }
0x72: {  	_ =	swait.ge [sflag:s23], $0x280  }
0x73: {  	[sflag:s23] =	ssyncset.done $0x0  }
0x74: {  	s28 =	simm.s32 $0x0;
	[sflag:s23] =	ssyncadd.s32 $0xFFFFFD80  }
0x75: {  	s29 =	simm.s32 $0x40;
	v2 =	vld [tilespmem:s28+$0x4F10]  }
.LBB2_16:
0x76: {  	p0 =	sne.s32 s29, $0x9C0;
	v3 =	vld [tilespmem:s28+$0x2710];
	_ =	sdelay $0x2  }
.Ltmp7:
0x77: {  	(pc) =	sbr.rel @p0 .LBB2_16-.Ltmp7, $4  }
0x78: {  	_ = 	snop  }
0x79: {  	v3 =	vadd.f32 v2, v3  }
0x7a: {  	s30 =	sshra.s32 s29, $0x2  }
0x7b: {  	s29 =	sadd.s32 $0x40, s29;
	v2 =	vld [tilespmem:s30+$0x4F10];
	[tilespmem:s28+$0x2710] =	vst v3;
	s28 =	smov.u32 s30  }
0x7c: {  	v3 =	vld [tilespmem:s28+$0x2710];
	_ =	sdelay $0x4  }
0x7d: {  	v2 =	vadd.f32 v2, v3;
	_ =	sdelay $0x1  }
0x7e: {  	[tilespmem:s28+$0x2710] =	vst v2  }
0x7f: {  	[tilespmem:s25], [sflag:$0x1] =	stream.linear.gather [spmem:s12], $0x280, $0x38;
	[tilespmem:$0x7990] =	vst v63  }
0x80: {  	_ =	swait.ge [sflag:s23], $0x280  }
0x81: {  	[sflag:s23] =	ssyncset.done $0x0  }
0x82: {  	s28 =	simm.s32 $0x0;
	[sflag:s23] =	ssyncadd.s32 $0xFFFFFD80  }
0x83: {  	s29 =	simm.s32 $0x40;
	v2 =	vld [tilespmem:s28+$0x4F10]  }
.LBB2_18:
0x84: {  	p0 =	sne.s32 s29, $0x9C0;
	v3 =	vld [tilespmem:s28+$0x2710];
	_ =	sdelay $0x2  }
.Ltmp8:
0x85: {  	(pc) =	sbr.rel @p0 .LBB2_18-.Ltmp8, $4  }
0x86: {  	_ = 	snop  }
0x87: {  	v3 =	vadd.f32 v2, v3  }
0x88: {  	s30 =	sshra.s32 s29, $0x2  }
0x89: {  	s29 =	sadd.s32 $0x40, s29;
	v2 =	vld [tilespmem:s30+$0x4F10];
	[tilespmem:s28+$0x2710] =	vst v3;
	s28 =	smov.u32 s30  }
0x8a: {  	v3 =	vld [tilespmem:s28+$0x2710];
	_ =	sdelay $0x4  }
0x8b: {  	v2 =	vadd.f32 v2, v3;
	_ =	sdelay $0x1  }
0x8c: {  	[tilespmem:s28+$0x2710] =	vst v2  }
0x8d: {  	[tilespmem:s25], [sflag:$0x1] =	stream.linear.gather [spmem:s13], $0x280, $0x38;
	[tilespmem:$0x7990] =	vst v63  }
0x8e: {  	_ =	swait.ge [sflag:s23], $0x280  }
0x8f: {  	[sflag:s23] =	ssyncset.done $0x0  }
0x90: {  	s28 =	simm.s32 $0x0;
	[sflag:s23] =	ssyncadd.s32 $0xFFFFFD80  }
0x91: {  	s29 =	simm.s32 $0x40;
	v2 =	vld [tilespmem:s28+$0x4F10]  }
.LBB2_20:
0x92: {  	p0 =	sne.s32 s29, $0x9C0;
	v3 =	vld [tilespmem:s28+$0x2710];
	_ =	sdelay $0x2  }
.Ltmp9:
0x93: {  	(pc) =	sbr.rel @p0 .LBB2_20-.Ltmp9, $4  }
0x94: {  	_ = 	snop  }
0x95: {  	v3 =	vadd.f32 v2, v3  }
0x96: {  	s30 =	sshra.s32 s29, $0x2  }
0x97: {  	s29 =	sadd.s32 $0x40, s29;
	v2 =	vld [tilespmem:s30+$0x4F10];
	[tilespmem:s28+$0x2710] =	vst v3;
	s28 =	smov.u32 s30  }
0x98: {  	v3 =	vld [tilespmem:s28+$0x2710];
	_ =	sdelay $0x4  }
0x99: {  	v2 =	vadd.f32 v2, v3;
	_ =	sdelay $0x1  }
0x9a: {  	[tilespmem:s28+$0x2710] =	vst v2  }
0x9b: {  	[tilespmem:s25], [sflag:$0x1] =	stream.linear.gather [spmem:s14], $0x280, $0x38;
	[tilespmem:$0x7990] =	vst v63  }
0x9c: {  	_ =	swait.ge [sflag:s23], $0x280  }
0x9d: {  	[sflag:s23] =	ssyncset.done $0x0  }
0x9e: {  	s28 =	simm.s32 $0x0;
	[sflag:s23] =	ssyncadd.s32 $0xFFFFFD80  }
0x9f: {  	s29 =	simm.s32 $0x40;
	v2 =	vld [tilespmem:s28+$0x4F10]  }
.LBB2_22:
0xa0: {  	p0 =	sne.s32 s29, $0x9C0;
	v3 =	vld [tilespmem:s28+$0x2710];
	_ =	sdelay $0x2  }
.Ltmp10:
0xa1: {  	(pc) =	sbr.rel @p0 .LBB2_22-.Ltmp10, $4  }
0xa2: {  	_ = 	snop  }
0xa3: {  	v3 =	vadd.f32 v2, v3  }
0xa4: {  	s30 =	sshra.s32 s29, $0x2  }
0xa5: {  	s29 =	sadd.s32 $0x40, s29;
	v2 =	vld [tilespmem:s30+$0x4F10];
	[tilespmem:s28+$0x2710] =	vst v3;
	s28 =	smov.u32 s30  }
0xa6: {  	v3 =	vld [tilespmem:s28+$0x2710];
	_ =	sdelay $0x4  }
0xa7: {  	v2 =	vadd.f32 v2, v3;
	_ =	sdelay $0x1  }
0xa8: {  	[tilespmem:s28+$0x2710] =	vst v2  }
0xa9: {  	[tilespmem:s25], [sflag:$0x1] =	stream.linear.gather [spmem:s15], $0x280, $0x38;
	[tilespmem:$0x7990] =	vst v63  }
0xaa: {  	_ =	swait.ge [sflag:s23], $0x280  }
0xab: {  	[sflag:s23] =	ssyncset.done $0x0  }
0xac: {  	s28 =	simm.s32 $0x0;
	[sflag:s23] =	ssyncadd.s32 $0xFFFFFD80  }
0xad: {  	s29 =	simm.s32 $0x40;
	v2 =	vld [tilespmem:s28+$0x4F10]  }
.LBB2_24:
0xae: {  	p0 =	sne.s32 s29, $0x9C0;
	v3 =	vld [tilespmem:s28+$0x2710];
	_ =	sdelay $0x2  }
.Ltmp11:
0xaf: {  	(pc) =	sbr.rel @p0 .LBB2_24-.Ltmp11, $4  }
0xb0: {  	_ = 	snop  }
0xb1: {  	v3 =	vadd.f32 v2, v3  }
0xb2: {  	s30 =	sshra.s32 s29, $0x2  }
0xb3: {  	s29 =	sadd.s32 $0x40, s29;
	v2 =	vld [tilespmem:s30+$0x4F10];
	[tilespmem:s28+$0x2710] =	vst v3;
	s28 =	smov.u32 s30  }
0xb4: {  	v3 =	vld [tilespmem:s28+$0x2710];
	_ =	sdelay $0x4  }
0xb5: {  	v2 =	vadd.f32 v2, v3;
	_ =	sdelay $0x1  }
0xb6: {  	[tilespmem:s28+$0x2710] =	vst v2  }
0xb7: {  	[tilespmem:s25], [sflag:$0x1] =	stream.linear.gather [spmem:s16], $0x280, $0x38;
	[tilespmem:$0x7990] =	vst v63  }
0xb8: {  	_ =	swait.ge [sflag:s23], $0x280  }
0xb9: {  	[sflag:s23] =	ssyncset.done $0x0  }
0xba: {  	s28 =	simm.s32 $0x0;
	[sflag:s23] =	ssyncadd.s32 $0xFFFFFD80  }
0xbb: {  	s29 =	simm.s32 $0x40;
	v2 =	vld [tilespmem:s28+$0x4F10]  }
.LBB2_26:
0xbc: {  	p0 =	sne.s32 s29, $0x9C0;
	v3 =	vld [tilespmem:s28+$0x2710];
	_ =	sdelay $0x2  }
.Ltmp12:
0xbd: {  	(pc) =	sbr.rel @p0 .LBB2_26-.Ltmp12, $4  }
0xbe: {  	_ = 	snop  }
0xbf: {  	v3 =	vadd.f32 v2, v3  }
0xc0: {  	s30 =	sshra.s32 s29, $0x2  }
0xc1: {  	s29 =	sadd.s32 $0x40, s29;
	v2 =	vld [tilespmem:s30+$0x4F10];
	[tilespmem:s28+$0x2710] =	vst v3;
	s28 =	smov.u32 s30  }
0xc2: {  	v3 =	vld [tilespmem:s28+$0x2710];
	_ =	sdelay $0x4  }
0xc3: {  	v2 =	vadd.f32 v2, v3;
	_ =	sdelay $0x1  }
0xc4: {  	[tilespmem:s28+$0x2710] =	vst v2  }
0xc5: {  	[tilespmem:s25], [sflag:$0x1] =	stream.linear.gather [spmem:s17], $0x280, $0x38;
	[tilespmem:$0x7990] =	vst v63  }
0xc6: {  	_ =	swait.ge [sflag:s23], $0x280  }
0xc7: {  	[sflag:s23] =	ssyncset.done $0x0  }
0xc8: {  	s28 =	simm.s32 $0x0;
	[sflag:s23] =	ssyncadd.s32 $0xFFFFFD80  }
0xc9: {  	s29 =	simm.s32 $0x40;
	v2 =	vld [tilespmem:s28+$0x4F10]  }
.LBB2_28:
0xca: {  	p0 =	sne.s32 s29, $0x9C0;
	v3 =	vld [tilespmem:s28+$0x2710];
	_ =	sdelay $0x2  }
.Ltmp13:
0xcb: {  	(pc) =	sbr.rel @p0 .LBB2_28-.Ltmp13, $4  }
0xcc: {  	_ = 	snop  }
0xcd: {  	v3 =	vadd.f32 v2, v3  }
0xce: {  	s30 =	sshra.s32 s29, $0x2  }
0xcf: {  	s29 =	sadd.s32 $0x40, s29;
	v2 =	vld [tilespmem:s30+$0x4F10];
	[tilespmem:s28+$0x2710] =	vst v3;
	s28 =	smov.u32 s30  }
0xd0: {  	v3 =	vld [tilespmem:s28+$0x2710];
	_ =	sdelay $0x4  }
0xd1: {  	v2 =	vadd.f32 v2, v3;
	_ =	sdelay $0x1  }
0xd2: {  	[tilespmem:s28+$0x2710] =	vst v2  }
0xd3: {  	[tilespmem:s25], [sflag:$0x1] =	stream.linear.gather [spmem:s18], $0x280, $0x38;
	[tilespmem:$0x7990] =	vst v63  }
0xd4: {  	_ =	swait.ge [sflag:s23], $0x280  }
0xd5: {  	[sflag:s23] =	ssyncset.done $0x0  }
0xd6: {  	s28 =	simm.s32 $0x0;
	[sflag:s23] =	ssyncadd.s32 $0xFFFFFD80  }
0xd7: {  	s29 =	simm.s32 $0x40;
	v2 =	vld [tilespmem:s28+$0x4F10]  }
.LBB2_30:
0xd8: {  	p0 =	sne.s32 s29, $0x9C0;
	v3 =	vld [tilespmem:s28+$0x2710];
	_ =	sdelay $0x2  }
.Ltmp14:
0xd9: {  	(pc) =	sbr.rel @p0 .LBB2_30-.Ltmp14, $4  }
0xda: {  	_ = 	snop  }
0xdb: {  	v3 =	vadd.f32 v2, v3  }
0xdc: {  	s30 =	sshra.s32 s29, $0x2  }
0xdd: {  	s29 =	sadd.s32 $0x40, s29;
	v2 =	vld [tilespmem:s30+$0x4F10];
	[tilespmem:s28+$0x2710] =	vst v3;
	s28 =	smov.u32 s30  }
0xde: {  	v3 =	vld [tilespmem:s28+$0x2710];
	_ =	sdelay $0x4  }
0xdf: {  	v2 =	vadd.f32 v2, v3;
	_ =	sdelay $0x1  }
0xe0: {  	[tilespmem:s28+$0x2710] =	vst v2  }
0xe1: {  	[tilespmem:s25], [sflag:$0x1] =	stream.linear.gather [spmem:s19], $0x280, $0x38;
	[tilespmem:$0x7990] =	vst v63  }
0xe2: {  	_ =	swait.ge [sflag:s23], $0x280  }
0xe3: {  	[sflag:s23] =	ssyncset.done $0x0  }
0xe4: {  	s28 =	simm.s32 $0x0;
	[sflag:s23] =	ssyncadd.s32 $0xFFFFFD80  }
0xe5: {  	s29 =	simm.s32 $0x40;
	v2 =	vld [tilespmem:s28+$0x4F10]  }
.LBB2_32:
0xe6: {  	p0 =	sne.s32 s29, $0x9C0;
	v3 =	vld [tilespmem:s28+$0x2710];
	_ =	sdelay $0x2  }
.Ltmp15:
0xe7: {  	(pc) =	sbr.rel @p0 .LBB2_32-.Ltmp15, $4  }
0xe8: {  	_ = 	snop  }
0xe9: {  	v3 =	vadd.f32 v2, v3  }
0xea: {  	s30 =	sshra.s32 s29, $0x2  }
0xeb: {  	s29 =	sadd.s32 $0x40, s29;
	v2 =	vld [tilespmem:s30+$0x4F10];
	[tilespmem:s28+$0x2710] =	vst v3;
	s28 =	smov.u32 s30  }
0xec: {  	v3 =	vld [tilespmem:s28+$0x2710];
	_ =	sdelay $0x4  }
0xed: {  	v2 =	vadd.f32 v2, v3;
	_ =	sdelay $0x1  }
0xee: {  	[tilespmem:s28+$0x2710] =	vst v2  }
0xef: {  	[tilespmem:s25], [sflag:$0x1] =	stream.linear.gather [spmem:s20], $0x280, $0x38;
	[tilespmem:$0x7990] =	vst v63  }
0xf0: {  	_ =	swait.ge [sflag:s23], $0x280  }
0xf1: {  	[sflag:s23] =	ssyncset.done $0x0  }
0xf2: {  	s28 =	simm.s32 $0x0;
	[sflag:s23] =	ssyncadd.s32 $0xFFFFFD80  }
0xf3: {  	s29 =	simm.s32 $0x40;
	v2 =	vld [tilespmem:s28+$0x4F10]  }
.LBB2_34:
0xf4: {  	p0 =	sne.s32 s29, $0x9C0;
	v3 =	vld [tilespmem:s28+$0x2710];
	_ =	sdelay $0x2  }
.Ltmp16:
0xf5: {  	(pc) =	sbr.rel @p0 .LBB2_34-.Ltmp16, $4  }
0xf6: {  	_ = 	snop  }
0xf7: {  	v3 =	vadd.f32 v2, v3  }
0xf8: {  	s30 =	sshra.s32 s29, $0x2  }
0xf9: {  	s29 =	sadd.s32 $0x40, s29;
	v2 =	vld [tilespmem:s30+$0x4F10];
	[tilespmem:s28+$0x2710] =	vst v3;
	s28 =	smov.u32 s30  }
0xfa: {  	v3 =	vld [tilespmem:s28+$0x2710];
	_ =	sdelay $0x4  }
0xfb: {  	s26 =	sadd.s32 $0x1, s26;
	v2 =	vadd.f32 v2, v3  }
0xfc: {  	p0 =	sne.s32 s26, s22  }
.Ltmp17:
0xfd: {  	[tilespmem:s28+$0x2710] =	vst v2;
	(pc) =	sbr.rel @p0 .LBB2_1-.Ltmp17, $4  }
0xfe: {  	[hbm4b:s21+s2] =	stream.linear.scatter [tilespmem:s24], [sflag:$0x1], $0x280, $0x38;
	[tilespmem:$0x7990] =	vst v63  }
0xff: {  	_ =	swait.ge [sflag:s23], $0x280  }
0x100: {  	[sflag:s23] =	ssyncset.done $0x0  }
0x101: {  	[sflag:s23] =	ssyncadd.s32 $0xFFFFFD80  }
0x102: {  	_ =	sfence.sel $0x180000  }
0x103: {  	[bflag:$0x0] =	sbarrier.arrive $0xFFFF  }
0x104: {  	p0 =	sne.s32 s1, $0x0;
	_ =	strace $0x90000047  }
0x105: {  	s0 =	sadd.s32 @!p0 $0x100000, s0;
	[bflag:$0x2] =	sbarrier.arrive $0xFFFF  }
0x106: {  	[sflag:s0] =	ssyncadd.tile.s32 @!p0 $0x1;
	_ =	shalt  }
.Lfunc_end2:
_tile_overlayer_lowered:
.L_overlay_start_2:
0x107: {  	(tag) =	ssettag $0x2  }
0x108: {  	s0 =	rddreg [dreg:$0x0];
	s2 =	stileid.u32  }
0x109: {  	s1 =	rddreg [dreg:$0x1];
	p0 =	sne.s32 s2, $0x0  }
0x10a: {  	s3 =	rddreg [dreg:$0x2];
	[bflag:$0x3] =	sbarrier.arrive $0xFFFF;
	s2 =	simm.s32 @!p0 $0x1C01  }
0x10b: {  	[timem:s3], [sflag:s2] =	dma.local @!p0 [hbm:s0], s1  }
0x10c: {  	s0 =	simm.s32 @!p0 $0x1  }
0x10d: {  	_ =	swait.ge @!p0 [sflag:s0], s1  }
0x10e: {  	s1 =	ssub.s32 @!p0 $0x0, s1;
	[sflag:s0] =	ssyncset.done @!p0 $0x0  }
0x10f: {  	[sflag:s0] =	ssyncadd.s32 @!p0 s1  }
0x110: {  	[bflag:$0x3] =	sbarrier.arrive $0xFFFF  }
0x111: {  	_ =	shalt  }

</sc_bundles>
